<compile_context>
chip_gen: v7x
topology: tpu7x:2x2x1
jax: 0.10.2.dev20260603
libtpu: 0.0.44.dev20260713+nightly
codegen_flags: <defaults>
</compile_context>

<pallas_src>
import functools

import jax
import jax.numpy as jnp
from jax import lax
from jax.experimental import pallas as pl
from jax.experimental.pallas import tpu as pltpu
from jax.experimental.pallas import tpu_sc as plsc

B = 4
IN_C = 256
FH = 64
FW = 64
HW = FH * FW
D = 49
DP = 64
C = 64
NX0 = 100
NX2 = 98
NVOX = NX2 * NX0
SLAB = 20480
DUMP = 2 * NVOX
NPIX = B * HW
PIX_PER_TILE = 512
ROWS_PER_TILE = SLAB // 16


def _tc_body(inv_ref, fm_ref, w_ref, b_ref, xy_ref, fc_ref, wo_ref, vid_ref):
    feat = jnp.dot(w_ref[...], fm_ref[0], preferred_element_type=jnp.float32)
    feat = feat + b_ref[...]
    fc_ref[0] = feat[64:128]

    f56 = feat[0:56]
    drow = lax.broadcasted_iota(jnp.int32, (56, 1), 0)
    f56 = jnp.where(drow < D, f56, -1e30)
    m = jnp.max(f56, axis=0, keepdims=True)
    e = jnp.exp(f56 - m)
    s = jnp.sum(e, axis=0, keepdims=True)
    depth = e / s

    xs = xy_ref[0:1, :]
    ys = xy_ref[1:2, :]
    bmod = pl.program_id(0) % 2
    i00 = inv_ref[0, 0, 0]; i01 = inv_ref[0, 0, 1]; i02 = inv_ref[0, 0, 2]
    i10 = inv_ref[0, 0, 3]; i11 = inv_ref[0, 0, 4]; i12 = inv_ref[0, 0, 5]
    i20 = inv_ref[0, 0, 6]; i21 = inv_ref[0, 0, 7]; i22 = inv_ref[0, 0, 8]

    for blk in range(7):
        dv = (lax.broadcasted_iota(jnp.int32, (8, 1), 0)
              .astype(jnp.float32) + (1.0 + 8.0 * blk))
        px = (xs * dv).astype(jnp.bfloat16).astype(jnp.float32)
        py = (ys * dv).astype(jnp.bfloat16).astype(jnp.float32)
        pz = jnp.broadcast_to(dv, (8, HW))
        gxf = (i00 * px + i01 * py + i02 * pz + 25.0) / 0.5
        gyf = (i10 * px + i11 * py + i12 * pz + 10.0) / 20.0
        gzf = (i20 * px + i21 * py + i22 * pz - 1.0) / 0.5
        gx = gxf.astype(jnp.int32)
        gy = gyf.astype(jnp.int32)
        gz = gzf.astype(jnp.int32)
        kept = ((gx >= 0) & (gx < NX0) & (gy >= 0) & (gy < 1)
                & (gz >= 0) & (gz < NX2) & (dv <= 49.0))
        dep = depth[8 * blk:8 * blk + 8]
        wo_ref[0, 8 * blk:8 * blk + 8, :] = jnp.where(kept, dep, 0.0)
        vid_ref[0, 8 * blk:8 * blk + 8, :] = jnp.where(
            kept, gz * NX0 + gx + bmod * NVOX, DUMP)

    wo_ref[0, 56:64, :] = jnp.zeros((8, HW), jnp.float32)
    vid_ref[0, 56:64, :] = jnp.full((8, HW), DUMP, jnp.int32)


def _tc_stage(fm_r, inv9, w_pad, b_pad, xy):
    return pl.pallas_call(
        _tc_body,
        grid=(B,),
        in_specs=[
            pl.BlockSpec((1, 1, 16), lambda b: (b, 0, 0),
                         memory_space=pltpu.SMEM),
            pl.BlockSpec((1, IN_C, HW), lambda b: (b, 0, 0)),
            pl.BlockSpec((128, IN_C), lambda b: (0, 0)),
            pl.BlockSpec((128, 1), lambda b: (0, 0)),
            pl.BlockSpec((8, HW), lambda b: (0, 0)),
        ],
        out_specs=[
            pl.BlockSpec((1, C, HW), lambda b: (b, 0, 0)),
            pl.BlockSpec((1, DP, HW), lambda b: (b, 0, 0)),
            pl.BlockSpec((1, DP, HW), lambda b: (b, 0, 0)),
        ],
        out_shape=[
            jax.ShapeDtypeStruct((B, C, HW), jnp.float32),
            jax.ShapeDtypeStruct((B, DP, HW), jnp.float32),
            jax.ShapeDtypeStruct((B, DP, HW), jnp.int32),
        ],
        compiler_params=pltpu.CompilerParams(
            dimension_semantics=("arbitrary",)),
    )(inv9, fm_r, w_pad, b_pad, xy)


CH = 32


def _sc_body(f_hbm, w_hbm, vid_hbm, out_hbm,
             f_c, w_c, vid_c, sc_v, idx_v, slab):
    cid = lax.axis_index("c")
    sid = lax.axis_index("s")
    zbase = sid * ROWS_PER_TILE

    zvec = jnp.zeros((16,), jnp.float32)

    def zrow(i, _):
        for c4 in range(4):
            sc_v[i, pl.ds(c4 * 16, 16)] = zvec
        return 0
    lax.fori_loop(0, DP, zrow, 0)

    def zchunk(k, _):
        pltpu.sync_copy(sc_v, slab.at[pl.ds(zbase + k * DP, DP)])
        return 0
    lax.fori_loop(0, ROWS_PER_TILE // DP, zchunk, 0)
    plsc.subcore_barrier()

    g0 = (cid * 16 + sid) * PIX_PER_TILE

    def chunk_body(ck, _):
        p0 = g0 + ck * CH
        pltpu.sync_copy(f_hbm.at[pl.ds(p0, CH)], f_c)
        pltpu.sync_copy(w_hbm.at[pl.ds(p0, CH)], w_c)
        pltpu.sync_copy(vid_hbm.at[pl.ds(p0, CH)], vid_c)

        def pix_body(q, _):
            for c4 in range(4):
                idx_v[pl.ds(c4 * 16, 16)] = vid_c[q, pl.ds(c4 * 16, 16)]
            fv = [f_c[q, pl.ds(c4 * 16, 16)] for c4 in range(4)]
            for dg in range(4):
                wv = w_c[q, pl.ds(dg * 16, 16)]
                for j in range(16):
                    ws = wv[j]
                    for c4 in range(4):
                        sc_v[dg * 16 + j, pl.ds(c4 * 16, 16)] = ws * fv[c4]
            pltpu.sync_copy(sc_v, slab.at[idx_v], add=True)
            return 0
        lax.fori_loop(0, CH, pix_body, 0)
        return 0
    lax.fori_loop(0, PIX_PER_TILE // CH, chunk_body, 0)

    plsc.subcore_barrier()
    pltpu.sync_copy(slab.at[pl.ds(zbase, ROWS_PER_TILE)],
                    out_hbm.at[cid, pl.ds(zbase, ROWS_PER_TILE)])


_sc_stage = functools.partial(
    pl.kernel,
    out_type=jax.ShapeDtypeStruct((2, SLAB, C), jnp.float32),
    mesh=plsc.VectorSubcoreMesh(core_axis_name="c", subcore_axis_name="s"),
    scratch_types=[
        pltpu.VMEM((CH, C), jnp.float32),
        pltpu.VMEM((CH, DP), jnp.float32),
        pltpu.VMEM((CH, DP), jnp.int32),
        pltpu.VMEM((DP, C), jnp.float32),
        pltpu.VMEM((DP,), jnp.int32),
        pltpu.VMEM_SHARED((SLAB, C), jnp.float32),
    ],
    compiler_params=pltpu.CompilerParams(use_tc_tiling_on_sc=False),
)(_sc_body)


@jax.jit
def kernel(feature_maps, intrinstics, W_depthnet, b_depthnet):
    fm_r = feature_maps.reshape(B, IN_C, HW).astype(jnp.bfloat16)
    inv = jnp.linalg.inv(intrinstics).astype(jnp.bfloat16).astype(jnp.float32)
    inv9 = jnp.concatenate(
        [inv.reshape(B, 9), jnp.zeros((B, 7), jnp.float32)],
        axis=1).reshape(B, 1, 16)

    w_pad = jnp.zeros((128, IN_C), jnp.float32)
    w_pad = w_pad.at[0:D].set(W_depthnet[0:D])
    w_pad = w_pad.at[64:64 + C].set(W_depthnet[D:D + C])
    w_pad = w_pad.astype(jnp.bfloat16)
    b_pad = jnp.zeros((128, 1), jnp.float32)
    b_pad = b_pad.at[0:D, 0].set(b_depthnet[0:D])
    b_pad = b_pad.at[64:64 + C, 0].set(b_depthnet[D:D + C])

    xs = jnp.linspace(0.0, 255.0, FW, dtype=jnp.float32)
    ys = jnp.linspace(0.0, 255.0, FH, dtype=jnp.float32)
    xg = jnp.broadcast_to(xs[None, :], (FH, FW)).reshape(HW)
    yg = jnp.broadcast_to(ys[:, None], (FH, FW)).reshape(HW)
    xy = jnp.zeros((8, HW), jnp.float32).at[0].set(xg).at[1].set(yg)

    featc, wout, vidout = _tc_stage(fm_r, inv9, w_pad, b_pad, xy)

    f_pix = featc.transpose(0, 2, 1).reshape(NPIX, C)
    w_pix = wout.transpose(0, 2, 1).reshape(NPIX, DP)
    vid_pix = vidout.transpose(0, 2, 1).reshape(NPIX, DP)

    slabs = _sc_stage(f_pix, w_pix, vid_pix)

    bev = slabs[:, :2 * NVOX].reshape(B, NVOX, C)
    return bev.reshape(B, NX2, NX0, C).transpose(0, 3, 1, 2)

# --- scband reference (transcript-rebuilt; emitter-appended) ---
"""Pipeline reference for scband-transformer-lift-splat-shoot-8504035246248 (READ-ONLY COPY).

The authoritative reference and input builder live on the scoring server;
editing this copy changes nothing except your own understanding.
"""

import jax, jax.numpy as jnp
import numpy as np

B = 4
IN_C = 256
OGF_H = 256
OGF_W = 256
DOWNSAMPLE = 4
FH = OGF_H // DOWNSAMPLE
FW = OGF_W // DOWNSAMPLE
DBOUND = (1.0, 50.0, 1.0)
XBOUND = (-25.0, 25.0, 0.5)
YBOUND = (-10.0, 10.0, 20.0)
ZBOUND = (1.0, 50.0, 0.5)
D = int((DBOUND[1] - DBOUND[0]) / DBOUND[2])  # 49 depth bins
C = 64
NX = (int((XBOUND[1] - XBOUND[0]) / XBOUND[2]), int((YBOUND[1] - YBOUND[0]) / YBOUND[2]), int((ZBOUND[1] - ZBOUND[0]) / ZBOUND[2]))  # (100, 1, 98)


def _dx_bx():
    rows = [XBOUND, YBOUND, ZBOUND]
    dx = jnp.array([r[2] for r in rows], jnp.float32)
    bx = jnp.array([r[0] + r[2] / 2.0 for r in rows], jnp.float32)
    return dx, bx


def _frustum():
    ds = jnp.arange(DBOUND[0], DBOUND[1], DBOUND[2], dtype=jnp.float32).reshape(-1, 1, 1)
    ds = jnp.broadcast_to(ds, (D, FH, FW))
    xs = jnp.broadcast_to(jnp.linspace(0.0, OGF_W - 1.0, FW, dtype=jnp.float32).reshape(1, 1, FW), (D, FH, FW))
    ys = jnp.broadcast_to(jnp.linspace(0.0, OGF_H - 1.0, FH, dtype=jnp.float32).reshape(1, FH, 1), (D, FH, FW))
    return jnp.stack([xs, ys, ds], -1).astype(jnp.float32)


def setup_inputs(seed: int = 0):
    key = jax.random.key(seed)
    k1, k2, k3 = jax.random.split(key, 3)
    feature_maps = jax.random.normal(k1, (B, IN_C, FH, FW), dtype=jnp.float32)
    f = 140.0
    Kmat = jnp.array([[f, 0.0, 127.5], [0.0, f, 127.5], [0.0, 0.0, 1.0]], jnp.float32)
    intrinstics = jnp.tile(Kmat[None], (B, 1, 1)) + 0.001 * jax.random.normal(k2, (B, 3, 3), dtype=jnp.float32)
    W_depthnet = 0.02 * jax.random.normal(k3, (D + C, IN_C), dtype=jnp.float32)
    b_depthnet = jnp.zeros((D + C,), jnp.float32)
    return {"feature_maps": feature_maps, "intrinstics": intrinstics, "W_depthnet": W_depthnet, "b_depthnet": b_depthnet}


def _forward(feature_maps, intrinstics, W_depthnet, b_depthnet):
    Bn = feature_maps.shape[0]
    dx, bx = _dx_bx()
    frustum = _frustum()
    # get_geometry
    pts = jnp.broadcast_to(frustum[None], (Bn, D, FH, FW, 3))
    pts = jnp.concatenate([pts[..., :2] * pts[..., 2:3], pts[..., 2:3]], -1)
    inv = jnp.linalg.inv(intrinstics)
    geom = jnp.einsum('bij,bdhwj->bdhwi', inv, pts).reshape(Bn, 1, D, FH, FW, 3)
    # depthnet (1x1 conv) + lift
    feat = jnp.einsum('bchw,oc->bohw', feature_maps, W_depthnet) + b_depthnet[None, :, None, None]
    depth = jax.nn.softmax(feat[:, :D], axis=1)
    new_feat = depth[:, None] * feat[:, D:D + C][:, :, None]  # [B, C, D, H, W]
    x6 = new_feat.reshape(Bn, 1, C, D, FH, FW).transpose(0, 1, 3, 4, 5, 2)  # [B, 1, D, H, W, C]
    # voxel pooling
    Nprime = Bn * 1 * D * FH * FW
    x = x6.reshape(Nprime, C)
    gf = ((geom - (bx - dx / 2.0)) / dx).astype(jnp.int64).reshape(Nprime, 3)
    batch_ix = jnp.repeat(jnp.arange(Bn, dtype=jnp.int64), Nprime // Bn)[:, None]
    gf = jnp.concatenate([gf, batch_ix], 1)
    kept = (gf[:, 0] >= 0) & (gf[:, 0] < NX[0]) & (gf[:, 1] >= 0) & (gf[:, 1] < NX[1]) & (gf[:, 2] >= 0) & (gf[:, 2] < NX[2])
    x = jnp.where(kept[:, None], x, jnp.zeros_like(x))
    ranks = gf[:, 0] * (NX[1] * NX[2] * Bn) + gf[:, 1] * (NX[2] * Bn) + gf[:, 2] * Bn + gf[:, 3]
    sentinel = NX[0] * NX[1] * NX[2] * Bn
    ranks = jnp.where(kept, ranks, jnp.full_like(ranks, sentinel))
    sorts = jnp.argsort(ranks)
    x = x[sorts]
    gf = gf[sorts]
    ranks = ranks[sorts]
    # QuickCumsum (fixed-shape masked form)
    cs = jnp.cumsum(x, 0)
    N = cs.shape[0]
    idx = jnp.arange(N)
    is_start = jnp.ones((N,), dtype=bool).at[1:].set(ranks[1:] != ranks[:-1])
    start_idx = jax.lax.cummax(jnp.where(is_start, idx, 0), axis=0)
    prev = jnp.where((start_idx > 0)[:, None], cs[jnp.maximum(start_idx - 1, 0)], jnp.zeros_like(cs))
    vals = cs - prev
    is_end = jnp.ones((N,), dtype=bool).at[:-1].set(ranks[1:] != ranks[:-1])
    valid = is_end & (ranks < sentinel)
    # scatter into BEV grid
    final = jnp.zeros((Bn, C, NX[1], NX[2], NX[0]), jnp.float32)
    b_idx = jnp.where(valid, gf[:, 3], Bn)
    final = final.at[b_idx, :, gf[:, 1], gf[:, 2], gf[:, 0]].set(vals, mode='drop')
    final = jnp.concatenate([final[:, :, i] for i in range(NX[1])], 1)
    return final


def reference(feature_maps, intrinstics, W_depthnet, b_depthnet):
    return _forward(feature_maps, intrinstics, W_depthnet, b_depthnet)

if __name__ == "__main__":
    import jax
    _d = setup_inputs()
    print(jax.jit(kernel)(*tuple(_d.values())))

</pallas_src>

<mosaic_0001>
#map = affine_map<(d0, d1) -> (0, 0)>
#map1 = affine_map<(d0, d1) -> (0, 0, 0)>
module attributes {stable_mosaic.version = 14 : i64} {
  func.func @_sc_body(%arg0: i32, %arg1: i32, %arg2: memref<16384x64xf32, #tpu.memory_space<hbm>>, %arg3: memref<16384x64xf32, #tpu.memory_space<hbm>>, %arg4: memref<16384x64xi32, #tpu.memory_space<hbm>>, %arg5: memref<2x20480x64xf32, #tpu.memory_space<hbm>>, %arg6: memref<32x64xf32, #tpu.memory_space<vmem>>, %arg7: memref<32x64xf32, #tpu.memory_space<vmem>>, %arg8: memref<32x64xi32, #tpu.memory_space<vmem>>, %arg9: memref<64x64xf32, #tpu.memory_space<vmem>>, %arg10: memref<64xi32, #tpu.memory_space<vmem>>, %arg11: memref<20480x64xf32, #tpu.memory_space<vmem_shared>>) attributes {dimension_semantics = [#tpu.dimension_semantics<core_parallel>, #tpu.dimension_semantics<subcore_parallel>], iteration_bounds = array<i64: 2, 16>, scalar_prefetch = 0 : i64, scratch_operands = 6 : i64, tpu.core_type = #tpu.core_type<sc_vector_subcore>, window_params = [{transform_indices = #map}, {transform_indices = #map}, {transform_indices = #map}, {transform_indices = #map1}]} {
    %mul3A = arith.constant 1280 : i32
    %mul3A_0 = arith.muli %arg1, %mul3A : i32
    %broadcast_in_dim3A = arith.constant 0.000000e+00 : f32
    %broadcast_in_dim3A_1 = vector.broadcast %broadcast_in_dim3A : f32 to vector<16xf32>
    %scan3A = arith.constant 0 : i32
    %scan3A_2 = arith.constant 0 : i32
    %scan3A_3 = arith.constant 64 : i32
    %scan3A_4 = arith.addi %scan3A_2, %scan3A_3 : i32
    %scan3A_5 = arith.constant 1 : i32
    %scan3A_6 = scf.for %scan3A_27 = %scan3A_2 to %scan3A_4 step %scan3A_5 iter_args(%scan3A_28 = %scan3A) -> (i32)  : i32 {
      %swap3A = arith.index_cast %scan3A_27 : i32 to index
      %swap3A_29 = arith.constant 0 : index
      %swap3A_30 = tpu.vector_load %arg9[%swap3A, %swap3A_29] {strides = array<i32>} : memref<64x64xf32, #tpu.memory_space<vmem>>, vector<1x16xf32>,
      %swap3A_31 = vector.shape_cast %swap3A_30 : vector<1x16xf32> to vector<16xf32>
      %swap3A_32 = vector.shape_cast %broadcast_in_dim3A_1 : vector<16xf32> to vector<1x16xf32>
      tpu.vector_store %arg9[%swap3A, %swap3A_29], %swap3A_32 {strides = array<i32>} : memref<64x64xf32, #tpu.memory_space<vmem>>, vector<1x16xf32>,
      %swap3A_33 = arith.index_cast %scan3A_27 : i32 to index
      %swap3A_34 = arith.constant 16 : index
      %swap3A_35 = tpu.vector_load %arg9[%swap3A_33, %swap3A_34] {strides = array<i32>} : memref<64x64xf32, #tpu.memory_space<vmem>>, vector<1x16xf32>,
      %swap3A_36 = vector.shape_cast %swap3A_35 : vector<1x16xf32> to vector<16xf32>
      %swap3A_37 = vector.shape_cast %broadcast_in_dim3A_1 : vector<16xf32> to vector<1x16xf32>
      tpu.vector_store %arg9[%swap3A_33, %swap3A_34], %swap3A_37 {strides = array<i32>} : memref<64x64xf32, #tpu.memory_space<vmem>>, vector<1x16xf32>,
      %swap3A_38 = arith.index_cast %scan3A_27 : i32 to index
      %swap3A_39 = arith.constant 32 : index
      %swap3A_40 = tpu.vector_load %arg9[%swap3A_38, %swap3A_39] {strides = array<i32>} : memref<64x64xf32, #tpu.memory_space<vmem>>, vector<1x16xf32>,
      %swap3A_41 = vector.shape_cast %swap3A_40 : vector<1x16xf32> to vector<16xf32>
      %swap3A_42 = vector.shape_cast %broadcast_in_dim3A_1 : vector<16xf32> to vector<1x16xf32>
      tpu.vector_store %arg9[%swap3A_38, %swap3A_39], %swap3A_42 {strides = array<i32>} : memref<64x64xf32, #tpu.memory_space<vmem>>, vector<1x16xf32>,
      %swap3A_43 = arith.index_cast %scan3A_27 : i32 to index
      %swap3A_44 = arith.constant 48 : index
      %swap3A_45 = tpu.vector_load %arg9[%swap3A_43, %swap3A_44] {strides = array<i32>} : memref<64x64xf32, #tpu.memory_space<vmem>>, vector<1x16xf32>,
      %swap3A_46 = vector.shape_cast %swap3A_45 : vector<1x16xf32> to vector<16xf32>
      %swap3A_47 = vector.shape_cast %broadcast_in_dim3A_1 : vector<16xf32> to vector<1x16xf32>
      tpu.vector_store %arg9[%swap3A_43, %swap3A_44], %swap3A_47 {strides = array<i32>} : memref<64x64xf32, #tpu.memory_space<vmem>>, vector<1x16xf32>,
      %scan3A_48 = arith.constant 0 : i32
      scf.yield %scan3A_48 : i32
    }
    %scan3A_7 = arith.constant 64 : i32
    %scan3A_8 = arith.constant 0 : i32
    %scan3A_9 = arith.constant 0 : i32
    %scan3A_10 = arith.constant 20 : i32
    %scan3A_11 = arith.addi %scan3A_9, %scan3A_10 : i32
    %scan3A_12 = arith.constant 1 : i32
    %scan3A_13 = scf.for %scan3A_27 = %scan3A_9 to %scan3A_11 step %scan3A_12 iter_args(%scan3A_28 = %scan3A_8) -> (i32)  : i32 {
      %mul3A_29 = arith.constant 64 : i32
      %mul3A_30 = arith.muli %scan3A_27, %mul3A_29 : i32
      %add3A_31 = arith.addi %mul3A_0, %mul3A_30 : i32
      "tpu.region"() ({
        %run_scoped3A = tpu.sem_alloc : memref<!tpu.dma_semaphore, #tpu.memory_space<semaphore_mem>>
        %dma_start3A = arith.constant 0 : i32
        %dma_start3A_33 = tpu.memref_slice %arg11[%add3A_31, %dma_start3A] : memref<20480x64xf32, #tpu.memory_space<vmem_shared>> -> memref<64x64xf32, #tpu.memory_space<vmem_shared>>
        %dma_start3A_34 = arith.constant 0 : i32
        %dma_start3A_35 = tpu.memref_slice %arg11[%add3A_31, %dma_start3A_34] : memref<20480x64xf32, #tpu.memory_space<vmem_shared>> -> memref<64x64xf32, #tpu.memory_space<vmem_shared>>
        tpu.enqueue_dma source(%arg9 : memref<64x64xf32, #tpu.memory_space<vmem>>) target(%dma_start3A_35 : memref<64x64xf32, #tpu.memory_space<vmem_shared>>) target_semaphore(%run_scoped3A : memref<!tpu.dma_semaphore, #tpu.memory_space<semaphore_mem>>)
        %dma_wait3A = arith.constant 0 : i32
        %dma_wait3A_36 = tpu.memref_slice %arg11[%add3A_31, %dma_wait3A] : memref<20480x64xf32, #tpu.memory_space<vmem_shared>> -> memref<64x64xf32, #tpu.memory_space<vmem_shared>>
        %dma_wait3A_37 = arith.constant 0 : i32
        %dma_wait3A_38 = tpu.memref_slice %arg11[%add3A_31, %dma_wait3A_37] : memref<20480x64xf32, #tpu.memory_space<vmem_shared>> -> memref<64x64xf32, #tpu.memory_space<vmem_shared>>
        tpu.wait_dma2 semaphore(%run_scoped3A : memref<!tpu.dma_semaphore, #tpu.memory_space<semaphore_mem>>) src(%arg9 : memref<64x64xf32, #tpu.memory_space<vmem>>) dst(%dma_wait3A_38 : memref<64x64xf32, #tpu.memory_space<vmem_shared>>)
        tpu.yield
      }) : () -> ()
      %scan3A_32 = arith.constant 0 : i32
      scf.yield %scan3A_32 : i32
    }
    %scan3A_14 = arith.constant 20 : i32
    %barrier3A = arith.constant 0 : index
    tpu.barrier barrier_id(%barrier3A)
    %mul3A_15 = arith.constant 16 : i32
    %mul3A_16 = arith.muli %arg0, %mul3A_15 : i32
    %add3A = arith.addi %mul3A_16, %arg1 : i32
    %mul3A_17 = arith.constant 512 : i32
    %mul3A_18 = arith.muli %add3A, %mul3A_17 : i32
    %scan3A_19 = arith.constant 0 : i32
    %scan3A_20 = arith.constant 0 : i32
    %scan3A_21 = arith.constant 16 : i32
    %scan3A_22 = arith.addi %scan3A_20, %scan3A_21 : i32
    %scan3A_23 = arith.constant 1 : i32
    %scan3A_24 = scf.for %scan3A_27 = %scan3A_20 to %scan3A_22 step %scan3A_23 iter_args(%scan3A_28 = %scan3A_19) -> (i32)  : i32 {
      %mul3A_29 = arith.constant 32 : i32
      %mul3A_30 = arith.muli %scan3A_27, %mul3A_29 : i32
      %add3A_31 = arith.addi %mul3A_18, %mul3A_30 : i32
      "tpu.region"() ({
        %run_scoped3A = tpu.sem_alloc : memref<!tpu.dma_semaphore, #tpu.memory_space<semaphore_mem>>
        %dma_start3A = arith.constant 0 : i32
        %dma_start3A_40 = tpu.memref_slice %arg2[%add3A_31, %dma_start3A] : memref<16384x64xf32, #tpu.memory_space<hbm>> -> memref<32x64xf32, #tpu.memory_space<hbm>>
        %dma_start3A_41 = arith.constant 0 : i32
        %dma_start3A_42 = tpu.memref_slice %arg2[%add3A_31, %dma_start3A_41] : memref<16384x64xf32, #tpu.memory_space<hbm>> -> memref<32x64xf32, #tpu.memory_space<hbm>>
        tpu.enqueue_dma source(%dma_start3A_42 : memref<32x64xf32, #tpu.memory_space<hbm>>) target(%arg6 : memref<32x64xf32, #tpu.memory_space<vmem>>) target_semaphore(%run_scoped3A : memref<!tpu.dma_semaphore, #tpu.memory_space<semaphore_mem>>)
        %dma_wait3A = arith.constant 0 : i32
        %dma_wait3A_43 = tpu.memref_slice %arg2[%add3A_31, %dma_wait3A] : memref<16384x64xf32, #tpu.memory_space<hbm>> -> memref<32x64xf32, #tpu.memory_space<hbm>>
        %dma_wait3A_44 = arith.constant 0 : i32
        %dma_wait3A_45 = tpu.memref_slice %arg2[%add3A_31, %dma_wait3A_44] : memref<16384x64xf32, #tpu.memory_space<hbm>> -> memref<32x64xf32, #tpu.memory_space<hbm>>
        tpu.wait_dma2 semaphore(%run_scoped3A : memref<!tpu.dma_semaphore, #tpu.memory_space<semaphore_mem>>) src(%dma_wait3A_45 : memref<32x64xf32, #tpu.memory_space<hbm>>) dst(%arg6 : memref<32x64xf32, #tpu.memory_space<vmem>>)
        tpu.yield
      }) : () -> ()
      "tpu.region"() ({
        %run_scoped3A = tpu.sem_alloc : memref<!tpu.dma_semaphore, #tpu.memory_space<semaphore_mem>>
        %dma_start3A = arith.constant 0 : i32
        %dma_start3A_40 = tpu.memref_slice %arg3[%add3A_31, %dma_start3A] : memref<16384x64xf32, #tpu.memory_space<hbm>> -> memref<32x64xf32, #tpu.memory_space<hbm>>
        %dma_start3A_41 = arith.constant 0 : i32
        %dma_start3A_42 = tpu.memref_slice %arg3[%add3A_31, %dma_start3A_41] : memref<16384x64xf32, #tpu.memory_space<hbm>> -> memref<32x64xf32, #tpu.memory_space<hbm>>
        tpu.enqueue_dma source(%dma_start3A_42 : memref<32x64xf32, #tpu.memory_space<hbm>>) target(%arg7 : memref<32x64xf32, #tpu.memory_space<vmem>>) target_semaphore(%run_scoped3A : memref<!tpu.dma_semaphore, #tpu.memory_space<semaphore_mem>>)
        %dma_wait3A = arith.constant 0 : i32
        %dma_wait3A_43 = tpu.memref_slice %arg3[%add3A_31, %dma_wait3A] : memref<16384x64xf32, #tpu.memory_space<hbm>> -> memref<32x64xf32, #tpu.memory_space<hbm>>
        %dma_wait3A_44 = arith.constant 0 : i32
        %dma_wait3A_45 = tpu.memref_slice %arg3[%add3A_31, %dma_wait3A_44] : memref<16384x64xf32, #tpu.memory_space<hbm>> -> memref<32x64xf32, #tpu.memory_space<hbm>>
        tpu.wait_dma2 semaphore(%run_scoped3A : memref<!tpu.dma_semaphore, #tpu.memory_space<semaphore_mem>>) src(%dma_wait3A_45 : memref<32x64xf32, #tpu.memory_space<hbm>>) dst(%arg7 : memref<32x64xf32, #tpu.memory_space<vmem>>)
        tpu.yield
      }) : () -> ()
      "tpu.region"() ({
        %run_scoped3A = tpu.sem_alloc : memref<!tpu.dma_semaphore, #tpu.memory_space<semaphore_mem>>
        %dma_start3A = arith.constant 0 : i32
        %dma_start3A_40 = tpu.memref_slice %arg4[%add3A_31, %dma_start3A] : memref<16384x64xi32, #tpu.memory_space<hbm>> -> memref<32x64xi32, #tpu.memory_space<hbm>>
        %dma_start3A_41 = arith.constant 0 : i32
        %dma_start3A_42 = tpu.memref_slice %arg4[%add3A_31, %dma_start3A_41] : memref<16384x64xi32, #tpu.memory_space<hbm>> -> memref<32x64xi32, #tpu.memory_space<hbm>>
        tpu.enqueue_dma source(%dma_start3A_42 : memref<32x64xi32, #tpu.memory_space<hbm>>) target(%arg8 : memref<32x64xi32, #tpu.memory_space<vmem>>) target_semaphore(%run_scoped3A : memref<!tpu.dma_semaphore, #tpu.memory_space<semaphore_mem>>)
        %dma_wait3A = arith.constant 0 : i32
        %dma_wait3A_43 = tpu.memref_slice %arg4[%add3A_31, %dma_wait3A] : memref<16384x64xi32, #tpu.memory_space<hbm>> -> memref<32x64xi32, #tpu.memory_space<hbm>>
        %dma_wait3A_44 = arith.constant 0 : i32
        %dma_wait3A_45 = tpu.memref_slice %arg4[%add3A_31, %dma_wait3A_44] : memref<16384x64xi32, #tpu.memory_space<hbm>> -> memref<32x64xi32, #tpu.memory_space<hbm>>
        tpu.wait_dma2 semaphore(%run_scoped3A : memref<!tpu.dma_semaphore, #tpu.memory_space<semaphore_mem>>) src(%dma_wait3A_45 : memref<32x64xi32, #tpu.memory_space<hbm>>) dst(%arg8 : memref<32x64xi32, #tpu.memory_space<vmem>>)
        tpu.yield
      }) : () -> ()
      %scan3A_32 = arith.constant 0 : i32
      %scan3A_33 = arith.constant 0 : i32
      %scan3A_34 = arith.constant 32 : i32
      %scan3A_35 = arith.addi %scan3A_33, %scan3A_34 : i32
      %scan3A_36 = arith.constant 1 : i32
      %scan3A_37 = scf.for %scan3A_40 = %scan3A_33 to %scan3A_35 step %scan3A_36 iter_args(%scan3A_41 = %scan3A_32) -> (i32)  : i32 {
        %get3A = arith.index_cast %scan3A_40 : i32 to index
        %get3A_42 = arith.constant 0 : index
        %get3A_43 = tpu.vector_load %arg8[%get3A, %get3A_42] {strides = array<i32>} : memref<32x64xi32, #tpu.memory_space<vmem>>, vector<1x16xi32>,
        %get3A_44 = vector.shape_cast %get3A_43 : vector<1x16xi32> to vector<16xi32>
        %swap3A = arith.constant 0 : index
        %swap3A_45 = tpu.vector_load %arg10[%swap3A] {strides = array<i32>} : memref<64xi32, #tpu.memory_space<vmem>>, vector<16xi32>,
        %swap3A_46 = vector.shape_cast %swap3A_45 : vector<16xi32> to vector<16xi32>
        %swap3A_47 = vector.shape_cast %get3A_44 : vector<16xi32> to vector<16xi32>
        tpu.vector_store %arg10[%swap3A], %swap3A_47 {strides = array<i32>} : memref<64xi32, #tpu.memory_space<vmem>>, vector<16xi32>,
        %get3A_48 = arith.index_cast %scan3A_40 : i32 to index
        %get3A_49 = arith.constant 16 : index
        %get3A_50 = tpu.vector_load %arg8[%get3A_48, %get3A_49] {strides = array<i32>} : memref<32x64xi32, #tpu.memory_space<vmem>>, vector<1x16xi32>,
        %get3A_51 = vector.shape_cast %get3A_50 : vector<1x16xi32> to vector<16xi32>
        %swap3A_52 = arith.constant 16 : index
        %swap3A_53 = tpu.vector_load %arg10[%swap3A_52] {strides = array<i32>} : memref<64xi32, #tpu.memory_space<vmem>>, vector<16xi32>,
        %swap3A_54 = vector.shape_cast %swap3A_53 : vector<16xi32> to vector<16xi32>
        %swap3A_55 = vector.shape_cast %get3A_51 : vector<16xi32> to vector<16xi32>
        tpu.vector_store %arg10[%swap3A_52], %swap3A_55 {strides = array<i32>} : memref<64xi32, #tpu.memory_space<vmem>>, vector<16xi32>,
        %get3A_56 = arith.index_cast %scan3A_40 : i32 to index
        %get3A_57 = arith.constant 32 : index
        %get3A_58 = tpu.vector_load %arg8[%get3A_56, %get3A_57] {strides = array<i32>} : memref<32x64xi32, #tpu.memory_space<vmem>>, vector<1x16xi32>,
        %get3A_59 = vector.shape_cast %get3A_58 : vector<1x16xi32> to vector<16xi32>
        %swap3A_60 = arith.constant 32 : index
        %swap3A_61 = tpu.vector_load %arg10[%swap3A_60] {strides = array<i32>} : memref<64xi32, #tpu.memory_space<vmem>>, vector<16xi32>,
        %swap3A_62 = vector.shape_cast %swap3A_61 : vector<16xi32> to vector<16xi32>
        %swap3A_63 = vector.shape_cast %get3A_59 : vector<16xi32> to vector<16xi32>
        tpu.vector_store %arg10[%swap3A_60], %swap3A_63 {strides = array<i32>} : memref<64xi32, #tpu.memory_space<vmem>>, vector<16xi32>,
        %get3A_64 = arith.index_cast %scan3A_40 : i32 to index
        %get3A_65 = arith.constant 48 : index
        %get3A_66 = tpu.vector_load %arg8[%get3A_64, %get3A_65] {strides = array<i32>} : memref<32x64xi32, #tpu.memory_space<vmem>>, vector<1x16xi32>,
        %get3A_67 = vector.shape_cast %get3A_66 : vector<1x16xi32> to vector<16xi32>
        %swap3A_68 = arith.constant 48 : index
        %swap3A_69 = tpu.vector_load %arg10[%swap3A_68] {strides = array<i32>} : memref<64xi32, #tpu.memory_space<vmem>>, vector<16xi32>,
        %swap3A_70 = vector.shape_cast %swap3A_69 : vector<16xi32> to vector<16xi32>
        %swap3A_71 = vector.shape_cast %get3A_67 : vector<16xi32> to vector<16xi32>
        tpu.vector_store %arg10[%swap3A_68], %swap3A_71 {strides = array<i32>} : memref<64xi32, #tpu.memory_space<vmem>>, vector<16xi32>,
        %get3A_72 = arith.index_cast %scan3A_40 : i32 to index
        %get3A_73 = arith.constant 0 : index
        %get3A_74 = tpu.vector_load %arg6[%get3A_72, %get3A_73] {strides = array<i32>} : memref<32x64xf32, #tpu.memory_space<vmem>>, vector<1x16xf32>,
        %get3A_75 = vector.shape_cast %get3A_74 : vector<1x16xf32> to vector<16xf32>
        %get3A_76 = arith.index_cast %scan3A_40 : i32 to index
        %get3A_77 = arith.constant 16 : index
        %get3A_78 = tpu.vector_load %arg6[%get3A_76, %get3A_77] {strides = array<i32>} : memref<32x64xf32, #tpu.memory_space<vmem>>, vector<1x16xf32>,
        %get3A_79 = vector.shape_cast %get3A_78 : vector<1x16xf32> to vector<16xf32>
        %get3A_80 = arith.index_cast %scan3A_40 : i32 to index
        %get3A_81 = arith.constant 32 : index
        %get3A_82 = tpu.vector_load %arg6[%get3A_80, %get3A_81] {strides = array<i32>} : memref<32x64xf32, #tpu.memory_space<vmem>>, vector<1x16xf32>,
        %get3A_83 = vector.shape_cast %get3A_82 : vector<1x16xf32> to vector<16xf32>
        %get3A_84 = arith.index_cast %scan3A_40 : i32 to index
        %get3A_85 = arith.constant 48 : index
        %get3A_86 = tpu.vector_load %arg6[%get3A_84, %get3A_85] {strides = array<i32>} : memref<32x64xf32, #tpu.memory_space<vmem>>, vector<1x16xf32>,
        %get3A_87 = vector.shape_cast %get3A_86 : vector<1x16xf32> to vector<16xf32>
        %get3A_88 = arith.index_cast %scan3A_40 : i32 to index
        %get3A_89 = arith.constant 0 : index
        %get3A_90 = tpu.vector_load %arg7[%get3A_88, %get3A_89] {strides = array<i32>} : memref<32x64xf32, #tpu.memory_space<vmem>>, vector<1x16xf32>,
        %get3A_91 = vector.shape_cast %get3A_90 : vector<1x16xf32> to vector<16xf32>
        %slice3A = vector.extract_strided_slice %get3A_91 {offsets = [0], sizes = [1], strides = [1]} : vector<16xf32> to vector<1xf32>
        %squeeze3A = vector.extract %slice3A[0] : f32 from vector<1xf32>
        %mul3A_92 = vector.broadcast %squeeze3A : f32 to vector<16xf32>
        %mul3A_93 = arith.mulf %mul3A_92, %get3A_75 : vector<16xf32>
        %swap3A_94 = arith.constant 0 : i32
        %swap3A_95 = arith.index_cast %swap3A_94 : i32 to index
        %swap3A_96 = arith.constant 0 : index
        %swap3A_97 = tpu.vector_load %arg9[%swap3A_95, %swap3A_96] {strides = array<i32>} : memref<64x64xf32, #tpu.memory_space<vmem>>, vector<1x16xf32>,
        %swap3A_98 = vector.shape_cast %swap3A_97 : vector<1x16xf32> to vector<16xf32>
        %swap3A_99 = vector.shape_cast %mul3A_93 : vector<16xf32> to vector<1x16xf32>
        tpu.vector_store %arg9[%swap3A_95, %swap3A_96], %swap3A_99 {strides = array<i32>} : memref<64x64xf32, #tpu.memory_space<vmem>>, vector<1x16xf32>,
        %mul3A_100 = vector.broadcast %squeeze3A : f32 to vector<16xf32>
        %mul3A_101 = arith.mulf %mul3A_100, %get3A_79 : vector<16xf32>
        %swap3A_102 = arith.constant 0 : i32
        %swap3A_103 = arith.index_cast %swap3A_102 : i32 to index
        %swap3A_104 = arith.constant 16 : index
        %swap3A_105 = tpu.vector_load %arg9[%swap3A_103, %swap3A_104] {strides = array<i32>} : memref<64x64xf32, #tpu.memory_space<vmem>>, vector<1x16xf32>,
        %swap3A_106 = vector.shape_cast %swap3A_105 : vector<1x16xf32> to vector<16xf32>
        %swap3A_107 = vector.shape_cast %mul3A_101 : vector<16xf32> to vector<1x16xf32>
        tpu.vector_store %arg9[%swap3A_103, %swap3A_104], %swap3A_107 {strides = array<i32>} : memref<64x64xf32, #tpu.memory_space<vmem>>, vector<1x16xf32>,
        %mul3A_108 = vector.broadcast %squeeze3A : f32 to vector<16xf32>
        %mul3A_109 = arith.mulf %mul3A_108, %get3A_83 : vector<16xf32>
        %swap3A_110 = arith.constant 0 : i32
        %swap3A_111 = arith.index_cast %swap3A_110 : i32 to index
        %swap3A_112 = arith.constant 32 : index
        %swap3A_113 = tpu.vector_load %arg9[%swap3A_111, %swap3A_112] {strides = array<i32>} : memref<64x64xf32, #tpu.memory_space<vmem>>, vector<1x16xf32>,
        %swap3A_114 = vector.shape_cast %swap3A_113 : vector<1x16xf32> to vector<16xf32>
        %swap3A_115 = vector.shape_cast %mul3A_109 : vector<16xf32> to vector<1x16xf32>
        tpu.vector_store %arg9[%swap3A_111, %swap3A_112], %swap3A_115 {strides = array<i32>} : memref<64x64xf32, #tpu.memory_space<vmem>>, vector<1x16xf32>,
        %mul3A_116 = vector.broadcast %squeeze3A : f32 to vector<16xf32>
        %mul3A_117 = arith.mulf %mul3A_116, %get3A_87 : vector<16xf32>
        %swap3A_118 = arith.constant 0 : i32
        %swap3A_119 = arith.index_cast %swap3A_118 : i32 to index
        %swap3A_120 = arith.constant 48 : index
        %swap3A_121 = tpu.vector_load %arg9[%swap3A_119, %swap3A_120] {strides = array<i32>} : memref<64x64xf32, #tpu.memory_space<vmem>>, vector<1x16xf32>,
        %swap3A_122 = vector.shape_cast %swap3A_121 : vector<1x16xf32> to vector<16xf32>
        %swap3A_123 = vector.shape_cast %mul3A_117 : vector<16xf32> to vector<1x16xf32>
        tpu.vector_store %arg9[%swap3A_119, %swap3A_120], %swap3A_123 {strides = array<i32>} : memref<64x64xf32, #tpu.memory_space<vmem>>, vector<1x16xf32>,
        %slice3A_124 = vector.extract_strided_slice %get3A_91 {offsets = [1], sizes = [1], strides = [1]} : vector<16xf32> to vector<1xf32>
        %squeeze3A_125 = vector.extract %slice3A_124[0] : f32 from vector<1xf32>
        %mul3A_126 = vector.broadcast %squeeze3A_125 : f32 to vector<16xf32>
        %mul3A_127 = arith.mulf %mul3A_126, %get3A_75 : vector<16xf32>
        %swap3A_128 = arith.constant 1 : i32
        %swap3A_129 = arith.index_cast %swap3A_128 : i32 to index
        %swap3A_130 = arith.constant 0 : index
        %swap3A_131 = tpu.vector_load %arg9[%swap3A_129, %swap3A_130] {strides = array<i32>} : memref<64x64xf32, #tpu.memory_space<vmem>>, vector<1x16xf32>,
        %swap3A_132 = vector.shape_cast %swap3A_131 : vector<1x16xf32> to vector<16xf32>
        %swap3A_133 = vector.shape_cast %mul3A_127 : vector<16xf32> to vector<1x16xf32>
        tpu.vector_store %arg9[%swap3A_129, %swap3A_130], %swap3A_133 {strides = array<i32>} : memref<64x64xf32, #tpu.memory_space<vmem>>, vector<1x16xf32>,
        %mul3A_134 = vector.broadcast %squeeze3A_125 : f32 to vector<16xf32>
        %mul3A_135 = arith.mulf %mul3A_134, %get3A_79 : vector<16xf32>
        %swap3A_136 = arith.constant 1 : i32
        %swap3A_137 = arith.index_cast %swap3A_136 : i32 to index
        %swap3A_138 = arith.constant 16 : index
        %swap3A_139 = tpu.vector_load %arg9[%swap3A_137, %swap3A_138] {strides = array<i32>} : memref<64x64xf32, #tpu.memory_space<vmem>>, vector<1x16xf32>,
        %swap3A_140 = vector.shape_cast %swap3A_139 : vector<1x16xf32> to vector<16xf32>
        %swap3A_141 = vector.shape_cast %mul3A_135 : vector<16xf32> to vector<1x16xf32>
        tpu.vector_store %arg9[%swap3A_137, %swap3A_138], %swap3A_141 {strides = array<i32>} : memref<64x64xf32, #tpu.memory_space<vmem>>, vector<1x16xf32>,
        %mul3A_142 = vector.broadcast %squeeze3A_125 : f32 to vector<16xf32>
        %mul3A_143 = arith.mulf %mul3A_142, %get3A_83 : vector<16xf32>
        %swap3A_144 = arith.constant 1 : i32
        %swap3A_145 = arith.index_cast %swap3A_144 : i32 to index
        %swap3A_146 = arith.constant 32 : index
        %swap3A_147 = tpu.vector_load %arg9[%swap3A_145, %swap3A_146] {strides = array<i32>} : memref<64x64xf32, #tpu.memory_space<vmem>>, vector<1x16xf32>,
        %swap3A_148 = vector.shape_cast %swap3A_147 : vector<1x16xf32> to vector<16xf32>
        %swap3A_149 = vector.shape_cast %mul3A_143 : vector<16xf32> to vector<1x16xf32>
        tpu.vector_store %arg9[%swap3A_145, %swap3A_146], %swap3A_149 {strides = array<i32>} : memref<64x64xf32, #tpu.memory_space<vmem>>, vector<1x16xf32>,
        %mul3A_150 = vector.broadcast %squeeze3A_125 : f32 to vector<16xf32>
        %mul3A_151 = arith.mulf %mul3A_150, %get3A_87 : vector<16xf32>
        %swap3A_152 = arith.constant 1 : i32
        %swap3A_153 = arith.index_cast %swap3A_152 : i32 to index
        %swap3A_154 = arith.constant 48 : index
        %swap3A_155 = tpu.vector_load %arg9[%swap3A_153, %swap3A_154] {strides = array<i32>} : memref<64x64xf32, #tpu.memory_space<vmem>>, vector<1x16xf32>,
        %swap3A_156 = vector.shape_cast %swap3A_155 : vector<1x16xf32> to vector<16xf32>
        %swap3A_157 = vector.shape_cast %mul3A_151 : vector<16xf32> to vector<1x16xf32>
        tpu.vector_store %arg9[%swap3A_153, %swap3A_154], %swap3A_157 {strides = array<i32>} : memref<64x64xf32, #tpu.memory_space<vmem>>, vector<1x16xf32>,
        %slice3A_158 = vector.extract_strided_slice %get3A_91 {offsets = [2], sizes = [1], strides = [1]} : vector<16xf32> to vector<1xf32>
        %squeeze3A_159 = vector.extract %slice3A_158[0] : f32 from vector<1xf32>
        %mul3A_160 = vector.broadcast %squeeze3A_159 : f32 to vector<16xf32>
        %mul3A_161 = arith.mulf %mul3A_160, %get3A_75 : vector<16xf32>
        %swap3A_162 = arith.constant 2 : i32
        %swap3A_163 = arith.index_cast %swap3A_162 : i32 to index
        %swap3A_164 = arith.constant 0 : index
        %swap3A_165 = tpu.vector_load %arg9[%swap3A_163, %swap3A_164] {strides = array<i32>} : memref<64x64xf32, #tpu.memory_space<vmem>>, vector<1x16xf32>,
        %swap3A_166 = vector.shape_cast %swap3A_165 : vector<1x16xf32> to vector<16xf32>
        %swap3A_167 = vector.shape_cast %mul3A_161 : vector<16xf32> to vector<1x16xf32>
        tpu.vector_store %arg9[%swap3A_163, %swap3A_164], %swap3A_167 {strides = array<i32>} : memref<64x64xf32, #tpu.memory_space<vmem>>, vector<1x16xf32>,
        %mul3A_168 = vector.broadcast %squeeze3A_159 : f32 to vector<16xf32>
        %mul3A_169 = arith.mulf %mul3A_168, %get3A_79 : vector<16xf32>
        %swap3A_170 = arith.constant 2 : i32
        %swap3A_171 = arith.index_cast %swap3A_170 : i32 to index
        %swap3A_172 = arith.constant 16 : index
        %swap3A_173 = tpu.vector_load %arg9[%swap3A_171, %swap3A_172] {strides = array<i32>} : memref<64x64xf32, #tpu.memory_space<vmem>>, vector<1x16xf32>,
        %swap3A_174 = vector.shape_cast %swap3A_173 : vector<1x16xf32> to vector<16xf32>
        %swap3A_175 = vector.shape_cast %mul3A_169 : vector<16xf32> to vector<1x16xf32>
        tpu.vector_store %arg9[%swap3A_171, %swap3A_172], %swap3A_175 {strides = array<i32>} : memref<64x64xf32, #tpu.memory_space<vmem>>, vector<1x16xf32>,
        %mul3A_176 = vector.broadcast %squeeze3A_159 : f32 to vector<16xf32>
        %mul3A_177 = arith.mulf %mul3A_176, %get3A_83 : vector<16xf32>
        %swap3A_178 = arith.constant 2 : i32
        %swap3A_179 = arith.index_cast %swap3A_178 : i32 to index
        %swap3A_180 = arith.constant 32 : index
        %swap3A_181 = tpu.vector_load %arg9[%swap3A_179, %swap3A_180] {strides = array<i32>} : memref<64x64xf32, #tpu.memory_space<vmem>>, vector<1x16xf32>,
        %swap3A_182 = vector.shape_cast %swap3A_181 : vector<1x16xf32> to vector<16xf32>
        %swap3A_183 = vector.shape_cast %mul3A_177 : vector<16xf32> to vector<1x16xf32>
        tpu.vector_store %arg9[%swap3A_179, %swap3A_180], %swap3A_183 {strides = array<i32>} : memref<64x64xf32, #tpu.memory_space<vmem>>, vector<1x16xf32>,
        %mul3A_184 = vector.broadcast %squeeze3A_159 : f32 to vector<16xf32>
        %mul3A_185 = arith.mulf %mul3A_184, %get3A_87 : vector<16xf32>
        %swap3A_186 = arith.constant 2 : i32
        %swap3A_187 = arith.index_cast %swap3A_186 : i32 to index
        %swap3A_188 = arith.constant 48 : index
        %swap3A_189 = tpu.vector_load %arg9[%swap3A_187, %swap3A_188] {strides = array<i32>} : memref<64x64xf32, #tpu.memory_space<vmem>>, vector<1x16xf32>,
        %swap3A_190 = vector.shape_cast %swap3A_189 : vector<1x16xf32> to vector<16xf32>
        %swap3A_191 = vector.shape_cast %mul3A_185 : vector<16xf32> to vector<1x16xf32>
        tpu.vector_store %arg9[%swap3A_187, %swap3A_188], %swap3A_191 {strides = array<i32>} : memref<64x64xf32, #tpu.memory_space<vmem>>, vector<1x16xf32>,
        %slice3A_192 = vector.extract_strided_slice %get3A_91 {offsets = [3], sizes = [1], strides = [1]} : vector<16xf32> to vector<1xf32>
        %squeeze3A_193 = vector.extract %slice3A_192[0] : f32 from vector<1xf32>
        %mul3A_194 = vector.broadcast %squeeze3A_193 : f32 to vector<16xf32>
        %mul3A_195 = arith.mulf %mul3A_194, %get3A_75 : vector<16xf32>
        %swap3A_196 = arith.constant 3 : i32
        %swap3A_197 = arith.index_cast %swap3A_196 : i32 to index
        %swap3A_198 = arith.constant 0 : index
        %swap3A_199 = tpu.vector_load %arg9[%swap3A_197, %swap3A_198] {strides = array<i32>} : memref<64x64xf32, #tpu.memory_space<vmem>>, vector<1x16xf32>,
        %swap3A_200 = vector.shape_cast %swap3A_199 : vector<1x16xf32> to vector<16xf32>
        %swap3A_201 = vector.shape_cast %mul3A_195 : vector<16xf32> to vector<1x16xf32>
        tpu.vector_store %arg9[%swap3A_197, %swap3A_198], %swap3A_201 {strides = array<i32>} : memref<64x64xf32, #tpu.memory_space<vmem>>, vector<1x16xf32>,
        %mul3A_202 = vector.broadcast %squeeze3A_193 : f32 to vector<16xf32>
        %mul3A_203 = arith.mulf %mul3A_202, %get3A_79 : vector<16xf32>
        %swap3A_204 = arith.constant 3 : i32
        %swap3A_205 = arith.index_cast %swap3A_204 : i32 to index
        %swap3A_206 = arith.constant 16 : index
        %swap3A_207 = tpu.vector_load %arg9[%swap3A_205, %swap3A_206] {strides = array<i32>} : memref<64x64xf32, #tpu.memory_space<vmem>>, vector<1x16xf32>,
        %swap3A_208 = vector.shape_cast %swap3A_207 : vector<1x16xf32> to vector<16xf32>
        %swap3A_209 = vector.shape_cast %mul3A_203 : vector<16xf32> to vector<1x16xf32>
        tpu.vector_store %arg9[%swap3A_205, %swap3A_206], %swap3A_209 {strides = array<i32>} : memref<64x64xf32, #tpu.memory_space<vmem>>, vector<1x16xf32>,
        %mul3A_210 = vector.broadcast %squeeze3A_193 : f32 to vector<16xf32>
        %mul3A_211 = arith.mulf %mul3A_210, %get3A_83 : vector<16xf32>
        %swap3A_212 = arith.constant 3 : i32
        %swap3A_213 = arith.index_cast %swap3A_212 : i32 to index
        %swap3A_214 = arith.constant 32 : index
        %swap3A_215 = tpu.vector_load %arg9[%swap3A_213, %swap3A_214] {strides = array<i32>} : memref<64x64xf32, #tpu.memory_space<vmem>>, vector<1x16xf32>,
        %swap3A_216 = vector.shape_cast %swap3A_215 : vector<1x16xf32> to vector<16xf32>
        %swap3A_217 = vector.shape_cast %mul3A_211 : vector<16xf32> to vector<1x16xf32>
        tpu.vector_store %arg9[%swap3A_213, %swap3A_214], %swap3A_217 {strides = array<i32>} : memref<64x64xf32, #tpu.memory_space<vmem>>, vector<1x16xf32>,
        %mul3A_218 = vector.broadcast %squeeze3A_193 : f32 to vector<16xf32>
        %mul3A_219 = arith.mulf %mul3A_218, %get3A_87 : vector<16xf32>
        %swap3A_220 = arith.constant 3 : i32
        %swap3A_221 = arith.index_cast %swap3A_220 : i32 to index
        %swap3A_222 = arith.constant 48 : index
        %swap3A_223 = tpu.vector_load %arg9[%swap3A_221, %swap3A_222] {strides = array<i32>} : memref<64x64xf32, #tpu.memory_space<vmem>>, vector<1x16xf32>,
        %swap3A_224 = vector.shape_cast %swap3A_223 : vector<1x16xf32> to vector<16xf32>
        %swap3A_225 = vector.shape_cast %mul3A_219 : vector<16xf32> to vector<1x16xf32>
        tpu.vector_store %arg9[%swap3A_221, %swap3A_222], %swap3A_225 {strides = array<i32>} : memref<64x64xf32, #tpu.memory_space<vmem>>, vector<1x16xf32>,
        %slice3A_226 = vector.extract_strided_slice %get3A_91 {offsets = [4], sizes = [1], strides = [1]} : vector<16xf32> to vector<1xf32>
        %squeeze3A_227 = vector.extract %slice3A_226[0] : f32 from vector<1xf32>
        %mul3A_228 = vector.broadcast %squeeze3A_227 : f32 to vector<16xf32>
        %mul3A_229 = arith.mulf %mul3A_228, %get3A_75 : vector<16xf32>
        %swap3A_230 = arith.constant 4 : i32
        %swap3A_231 = arith.index_cast %swap3A_230 : i32 to index
        %swap3A_232 = arith.constant 0 : index
        %swap3A_233 = tpu.vector_load %arg9[%swap3A_231, %swap3A_232] {strides = array<i32>} : memref<64x64xf32, #tpu.memory_space<vmem>>, vector<1x16xf32>,
        %swap3A_234 = vector.shape_cast %swap3A_233 : vector<1x16xf32> to vector<16xf32>
        %swap3A_235 = vector.shape_cast %mul3A_229 : vector<16xf32> to vector<1x16xf32>
        tpu.vector_store %arg9[%swap3A_231, %swap3A_232], %swap3A_235 {strides = array<i32>} : memref<64x64xf32, #tpu.memory_space<vmem>>, vector<1x16xf32>,
        %mul3A_236 = vector.broadcast %squeeze3A_227 : f32 to vector<16xf32>
        %mul3A_237 = arith.mulf %mul3A_236, %get3A_79 : vector<16xf32>
        %swap3A_238 = arith.constant 4 : i32
        %swap3A_239 = arith.index_cast %swap3A_238 : i32 to index
        %swap3A_240 = arith.constant 16 : index
        %swap3A_241 = tpu.vector_load %arg9[%swap3A_239, %swap3A_240] {strides = array<i32>} : memref<64x64xf32, #tpu.memory_space<vmem>>, vector<1x16xf32>,
        %swap3A_242 = vector.shape_cast %swap3A_241 : vector<1x16xf32> to vector<16xf32>
        %swap3A_243 = vector.shape_cast %mul3A_237 : vector<16xf32> to vector<1x16xf32>
        tpu.vector_store %arg9[%swap3A_239, %swap3A_240], %swap3A_243 {strides = array<i32>} : memref<64x64xf32, #tpu.memory_space<vmem>>, vector<1x16xf32>,
        %mul3A_244 = vector.broadcast %squeeze3A_227 : f32 to vector<16xf32>
        %mul3A_245 = arith.mulf %mul3A_244, %get3A_83 : vector<16xf32>
        %swap3A_246 = arith.constant 4 : i32
        %swap3A_247 = arith.index_cast %swap3A_246 : i32 to index
        %swap3A_248 = arith.constant 32 : index
        %swap3A_249 = tpu.vector_load %arg9[%swap3A_247, %swap3A_248] {strides = array<i32>} : memref<64x64xf32, #tpu.memory_space<vmem>>, vector<1x16xf32>,
        %swap3A_250 = vector.shape_cast %swap3A_249 : vector<1x16xf32> to vector<16xf32>
        %swap3A_251 = vector.shape_cast %mul3A_245 : vector<16xf32> to vector<1x16xf32>
        tpu.vector_store %arg9[%swap3A_247, %swap3A_248], %swap3A_251 {strides = array<i32>} : memref<64x64xf32, #tpu.memory_space<vmem>>, vector<1x16xf32>,
        %mul3A_252 = vector.broadcast %squeeze3A_227 : f32 to vector<16xf32>
        %mul3A_253 = arith.mulf %mul3A_252, %get3A_87 : vector<16xf32>
        %swap3A_254 = arith.constant 4 : i32
        %swap3A_255 = arith.index_cast %swap3A_254 : i32 to index
        %swap3A_256 = arith.constant 48 : index
        %swap3A_257 = tpu.vector_load %arg9[%swap3A_255, %swap3A_256] {strides = array<i32>} : memref<64x64xf32, #tpu.memory_space<vmem>>, vector<1x16xf32>,
        %swap3A_258 = vector.shape_cast %swap3A_257 : vector<1x16xf32> to vector<16xf32>
        %swap3A_259 = vector.shape_cast %mul3A_253 : vector<16xf32> to vector<1x16xf32>
        tpu.vector_store %arg9[%swap3A_255, %swap3A_256], %swap3A_259 {strides = array<i32>} : memref<64x64xf32, #tpu.memory_space<vmem>>, vector<1x16xf32>,
        %slice3A_260 = vector.extract_strided_slice %get3A_91 {offsets = [5], sizes = [1], strides = [1]} : vector<16xf32> to vector<1xf32>
        %squeeze3A_261 = vector.extract %slice3A_260[0] : f32 from vector<1xf32>
        %mul3A_262 = vector.broadcast %squeeze3A_261 : f32 to vector<16xf32>
        %mul3A_263 = arith.mulf %mul3A_262, %get3A_75 : vector<16xf32>
        %swap3A_264 = arith.constant 5 : i32
        %swap3A_265 = arith.index_cast %swap3A_264 : i32 to index
        %swap3A_266 = arith.constant 0 : index
        %swap3A_267 = tpu.vector_load %arg9[%swap3A_265, %swap3A_266] {strides = array<i32>} : memref<64x64xf32, #tpu.memory_space<vmem>>, vector<1x16xf32>,
        %swap3A_268 = vector.shape_cast %swap3A_267 : vector<1x16xf32> to vector<16xf32>
        %swap3A_269 = vector.shape_cast %mul3A_263 : vector<16xf32> to vector<1x16xf32>
        tpu.vector_store %arg9[%swap3A_265, %swap3A_266], %swap3A_269 {strides = array<i32>} : memref<64x64xf32, #tpu.memory_space<vmem>>, vector<1x16xf32>,
        %mul3A_270 = vector.broadcast %squeeze3A_261 : f32 to vector<16xf32>
        %mul3A_271 = arith.mulf %mul3A_270, %get3A_79 : vector<16xf32>
        %swap3A_272 = arith.constant 5 : i32
        %swap3A_273 = arith.index_cast %swap3A_272 : i32 to index
        %swap3A_274 = arith.constant 16 : index
        %swap3A_275 = tpu.vector_load %arg9[%swap3A_273, %swap3A_274] {strides = array<i32>} : memref<64x64xf32, #tpu.memory_space<vmem>>, vector<1x16xf32>,
        %swap3A_276 = vector.shape_cast %swap3A_275 : vector<1x16xf32> to vector<16xf32>
        %swap3A_277 = vector.shape_cast %mul3A_271 : vector<16xf32> to vector<1x16xf32>
        tpu.vector_store %arg9[%swap3A_273, %swap3A_274], %swap3A_277 {strides = array<i32>} : memref<64x64xf32, #tpu.memory_space<vmem>>, vector<1x16xf32>,
        %mul3A_278 = vector.broadcast %squeeze3A_261 : f32 to vector<16xf32>
        %mul3A_279 = arith.mulf %mul3A_278, %get3A_83 : vector<16xf32>
        %swap3A_280 = arith.constant 5 : i32
        %swap3A_281 = arith.index_cast %swap3A_280 : i32 to index
        %swap3A_282 = arith.constant 32 : index
        %swap3A_283 = tpu.vector_load %arg9[%swap3A_281, %swap3A_282] {strides = array<i32>} : memref<64x64xf32, #tpu.memory_space<vmem>>, vector<1x16xf32>,
        %swap3A_284 = vector.shape_cast %swap3A_283 : vector<1x16xf32> to vector<16xf32>
        %swap3A_285 = vector.shape_cast %mul3A_279 : vector<16xf32> to vector<1x16xf32>
        tpu.vector_store %arg9[%swap3A_281, %swap3A_282], %swap3A_285 {strides = array<i32>} : memref<64x64xf32, #tpu.memory_space<vmem>>, vector<1x16xf32>,
        %mul3A_286 = vector.broadcast %squeeze3A_261 : f32 to vector<16xf32>
        %mul3A_287 = arith.mulf %mul3A_286, %get3A_87 : vector<16xf32>
        %swap3A_288 = arith.constant 5 : i32
        %swap3A_289 = arith.index_cast %swap3A_288 : i32 to index
        %swap3A_290 = arith.constant 48 : index
        %swap3A_291 = tpu.vector_load %arg9[%swap3A_289, %swap3A_290] {strides = array<i32>} : memref<64x64xf32, #tpu.memory_space<vmem>>, vector<1x16xf32>,
        %swap3A_292 = vector.shape_cast %swap3A_291 : vector<1x16xf32> to vector<16xf32>
        %swap3A_293 = vector.shape_cast %mul3A_287 : vector<16xf32> to vector<1x16xf32>
        tpu.vector_store %arg9[%swap3A_289, %swap3A_290], %swap3A_293 {strides = array<i32>} : memref<64x64xf32, #tpu.memory_space<vmem>>, vector<1x16xf32>,
        %slice3A_294 = vector.extract_strided_slice %get3A_91 {offsets = [6], sizes = [1], strides = [1]} : vector<16xf32> to vector<1xf32>
        %squeeze3A_295 = vector.extract %slice3A_294[0] : f32 from vector<1xf32>
        %mul3A_296 = vector.broadcast %squeeze3A_295 : f32 to vector<16xf32>
        %mul3A_297 = arith.mulf %mul3A_296, %get3A_75 : vector<16xf32>
        %swap3A_298 = arith.constant 6 : i32
        %swap3A_299 = arith.index_cast %swap3A_298 : i32 to index
        %swap3A_300 = arith.constant 0 : index
        %swap3A_301 = tpu.vector_load %arg9[%swap3A_299, %swap3A_300] {strides = array<i32>} : memref<64x64xf32, #tpu.memory_space<vmem>>, vector<1x16xf32>,
        %swap3A_302 = vector.shape_cast %swap3A_301 : vector<1x16xf32> to vector<16xf32>
        %swap3A_303 = vector.shape_cast %mul3A_297 : vector<16xf32> to vector<1x16xf32>
        tpu.vector_store %arg9[%swap3A_299, %swap3A_300], %swap3A_303 {strides = array<i32>} : memref<64x64xf32, #tpu.memory_space<vmem>>, vector<1x16xf32>,
        %mul3A_304 = vector.broadcast %squeeze3A_295 : f32 to vector<16xf32>
        %mul3A_305 = arith.mulf %mul3A_304, %get3A_79 : vector<16xf32>
        %swap3A_306 = arith.constant 6 : i32
        %swap3A_307 = arith.index_cast %swap3A_306 : i32 to index
        %swap3A_308 = arith.constant 16 : index
        %swap3A_309 = tpu.vector_load %arg9[%swap3A_307, %swap3A_308] {strides = array<i32>} : memref<64x64xf32, #tpu.memory_space<vmem>>, vector<1x16xf32>,
        %swap3A_310 = vector.shape_cast %swap3A_309 : vector<1x16xf32> to vector<16xf32>
        %swap3A_311 = vector.shape_cast %mul3A_305 : vector<16xf32> to vector<1x16xf32>
        tpu.vector_store %arg9[%swap3A_307, %swap3A_308], %swap3A_311 {strides = array<i32>} : memref<64x64xf32, #tpu.memory_space<vmem>>, vector<1x16xf32>,
        %mul3A_312 = vector.broadcast %squeeze3A_295 : f32 to vector<16xf32>
        %mul3A_313 = arith.mulf %mul3A_312, %get3A_83 : vector<16xf32>
        %swap3A_314 = arith.constant 6 : i32
        %swap3A_315 = arith.index_cast %swap3A_314 : i32 to index
        %swap3A_316 = arith.constant 32 : index
        %swap3A_317 = tpu.vector_load %arg9[%swap3A_315, %swap3A_316] {strides = array<i32>} : memref<64x64xf32, #tpu.memory_space<vmem>>, vector<1x16xf32>,
        %swap3A_318 = vector.shape_cast %swap3A_317 : vector<1x16xf32> to vector<16xf32>
        %swap3A_319 = vector.shape_cast %mul3A_313 : vector<16xf32> to vector<1x16xf32>
        tpu.vector_store %arg9[%swap3A_315, %swap3A_316], %swap3A_319 {strides = array<i32>} : memref<64x64xf32, #tpu.memory_space<vmem>>, vector<1x16xf32>,
        %mul3A_320 = vector.broadcast %squeeze3A_295 : f32 to vector<16xf32>
        %mul3A_321 = arith.mulf %mul3A_320, %get3A_87 : vector<16xf32>
        %swap3A_322 = arith.constant 6 : i32
        %swap3A_323 = arith.index_cast %swap3A_322 : i32 to index
        %swap3A_324 = arith.constant 48 : index
        %swap3A_325 = tpu.vector_load %arg9[%swap3A_323, %swap3A_324] {strides = array<i32>} : memref<64x64xf32, #tpu.memory_space<vmem>>, vector<1x16xf32>,
        %swap3A_326 = vector.shape_cast %swap3A_325 : vector<1x16xf32> to vector<16xf32>
        %swap3A_327 = vector.shape_cast %mul3A_321 : vector<16xf32> to vector<1x16xf32>
        tpu.vector_store %arg9[%swap3A_323, %swap3A_324], %swap3A_327 {strides = array<i32>} : memref<64x64xf32, #tpu.memory_space<vmem>>, vector<1x16xf32>,
        %slice3A_328 = vector.extract_strided_slice %get3A_91 {offsets = [7], sizes = [1], strides = [1]} : vector<16xf32> to vector<1xf32>
        %squeeze3A_329 = vector.extract %slice3A_328[0] : f32 from vector<1xf32>
        %mul3A_330 = vector.broadcast %squeeze3A_329 : f32 to vector<16xf32>
        %mul3A_331 = arith.mulf %mul3A_330, %get3A_75 : vector<16xf32>
        %swap3A_332 = arith.constant 7 : i32
        %swap3A_333 = arith.index_cast %swap3A_332 : i32 to index
        %swap3A_334 = arith.constant 0 : index
        %swap3A_335 = tpu.vector_load %arg9[%swap3A_333, %swap3A_334] {strides = array<i32>} : memref<64x64xf32, #tpu.memory_space<vmem>>, vector<1x16xf32>,
        %swap3A_336 = vector.shape_cast %swap3A_335 : vector<1x16xf32> to vector<16xf32>
        %swap3A_337 = vector.shape_cast %mul3A_331 : vector<16xf32> to vector<1x16xf32>
        tpu.vector_store %arg9[%swap3A_333, %swap3A_334], %swap3A_337 {strides = array<i32>} : memref<64x64xf32, #tpu.memory_space<vmem>>, vector<1x16xf32>,
        %mul3A_338 = vector.broadcast %squeeze3A_329 : f32 to vector<16xf32>
        %mul3A_339 = arith.mulf %mul3A_338, %get3A_79 : vector<16xf32>
        %swap3A_340 = arith.constant 7 : i32
        %swap3A_341 = arith.index_cast %swap3A_340 : i32 to index
        %swap3A_342 = arith.constant 16 : index
        %swap3A_343 = tpu.vector_load %arg9[%swap3A_341, %swap3A_342] {strides = array<i32>} : memref<64x64xf32, #tpu.memory_space<vmem>>, vector<1x16xf32>,
        %swap3A_344 = vector.shape_cast %swap3A_343 : vector<1x16xf32> to vector<16xf32>
        %swap3A_345 = vector.shape_cast %mul3A_339 : vector<16xf32> to vector<1x16xf32>
        tpu.vector_store %arg9[%swap3A_341, %swap3A_342], %swap3A_345 {strides = array<i32>} : memref<64x64xf32, #tpu.memory_space<vmem>>, vector<1x16xf32>,
        %mul3A_346 = vector.broadcast %squeeze3A_329 : f32 to vector<16xf32>
        %mul3A_347 = arith.mulf %mul3A_346, %get3A_83 : vector<16xf32>
        %swap3A_348 = arith.constant 7 : i32
        %swap3A_349 = arith.index_cast %swap3A_348 : i32 to index
        %swap3A_350 = arith.constant 32 : index
        %swap3A_351 = tpu.vector_load %arg9[%swap3A_349, %swap3A_350] {strides = array<i32>} : memref<64x64xf32, #tpu.memory_space<vmem>>, vector<1x16xf32>,
        %swap3A_352 = vector.shape_cast %swap3A_351 : vector<1x16xf32> to vector<16xf32>
        %swap3A_353 = vector.shape_cast %mul3A_347 : vector<16xf32> to vector<1x16xf32>
        tpu.vector_store %arg9[%swap3A_349, %swap3A_350], %swap3A_353 {strides = array<i32>} : memref<64x64xf32, #tpu.memory_space<vmem>>, vector<1x16xf32>,
        %mul3A_354 = vector.broadcast %squeeze3A_329 : f32 to vector<16xf32>
        %mul3A_355 = arith.mulf %mul3A_354, %get3A_87 : vector<16xf32>
        %swap3A_356 = arith.constant 7 : i32
        %swap3A_357 = arith.index_cast %swap3A_356 : i32 to index
        %swap3A_358 = arith.constant 48 : index
        %swap3A_359 = tpu.vector_load %arg9[%swap3A_357, %swap3A_358] {strides = array<i32>} : memref<64x64xf32, #tpu.memory_space<vmem>>, vector<1x16xf32>,
        %swap3A_360 = vector.shape_cast %swap3A_359 : vector<1x16xf32> to vector<16xf32>
        %swap3A_361 = vector.shape_cast %mul3A_355 : vector<16xf32> to vector<1x16xf32>
        tpu.vector_store %arg9[%swap3A_357, %swap3A_358], %swap3A_361 {strides = array<i32>} : memref<64x64xf32, #tpu.memory_space<vmem>>, vector<1x16xf32>,
        %slice3A_362 = vector.extract_strided_slice %get3A_91 {offsets = [8], sizes = [1], strides = [1]} : vector<16xf32> to vector<1xf32>
        %squeeze3A_363 = vector.extract %slice3A_362[0] : f32 from vector<1xf32>
        %mul3A_364 = vector.broadcast %squeeze3A_363 : f32 to vector<16xf32>
        %mul3A_365 = arith.mulf %mul3A_364, %get3A_75 : vector<16xf32>
        %swap3A_366 = arith.constant 8 : i32
        %swap3A_367 = arith.index_cast %swap3A_366 : i32 to index
        %swap3A_368 = arith.constant 0 : index
        %swap3A_369 = tpu.vector_load %arg9[%swap3A_367, %swap3A_368] {strides = array<i32>} : memref<64x64xf32, #tpu.memory_space<vmem>>, vector<1x16xf32>,
        %swap3A_370 = vector.shape_cast %swap3A_369 : vector<1x16xf32> to vector<16xf32>
        %swap3A_371 = vector.shape_cast %mul3A_365 : vector<16xf32> to vector<1x16xf32>
        tpu.vector_store %arg9[%swap3A_367, %swap3A_368], %swap3A_371 {strides = array<i32>} : memref<64x64xf32, #tpu.memory_space<vmem>>, vector<1x16xf32>,
        %mul3A_372 = vector.broadcast %squeeze3A_363 : f32 to vector<16xf32>
        %mul3A_373 = arith.mulf %mul3A_372, %get3A_79 : vector<16xf32>
        %swap3A_374 = arith.constant 8 : i32
        %swap3A_375 = arith.index_cast %swap3A_374 : i32 to index
        %swap3A_376 = arith.constant 16 : index
        %swap3A_377 = tpu.vector_load %arg9[%swap3A_375, %swap3A_376] {strides = array<i32>} : memref<64x64xf32, #tpu.memory_space<vmem>>, vector<1x16xf32>,
        %swap3A_378 = vector.shape_cast %swap3A_377 : vector<1x16xf32> to vector<16xf32>
        %swap3A_379 = vector.shape_cast %mul3A_373 : vector<16xf32> to vector<1x16xf32>
        tpu.vector_store %arg9[%swap3A_375, %swap3A_376], %swap3A_379 {strides = array<i32>} : memref<64x64xf32, #tpu.memory_space<vmem>>, vector<1x16xf32>,
        %mul3A_380 = vector.broadcast %squeeze3A_363 : f32 to vector<16xf32>
        %mul3A_381 = arith.mulf %mul3A_380, %get3A_83 : vector<16xf32>
        %swap3A_382 = arith.constant 8 : i32
        %swap3A_383 = arith.index_cast %swap3A_382 : i32 to index
        %swap3A_384 = arith.constant 32 : index
        %swap3A_385 = tpu.vector_load %arg9[%swap3A_383, %swap3A_384] {strides = array<i32>} : memref<64x64xf32, #tpu.memory_space<vmem>>, vector<1x16xf32>,
        %swap3A_386 = vector.shape_cast %swap3A_385 : vector<1x16xf32> to vector<16xf32>
        %swap3A_387 = vector.shape_cast %mul3A_381 : vector<16xf32> to vector<1x16xf32>
        tpu.vector_store %arg9[%swap3A_383, %swap3A_384], %swap3A_387 {strides = array<i32>} : memref<64x64xf32, #tpu.memory_space<vmem>>, vector<1x16xf32>,
        %mul3A_388 = vector.broadcast %squeeze3A_363 : f32 to vector<16xf32>
        %mul3A_389 = arith.mulf %mul3A_388, %get3A_87 : vector<16xf32>
        %swap3A_390 = arith.constant 8 : i32
        %swap3A_391 = arith.index_cast %swap3A_390 : i32 to index
        %swap3A_392 = arith.constant 48 : index
        %swap3A_393 = tpu.vector_load %arg9[%swap3A_391, %swap3A_392] {strides = array<i32>} : memref<64x64xf32, #tpu.memory_space<vmem>>, vector<1x16xf32>,
        %swap3A_394 = vector.shape_cast %swap3A_393 : vector<1x16xf32> to vector<16xf32>
        %swap3A_395 = vector.shape_cast %mul3A_389 : vector<16xf32> to vector<1x16xf32>
        tpu.vector_store %arg9[%swap3A_391, %swap3A_392], %swap3A_395 {strides = array<i32>} : memref<64x64xf32, #tpu.memory_space<vmem>>, vector<1x16xf32>,
        %slice3A_396 = vector.extract_strided_slice %get3A_91 {offsets = [9], sizes = [1], strides = [1]} : vector<16xf32> to vector<1xf32>
        %squeeze3A_397 = vector.extract %slice3A_396[0] : f32 from vector<1xf32>
        %mul3A_398 = vector.broadcast %squeeze3A_397 : f32 to vector<16xf32>
        %mul3A_399 = arith.mulf %mul3A_398, %get3A_75 : vector<16xf32>
        %swap3A_400 = arith.constant 9 : i32
        %swap3A_401 = arith.index_cast %swap3A_400 : i32 to index
        %swap3A_402 = arith.constant 0 : index
        %swap3A_403 = tpu.vector_load %arg9[%swap3A_401, %swap3A_402] {strides = array<i32>} : memref<64x64xf32, #tpu.memory_space<vmem>>, vector<1x16xf32>,
        %swap3A_404 = vector.shape_cast %swap3A_403 : vector<1x16xf32> to vector<16xf32>
        %swap3A_405 = vector.shape_cast %mul3A_399 : vector<16xf32> to vector<1x16xf32>
        tpu.vector_store %arg9[%swap3A_401, %swap3A_402], %swap3A_405 {strides = array<i32>} : memref<64x64xf32, #tpu.memory_space<vmem>>, vector<1x16xf32>,
        %mul3A_406 = vector.broadcast %squeeze3A_397 : f32 to vector<16xf32>
        %mul3A_407 = arith.mulf %mul3A_406, %get3A_79 : vector<16xf32>
        %swap3A_408 = arith.constant 9 : i32
        %swap3A_409 = arith.index_cast %swap3A_408 : i32 to index
        %swap3A_410 = arith.constant 16 : index
        %swap3A_411 = tpu.vector_load %arg9[%swap3A_409, %swap3A_410] {strides = array<i32>} : memref<64x64xf32, #tpu.memory_space<vmem>>, vector<1x16xf32>,
        %swap3A_412 = vector.shape_cast %swap3A_411 : vector<1x16xf32> to vector<16xf32>
        %swap3A_413 = vector.shape_cast %mul3A_407 : vector<16xf32> to vector<1x16xf32>
        tpu.vector_store %arg9[%swap3A_409, %swap3A_410], %swap3A_413 {strides = array<i32>} : memref<64x64xf32, #tpu.memory_space<vmem>>, vector<1x16xf32>,
        %mul3A_414 = vector.broadcast %squeeze3A_397 : f32 to vector<16xf32>
        %mul3A_415 = arith.mulf %mul3A_414, %get3A_83 : vector<16xf32>
        %swap3A_416 = arith.constant 9 : i32
        %swap3A_417 = arith.index_cast %swap3A_416 : i32 to index
        %swap3A_418 = arith.constant 32 : index
        %swap3A_419 = tpu.vector_load %arg9[%swap3A_417, %swap3A_418] {strides = array<i32>} : memref<64x64xf32, #tpu.memory_space<vmem>>, vector<1x16xf32>,
        %swap3A_420 = vector.shape_cast %swap3A_419 : vector<1x16xf32> to vector<16xf32>
        %swap3A_421 = vector.shape_cast %mul3A_415 : vector<16xf32> to vector<1x16xf32>
        tpu.vector_store %arg9[%swap3A_417, %swap3A_418], %swap3A_421 {strides = array<i32>} : memref<64x64xf32, #tpu.memory_space<vmem>>, vector<1x16xf32>,
        %mul3A_422 = vector.broadcast %squeeze3A_397 : f32 to vector<16xf32>
        %mul3A_423 = arith.mulf %mul3A_422, %get3A_87 : vector<16xf32>
        %swap3A_424 = arith.constant 9 : i32
        %swap3A_425 = arith.index_cast %swap3A_424 : i32 to index
        %swap3A_426 = arith.constant 48 : index
        %swap3A_427 = tpu.vector_load %arg9[%swap3A_425, %swap3A_426] {strides = array<i32>} : memref<64x64xf32, #tpu.memory_space<vmem>>, vector<1x16xf32>,
        %swap3A_428 = vector.shape_cast %swap3A_427 : vector<1x16xf32> to vector<16xf32>
        %swap3A_429 = vector.shape_cast %mul3A_423 : vector<16xf32> to vector<1x16xf32>
        tpu.vector_store %arg9[%swap3A_425, %swap3A_426], %swap3A_429 {strides = array<i32>} : memref<64x64xf32, #tpu.memory_space<vmem>>, vector<1x16xf32>,
        %slice3A_430 = vector.extract_strided_slice %get3A_91 {offsets = [10], sizes = [1], strides = [1]} : vector<16xf32> to vector<1xf32>
        %squeeze3A_431 = vector.extract %slice3A_430[0] : f32 from vector<1xf32>
        %mul3A_432 = vector.broadcast %squeeze3A_431 : f32 to vector<16xf32>
        %mul3A_433 = arith.mulf %mul3A_432, %get3A_75 : vector<16xf32>
        %swap3A_434 = arith.constant 10 : i32
        %swap3A_435 = arith.index_cast %swap3A_434 : i32 to index
        %swap3A_436 = arith.constant 0 : index
        %swap3A_437 = tpu.vector_load %arg9[%swap3A_435, %swap3A_436] {strides = array<i32>} : memref<64x64xf32, #tpu.memory_space<vmem>>, vector<1x16xf32>,
        %swap3A_438 = vector.shape_cast %swap3A_437 : vector<1x16xf32> to vector<16xf32>
        %swap3A_439 = vector.shape_cast %mul3A_433 : vector<16xf32> to vector<1x16xf32>
        tpu.vector_store %arg9[%swap3A_435, %swap3A_436], %swap3A_439 {strides = array<i32>} : memref<64x64xf32, #tpu.memory_space<vmem>>, vector<1x16xf32>,
        %mul3A_440 = vector.broadcast %squeeze3A_431 : f32 to vector<16xf32>
        %mul3A_441 = arith.mulf %mul3A_440, %get3A_79 : vector<16xf32>
        %swap3A_442 = arith.constant 10 : i32
        %swap3A_443 = arith.index_cast %swap3A_442 : i32 to index
        %swap3A_444 = arith.constant 16 : index
        %swap3A_445 = tpu.vector_load %arg9[%swap3A_443, %swap3A_444] {strides = array<i32>} : memref<64x64xf32, #tpu.memory_space<vmem>>, vector<1x16xf32>,
        %swap3A_446 = vector.shape_cast %swap3A_445 : vector<1x16xf32> to vector<16xf32>
        %swap3A_447 = vector.shape_cast %mul3A_441 : vector<16xf32> to vector<1x16xf32>
        tpu.vector_store %arg9[%swap3A_443, %swap3A_444], %swap3A_447 {strides = array<i32>} : memref<64x64xf32, #tpu.memory_space<vmem>>, vector<1x16xf32>,
        %mul3A_448 = vector.broadcast %squeeze3A_431 : f32 to vector<16xf32>
        %mul3A_449 = arith.mulf %mul3A_448, %get3A_83 : vector<16xf32>
        %swap3A_450 = arith.constant 10 : i32
        %swap3A_451 = arith.index_cast %swap3A_450 : i32 to index
        %swap3A_452 = arith.constant 32 : index
        %swap3A_453 = tpu.vector_load %arg9[%swap3A_451, %swap3A_452] {strides = array<i32>} : memref<64x64xf32, #tpu.memory_space<vmem>>, vector<1x16xf32>,
        %swap3A_454 = vector.shape_cast %swap3A_453 : vector<1x16xf32> to vector<16xf32>
        %swap3A_455 = vector.shape_cast %mul3A_449 : vector<16xf32> to vector<1x16xf32>
        tpu.vector_store %arg9[%swap3A_451, %swap3A_452], %swap3A_455 {strides = array<i32>} : memref<64x64xf32, #tpu.memory_space<vmem>>, vector<1x16xf32>,
        %mul3A_456 = vector.broadcast %squeeze3A_431 : f32 to vector<16xf32>
        %mul3A_457 = arith.mulf %mul3A_456, %get3A_87 : vector<16xf32>
        %swap3A_458 = arith.constant 10 : i32
        %swap3A_459 = arith.index_cast %swap3A_458 : i32 to index
        %swap3A_460 = arith.constant 48 : index
        %swap3A_461 = tpu.vector_load %arg9[%swap3A_459, %swap3A_460] {strides = array<i32>} : memref<64x64xf32, #tpu.memory_space<vmem>>, vector<1x16xf32>,
        %swap3A_462 = vector.shape_cast %swap3A_461 : vector<1x16xf32> to vector<16xf32>
        %swap3A_463 = vector.shape_cast %mul3A_457 : vector<16xf32> to vector<1x16xf32>
        tpu.vector_store %arg9[%swap3A_459, %swap3A_460], %swap3A_463 {strides = array<i32>} : memref<64x64xf32, #tpu.memory_space<vmem>>, vector<1x16xf32>,
        %slice3A_464 = vector.extract_strided_slice %get3A_91 {offsets = [11], sizes = [1], strides = [1]} : vector<16xf32> to vector<1xf32>
        %squeeze3A_465 = vector.extract %slice3A_464[0] : f32 from vector<1xf32>
        %mul3A_466 = vector.broadcast %squeeze3A_465 : f32 to vector<16xf32>
        %mul3A_467 = arith.mulf %mul3A_466, %get3A_75 : vector<16xf32>
        %swap3A_468 = arith.constant 11 : i32
        %swap3A_469 = arith.index_cast %swap3A_468 : i32 to index
        %swap3A_470 = arith.constant 0 : index
        %swap3A_471 = tpu.vector_load %arg9[%swap3A_469, %swap3A_470] {strides = array<i32>} : memref<64x64xf32, #tpu.memory_space<vmem>>, vector<1x16xf32>,
        %swap3A_472 = vector.shape_cast %swap3A_471 : vector<1x16xf32> to vector<16xf32>
        %swap3A_473 = vector.shape_cast %mul3A_467 : vector<16xf32> to vector<1x16xf32>
        tpu.vector_store %arg9[%swap3A_469, %swap3A_470], %swap3A_473 {strides = array<i32>} : memref<64x64xf32, #tpu.memory_space<vmem>>, vector<1x16xf32>,
        %mul3A_474 = vector.broadcast %squeeze3A_465 : f32 to vector<16xf32>
        %mul3A_475 = arith.mulf %mul3A_474, %get3A_79 : vector<16xf32>
        %swap3A_476 = arith.constant 11 : i32
        %swap3A_477 = arith.index_cast %swap3A_476 : i32 to index
        %swap3A_478 = arith.constant 16 : index
        %swap3A_479 = tpu.vector_load %arg9[%swap3A_477, %swap3A_478] {strides = array<i32>} : memref<64x64xf32, #tpu.memory_space<vmem>>, vector<1x16xf32>,
        %swap3A_480 = vector.shape_cast %swap3A_479 : vector<1x16xf32> to vector<16xf32>
        %swap3A_481 = vector.shape_cast %mul3A_475 : vector<16xf32> to vector<1x16xf32>
        tpu.vector_store %arg9[%swap3A_477, %swap3A_478], %swap3A_481 {strides = array<i32>} : memref<64x64xf32, #tpu.memory_space<vmem>>, vector<1x16xf32>,
        %mul3A_482 = vector.broadcast %squeeze3A_465 : f32 to vector<16xf32>
        %mul3A_483 = arith.mulf %mul3A_482, %get3A_83 : vector<16xf32>
        %swap3A_484 = arith.constant 11 : i32
        %swap3A_485 = arith.index_cast %swap3A_484 : i32 to index
        %swap3A_486 = arith.constant 32 : index
        %swap3A_487 = tpu.vector_load %arg9[%swap3A_485, %swap3A_486] {strides = array<i32>} : memref<64x64xf32, #tpu.memory_space<vmem>>, vector<1x16xf32>,
        %swap3A_488 = vector.shape_cast %swap3A_487 : vector<1x16xf32> to vector<16xf32>
        %swap3A_489 = vector.shape_cast %mul3A_483 : vector<16xf32> to vector<1x16xf32>
        tpu.vector_store %arg9[%swap3A_485, %swap3A_486], %swap3A_489 {strides = array<i32>} : memref<64x64xf32, #tpu.memory_space<vmem>>, vector<1x16xf32>,
        %mul3A_490 = vector.broadcast %squeeze3A_465 : f32 to vector<16xf32>
        %mul3A_491 = arith.mulf %mul3A_490, %get3A_87 : vector<16xf32>
        %swap3A_492 = arith.constant 11 : i32
        %swap3A_493 = arith.index_cast %swap3A_492 : i32 to index
        %swap3A_494 = arith.constant 48 : index
        %swap3A_495 = tpu.vector_load %arg9[%swap3A_493, %swap3A_494] {strides = array<i32>} : memref<64x64xf32, #tpu.memory_space<vmem>>, vector<1x16xf32>,
        %swap3A_496 = vector.shape_cast %swap3A_495 : vector<1x16xf32> to vector<16xf32>
        %swap3A_497 = vector.shape_cast %mul3A_491 : vector<16xf32> to vector<1x16xf32>
        tpu.vector_store %arg9[%swap3A_493, %swap3A_494], %swap3A_497 {strides = array<i32>} : memref<64x64xf32, #tpu.memory_space<vmem>>, vector<1x16xf32>,
        %slice3A_498 = vector.extract_strided_slice %get3A_91 {offsets = [12], sizes = [1], strides = [1]} : vector<16xf32> to vector<1xf32>
        %squeeze3A_499 = vector.extract %slice3A_498[0] : f32 from vector<1xf32>
        %mul3A_500 = vector.broadcast %squeeze3A_499 : f32 to vector<16xf32>
        %mul3A_501 = arith.mulf %mul3A_500, %get3A_75 : vector<16xf32>
        %swap3A_502 = arith.constant 12 : i32
        %swap3A_503 = arith.index_cast %swap3A_502 : i32 to index
        %swap3A_504 = arith.constant 0 : index
        %swap3A_505 = tpu.vector_load %arg9[%swap3A_503, %swap3A_504] {strides = array<i32>} : memref<64x64xf32, #tpu.memory_space<vmem>>, vector<1x16xf32>,
        %swap3A_506 = vector.shape_cast %swap3A_505 : vector<1x16xf32> to vector<16xf32>
        %swap3A_507 = vector.shape_cast %mul3A_501 : vector<16xf32> to vector<1x16xf32>
        tpu.vector_store %arg9[%swap3A_503, %swap3A_504], %swap3A_507 {strides = array<i32>} : memref<64x64xf32, #tpu.memory_space<vmem>>, vector<1x16xf32>,
        %mul3A_508 = vector.broadcast %squeeze3A_499 : f32 to vector<16xf32>
        %mul3A_509 = arith.mulf %mul3A_508, %get3A_79 : vector<16xf32>
        %swap3A_510 = arith.constant 12 : i32
        %swap3A_511 = arith.index_cast %swap3A_510 : i32 to index
        %swap3A_512 = arith.constant 16 : index
        %swap3A_513 = tpu.vector_load %arg9[%swap3A_511, %swap3A_512] {strides = array<i32>} : memref<64x64xf32, #tpu.memory_space<vmem>>, vector<1x16xf32>,
        %swap3A_514 = vector.shape_cast %swap3A_513 : vector<1x16xf32> to vector<16xf32>
        %swap3A_515 = vector.shape_cast %mul3A_509 : vector<16xf32> to vector<1x16xf32>
        tpu.vector_store %arg9[%swap3A_511, %swap3A_512], %swap3A_515 {strides = array<i32>} : memref<64x64xf32, #tpu.memory_space<vmem>>, vector<1x16xf32>,
        %mul3A_516 = vector.broadcast %squeeze3A_499 : f32 to vector<16xf32>
        %mul3A_517 = arith.mulf %mul3A_516, %get3A_83 : vector<16xf32>
        %swap3A_518 = arith.constant 12 : i32
        %swap3A_519 = arith.index_cast %swap3A_518 : i32 to index
        %swap3A_520 = arith.constant 32 : index
        %swap3A_521 = tpu.vector_load %arg9[%swap3A_519, %swap3A_520] {strides = array<i32>} : memref<64x64xf32, #tpu.memory_space<vmem>>, vector<1x16xf32>,
        %swap3A_522 = vector.shape_cast %swap3A_521 : vector<1x16xf32> to vector<16xf32>
        %swap3A_523 = vector.shape_cast %mul3A_517 : vector<16xf32> to vector<1x16xf32>
        tpu.vector_store %arg9[%swap3A_519, %swap3A_520], %swap3A_523 {strides = array<i32>} : memref<64x64xf32, #tpu.memory_space<vmem>>, vector<1x16xf32>,
        %mul3A_524 = vector.broadcast %squeeze3A_499 : f32 to vector<16xf32>
        %mul3A_525 = arith.mulf %mul3A_524, %get3A_87 : vector<16xf32>
        %swap3A_526 = arith.constant 12 : i32
        %swap3A_527 = arith.index_cast %swap3A_526 : i32 to index
        %swap3A_528 = arith.constant 48 : index
        %swap3A_529 = tpu.vector_load %arg9[%swap3A_527, %swap3A_528] {strides = array<i32>} : memref<64x64xf32, #tpu.memory_space<vmem>>, vector<1x16xf32>,
        %swap3A_530 = vector.shape_cast %swap3A_529 : vector<1x16xf32> to vector<16xf32>
        %swap3A_531 = vector.shape_cast %mul3A_525 : vector<16xf32> to vector<1x16xf32>
        tpu.vector_store %arg9[%swap3A_527, %swap3A_528], %swap3A_531 {strides = array<i32>} : memref<64x64xf32, #tpu.memory_space<vmem>>, vector<1x16xf32>,
        %slice3A_532 = vector.extract_strided_slice %get3A_91 {offsets = [13], sizes = [1], strides = [1]} : vector<16xf32> to vector<1xf32>
        %squeeze3A_533 = vector.extract %slice3A_532[0] : f32 from vector<1xf32>
        %mul3A_534 = vector.broadcast %squeeze3A_533 : f32 to vector<16xf32>
        %mul3A_535 = arith.mulf %mul3A_534, %get3A_75 : vector<16xf32>
        %swap3A_536 = arith.constant 13 : i32
        %swap3A_537 = arith.index_cast %swap3A_536 : i32 to index
        %swap3A_538 = arith.constant 0 : index
        %swap3A_539 = tpu.vector_load %arg9[%swap3A_537, %swap3A_538] {strides = array<i32>} : memref<64x64xf32, #tpu.memory_space<vmem>>, vector<1x16xf32>,
        %swap3A_540 = vector.shape_cast %swap3A_539 : vector<1x16xf32> to vector<16xf32>
        %swap3A_541 = vector.shape_cast %mul3A_535 : vector<16xf32> to vector<1x16xf32>
        tpu.vector_store %arg9[%swap3A_537, %swap3A_538], %swap3A_541 {strides = array<i32>} : memref<64x64xf32, #tpu.memory_space<vmem>>, vector<1x16xf32>,
        %mul3A_542 = vector.broadcast %squeeze3A_533 : f32 to vector<16xf32>
        %mul3A_543 = arith.mulf %mul3A_542, %get3A_79 : vector<16xf32>
        %swap3A_544 = arith.constant 13 : i32
        %swap3A_545 = arith.index_cast %swap3A_544 : i32 to index
        %swap3A_546 = arith.constant 16 : index
        %swap3A_547 = tpu.vector_load %arg9[%swap3A_545, %swap3A_546] {strides = array<i32>} : memref<64x64xf32, #tpu.memory_space<vmem>>, vector<1x16xf32>,
        %swap3A_548 = vector.shape_cast %swap3A_547 : vector<1x16xf32> to vector<16xf32>
        %swap3A_549 = vector.shape_cast %mul3A_543 : vector<16xf32> to vector<1x16xf32>
        tpu.vector_store %arg9[%swap3A_545, %swap3A_546], %swap3A_549 {strides = array<i32>} : memref<64x64xf32, #tpu.memory_space<vmem>>, vector<1x16xf32>,
        %mul3A_550 = vector.broadcast %squeeze3A_533 : f32 to vector<16xf32>
        %mul3A_551 = arith.mulf %mul3A_550, %get3A_83 : vector<16xf32>
        %swap3A_552 = arith.constant 13 : i32
        %swap3A_553 = arith.index_cast %swap3A_552 : i32 to index
        %swap3A_554 = arith.constant 32 : index
        %swap3A_555 = tpu.vector_load %arg9[%swap3A_553, %swap3A_554] {strides = array<i32>} : memref<64x64xf32, #tpu.memory_space<vmem>>, vector<1x16xf32>,
        %swap3A_556 = vector.shape_cast %swap3A_555 : vector<1x16xf32> to vector<16xf32>
        %swap3A_557 = vector.shape_cast %mul3A_551 : vector<16xf32> to vector<1x16xf32>
        tpu.vector_store %arg9[%swap3A_553, %swap3A_554], %swap3A_557 {strides = array<i32>} : memref<64x64xf32, #tpu.memory_space<vmem>>, vector<1x16xf32>,
        %mul3A_558 = vector.broadcast %squeeze3A_533 : f32 to vector<16xf32>
        %mul3A_559 = arith.mulf %mul3A_558, %get3A_87 : vector<16xf32>
        %swap3A_560 = arith.constant 13 : i32
        %swap3A_561 = arith.index_cast %swap3A_560 : i32 to index
        %swap3A_562 = arith.constant 48 : index
        %swap3A_563 = tpu.vector_load %arg9[%swap3A_561, %swap3A_562] {strides = array<i32>} : memref<64x64xf32, #tpu.memory_space<vmem>>, vector<1x16xf32>,
        %swap3A_564 = vector.shape_cast %swap3A_563 : vector<1x16xf32> to vector<16xf32>
        %swap3A_565 = vector.shape_cast %mul3A_559 : vector<16xf32> to vector<1x16xf32>
        tpu.vector_store %arg9[%swap3A_561, %swap3A_562], %swap3A_565 {strides = array<i32>} : memref<64x64xf32, #tpu.memory_space<vmem>>, vector<1x16xf32>,
        %slice3A_566 = vector.extract_strided_slice %get3A_91 {offsets = [14], sizes = [1], strides = [1]} : vector<16xf32> to vector<1xf32>
        %squeeze3A_567 = vector.extract %slice3A_566[0] : f32 from vector<1xf32>
        %mul3A_568 = vector.broadcast %squeeze3A_567 : f32 to vector<16xf32>
        %mul3A_569 = arith.mulf %mul3A_568, %get3A_75 : vector<16xf32>
        %swap3A_570 = arith.constant 14 : i32
        %swap3A_571 = arith.index_cast %swap3A_570 : i32 to index
        %swap3A_572 = arith.constant 0 : index
        %swap3A_573 = tpu.vector_load %arg9[%swap3A_571, %swap3A_572] {strides = array<i32>} : memref<64x64xf32, #tpu.memory_space<vmem>>, vector<1x16xf32>,
        %swap3A_574 = vector.shape_cast %swap3A_573 : vector<1x16xf32> to vector<16xf32>
        %swap3A_575 = vector.shape_cast %mul3A_569 : vector<16xf32> to vector<1x16xf32>
        tpu.vector_store %arg9[%swap3A_571, %swap3A_572], %swap3A_575 {strides = array<i32>} : memref<64x64xf32, #tpu.memory_space<vmem>>, vector<1x16xf32>,
        %mul3A_576 = vector.broadcast %squeeze3A_567 : f32 to vector<16xf32>
        %mul3A_577 = arith.mulf %mul3A_576, %get3A_79 : vector<16xf32>
        %swap3A_578 = arith.constant 14 : i32
        %swap3A_579 = arith.index_cast %swap3A_578 : i32 to index
        %swap3A_580 = arith.constant 16 : index
        %swap3A_581 = tpu.vector_load %arg9[%swap3A_579, %swap3A_580] {strides = array<i32>} : memref<64x64xf32, #tpu.memory_space<vmem>>, vector<1x16xf32>,
        %swap3A_582 = vector.shape_cast %swap3A_581 : vector<1x16xf32> to vector<16xf32>
        %swap3A_583 = vector.shape_cast %mul3A_577 : vector<16xf32> to vector<1x16xf32>
        tpu.vector_store %arg9[%swap3A_579, %swap3A_580], %swap3A_583 {strides = array<i32>} : memref<64x64xf32, #tpu.memory_space<vmem>>, vector<1x16xf32>,
        %mul3A_584 = vector.broadcast %squeeze3A_567 : f32 to vector<16xf32>
        %mul3A_585 = arith.mulf %mul3A_584, %get3A_83 : vector<16xf32>
        %swap3A_586 = arith.constant 14 : i32
        %swap3A_587 = arith.index_cast %swap3A_586 : i32 to index
        %swap3A_588 = arith.constant 32 : index
        %swap3A_589 = tpu.vector_load %arg9[%swap3A_587, %swap3A_588] {strides = array<i32>} : memref<64x64xf32, #tpu.memory_space<vmem>>, vector<1x16xf32>,
        %swap3A_590 = vector.shape_cast %swap3A_589 : vector<1x16xf32> to vector<16xf32>
        %swap3A_591 = vector.shape_cast %mul3A_585 : vector<16xf32> to vector<1x16xf32>
        tpu.vector_store %arg9[%swap3A_587, %swap3A_588], %swap3A_591 {strides = array<i32>} : memref<64x64xf32, #tpu.memory_space<vmem>>, vector<1x16xf32>,
        %mul3A_592 = vector.broadcast %squeeze3A_567 : f32 to vector<16xf32>
        %mul3A_593 = arith.mulf %mul3A_592, %get3A_87 : vector<16xf32>
        %swap3A_594 = arith.constant 14 : i32
        %swap3A_595 = arith.index_cast %swap3A_594 : i32 to index
        %swap3A_596 = arith.constant 48 : index
        %swap3A_597 = tpu.vector_load %arg9[%swap3A_595, %swap3A_596] {strides = array<i32>} : memref<64x64xf32, #tpu.memory_space<vmem>>, vector<1x16xf32>,
        %swap3A_598 = vector.shape_cast %swap3A_597 : vector<1x16xf32> to vector<16xf32>
        %swap3A_599 = vector.shape_cast %mul3A_593 : vector<16xf32> to vector<1x16xf32>
        tpu.vector_store %arg9[%swap3A_595, %swap3A_596], %swap3A_599 {strides = array<i32>} : memref<64x64xf32, #tpu.memory_space<vmem>>, vector<1x16xf32>,
        %slice3A_600 = vector.extract_strided_slice %get3A_91 {offsets = [15], sizes = [1], strides = [1]} : vector<16xf32> to vector<1xf32>
        %squeeze3A_601 = vector.extract %slice3A_600[0] : f32 from vector<1xf32>
        %mul3A_602 = vector.broadcast %squeeze3A_601 : f32 to vector<16xf32>
        %mul3A_603 = arith.mulf %mul3A_602, %get3A_75 : vector<16xf32>
        %swap3A_604 = arith.constant 15 : i32
        %swap3A_605 = arith.index_cast %swap3A_604 : i32 to index
        %swap3A_606 = arith.constant 0 : index
        %swap3A_607 = tpu.vector_load %arg9[%swap3A_605, %swap3A_606] {strides = array<i32>} : memref<64x64xf32, #tpu.memory_space<vmem>>, vector<1x16xf32>,
        %swap3A_608 = vector.shape_cast %swap3A_607 : vector<1x16xf32> to vector<16xf32>
        %swap3A_609 = vector.shape_cast %mul3A_603 : vector<16xf32> to vector<1x16xf32>
        tpu.vector_store %arg9[%swap3A_605, %swap3A_606], %swap3A_609 {strides = array<i32>} : memref<64x64xf32, #tpu.memory_space<vmem>>, vector<1x16xf32>,
        %mul3A_610 = vector.broadcast %squeeze3A_601 : f32 to vector<16xf32>
        %mul3A_611 = arith.mulf %mul3A_610, %get3A_79 : vector<16xf32>
        %swap3A_612 = arith.constant 15 : i32
        %swap3A_613 = arith.index_cast %swap3A_612 : i32 to index
        %swap3A_614 = arith.constant 16 : index
        %swap3A_615 = tpu.vector_load %arg9[%swap3A_613, %swap3A_614] {strides = array<i32>} : memref<64x64xf32, #tpu.memory_space<vmem>>, vector<1x16xf32>,
        %swap3A_616 = vector.shape_cast %swap3A_615 : vector<1x16xf32> to vector<16xf32>
        %swap3A_617 = vector.shape_cast %mul3A_611 : vector<16xf32> to vector<1x16xf32>
        tpu.vector_store %arg9[%swap3A_613, %swap3A_614], %swap3A_617 {strides = array<i32>} : memref<64x64xf32, #tpu.memory_space<vmem>>, vector<1x16xf32>,
        %mul3A_618 = vector.broadcast %squeeze3A_601 : f32 to vector<16xf32>
        %mul3A_619 = arith.mulf %mul3A_618, %get3A_83 : vector<16xf32>
        %swap3A_620 = arith.constant 15 : i32
        %swap3A_621 = arith.index_cast %swap3A_620 : i32 to index
        %swap3A_622 = arith.constant 32 : index
        %swap3A_623 = tpu.vector_load %arg9[%swap3A_621, %swap3A_622] {strides = array<i32>} : memref<64x64xf32, #tpu.memory_space<vmem>>, vector<1x16xf32>,
        %swap3A_624 = vector.shape_cast %swap3A_623 : vector<1x16xf32> to vector<16xf32>
        %swap3A_625 = vector.shape_cast %mul3A_619 : vector<16xf32> to vector<1x16xf32>
        tpu.vector_store %arg9[%swap3A_621, %swap3A_622], %swap3A_625 {strides = array<i32>} : memref<64x64xf32, #tpu.memory_space<vmem>>, vector<1x16xf32>,
        %mul3A_626 = vector.broadcast %squeeze3A_601 : f32 to vector<16xf32>
        %mul3A_627 = arith.mulf %mul3A_626, %get3A_87 : vector<16xf32>
        %swap3A_628 = arith.constant 15 : i32
        %swap3A_629 = arith.index_cast %swap3A_628 : i32 to index
        %swap3A_630 = arith.constant 48 : index
        %swap3A_631 = tpu.vector_load %arg9[%swap3A_629, %swap3A_630] {strides = array<i32>} : memref<64x64xf32, #tpu.memory_space<vmem>>, vector<1x16xf32>,
        %swap3A_632 = vector.shape_cast %swap3A_631 : vector<1x16xf32> to vector<16xf32>
        %swap3A_633 = vector.shape_cast %mul3A_627 : vector<16xf32> to vector<1x16xf32>
        tpu.vector_store %arg9[%swap3A_629, %swap3A_630], %swap3A_633 {strides = array<i32>} : memref<64x64xf32, #tpu.memory_space<vmem>>, vector<1x16xf32>,
        %get3A_634 = arith.index_cast %scan3A_40 : i32 to index
        %get3A_635 = arith.constant 16 : index
        %get3A_636 = tpu.vector_load %arg7[%get3A_634, %get3A_635] {strides = array<i32>} : memref<32x64xf32, #tpu.memory_space<vmem>>, vector<1x16xf32>,
        %get3A_637 = vector.shape_cast %get3A_636 : vector<1x16xf32> to vector<16xf32>
        %slice3A_638 = vector.extract_strided_slice %get3A_637 {offsets = [0], sizes = [1], strides = [1]} : vector<16xf32> to vector<1xf32>
        %squeeze3A_639 = vector.extract %slice3A_638[0] : f32 from vector<1xf32>
        %mul3A_640 = vector.broadcast %squeeze3A_639 : f32 to vector<16xf32>
        %mul3A_641 = arith.mulf %mul3A_640, %get3A_75 : vector<16xf32>
        %swap3A_642 = arith.constant 16 : i32
        %swap3A_643 = arith.index_cast %swap3A_642 : i32 to index
        %swap3A_644 = arith.constant 0 : index
        %swap3A_645 = tpu.vector_load %arg9[%swap3A_643, %swap3A_644] {strides = array<i32>} : memref<64x64xf32, #tpu.memory_space<vmem>>, vector<1x16xf32>,
        %swap3A_646 = vector.shape_cast %swap3A_645 : vector<1x16xf32> to vector<16xf32>
        %swap3A_647 = vector.shape_cast %mul3A_641 : vector<16xf32> to vector<1x16xf32>
        tpu.vector_store %arg9[%swap3A_643, %swap3A_644], %swap3A_647 {strides = array<i32>} : memref<64x64xf32, #tpu.memory_space<vmem>>, vector<1x16xf32>,
        %mul3A_648 = vector.broadcast %squeeze3A_639 : f32 to vector<16xf32>
        %mul3A_649 = arith.mulf %mul3A_648, %get3A_79 : vector<16xf32>
        %swap3A_650 = arith.constant 16 : i32
        %swap3A_651 = arith.index_cast %swap3A_650 : i32 to index
        %swap3A_652 = arith.constant 16 : index
        %swap3A_653 = tpu.vector_load %arg9[%swap3A_651, %swap3A_652] {strides = array<i32>} : memref<64x64xf32, #tpu.memory_space<vmem>>, vector<1x16xf32>,
        %swap3A_654 = vector.shape_cast %swap3A_653 : vector<1x16xf32> to vector<16xf32>
        %swap3A_655 = vector.shape_cast %mul3A_649 : vector<16xf32> to vector<1x16xf32>
        tpu.vector_store %arg9[%swap3A_651, %swap3A_652], %swap3A_655 {strides = array<i32>} : memref<64x64xf32, #tpu.memory_space<vmem>>, vector<1x16xf32>,
        %mul3A_656 = vector.broadcast %squeeze3A_639 : f32 to vector<16xf32>
        %mul3A_657 = arith.mulf %mul3A_656, %get3A_83 : vector<16xf32>
        %swap3A_658 = arith.constant 16 : i32
        %swap3A_659 = arith.index_cast %swap3A_658 : i32 to index
        %swap3A_660 = arith.constant 32 : index
        %swap3A_661 = tpu.vector_load %arg9[%swap3A_659, %swap3A_660] {strides = array<i32>} : memref<64x64xf32, #tpu.memory_space<vmem>>, vector<1x16xf32>,
        %swap3A_662 = vector.shape_cast %swap3A_661 : vector<1x16xf32> to vector<16xf32>
        %swap3A_663 = vector.shape_cast %mul3A_657 : vector<16xf32> to vector<1x16xf32>
        tpu.vector_store %arg9[%swap3A_659, %swap3A_660], %swap3A_663 {strides = array<i32>} : memref<64x64xf32, #tpu.memory_space<vmem>>, vector<1x16xf32>,
        %mul3A_664 = vector.broadcast %squeeze3A_639 : f32 to vector<16xf32>
        %mul3A_665 = arith.mulf %mul3A_664, %get3A_87 : vector<16xf32>
        %swap3A_666 = arith.constant 16 : i32
        %swap3A_667 = arith.index_cast %swap3A_666 : i32 to index
        %swap3A_668 = arith.constant 48 : index
        %swap3A_669 = tpu.vector_load %arg9[%swap3A_667, %swap3A_668] {strides = array<i32>} : memref<64x64xf32, #tpu.memory_space<vmem>>, vector<1x16xf32>,
        %swap3A_670 = vector.shape_cast %swap3A_669 : vector<1x16xf32> to vector<16xf32>
        %swap3A_671 = vector.shape_cast %mul3A_665 : vector<16xf32> to vector<1x16xf32>
        tpu.vector_store %arg9[%swap3A_667, %swap3A_668], %swap3A_671 {strides = array<i32>} : memref<64x64xf32, #tpu.memory_space<vmem>>, vector<1x16xf32>,
        %slice3A_672 = vector.extract_strided_slice %get3A_637 {offsets = [1], sizes = [1], strides = [1]} : vector<16xf32> to vector<1xf32>
        %squeeze3A_673 = vector.extract %slice3A_672[0] : f32 from vector<1xf32>
        %mul3A_674 = vector.broadcast %squeeze3A_673 : f32 to vector<16xf32>
        %mul3A_675 = arith.mulf %mul3A_674, %get3A_75 : vector<16xf32>
        %swap3A_676 = arith.constant 17 : i32
        %swap3A_677 = arith.index_cast %swap3A_676 : i32 to index
        %swap3A_678 = arith.constant 0 : index
        %swap3A_679 = tpu.vector_load %arg9[%swap3A_677, %swap3A_678] {strides = array<i32>} : memref<64x64xf32, #tpu.memory_space<vmem>>, vector<1x16xf32>,
        %swap3A_680 = vector.shape_cast %swap3A_679 : vector<1x16xf32> to vector<16xf32>
        %swap3A_681 = vector.shape_cast %mul3A_675 : vector<16xf32> to vector<1x16xf32>
        tpu.vector_store %arg9[%swap3A_677, %swap3A_678], %swap3A_681 {strides = array<i32>} : memref<64x64xf32, #tpu.memory_space<vmem>>, vector<1x16xf32>,
        %mul3A_682 = vector.broadcast %squeeze3A_673 : f32 to vector<16xf32>
        %mul3A_683 = arith.mulf %mul3A_682, %get3A_79 : vector<16xf32>
        %swap3A_684 = arith.constant 17 : i32
        %swap3A_685 = arith.index_cast %swap3A_684 : i32 to index
        %swap3A_686 = arith.constant 16 : index
        %swap3A_687 = tpu.vector_load %arg9[%swap3A_685, %swap3A_686] {strides = array<i32>} : memref<64x64xf32, #tpu.memory_space<vmem>>, vector<1x16xf32>,
        %swap3A_688 = vector.shape_cast %swap3A_687 : vector<1x16xf32> to vector<16xf32>
        %swap3A_689 = vector.shape_cast %mul3A_683 : vector<16xf32> to vector<1x16xf32>
        tpu.vector_store %arg9[%swap3A_685, %swap3A_686], %swap3A_689 {strides = array<i32>} : memref<64x64xf32, #tpu.memory_space<vmem>>, vector<1x16xf32>,
        %mul3A_690 = vector.broadcast %squeeze3A_673 : f32 to vector<16xf32>
        %mul3A_691 = arith.mulf %mul3A_690, %get3A_83 : vector<16xf32>
        %swap3A_692 = arith.constant 17 : i32
        %swap3A_693 = arith.index_cast %swap3A_692 : i32 to index
        %swap3A_694 = arith.constant 32 : index
        %swap3A_695 = tpu.vector_load %arg9[%swap3A_693, %swap3A_694] {strides = array<i32>} : memref<64x64xf32, #tpu.memory_space<vmem>>, vector<1x16xf32>,
        %swap3A_696 = vector.shape_cast %swap3A_695 : vector<1x16xf32> to vector<16xf32>
        %swap3A_697 = vector.shape_cast %mul3A_691 : vector<16xf32> to vector<1x16xf32>
        tpu.vector_store %arg9[%swap3A_693, %swap3A_694], %swap3A_697 {strides = array<i32>} : memref<64x64xf32, #tpu.memory_space<vmem>>, vector<1x16xf32>,
        %mul3A_698 = vector.broadcast %squeeze3A_673 : f32 to vector<16xf32>
        %mul3A_699 = arith.mulf %mul3A_698, %get3A_87 : vector<16xf32>
        %swap3A_700 = arith.constant 17 : i32
        %swap3A_701 = arith.index_cast %swap3A_700 : i32 to index
        %swap3A_702 = arith.constant 48 : index
        %swap3A_703 = tpu.vector_load %arg9[%swap3A_701, %swap3A_702] {strides = array<i32>} : memref<64x64xf32, #tpu.memory_space<vmem>>, vector<1x16xf32>,
        %swap3A_704 = vector.shape_cast %swap3A_703 : vector<1x16xf32> to vector<16xf32>
        %swap3A_705 = vector.shape_cast %mul3A_699 : vector<16xf32> to vector<1x16xf32>
        tpu.vector_store %arg9[%swap3A_701, %swap3A_702], %swap3A_705 {strides = array<i32>} : memref<64x64xf32, #tpu.memory_space<vmem>>, vector<1x16xf32>,
        %slice3A_706 = vector.extract_strided_slice %get3A_637 {offsets = [2], sizes = [1], strides = [1]} : vector<16xf32> to vector<1xf32>
        %squeeze3A_707 = vector.extract %slice3A_706[0] : f32 from vector<1xf32>
        %mul3A_708 = vector.broadcast %squeeze3A_707 : f32 to vector<16xf32>
        %mul3A_709 = arith.mulf %mul3A_708, %get3A_75 : vector<16xf32>
        %swap3A_710 = arith.constant 18 : i32
        %swap3A_711 = arith.index_cast %swap3A_710 : i32 to index
        %swap3A_712 = arith.constant 0 : index
        %swap3A_713 = tpu.vector_load %arg9[%swap3A_711, %swap3A_712] {strides = array<i32>} : memref<64x64xf32, #tpu.memory_space<vmem>>, vector<1x16xf32>,
        %swap3A_714 = vector.shape_cast %swap3A_713 : vector<1x16xf32> to vector<16xf32>
        %swap3A_715 = vector.shape_cast %mul3A_709 : vector<16xf32> to vector<1x16xf32>
        tpu.vector_store %arg9[%swap3A_711, %swap3A_712], %swap3A_715 {strides = array<i32>} : memref<64x64xf32, #tpu.memory_space<vmem>>, vector<1x16xf32>,
        %mul3A_716 = vector.broadcast %squeeze3A_707 : f32 to vector<16xf32>
        %mul3A_717 = arith.mulf %mul3A_716, %get3A_79 : vector<16xf32>
        %swap3A_718 = arith.constant 18 : i32
        %swap3A_719 = arith.index_cast %swap3A_718 : i32 to index
        %swap3A_720 = arith.constant 16 : index
        %swap3A_721 = tpu.vector_load %arg9[%swap3A_719, %swap3A_720] {strides = array<i32>} : memref<64x64xf32, #tpu.memory_space<vmem>>, vector<1x16xf32>,
        %swap3A_722 = vector.shape_cast %swap3A_721 : vector<1x16xf32> to vector<16xf32>
        %swap3A_723 = vector.shape_cast %mul3A_717 : vector<16xf32> to vector<1x16xf32>
        tpu.vector_store %arg9[%swap3A_719, %swap3A_720], %swap3A_723 {strides = array<i32>} : memref<64x64xf32, #tpu.memory_space<vmem>>, vector<1x16xf32>,
        %mul3A_724 = vector.broadcast %squeeze3A_707 : f32 to vector<16xf32>
        %mul3A_725 = arith.mulf %mul3A_724, %get3A_83 : vector<16xf32>
        %swap3A_726 = arith.constant 18 : i32
        %swap3A_727 = arith.index_cast %swap3A_726 : i32 to index
        %swap3A_728 = arith.constant 32 : index
        %swap3A_729 = tpu.vector_load %arg9[%swap3A_727, %swap3A_728] {strides = array<i32>} : memref<64x64xf32, #tpu.memory_space<vmem>>, vector<1x16xf32>,
        %swap3A_730 = vector.shape_cast %swap3A_729 : vector<1x16xf32> to vector<16xf32>
        %swap3A_731 = vector.shape_cast %mul3A_725 : vector<16xf32> to vector<1x16xf32>
        tpu.vector_store %arg9[%swap3A_727, %swap3A_728], %swap3A_731 {strides = array<i32>} : memref<64x64xf32, #tpu.memory_space<vmem>>, vector<1x16xf32>,
        %mul3A_732 = vector.broadcast %squeeze3A_707 : f32 to vector<16xf32>
        %mul3A_733 = arith.mulf %mul3A_732, %get3A_87 : vector<16xf32>
        %swap3A_734 = arith.constant 18 : i32
        %swap3A_735 = arith.index_cast %swap3A_734 : i32 to index
        %swap3A_736 = arith.constant 48 : index
        %swap3A_737 = tpu.vector_load %arg9[%swap3A_735, %swap3A_736] {strides = array<i32>} : memref<64x64xf32, #tpu.memory_space<vmem>>, vector<1x16xf32>,
        %swap3A_738 = vector.shape_cast %swap3A_737 : vector<1x16xf32> to vector<16xf32>
        %swap3A_739 = vector.shape_cast %mul3A_733 : vector<16xf32> to vector<1x16xf32>
        tpu.vector_store %arg9[%swap3A_735, %swap3A_736], %swap3A_739 {strides = array<i32>} : memref<64x64xf32, #tpu.memory_space<vmem>>, vector<1x16xf32>,
        %slice3A_740 = vector.extract_strided_slice %get3A_637 {offsets = [3], sizes = [1], strides = [1]} : vector<16xf32> to vector<1xf32>
        %squeeze3A_741 = vector.extract %slice3A_740[0] : f32 from vector<1xf32>
        %mul3A_742 = vector.broadcast %squeeze3A_741 : f32 to vector<16xf32>
        %mul3A_743 = arith.mulf %mul3A_742, %get3A_75 : vector<16xf32>
        %swap3A_744 = arith.constant 19 : i32
        %swap3A_745 = arith.index_cast %swap3A_744 : i32 to index
        %swap3A_746 = arith.constant 0 : index
        %swap3A_747 = tpu.vector_load %arg9[%swap3A_745, %swap3A_746] {strides = array<i32>} : memref<64x64xf32, #tpu.memory_space<vmem>>, vector<1x16xf32>,
        %swap3A_748 = vector.shape_cast %swap3A_747 : vector<1x16xf32> to vector<16xf32>
        %swap3A_749 = vector.shape_cast %mul3A_743 : vector<16xf32> to vector<1x16xf32>
        tpu.vector_store %arg9[%swap3A_745, %swap3A_746], %swap3A_749 {strides = array<i32>} : memref<64x64xf32, #tpu.memory_space<vmem>>, vector<1x16xf32>,
        %mul3A_750 = vector.broadcast %squeeze3A_741 : f32 to vector<16xf32>
        %mul3A_751 = arith.mulf %mul3A_750, %get3A_79 : vector<16xf32>
        %swap3A_752 = arith.constant 19 : i32
        %swap3A_753 = arith.index_cast %swap3A_752 : i32 to index
        %swap3A_754 = arith.constant 16 : index
        %swap3A_755 = tpu.vector_load %arg9[%swap3A_753, %swap3A_754] {strides = array<i32>} : memref<64x64xf32, #tpu.memory_space<vmem>>, vector<1x16xf32>,
        %swap3A_756 = vector.shape_cast %swap3A_755 : vector<1x16xf32> to vector<16xf32>
        %swap3A_757 = vector.shape_cast %mul3A_751 : vector<16xf32> to vector<1x16xf32>
        tpu.vector_store %arg9[%swap3A_753, %swap3A_754], %swap3A_757 {strides = array<i32>} : memref<64x64xf32, #tpu.memory_space<vmem>>, vector<1x16xf32>,
        %mul3A_758 = vector.broadcast %squeeze3A_741 : f32 to vector<16xf32>
        %mul3A_759 = arith.mulf %mul3A_758, %get3A_83 : vector<16xf32>
        %swap3A_760 = arith.constant 19 : i32
        %swap3A_761 = arith.index_cast %swap3A_760 : i32 to index
        %swap3A_762 = arith.constant 32 : index
        %swap3A_763 = tpu.vector_load %arg9[%swap3A_761, %swap3A_762] {strides = array<i32>} : memref<64x64xf32, #tpu.memory_space<vmem>>, vector<1x16xf32>,
        %swap3A_764 = vector.shape_cast %swap3A_763 : vector<1x16xf32> to vector<16xf32>
        %swap3A_765 = vector.shape_cast %mul3A_759 : vector<16xf32> to vector<1x16xf32>
        tpu.vector_store %arg9[%swap3A_761, %swap3A_762], %swap3A_765 {strides = array<i32>} : memref<64x64xf32, #tpu.memory_space<vmem>>, vector<1x16xf32>,
        %mul3A_766 = vector.broadcast %squeeze3A_741 : f32 to vector<16xf32>
        %mul3A_767 = arith.mulf %mul3A_766, %get3A_87 : vector<16xf32>
        %swap3A_768 = arith.constant 19 : i32
        %swap3A_769 = arith.index_cast %swap3A_768 : i32 to index
        %swap3A_770 = arith.constant 48 : index
        %swap3A_771 = tpu.vector_load %arg9[%swap3A_769, %swap3A_770] {strides = array<i32>} : memref<64x64xf32, #tpu.memory_space<vmem>>, vector<1x16xf32>,
        %swap3A_772 = vector.shape_cast %swap3A_771 : vector<1x16xf32> to vector<16xf32>
        %swap3A_773 = vector.shape_cast %mul3A_767 : vector<16xf32> to vector<1x16xf32>
        tpu.vector_store %arg9[%swap3A_769, %swap3A_770], %swap3A_773 {strides = array<i32>} : memref<64x64xf32, #tpu.memory_space<vmem>>, vector<1x16xf32>,
        %slice3A_774 = vector.extract_strided_slice %get3A_637 {offsets = [4], sizes = [1], strides = [1]} : vector<16xf32> to vector<1xf32>
        %squeeze3A_775 = vector.extract %slice3A_774[0] : f32 from vector<1xf32>
        %mul3A_776 = vector.broadcast %squeeze3A_775 : f32 to vector<16xf32>
        %mul3A_777 = arith.mulf %mul3A_776, %get3A_75 : vector<16xf32>
        %swap3A_778 = arith.constant 20 : i32
        %swap3A_779 = arith.index_cast %swap3A_778 : i32 to index
        %swap3A_780 = arith.constant 0 : index
        %swap3A_781 = tpu.vector_load %arg9[%swap3A_779, %swap3A_780] {strides = array<i32>} : memref<64x64xf32, #tpu.memory_space<vmem>>, vector<1x16xf32>,
        %swap3A_782 = vector.shape_cast %swap3A_781 : vector<1x16xf32> to vector<16xf32>
        %swap3A_783 = vector.shape_cast %mul3A_777 : vector<16xf32> to vector<1x16xf32>
        tpu.vector_store %arg9[%swap3A_779, %swap3A_780], %swap3A_783 {strides = array<i32>} : memref<64x64xf32, #tpu.memory_space<vmem>>, vector<1x16xf32>,
        %mul3A_784 = vector.broadcast %squeeze3A_775 : f32 to vector<16xf32>
        %mul3A_785 = arith.mulf %mul3A_784, %get3A_79 : vector<16xf32>
        %swap3A_786 = arith.constant 20 : i32
        %swap3A_787 = arith.index_cast %swap3A_786 : i32 to index
        %swap3A_788 = arith.constant 16 : index
        %swap3A_789 = tpu.vector_load %arg9[%swap3A_787, %swap3A_788] {strides = array<i32>} : memref<64x64xf32, #tpu.memory_space<vmem>>, vector<1x16xf32>,
        %swap3A_790 = vector.shape_cast %swap3A_789 : vector<1x16xf32> to vector<16xf32>
        %swap3A_791 = vector.shape_cast %mul3A_785 : vector<16xf32> to vector<1x16xf32>
        tpu.vector_store %arg9[%swap3A_787, %swap3A_788], %swap3A_791 {strides = array<i32>} : memref<64x64xf32, #tpu.memory_space<vmem>>, vector<1x16xf32>,
        %mul3A_792 = vector.broadcast %squeeze3A_775 : f32 to vector<16xf32>
        %mul3A_793 = arith.mulf %mul3A_792, %get3A_83 : vector<16xf32>
        %swap3A_794 = arith.constant 20 : i32
        %swap3A_795 = arith.index_cast %swap3A_794 : i32 to index
        %swap3A_796 = arith.constant 32 : index
        %swap3A_797 = tpu.vector_load %arg9[%swap3A_795, %swap3A_796] {strides = array<i32>} : memref<64x64xf32, #tpu.memory_space<vmem>>, vector<1x16xf32>,
        %swap3A_798 = vector.shape_cast %swap3A_797 : vector<1x16xf32> to vector<16xf32>
        %swap3A_799 = vector.shape_cast %mul3A_793 : vector<16xf32> to vector<1x16xf32>
        tpu.vector_store %arg9[%swap3A_795, %swap3A_796], %swap3A_799 {strides = array<i32>} : memref<64x64xf32, #tpu.memory_space<vmem>>, vector<1x16xf32>,
        %mul3A_800 = vector.broadcast %squeeze3A_775 : f32 to vector<16xf32>
        %mul3A_801 = arith.mulf %mul3A_800, %get3A_87 : vector<16xf32>
        %swap3A_802 = arith.constant 20 : i32
        %swap3A_803 = arith.index_cast %swap3A_802 : i32 to index
        %swap3A_804 = arith.constant 48 : index
        %swap3A_805 = tpu.vector_load %arg9[%swap3A_803, %swap3A_804] {strides = array<i32>} : memref<64x64xf32, #tpu.memory_space<vmem>>, vector<1x16xf32>,
        %swap3A_806 = vector.shape_cast %swap3A_805 : vector<1x16xf32> to vector<16xf32>
        %swap3A_807 = vector.shape_cast %mul3A_801 : vector<16xf32> to vector<1x16xf32>
        tpu.vector_store %arg9[%swap3A_803, %swap3A_804], %swap3A_807 {strides = array<i32>} : memref<64x64xf32, #tpu.memory_space<vmem>>, vector<1x16xf32>,
        %slice3A_808 = vector.extract_strided_slice %get3A_637 {offsets = [5], sizes = [1], strides = [1]} : vector<16xf32> to vector<1xf32>
        %squeeze3A_809 = vector.extract %slice3A_808[0] : f32 from vector<1xf32>
        %mul3A_810 = vector.broadcast %squeeze3A_809 : f32 to vector<16xf32>
        %mul3A_811 = arith.mulf %mul3A_810, %get3A_75 : vector<16xf32>
        %swap3A_812 = arith.constant 21 : i32
        %swap3A_813 = arith.index_cast %swap3A_812 : i32 to index
        %swap3A_814 = arith.constant 0 : index
        %swap3A_815 = tpu.vector_load %arg9[%swap3A_813, %swap3A_814] {strides = array<i32>} : memref<64x64xf32, #tpu.memory_space<vmem>>, vector<1x16xf32>,
        %swap3A_816 = vector.shape_cast %swap3A_815 : vector<1x16xf32> to vector<16xf32>
        %swap3A_817 = vector.shape_cast %mul3A_811 : vector<16xf32> to vector<1x16xf32>
        tpu.vector_store %arg9[%swap3A_813, %swap3A_814], %swap3A_817 {strides = array<i32>} : memref<64x64xf32, #tpu.memory_space<vmem>>, vector<1x16xf32>,
        %mul3A_818 = vector.broadcast %squeeze3A_809 : f32 to vector<16xf32>
        %mul3A_819 = arith.mulf %mul3A_818, %get3A_79 : vector<16xf32>
        %swap3A_820 = arith.constant 21 : i32
        %swap3A_821 = arith.index_cast %swap3A_820 : i32 to index
        %swap3A_822 = arith.constant 16 : index
        %swap3A_823 = tpu.vector_load %arg9[%swap3A_821, %swap3A_822] {strides = array<i32>} : memref<64x64xf32, #tpu.memory_space<vmem>>, vector<1x16xf32>,
        %swap3A_824 = vector.shape_cast %swap3A_823 : vector<1x16xf32> to vector<16xf32>
        %swap3A_825 = vector.shape_cast %mul3A_819 : vector<16xf32> to vector<1x16xf32>
        tpu.vector_store %arg9[%swap3A_821, %swap3A_822], %swap3A_825 {strides = array<i32>} : memref<64x64xf32, #tpu.memory_space<vmem>>, vector<1x16xf32>,
        %mul3A_826 = vector.broadcast %squeeze3A_809 : f32 to vector<16xf32>
        %mul3A_827 = arith.mulf %mul3A_826, %get3A_83 : vector<16xf32>
        %swap3A_828 = arith.constant 21 : i32
        %swap3A_829 = arith.index_cast %swap3A_828 : i32 to index
        %swap3A_830 = arith.constant 32 : index
        %swap3A_831 = tpu.vector_load %arg9[%swap3A_829, %swap3A_830] {strides = array<i32>} : memref<64x64xf32, #tpu.memory_space<vmem>>, vector<1x16xf32>,
        %swap3A_832 = vector.shape_cast %swap3A_831 : vector<1x16xf32> to vector<16xf32>
        %swap3A_833 = vector.shape_cast %mul3A_827 : vector<16xf32> to vector<1x16xf32>
        tpu.vector_store %arg9[%swap3A_829, %swap3A_830], %swap3A_833 {strides = array<i32>} : memref<64x64xf32, #tpu.memory_space<vmem>>, vector<1x16xf32>,
        %mul3A_834 = vector.broadcast %squeeze3A_809 : f32 to vector<16xf32>
        %mul3A_835 = arith.mulf %mul3A_834, %get3A_87 : vector<16xf32>
        %swap3A_836 = arith.constant 21 : i32
        %swap3A_837 = arith.index_cast %swap3A_836 : i32 to index
        %swap3A_838 = arith.constant 48 : index
        %swap3A_839 = tpu.vector_load %arg9[%swap3A_837, %swap3A_838] {strides = array<i32>} : memref<64x64xf32, #tpu.memory_space<vmem>>, vector<1x16xf32>,
        %swap3A_840 = vector.shape_cast %swap3A_839 : vector<1x16xf32> to vector<16xf32>
        %swap3A_841 = vector.shape_cast %mul3A_835 : vector<16xf32> to vector<1x16xf32>
        tpu.vector_store %arg9[%swap3A_837, %swap3A_838], %swap3A_841 {strides = array<i32>} : memref<64x64xf32, #tpu.memory_space<vmem>>, vector<1x16xf32>,
        %slice3A_842 = vector.extract_strided_slice %get3A_637 {offsets = [6], sizes = [1], strides = [1]} : vector<16xf32> to vector<1xf32>
        %squeeze3A_843 = vector.extract %slice3A_842[0] : f32 from vector<1xf32>
        %mul3A_844 = vector.broadcast %squeeze3A_843 : f32 to vector<16xf32>
        %mul3A_845 = arith.mulf %mul3A_844, %get3A_75 : vector<16xf32>
        %swap3A_846 = arith.constant 22 : i32
        %swap3A_847 = arith.index_cast %swap3A_846 : i32 to index
        %swap3A_848 = arith.constant 0 : index
        %swap3A_849 = tpu.vector_load %arg9[%swap3A_847, %swap3A_848] {strides = array<i32>} : memref<64x64xf32, #tpu.memory_space<vmem>>, vector<1x16xf32>,
        %swap3A_850 = vector.shape_cast %swap3A_849 : vector<1x16xf32> to vector<16xf32>
        %swap3A_851 = vector.shape_cast %mul3A_845 : vector<16xf32> to vector<1x16xf32>
        tpu.vector_store %arg9[%swap3A_847, %swap3A_848], %swap3A_851 {strides = array<i32>} : memref<64x64xf32, #tpu.memory_space<vmem>>, vector<1x16xf32>,
        %mul3A_852 = vector.broadcast %squeeze3A_843 : f32 to vector<16xf32>
        %mul3A_853 = arith.mulf %mul3A_852, %get3A_79 : vector<16xf32>
        %swap3A_854 = arith.constant 22 : i32
        %swap3A_855 = arith.index_cast %swap3A_854 : i32 to index
        %swap3A_856 = arith.constant 16 : index
        %swap3A_857 = tpu.vector_load %arg9[%swap3A_855, %swap3A_856] {strides = array<i32>} : memref<64x64xf32, #tpu.memory_space<vmem>>, vector<1x16xf32>,
        %swap3A_858 = vector.shape_cast %swap3A_857 : vector<1x16xf32> to vector<16xf32>
        %swap3A_859 = vector.shape_cast %mul3A_853 : vector<16xf32> to vector<1x16xf32>
        tpu.vector_store %arg9[%swap3A_855, %swap3A_856], %swap3A_859 {strides = array<i32>} : memref<64x64xf32, #tpu.memory_space<vmem>>, vector<1x16xf32>,
        %mul3A_860 = vector.broadcast %squeeze3A_843 : f32 to vector<16xf32>
        %mul3A_861 = arith.mulf %mul3A_860, %get3A_83 : vector<16xf32>
        %swap3A_862 = arith.constant 22 : i32
        %swap3A_863 = arith.index_cast %swap3A_862 : i32 to index
        %swap3A_864 = arith.constant 32 : index
        %swap3A_865 = tpu.vector_load %arg9[%swap3A_863, %swap3A_864] {strides = array<i32>} : memref<64x64xf32, #tpu.memory_space<vmem>>, vector<1x16xf32>,
        %swap3A_866 = vector.shape_cast %swap3A_865 : vector<1x16xf32> to vector<16xf32>
        %swap3A_867 = vector.shape_cast %mul3A_861 : vector<16xf32> to vector<1x16xf32>
        tpu.vector_store %arg9[%swap3A_863, %swap3A_864], %swap3A_867 {strides = array<i32>} : memref<64x64xf32, #tpu.memory_space<vmem>>, vector<1x16xf32>,
        %mul3A_868 = vector.broadcast %squeeze3A_843 : f32 to vector<16xf32>
        %mul3A_869 = arith.mulf %mul3A_868, %get3A_87 : vector<16xf32>
        %swap3A_870 = arith.constant 22 : i32
        %swap3A_871 = arith.index_cast %swap3A_870 : i32 to index
        %swap3A_872 = arith.constant 48 : index
        %swap3A_873 = tpu.vector_load %arg9[%swap3A_871, %swap3A_872] {strides = array<i32>} : memref<64x64xf32, #tpu.memory_space<vmem>>, vector<1x16xf32>,
        %swap3A_874 = vector.shape_cast %swap3A_873 : vector<1x16xf32> to vector<16xf32>
        %swap3A_875 = vector.shape_cast %mul3A_869 : vector<16xf32> to vector<1x16xf32>
        tpu.vector_store %arg9[%swap3A_871, %swap3A_872], %swap3A_875 {strides = array<i32>} : memref<64x64xf32, #tpu.memory_space<vmem>>, vector<1x16xf32>,
        %slice3A_876 = vector.extract_strided_slice %get3A_637 {offsets = [7], sizes = [1], strides = [1]} : vector<16xf32> to vector<1xf32>
        %squeeze3A_877 = vector.extract %slice3A_876[0] : f32 from vector<1xf32>
        %mul3A_878 = vector.broadcast %squeeze3A_877 : f32 to vector<16xf32>
        %mul3A_879 = arith.mulf %mul3A_878, %get3A_75 : vector<16xf32>
        %swap3A_880 = arith.constant 23 : i32
        %swap3A_881 = arith.index_cast %swap3A_880 : i32 to index
        %swap3A_882 = arith.constant 0 : index
        %swap3A_883 = tpu.vector_load %arg9[%swap3A_881, %swap3A_882] {strides = array<i32>} : memref<64x64xf32, #tpu.memory_space<vmem>>, vector<1x16xf32>,
        %swap3A_884 = vector.shape_cast %swap3A_883 : vector<1x16xf32> to vector<16xf32>
        %swap3A_885 = vector.shape_cast %mul3A_879 : vector<16xf32> to vector<1x16xf32>
        tpu.vector_store %arg9[%swap3A_881, %swap3A_882], %swap3A_885 {strides = array<i32>} : memref<64x64xf32, #tpu.memory_space<vmem>>, vector<1x16xf32>,
        %mul3A_886 = vector.broadcast %squeeze3A_877 : f32 to vector<16xf32>
        %mul3A_887 = arith.mulf %mul3A_886, %get3A_79 : vector<16xf32>
        %swap3A_888 = arith.constant 23 : i32
        %swap3A_889 = arith.index_cast %swap3A_888 : i32 to index
        %swap3A_890 = arith.constant 16 : index
        %swap3A_891 = tpu.vector_load %arg9[%swap3A_889, %swap3A_890] {strides = array<i32>} : memref<64x64xf32, #tpu.memory_space<vmem>>, vector<1x16xf32>,
        %swap3A_892 = vector.shape_cast %swap3A_891 : vector<1x16xf32> to vector<16xf32>
        %swap3A_893 = vector.shape_cast %mul3A_887 : vector<16xf32> to vector<1x16xf32>
        tpu.vector_store %arg9[%swap3A_889, %swap3A_890], %swap3A_893 {strides = array<i32>} : memref<64x64xf32, #tpu.memory_space<vmem>>, vector<1x16xf32>,
        %mul3A_894 = vector.broadcast %squeeze3A_877 : f32 to vector<16xf32>
        %mul3A_895 = arith.mulf %mul3A_894, %get3A_83 : vector<16xf32>
        %swap3A_896 = arith.constant 23 : i32
        %swap3A_897 = arith.index_cast %swap3A_896 : i32 to index
        %swap3A_898 = arith.constant 32 : index
        %swap3A_899 = tpu.vector_load %arg9[%swap3A_897, %swap3A_898] {strides = array<i32>} : memref<64x64xf32, #tpu.memory_space<vmem>>, vector<1x16xf32>,
        %swap3A_900 = vector.shape_cast %swap3A_899 : vector<1x16xf32> to vector<16xf32>
        %swap3A_901 = vector.shape_cast %mul3A_895 : vector<16xf32> to vector<1x16xf32>
        tpu.vector_store %arg9[%swap3A_897, %swap3A_898], %swap3A_901 {strides = array<i32>} : memref<64x64xf32, #tpu.memory_space<vmem>>, vector<1x16xf32>,
        %mul3A_902 = vector.broadcast %squeeze3A_877 : f32 to vector<16xf32>
        %mul3A_903 = arith.mulf %mul3A_902, %get3A_87 : vector<16xf32>
        %swap3A_904 = arith.constant 23 : i32
        %swap3A_905 = arith.index_cast %swap3A_904 : i32 to index
        %swap3A_906 = arith.constant 48 : index
        %swap3A_907 = tpu.vector_load %arg9[%swap3A_905, %swap3A_906] {strides = array<i32>} : memref<64x64xf32, #tpu.memory_space<vmem>>, vector<1x16xf32>,
        %swap3A_908 = vector.shape_cast %swap3A_907 : vector<1x16xf32> to vector<16xf32>
        %swap3A_909 = vector.shape_cast %mul3A_903 : vector<16xf32> to vector<1x16xf32>
        tpu.vector_store %arg9[%swap3A_905, %swap3A_906], %swap3A_909 {strides = array<i32>} : memref<64x64xf32, #tpu.memory_space<vmem>>, vector<1x16xf32>,
        %slice3A_910 = vector.extract_strided_slice %get3A_637 {offsets = [8], sizes = [1], strides = [1]} : vector<16xf32> to vector<1xf32>
        %squeeze3A_911 = vector.extract %slice3A_910[0] : f32 from vector<1xf32>
        %mul3A_912 = vector.broadcast %squeeze3A_911 : f32 to vector<16xf32>
        %mul3A_913 = arith.mulf %mul3A_912, %get3A_75 : vector<16xf32>
        %swap3A_914 = arith.constant 24 : i32
        %swap3A_915 = arith.index_cast %swap3A_914 : i32 to index
        %swap3A_916 = arith.constant 0 : index
        %swap3A_917 = tpu.vector_load %arg9[%swap3A_915, %swap3A_916] {strides = array<i32>} : memref<64x64xf32, #tpu.memory_space<vmem>>, vector<1x16xf32>,
        %swap3A_918 = vector.shape_cast %swap3A_917 : vector<1x16xf32> to vector<16xf32>
        %swap3A_919 = vector.shape_cast %mul3A_913 : vector<16xf32> to vector<1x16xf32>
        tpu.vector_store %arg9[%swap3A_915, %swap3A_916], %swap3A_919 {strides = array<i32>} : memref<64x64xf32, #tpu.memory_space<vmem>>, vector<1x16xf32>,
        %mul3A_920 = vector.broadcast %squeeze3A_911 : f32 to vector<16xf32>
        %mul3A_921 = arith.mulf %mul3A_920, %get3A_79 : vector<16xf32>
        %swap3A_922 = arith.constant 24 : i32
        %swap3A_923 = arith.index_cast %swap3A_922 : i32 to index
        %swap3A_924 = arith.constant 16 : index
        %swap3A_925 = tpu.vector_load %arg9[%swap3A_923, %swap3A_924] {strides = array<i32>} : memref<64x64xf32, #tpu.memory_space<vmem>>, vector<1x16xf32>,
        %swap3A_926 = vector.shape_cast %swap3A_925 : vector<1x16xf32> to vector<16xf32>
        %swap3A_927 = vector.shape_cast %mul3A_921 : vector<16xf32> to vector<1x16xf32>
        tpu.vector_store %arg9[%swap3A_923, %swap3A_924], %swap3A_927 {strides = array<i32>} : memref<64x64xf32, #tpu.memory_space<vmem>>, vector<1x16xf32>,
        %mul3A_928 = vector.broadcast %squeeze3A_911 : f32 to vector<16xf32>
        %mul3A_929 = arith.mulf %mul3A_928, %get3A_83 : vector<16xf32>
        %swap3A_930 = arith.constant 24 : i32
        %swap3A_931 = arith.index_cast %swap3A_930 : i32 to index
        %swap3A_932 = arith.constant 32 : index
        %swap3A_933 = tpu.vector_load %arg9[%swap3A_931, %swap3A_932] {strides = array<i32>} : memref<64x64xf32, #tpu.memory_space<vmem>>, vector<1x16xf32>,
        %swap3A_934 = vector.shape_cast %swap3A_933 : vector<1x16xf32> to vector<16xf32>
        %swap3A_935 = vector.shape_cast %mul3A_929 : vector<16xf32> to vector<1x16xf32>
        tpu.vector_store %arg9[%swap3A_931, %swap3A_932], %swap3A_935 {strides = array<i32>} : memref<64x64xf32, #tpu.memory_space<vmem>>, vector<1x16xf32>,
        %mul3A_936 = vector.broadcast %squeeze3A_911 : f32 to vector<16xf32>
        %mul3A_937 = arith.mulf %mul3A_936, %get3A_87 : vector<16xf32>
        %swap3A_938 = arith.constant 24 : i32
        %swap3A_939 = arith.index_cast %swap3A_938 : i32 to index
        %swap3A_940 = arith.constant 48 : index
        %swap3A_941 = tpu.vector_load %arg9[%swap3A_939, %swap3A_940] {strides = array<i32>} : memref<64x64xf32, #tpu.memory_space<vmem>>, vector<1x16xf32>,
        %swap3A_942 = vector.shape_cast %swap3A_941 : vector<1x16xf32> to vector<16xf32>
        %swap3A_943 = vector.shape_cast %mul3A_937 : vector<16xf32> to vector<1x16xf32>
        tpu.vector_store %arg9[%swap3A_939, %swap3A_940], %swap3A_943 {strides = array<i32>} : memref<64x64xf32, #tpu.memory_space<vmem>>, vector<1x16xf32>,
        %slice3A_944 = vector.extract_strided_slice %get3A_637 {offsets = [9], sizes = [1], strides = [1]} : vector<16xf32> to vector<1xf32>
        %squeeze3A_945 = vector.extract %slice3A_944[0] : f32 from vector<1xf32>
        %mul3A_946 = vector.broadcast %squeeze3A_945 : f32 to vector<16xf32>
        %mul3A_947 = arith.mulf %mul3A_946, %get3A_75 : vector<16xf32>
        %swap3A_948 = arith.constant 25 : i32
        %swap3A_949 = arith.index_cast %swap3A_948 : i32 to index
        %swap3A_950 = arith.constant 0 : index
        %swap3A_951 = tpu.vector_load %arg9[%swap3A_949, %swap3A_950] {strides = array<i32>} : memref<64x64xf32, #tpu.memory_space<vmem>>, vector<1x16xf32>,
        %swap3A_952 = vector.shape_cast %swap3A_951 : vector<1x16xf32> to vector<16xf32>
        %swap3A_953 = vector.shape_cast %mul3A_947 : vector<16xf32> to vector<1x16xf32>
        tpu.vector_store %arg9[%swap3A_949, %swap3A_950], %swap3A_953 {strides = array<i32>} : memref<64x64xf32, #tpu.memory_space<vmem>>, vector<1x16xf32>,
        %mul3A_954 = vector.broadcast %squeeze3A_945 : f32 to vector<16xf32>
        %mul3A_955 = arith.mulf %mul3A_954, %get3A_79 : vector<16xf32>
        %swap3A_956 = arith.constant 25 : i32
        %swap3A_957 = arith.index_cast %swap3A_956 : i32 to index
        %swap3A_958 = arith.constant 16 : index
        %swap3A_959 = tpu.vector_load %arg9[%swap3A_957, %swap3A_958] {strides = array<i32>} : memref<64x64xf32, #tpu.memory_space<vmem>>, vector<1x16xf32>,
        %swap3A_960 = vector.shape_cast %swap3A_959 : vector<1x16xf32> to vector<16xf32>
        %swap3A_961 = vector.shape_cast %mul3A_955 : vector<16xf32> to vector<1x16xf32>
        tpu.vector_store %arg9[%swap3A_957, %swap3A_958], %swap3A_961 {strides = array<i32>} : memref<64x64xf32, #tpu.memory_space<vmem>>, vector<1x16xf32>,
        %mul3A_962 = vector.broadcast %squeeze3A_945 : f32 to vector<16xf32>
        %mul3A_963 = arith.mulf %mul3A_962, %get3A_83 : vector<16xf32>
        %swap3A_964 = arith.constant 25 : i32
        %swap3A_965 = arith.index_cast %swap3A_964 : i32 to index
        %swap3A_966 = arith.constant 32 : index
        %swap3A_967 = tpu.vector_load %arg9[%swap3A_965, %swap3A_966] {strides = array<i32>} : memref<64x64xf32, #tpu.memory_space<vmem>>, vector<1x16xf32>,
        %swap3A_968 = vector.shape_cast %swap3A_967 : vector<1x16xf32> to vector<16xf32>
        %swap3A_969 = vector.shape_cast %mul3A_963 : vector<16xf32> to vector<1x16xf32>
        tpu.vector_store %arg9[%swap3A_965, %swap3A_966], %swap3A_969 {strides = array<i32>} : memref<64x64xf32, #tpu.memory_space<vmem>>, vector<1x16xf32>,
        %mul3A_970 = vector.broadcast %squeeze3A_945 : f32 to vector<16xf32>
        %mul3A_971 = arith.mulf %mul3A_970, %get3A_87 : vector<16xf32>
        %swap3A_972 = arith.constant 25 : i32
        %swap3A_973 = arith.index_cast %swap3A_972 : i32 to index
        %swap3A_974 = arith.constant 48 : index
        %swap3A_975 = tpu.vector_load %arg9[%swap3A_973, %swap3A_974] {strides = array<i32>} : memref<64x64xf32, #tpu.memory_space<vmem>>, vector<1x16xf32>,
        %swap3A_976 = vector.shape_cast %swap3A_975 : vector<1x16xf32> to vector<16xf32>
        %swap3A_977 = vector.shape_cast %mul3A_971 : vector<16xf32> to vector<1x16xf32>
        tpu.vector_store %arg9[%swap3A_973, %swap3A_974], %swap3A_977 {strides = array<i32>} : memref<64x64xf32, #tpu.memory_space<vmem>>, vector<1x16xf32>,
        %slice3A_978 = vector.extract_strided_slice %get3A_637 {offsets = [10], sizes = [1], strides = [1]} : vector<16xf32> to vector<1xf32>
        %squeeze3A_979 = vector.extract %slice3A_978[0] : f32 from vector<1xf32>
        %mul3A_980 = vector.broadcast %squeeze3A_979 : f32 to vector<16xf32>
        %mul3A_981 = arith.mulf %mul3A_980, %get3A_75 : vector<16xf32>
        %swap3A_982 = arith.constant 26 : i32
        %swap3A_983 = arith.index_cast %swap3A_982 : i32 to index
        %swap3A_984 = arith.constant 0 : index
        %swap3A_985 = tpu.vector_load %arg9[%swap3A_983, %swap3A_984] {strides = array<i32>} : memref<64x64xf32, #tpu.memory_space<vmem>>, vector<1x16xf32>,
        %swap3A_986 = vector.shape_cast %swap3A_985 : vector<1x16xf32> to vector<16xf32>
        %swap3A_987 = vector.shape_cast %mul3A_981 : vector<16xf32> to vector<1x16xf32>
        tpu.vector_store %arg9[%swap3A_983, %swap3A_984], %swap3A_987 {strides = array<i32>} : memref<64x64xf32, #tpu.memory_space<vmem>>, vector<1x16xf32>,
        %mul3A_988 = vector.broadcast %squeeze3A_979 : f32 to vector<16xf32>
        %mul3A_989 = arith.mulf %mul3A_988, %get3A_79 : vector<16xf32>
        %swap3A_990 = arith.constant 26 : i32
        %swap3A_991 = arith.index_cast %swap3A_990 : i32 to index
        %swap3A_992 = arith.constant 16 : index
        %swap3A_993 = tpu.vector_load %arg9[%swap3A_991, %swap3A_992] {strides = array<i32>} : memref<64x64xf32, #tpu.memory_space<vmem>>, vector<1x16xf32>,
        %swap3A_994 = vector.shape_cast %swap3A_993 : vector<1x16xf32> to vector<16xf32>
        %swap3A_995 = vector.shape_cast %mul3A_989 : vector<16xf32> to vector<1x16xf32>
        tpu.vector_store %arg9[%swap3A_991, %swap3A_992], %swap3A_995 {strides = array<i32>} : memref<64x64xf32, #tpu.memory_space<vmem>>, vector<1x16xf32>,
        %mul3A_996 = vector.broadcast %squeeze3A_979 : f32 to vector<16xf32>
        %mul3A_997 = arith.mulf %mul3A_996, %get3A_83 : vector<16xf32>
        %swap3A_998 = arith.constant 26 : i32
        %swap3A_999 = arith.index_cast %swap3A_998 : i32 to index
        %swap3A_1000 = arith.constant 32 : index
        %swap3A_1001 = tpu.vector_load %arg9[%swap3A_999, %swap3A_1000] {strides = array<i32>} : memref<64x64xf32, #tpu.memory_space<vmem>>, vector<1x16xf32>,
        %swap3A_1002 = vector.shape_cast %swap3A_1001 : vector<1x16xf32> to vector<16xf32>
        %swap3A_1003 = vector.shape_cast %mul3A_997 : vector<16xf32> to vector<1x16xf32>
        tpu.vector_store %arg9[%swap3A_999, %swap3A_1000], %swap3A_1003 {strides = array<i32>} : memref<64x64xf32, #tpu.memory_space<vmem>>, vector<1x16xf32>,
        %mul3A_1004 = vector.broadcast %squeeze3A_979 : f32 to vector<16xf32>
        %mul3A_1005 = arith.mulf %mul3A_1004, %get3A_87 : vector<16xf32>
        %swap3A_1006 = arith.constant 26 : i32
        %swap3A_1007 = arith.index_cast %swap3A_1006 : i32 to index
        %swap3A_1008 = arith.constant 48 : index
        %swap3A_1009 = tpu.vector_load %arg9[%swap3A_1007, %swap3A_1008] {strides = array<i32>} : memref<64x64xf32, #tpu.memory_space<vmem>>, vector<1x16xf32>,
        %swap3A_1010 = vector.shape_cast %swap3A_1009 : vector<1x16xf32> to vector<16xf32>
        %swap3A_1011 = vector.shape_cast %mul3A_1005 : vector<16xf32> to vector<1x16xf32>
        tpu.vector_store %arg9[%swap3A_1007, %swap3A_1008], %swap3A_1011 {strides = array<i32>} : memref<64x64xf32, #tpu.memory_space<vmem>>, vector<1x16xf32>,
        %slice3A_1012 = vector.extract_strided_slice %get3A_637 {offsets = [11], sizes = [1], strides = [1]} : vector<16xf32> to vector<1xf32>
        %squeeze3A_1013 = vector.extract %slice3A_1012[0] : f32 from vector<1xf32>
        %mul3A_1014 = vector.broadcast %squeeze3A_1013 : f32 to vector<16xf32>
        %mul3A_1015 = arith.mulf %mul3A_1014, %get3A_75 : vector<16xf32>
        %swap3A_1016 = arith.constant 27 : i32
        %swap3A_1017 = arith.index_cast %swap3A_1016 : i32 to index
        %swap3A_1018 = arith.constant 0 : index
        %swap3A_1019 = tpu.vector_load %arg9[%swap3A_1017, %swap3A_1018] {strides = array<i32>} : memref<64x64xf32, #tpu.memory_space<vmem>>, vector<1x16xf32>,
        %swap3A_1020 = vector.shape_cast %swap3A_1019 : vector<1x16xf32> to vector<16xf32>
        %swap3A_1021 = vector.shape_cast %mul3A_1015 : vector<16xf32> to vector<1x16xf32>
        tpu.vector_store %arg9[%swap3A_1017, %swap3A_1018], %swap3A_1021 {strides = array<i32>} : memref<64x64xf32, #tpu.memory_space<vmem>>, vector<1x16xf32>,
        %mul3A_1022 = vector.broadcast %squeeze3A_1013 : f32 to vector<16xf32>
        %mul3A_1023 = arith.mulf %mul3A_1022, %get3A_79 : vector<16xf32>
        %swap3A_1024 = arith.constant 27 : i32
        %swap3A_1025 = arith.index_cast %swap3A_1024 : i32 to index
        %swap3A_1026 = arith.constant 16 : index
        %swap3A_1027 = tpu.vector_load %arg9[%swap3A_1025, %swap3A_1026] {strides = array<i32>} : memref<64x64xf32, #tpu.memory_space<vmem>>, vector<1x16xf32>,
        %swap3A_1028 = vector.shape_cast %swap3A_1027 : vector<1x16xf32> to vector<16xf32>
        %swap3A_1029 = vector.shape_cast %mul3A_1023 : vector<16xf32> to vector<1x16xf32>
        tpu.vector_store %arg9[%swap3A_1025, %swap3A_1026], %swap3A_1029 {strides = array<i32>} : memref<64x64xf32, #tpu.memory_space<vmem>>, vector<1x16xf32>,
        %mul3A_1030 = vector.broadcast %squeeze3A_1013 : f32 to vector<16xf32>
        %mul3A_1031 = arith.mulf %mul3A_1030, %get3A_83 : vector<16xf32>
        %swap3A_1032 = arith.constant 27 : i32
        %swap3A_1033 = arith.index_cast %swap3A_1032 : i32 to index
        %swap3A_1034 = arith.constant 32 : index
        %swap3A_1035 = tpu.vector_load %arg9[%swap3A_1033, %swap3A_1034] {strides = array<i32>} : memref<64x64xf32, #tpu.memory_space<vmem>>, vector<1x16xf32>,
        %swap3A_1036 = vector.shape_cast %swap3A_1035 : vector<1x16xf32> to vector<16xf32>
        %swap3A_1037 = vector.shape_cast %mul3A_1031 : vector<16xf32> to vector<1x16xf32>
        tpu.vector_store %arg9[%swap3A_1033, %swap3A_1034], %swap3A_1037 {strides = array<i32>} : memref<64x64xf32, #tpu.memory_space<vmem>>, vector<1x16xf32>,
        %mul3A_1038 = vector.broadcast %squeeze3A_1013 : f32 to vector<16xf32>
        %mul3A_1039 = arith.mulf %mul3A_1038, %get3A_87 : vector<16xf32>
        %swap3A_1040 = arith.constant 27 : i32
        %swap3A_1041 = arith.index_cast %swap3A_1040 : i32 to index
        %swap3A_1042 = arith.constant 48 : index
        %swap3A_1043 = tpu.vector_load %arg9[%swap3A_1041, %swap3A_1042] {strides = array<i32>} : memref<64x64xf32, #tpu.memory_space<vmem>>, vector<1x16xf32>,
        %swap3A_1044 = vector.shape_cast %swap3A_1043 : vector<1x16xf32> to vector<16xf32>
        %swap3A_1045 = vector.shape_cast %mul3A_1039 : vector<16xf32> to vector<1x16xf32>
        tpu.vector_store %arg9[%swap3A_1041, %swap3A_1042], %swap3A_1045 {strides = array<i32>} : memref<64x64xf32, #tpu.memory_space<vmem>>, vector<1x16xf32>,
        %slice3A_1046 = vector.extract_strided_slice %get3A_637 {offsets = [12], sizes = [1], strides = [1]} : vector<16xf32> to vector<1xf32>
        %squeeze3A_1047 = vector.extract %slice3A_1046[0] : f32 from vector<1xf32>
        %mul3A_1048 = vector.broadcast %squeeze3A_1047 : f32 to vector<16xf32>
        %mul3A_1049 = arith.mulf %mul3A_1048, %get3A_75 : vector<16xf32>
        %swap3A_1050 = arith.constant 28 : i32
        %swap3A_1051 = arith.index_cast %swap3A_1050 : i32 to index
        %swap3A_1052 = arith.constant 0 : index
        %swap3A_1053 = tpu.vector_load %arg9[%swap3A_1051, %swap3A_1052] {strides = array<i32>} : memref<64x64xf32, #tpu.memory_space<vmem>>, vector<1x16xf32>,
        %swap3A_1054 = vector.shape_cast %swap3A_1053 : vector<1x16xf32> to vector<16xf32>
        %swap3A_1055 = vector.shape_cast %mul3A_1049 : vector<16xf32> to vector<1x16xf32>
        tpu.vector_store %arg9[%swap3A_1051, %swap3A_1052], %swap3A_1055 {strides = array<i32>} : memref<64x64xf32, #tpu.memory_space<vmem>>, vector<1x16xf32>,
        %mul3A_1056 = vector.broadcast %squeeze3A_1047 : f32 to vector<16xf32>
        %mul3A_1057 = arith.mulf %mul3A_1056, %get3A_79 : vector<16xf32>
        %swap3A_1058 = arith.constant 28 : i32
        %swap3A_1059 = arith.index_cast %swap3A_1058 : i32 to index
        %swap3A_1060 = arith.constant 16 : index
        %swap3A_1061 = tpu.vector_load %arg9[%swap3A_1059, %swap3A_1060] {strides = array<i32>} : memref<64x64xf32, #tpu.memory_space<vmem>>, vector<1x16xf32>,
        %swap3A_1062 = vector.shape_cast %swap3A_1061 : vector<1x16xf32> to vector<16xf32>
        %swap3A_1063 = vector.shape_cast %mul3A_1057 : vector<16xf32> to vector<1x16xf32>
        tpu.vector_store %arg9[%swap3A_1059, %swap3A_1060], %swap3A_1063 {strides = array<i32>} : memref<64x64xf32, #tpu.memory_space<vmem>>, vector<1x16xf32>,
        %mul3A_1064 = vector.broadcast %squeeze3A_1047 : f32 to vector<16xf32>
        %mul3A_1065 = arith.mulf %mul3A_1064, %get3A_83 : vector<16xf32>
        %swap3A_1066 = arith.constant 28 : i32
        %swap3A_1067 = arith.index_cast %swap3A_1066 : i32 to index
        %swap3A_1068 = arith.constant 32 : index
        %swap3A_1069 = tpu.vector_load %arg9[%swap3A_1067, %swap3A_1068] {strides = array<i32>} : memref<64x64xf32, #tpu.memory_space<vmem>>, vector<1x16xf32>,
        %swap3A_1070 = vector.shape_cast %swap3A_1069 : vector<1x16xf32> to vector<16xf32>
        %swap3A_1071 = vector.shape_cast %mul3A_1065 : vector<16xf32> to vector<1x16xf32>
        tpu.vector_store %arg9[%swap3A_1067, %swap3A_1068], %swap3A_1071 {strides = array<i32>} : memref<64x64xf32, #tpu.memory_space<vmem>>, vector<1x16xf32>,
        %mul3A_1072 = vector.broadcast %squeeze3A_1047 : f32 to vector<16xf32>
        %mul3A_1073 = arith.mulf %mul3A_1072, %get3A_87 : vector<16xf32>
        %swap3A_1074 = arith.constant 28 : i32
        %swap3A_1075 = arith.index_cast %swap3A_1074 : i32 to index
        %swap3A_1076 = arith.constant 48 : index
        %swap3A_1077 = tpu.vector_load %arg9[%swap3A_1075, %swap3A_1076] {strides = array<i32>} : memref<64x64xf32, #tpu.memory_space<vmem>>, vector<1x16xf32>,
        %swap3A_1078 = vector.shape_cast %swap3A_1077 : vector<1x16xf32> to vector<16xf32>
        %swap3A_1079 = vector.shape_cast %mul3A_1073 : vector<16xf32> to vector<1x16xf32>
        tpu.vector_store %arg9[%swap3A_1075, %swap3A_1076], %swap3A_1079 {strides = array<i32>} : memref<64x64xf32, #tpu.memory_space<vmem>>, vector<1x16xf32>,
        %slice3A_1080 = vector.extract_strided_slice %get3A_637 {offsets = [13], sizes = [1], strides = [1]} : vector<16xf32> to vector<1xf32>
        %squeeze3A_1081 = vector.extract %slice3A_1080[0] : f32 from vector<1xf32>
        %mul3A_1082 = vector.broadcast %squeeze3A_1081 : f32 to vector<16xf32>
        %mul3A_1083 = arith.mulf %mul3A_1082, %get3A_75 : vector<16xf32>
        %swap3A_1084 = arith.constant 29 : i32
        %swap3A_1085 = arith.index_cast %swap3A_1084 : i32 to index
        %swap3A_1086 = arith.constant 0 : index
        %swap3A_1087 = tpu.vector_load %arg9[%swap3A_1085, %swap3A_1086] {strides = array<i32>} : memref<64x64xf32, #tpu.memory_space<vmem>>, vector<1x16xf32>,
        %swap3A_1088 = vector.shape_cast %swap3A_1087 : vector<1x16xf32> to vector<16xf32>
        %swap3A_1089 = vector.shape_cast %mul3A_1083 : vector<16xf32> to vector<1x16xf32>
        tpu.vector_store %arg9[%swap3A_1085, %swap3A_1086], %swap3A_1089 {strides = array<i32>} : memref<64x64xf32, #tpu.memory_space<vmem>>, vector<1x16xf32>,
        %mul3A_1090 = vector.broadcast %squeeze3A_1081 : f32 to vector<16xf32>
        %mul3A_1091 = arith.mulf %mul3A_1090, %get3A_79 : vector<16xf32>
        %swap3A_1092 = arith.constant 29 : i32
        %swap3A_1093 = arith.index_cast %swap3A_1092 : i32 to index
        %swap3A_1094 = arith.constant 16 : index
        %swap3A_1095 = tpu.vector_load %arg9[%swap3A_1093, %swap3A_1094] {strides = array<i32>} : memref<64x64xf32, #tpu.memory_space<vmem>>, vector<1x16xf32>,
        %swap3A_1096 = vector.shape_cast %swap3A_1095 : vector<1x16xf32> to vector<16xf32>
        %swap3A_1097 = vector.shape_cast %mul3A_1091 : vector<16xf32> to vector<1x16xf32>
        tpu.vector_store %arg9[%swap3A_1093, %swap3A_1094], %swap3A_1097 {strides = array<i32>} : memref<64x64xf32, #tpu.memory_space<vmem>>, vector<1x16xf32>,
        %mul3A_1098 = vector.broadcast %squeeze3A_1081 : f32 to vector<16xf32>
        %mul3A_1099 = arith.mulf %mul3A_1098, %get3A_83 : vector<16xf32>
        %swap3A_1100 = arith.constant 29 : i32
        %swap3A_1101 = arith.index_cast %swap3A_1100 : i32 to index
        %swap3A_1102 = arith.constant 32 : index
        %swap3A_1103 = tpu.vector_load %arg9[%swap3A_1101, %swap3A_1102] {strides = array<i32>} : memref<64x64xf32, #tpu.memory_space<vmem>>, vector<1x16xf32>,
        %swap3A_1104 = vector.shape_cast %swap3A_1103 : vector<1x16xf32> to vector<16xf32>
        %swap3A_1105 = vector.shape_cast %mul3A_1099 : vector<16xf32> to vector<1x16xf32>
        tpu.vector_store %arg9[%swap3A_1101, %swap3A_1102], %swap3A_1105 {strides = array<i32>} : memref<64x64xf32, #tpu.memory_space<vmem>>, vector<1x16xf32>,
        %mul3A_1106 = vector.broadcast %squeeze3A_1081 : f32 to vector<16xf32>
        %mul3A_1107 = arith.mulf %mul3A_1106, %get3A_87 : vector<16xf32>
        %swap3A_1108 = arith.constant 29 : i32
        %swap3A_1109 = arith.index_cast %swap3A_1108 : i32 to index
        %swap3A_1110 = arith.constant 48 : index
        %swap3A_1111 = tpu.vector_load %arg9[%swap3A_1109, %swap3A_1110] {strides = array<i32>} : memref<64x64xf32, #tpu.memory_space<vmem>>, vector<1x16xf32>,
        %swap3A_1112 = vector.shape_cast %swap3A_1111 : vector<1x16xf32> to vector<16xf32>
        %swap3A_1113 = vector.shape_cast %mul3A_1107 : vector<16xf32> to vector<1x16xf32>
        tpu.vector_store %arg9[%swap3A_1109, %swap3A_1110], %swap3A_1113 {strides = array<i32>} : memref<64x64xf32, #tpu.memory_space<vmem>>, vector<1x16xf32>,
        %slice3A_1114 = vector.extract_strided_slice %get3A_637 {offsets = [14], sizes = [1], strides = [1]} : vector<16xf32> to vector<1xf32>
        %squeeze3A_1115 = vector.extract %slice3A_1114[0] : f32 from vector<1xf32>
        %mul3A_1116 = vector.broadcast %squeeze3A_1115 : f32 to vector<16xf32>
        %mul3A_1117 = arith.mulf %mul3A_1116, %get3A_75 : vector<16xf32>
        %swap3A_1118 = arith.constant 30 : i32
        %swap3A_1119 = arith.index_cast %swap3A_1118 : i32 to index
        %swap3A_1120 = arith.constant 0 : index
        %swap3A_1121 = tpu.vector_load %arg9[%swap3A_1119, %swap3A_1120] {strides = array<i32>} : memref<64x64xf32, #tpu.memory_space<vmem>>, vector<1x16xf32>,
        %swap3A_1122 = vector.shape_cast %swap3A_1121 : vector<1x16xf32> to vector<16xf32>
        %swap3A_1123 = vector.shape_cast %mul3A_1117 : vector<16xf32> to vector<1x16xf32>
        tpu.vector_store %arg9[%swap3A_1119, %swap3A_1120], %swap3A_1123 {strides = array<i32>} : memref<64x64xf32, #tpu.memory_space<vmem>>, vector<1x16xf32>,
        %mul3A_1124 = vector.broadcast %squeeze3A_1115 : f32 to vector<16xf32>
        %mul3A_1125 = arith.mulf %mul3A_1124, %get3A_79 : vector<16xf32>
        %swap3A_1126 = arith.constant 30 : i32
        %swap3A_1127 = arith.index_cast %swap3A_1126 : i32 to index
        %swap3A_1128 = arith.constant 16 : index
        %swap3A_1129 = tpu.vector_load %arg9[%swap3A_1127, %swap3A_1128] {strides = array<i32>} : memref<64x64xf32, #tpu.memory_space<vmem>>, vector<1x16xf32>,
        %swap3A_1130 = vector.shape_cast %swap3A_1129 : vector<1x16xf32> to vector<16xf32>
        %swap3A_1131 = vector.shape_cast %mul3A_1125 : vector<16xf32> to vector<1x16xf32>
        tpu.vector_store %arg9[%swap3A_1127, %swap3A_1128], %swap3A_1131 {strides = array<i32>} : memref<64x64xf32, #tpu.memory_space<vmem>>, vector<1x16xf32>,
        %mul3A_1132 = vector.broadcast %squeeze3A_1115 : f32 to vector<16xf32>
        %mul3A_1133 = arith.mulf %mul3A_1132, %get3A_83 : vector<16xf32>
        %swap3A_1134 = arith.constant 30 : i32
        %swap3A_1135 = arith.index_cast %swap3A_1134 : i32 to index
        %swap3A_1136 = arith.constant 32 : index
        %swap3A_1137 = tpu.vector_load %arg9[%swap3A_1135, %swap3A_1136] {strides = array<i32>} : memref<64x64xf32, #tpu.memory_space<vmem>>, vector<1x16xf32>,
        %swap3A_1138 = vector.shape_cast %swap3A_1137 : vector<1x16xf32> to vector<16xf32>
        %swap3A_1139 = vector.shape_cast %mul3A_1133 : vector<16xf32> to vector<1x16xf32>
        tpu.vector_store %arg9[%swap3A_1135, %swap3A_1136], %swap3A_1139 {strides = array<i32>} : memref<64x64xf32, #tpu.memory_space<vmem>>, vector<1x16xf32>,
        %mul3A_1140 = vector.broadcast %squeeze3A_1115 : f32 to vector<16xf32>
        %mul3A_1141 = arith.mulf %mul3A_1140, %get3A_87 : vector<16xf32>
        %swap3A_1142 = arith.constant 30 : i32
        %swap3A_1143 = arith.index_cast %swap3A_1142 : i32 to index
        %swap3A_1144 = arith.constant 48 : index
        %swap3A_1145 = tpu.vector_load %arg9[%swap3A_1143, %swap3A_1144] {strides = array<i32>} : memref<64x64xf32, #tpu.memory_space<vmem>>, vector<1x16xf32>,
        %swap3A_1146 = vector.shape_cast %swap3A_1145 : vector<1x16xf32> to vector<16xf32>
        %swap3A_1147 = vector.shape_cast %mul3A_1141 : vector<16xf32> to vector<1x16xf32>
        tpu.vector_store %arg9[%swap3A_1143, %swap3A_1144], %swap3A_1147 {strides = array<i32>} : memref<64x64xf32, #tpu.memory_space<vmem>>, vector<1x16xf32>,
        %slice3A_1148 = vector.extract_strided_slice %get3A_637 {offsets = [15], sizes = [1], strides = [1]} : vector<16xf32> to vector<1xf32>
        %squeeze3A_1149 = vector.extract %slice3A_1148[0] : f32 from vector<1xf32>
        %mul3A_1150 = vector.broadcast %squeeze3A_1149 : f32 to vector<16xf32>
        %mul3A_1151 = arith.mulf %mul3A_1150, %get3A_75 : vector<16xf32>
        %swap3A_1152 = arith.constant 31 : i32
        %swap3A_1153 = arith.index_cast %swap3A_1152 : i32 to index
        %swap3A_1154 = arith.constant 0 : index
        %swap3A_1155 = tpu.vector_load %arg9[%swap3A_1153, %swap3A_1154] {strides = array<i32>} : memref<64x64xf32, #tpu.memory_space<vmem>>, vector<1x16xf32>,
        %swap3A_1156 = vector.shape_cast %swap3A_1155 : vector<1x16xf32> to vector<16xf32>
        %swap3A_1157 = vector.shape_cast %mul3A_1151 : vector<16xf32> to vector<1x16xf32>
        tpu.vector_store %arg9[%swap3A_1153, %swap3A_1154], %swap3A_1157 {strides = array<i32>} : memref<64x64xf32, #tpu.memory_space<vmem>>, vector<1x16xf32>,
        %mul3A_1158 = vector.broadcast %squeeze3A_1149 : f32 to vector<16xf32>
        %mul3A_1159 = arith.mulf %mul3A_1158, %get3A_79 : vector<16xf32>
        %swap3A_1160 = arith.constant 31 : i32
        %swap3A_1161 = arith.index_cast %swap3A_1160 : i32 to index
        %swap3A_1162 = arith.constant 16 : index
        %swap3A_1163 = tpu.vector_load %arg9[%swap3A_1161, %swap3A_1162] {strides = array<i32>} : memref<64x64xf32, #tpu.memory_space<vmem>>, vector<1x16xf32>,
        %swap3A_1164 = vector.shape_cast %swap3A_1163 : vector<1x16xf32> to vector<16xf32>
        %swap3A_1165 = vector.shape_cast %mul3A_1159 : vector<16xf32> to vector<1x16xf32>
        tpu.vector_store %arg9[%swap3A_1161, %swap3A_1162], %swap3A_1165 {strides = array<i32>} : memref<64x64xf32, #tpu.memory_space<vmem>>, vector<1x16xf32>,
        %mul3A_1166 = vector.broadcast %squeeze3A_1149 : f32 to vector<16xf32>
        %mul3A_1167 = arith.mulf %mul3A_1166, %get3A_83 : vector<16xf32>
        %swap3A_1168 = arith.constant 31 : i32
        %swap3A_1169 = arith.index_cast %swap3A_1168 : i32 to index
        %swap3A_1170 = arith.constant 32 : index
        %swap3A_1171 = tpu.vector_load %arg9[%swap3A_1169, %swap3A_1170] {strides = array<i32>} : memref<64x64xf32, #tpu.memory_space<vmem>>, vector<1x16xf32>,
        %swap3A_1172 = vector.shape_cast %swap3A_1171 : vector<1x16xf32> to vector<16xf32>
        %swap3A_1173 = vector.shape_cast %mul3A_1167 : vector<16xf32> to vector<1x16xf32>
        tpu.vector_store %arg9[%swap3A_1169, %swap3A_1170], %swap3A_1173 {strides = array<i32>} : memref<64x64xf32, #tpu.memory_space<vmem>>, vector<1x16xf32>,
        %mul3A_1174 = vector.broadcast %squeeze3A_1149 : f32 to vector<16xf32>
        %mul3A_1175 = arith.mulf %mul3A_1174, %get3A_87 : vector<16xf32>
        %swap3A_1176 = arith.constant 31 : i32
        %swap3A_1177 = arith.index_cast %swap3A_1176 : i32 to index
        %swap3A_1178 = arith.constant 48 : index
        %swap3A_1179 = tpu.vector_load %arg9[%swap3A_1177, %swap3A_1178] {strides = array<i32>} : memref<64x64xf32, #tpu.memory_space<vmem>>, vector<1x16xf32>,
        %swap3A_1180 = vector.shape_cast %swap3A_1179 : vector<1x16xf32> to vector<16xf32>
        %swap3A_1181 = vector.shape_cast %mul3A_1175 : vector<16xf32> to vector<1x16xf32>
        tpu.vector_store %arg9[%swap3A_1177, %swap3A_1178], %swap3A_1181 {strides = array<i32>} : memref<64x64xf32, #tpu.memory_space<vmem>>, vector<1x16xf32>,
        %get3A_1182 = arith.index_cast %scan3A_40 : i32 to index
        %get3A_1183 = arith.constant 32 : index
        %get3A_1184 = tpu.vector_load %arg7[%get3A_1182, %get3A_1183] {strides = array<i32>} : memref<32x64xf32, #tpu.memory_space<vmem>>, vector<1x16xf32>,
        %get3A_1185 = vector.shape_cast %get3A_1184 : vector<1x16xf32> to vector<16xf32>
        %slice3A_1186 = vector.extract_strided_slice %get3A_1185 {offsets = [0], sizes = [1], strides = [1]} : vector<16xf32> to vector<1xf32>
        %squeeze3A_1187 = vector.extract %slice3A_1186[0] : f32 from vector<1xf32>
        %mul3A_1188 = vector.broadcast %squeeze3A_1187 : f32 to vector<16xf32>
        %mul3A_1189 = arith.mulf %mul3A_1188, %get3A_75 : vector<16xf32>
        %swap3A_1190 = arith.constant 32 : i32
        %swap3A_1191 = arith.index_cast %swap3A_1190 : i32 to index
        %swap3A_1192 = arith.constant 0 : index
        %swap3A_1193 = tpu.vector_load %arg9[%swap3A_1191, %swap3A_1192] {strides = array<i32>} : memref<64x64xf32, #tpu.memory_space<vmem>>, vector<1x16xf32>,
        %swap3A_1194 = vector.shape_cast %swap3A_1193 : vector<1x16xf32> to vector<16xf32>
        %swap3A_1195 = vector.shape_cast %mul3A_1189 : vector<16xf32> to vector<1x16xf32>
        tpu.vector_store %arg9[%swap3A_1191, %swap3A_1192], %swap3A_1195 {strides = array<i32>} : memref<64x64xf32, #tpu.memory_space<vmem>>, vector<1x16xf32>,
        %mul3A_1196 = vector.broadcast %squeeze3A_1187 : f32 to vector<16xf32>
        %mul3A_1197 = arith.mulf %mul3A_1196, %get3A_79 : vector<16xf32>
        %swap3A_1198 = arith.constant 32 : i32
        %swap3A_1199 = arith.index_cast %swap3A_1198 : i32 to index
        %swap3A_1200 = arith.constant 16 : index
        %swap3A_1201 = tpu.vector_load %arg9[%swap3A_1199, %swap3A_1200] {strides = array<i32>} : memref<64x64xf32, #tpu.memory_space<vmem>>, vector<1x16xf32>,
        %swap3A_1202 = vector.shape_cast %swap3A_1201 : vector<1x16xf32> to vector<16xf32>
        %swap3A_1203 = vector.shape_cast %mul3A_1197 : vector<16xf32> to vector<1x16xf32>
        tpu.vector_store %arg9[%swap3A_1199, %swap3A_1200], %swap3A_1203 {strides = array<i32>} : memref<64x64xf32, #tpu.memory_space<vmem>>, vector<1x16xf32>,
        %mul3A_1204 = vector.broadcast %squeeze3A_1187 : f32 to vector<16xf32>
        %mul3A_1205 = arith.mulf %mul3A_1204, %get3A_83 : vector<16xf32>
        %swap3A_1206 = arith.constant 32 : i32
        %swap3A_1207 = arith.index_cast %swap3A_1206 : i32 to index
        %swap3A_1208 = arith.constant 32 : index
        %swap3A_1209 = tpu.vector_load %arg9[%swap3A_1207, %swap3A_1208] {strides = array<i32>} : memref<64x64xf32, #tpu.memory_space<vmem>>, vector<1x16xf32>,
        %swap3A_1210 = vector.shape_cast %swap3A_1209 : vector<1x16xf32> to vector<16xf32>
        %swap3A_1211 = vector.shape_cast %mul3A_1205 : vector<16xf32> to vector<1x16xf32>
        tpu.vector_store %arg9[%swap3A_1207, %swap3A_1208], %swap3A_1211 {strides = array<i32>} : memref<64x64xf32, #tpu.memory_space<vmem>>, vector<1x16xf32>,
        %mul3A_1212 = vector.broadcast %squeeze3A_1187 : f32 to vector<16xf32>
        %mul3A_1213 = arith.mulf %mul3A_1212, %get3A_87 : vector<16xf32>
        %swap3A_1214 = arith.constant 32 : i32
        %swap3A_1215 = arith.index_cast %swap3A_1214 : i32 to index
        %swap3A_1216 = arith.constant 48 : index
        %swap3A_1217 = tpu.vector_load %arg9[%swap3A_1215, %swap3A_1216] {strides = array<i32>} : memref<64x64xf32, #tpu.memory_space<vmem>>, vector<1x16xf32>,
        %swap3A_1218 = vector.shape_cast %swap3A_1217 : vector<1x16xf32> to vector<16xf32>
        %swap3A_1219 = vector.shape_cast %mul3A_1213 : vector<16xf32> to vector<1x16xf32>
        tpu.vector_store %arg9[%swap3A_1215, %swap3A_1216], %swap3A_1219 {strides = array<i32>} : memref<64x64xf32, #tpu.memory_space<vmem>>, vector<1x16xf32>,
        %slice3A_1220 = vector.extract_strided_slice %get3A_1185 {offsets = [1], sizes = [1], strides = [1]} : vector<16xf32> to vector<1xf32>
        %squeeze3A_1221 = vector.extract %slice3A_1220[0] : f32 from vector<1xf32>
        %mul3A_1222 = vector.broadcast %squeeze3A_1221 : f32 to vector<16xf32>
        %mul3A_1223 = arith.mulf %mul3A_1222, %get3A_75 : vector<16xf32>
        %swap3A_1224 = arith.constant 33 : i32
        %swap3A_1225 = arith.index_cast %swap3A_1224 : i32 to index
        %swap3A_1226 = arith.constant 0 : index
        %swap3A_1227 = tpu.vector_load %arg9[%swap3A_1225, %swap3A_1226] {strides = array<i32>} : memref<64x64xf32, #tpu.memory_space<vmem>>, vector<1x16xf32>,
        %swap3A_1228 = vector.shape_cast %swap3A_1227 : vector<1x16xf32> to vector<16xf32>
        %swap3A_1229 = vector.shape_cast %mul3A_1223 : vector<16xf32> to vector<1x16xf32>
        tpu.vector_store %arg9[%swap3A_1225, %swap3A_1226], %swap3A_1229 {strides = array<i32>} : memref<64x64xf32, #tpu.memory_space<vmem>>, vector<1x16xf32>,
        %mul3A_1230 = vector.broadcast %squeeze3A_1221 : f32 to vector<16xf32>
        %mul3A_1231 = arith.mulf %mul3A_1230, %get3A_79 : vector<16xf32>
        %swap3A_1232 = arith.constant 33 : i32
        %swap3A_1233 = arith.index_cast %swap3A_1232 : i32 to index
        %swap3A_1234 = arith.constant 16 : index
        %swap3A_1235 = tpu.vector_load %arg9[%swap3A_1233, %swap3A_1234] {strides = array<i32>} : memref<64x64xf32, #tpu.memory_space<vmem>>, vector<1x16xf32>,
        %swap3A_1236 = vector.shape_cast %swap3A_1235 : vector<1x16xf32> to vector<16xf32>
        %swap3A_1237 = vector.shape_cast %mul3A_1231 : vector<16xf32> to vector<1x16xf32>
        tpu.vector_store %arg9[%swap3A_1233, %swap3A_1234], %swap3A_1237 {strides = array<i32>} : memref<64x64xf32, #tpu.memory_space<vmem>>, vector<1x16xf32>,
        %mul3A_1238 = vector.broadcast %squeeze3A_1221 : f32 to vector<16xf32>
        %mul3A_1239 = arith.mulf %mul3A_1238, %get3A_83 : vector<16xf32>
        %swap3A_1240 = arith.constant 33 : i32
        %swap3A_1241 = arith.index_cast %swap3A_1240 : i32 to index
        %swap3A_1242 = arith.constant 32 : index
        %swap3A_1243 = tpu.vector_load %arg9[%swap3A_1241, %swap3A_1242] {strides = array<i32>} : memref<64x64xf32, #tpu.memory_space<vmem>>, vector<1x16xf32>,
        %swap3A_1244 = vector.shape_cast %swap3A_1243 : vector<1x16xf32> to vector<16xf32>
        %swap3A_1245 = vector.shape_cast %mul3A_1239 : vector<16xf32> to vector<1x16xf32>
        tpu.vector_store %arg9[%swap3A_1241, %swap3A_1242], %swap3A_1245 {strides = array<i32>} : memref<64x64xf32, #tpu.memory_space<vmem>>, vector<1x16xf32>,
        %mul3A_1246 = vector.broadcast %squeeze3A_1221 : f32 to vector<16xf32>
        %mul3A_1247 = arith.mulf %mul3A_1246, %get3A_87 : vector<16xf32>
        %swap3A_1248 = arith.constant 33 : i32
        %swap3A_1249 = arith.index_cast %swap3A_1248 : i32 to index
        %swap3A_1250 = arith.constant 48 : index
        %swap3A_1251 = tpu.vector_load %arg9[%swap3A_1249, %swap3A_1250] {strides = array<i32>} : memref<64x64xf32, #tpu.memory_space<vmem>>, vector<1x16xf32>,
        %swap3A_1252 = vector.shape_cast %swap3A_1251 : vector<1x16xf32> to vector<16xf32>
        %swap3A_1253 = vector.shape_cast %mul3A_1247 : vector<16xf32> to vector<1x16xf32>
        tpu.vector_store %arg9[%swap3A_1249, %swap3A_1250], %swap3A_1253 {strides = array<i32>} : memref<64x64xf32, #tpu.memory_space<vmem>>, vector<1x16xf32>,
        %slice3A_1254 = vector.extract_strided_slice %get3A_1185 {offsets = [2], sizes = [1], strides = [1]} : vector<16xf32> to vector<1xf32>
        %squeeze3A_1255 = vector.extract %slice3A_1254[0] : f32 from vector<1xf32>
        %mul3A_1256 = vector.broadcast %squeeze3A_1255 : f32 to vector<16xf32>
        %mul3A_1257 = arith.mulf %mul3A_1256, %get3A_75 : vector<16xf32>
        %swap3A_1258 = arith.constant 34 : i32
        %swap3A_1259 = arith.index_cast %swap3A_1258 : i32 to index
        %swap3A_1260 = arith.constant 0 : index
        %swap3A_1261 = tpu.vector_load %arg9[%swap3A_1259, %swap3A_1260] {strides = array<i32>} : memref<64x64xf32, #tpu.memory_space<vmem>>, vector<1x16xf32>,
        %swap3A_1262 = vector.shape_cast %swap3A_1261 : vector<1x16xf32> to vector<16xf32>
        %swap3A_1263 = vector.shape_cast %mul3A_1257 : vector<16xf32> to vector<1x16xf32>
        tpu.vector_store %arg9[%swap3A_1259, %swap3A_1260], %swap3A_1263 {strides = array<i32>} : memref<64x64xf32, #tpu.memory_space<vmem>>, vector<1x16xf32>,
        %mul3A_1264 = vector.broadcast %squeeze3A_1255 : f32 to vector<16xf32>
        %mul3A_1265 = arith.mulf %mul3A_1264, %get3A_79 : vector<16xf32>
        %swap3A_1266 = arith.constant 34 : i32
        %swap3A_1267 = arith.index_cast %swap3A_1266 : i32 to index
        %swap3A_1268 = arith.constant 16 : index
        %swap3A_1269 = tpu.vector_load %arg9[%swap3A_1267, %swap3A_1268] {strides = array<i32>} : memref<64x64xf32, #tpu.memory_space<vmem>>, vector<1x16xf32>,
        %swap3A_1270 = vector.shape_cast %swap3A_1269 : vector<1x16xf32> to vector<16xf32>
        %swap3A_1271 = vector.shape_cast %mul3A_1265 : vector<16xf32> to vector<1x16xf32>
        tpu.vector_store %arg9[%swap3A_1267, %swap3A_1268], %swap3A_1271 {strides = array<i32>} : memref<64x64xf32, #tpu.memory_space<vmem>>, vector<1x16xf32>,
        %mul3A_1272 = vector.broadcast %squeeze3A_1255 : f32 to vector<16xf32>
        %mul3A_1273 = arith.mulf %mul3A_1272, %get3A_83 : vector<16xf32>
        %swap3A_1274 = arith.constant 34 : i32
        %swap3A_1275 = arith.index_cast %swap3A_1274 : i32 to index
        %swap3A_1276 = arith.constant 32 : index
        %swap3A_1277 = tpu.vector_load %arg9[%swap3A_1275, %swap3A_1276] {strides = array<i32>} : memref<64x64xf32, #tpu.memory_space<vmem>>, vector<1x16xf32>,
        %swap3A_1278 = vector.shape_cast %swap3A_1277 : vector<1x16xf32> to vector<16xf32>
        %swap3A_1279 = vector.shape_cast %mul3A_1273 : vector<16xf32> to vector<1x16xf32>
        tpu.vector_store %arg9[%swap3A_1275, %swap3A_1276], %swap3A_1279 {strides = array<i32>} : memref<64x64xf32, #tpu.memory_space<vmem>>, vector<1x16xf32>,
        %mul3A_1280 = vector.broadcast %squeeze3A_1255 : f32 to vector<16xf32>
        %mul3A_1281 = arith.mulf %mul3A_1280, %get3A_87 : vector<16xf32>
        %swap3A_1282 = arith.constant 34 : i32
        %swap3A_1283 = arith.index_cast %swap3A_1282 : i32 to index
        %swap3A_1284 = arith.constant 48 : index
        %swap3A_1285 = tpu.vector_load %arg9[%swap3A_1283, %swap3A_1284] {strides = array<i32>} : memref<64x64xf32, #tpu.memory_space<vmem>>, vector<1x16xf32>,
        %swap3A_1286 = vector.shape_cast %swap3A_1285 : vector<1x16xf32> to vector<16xf32>
        %swap3A_1287 = vector.shape_cast %mul3A_1281 : vector<16xf32> to vector<1x16xf32>
        tpu.vector_store %arg9[%swap3A_1283, %swap3A_1284], %swap3A_1287 {strides = array<i32>} : memref<64x64xf32, #tpu.memory_space<vmem>>, vector<1x16xf32>,
        %slice3A_1288 = vector.extract_strided_slice %get3A_1185 {offsets = [3], sizes = [1], strides = [1]} : vector<16xf32> to vector<1xf32>
        %squeeze3A_1289 = vector.extract %slice3A_1288[0] : f32 from vector<1xf32>
        %mul3A_1290 = vector.broadcast %squeeze3A_1289 : f32 to vector<16xf32>
        %mul3A_1291 = arith.mulf %mul3A_1290, %get3A_75 : vector<16xf32>
        %swap3A_1292 = arith.constant 35 : i32
        %swap3A_1293 = arith.index_cast %swap3A_1292 : i32 to index
        %swap3A_1294 = arith.constant 0 : index
        %swap3A_1295 = tpu.vector_load %arg9[%swap3A_1293, %swap3A_1294] {strides = array<i32>} : memref<64x64xf32, #tpu.memory_space<vmem>>, vector<1x16xf32>,
        %swap3A_1296 = vector.shape_cast %swap3A_1295 : vector<1x16xf32> to vector<16xf32>
        %swap3A_1297 = vector.shape_cast %mul3A_1291 : vector<16xf32> to vector<1x16xf32>
        tpu.vector_store %arg9[%swap3A_1293, %swap3A_1294], %swap3A_1297 {strides = array<i32>} : memref<64x64xf32, #tpu.memory_space<vmem>>, vector<1x16xf32>,
        %mul3A_1298 = vector.broadcast %squeeze3A_1289 : f32 to vector<16xf32>
        %mul3A_1299 = arith.mulf %mul3A_1298, %get3A_79 : vector<16xf32>
        %swap3A_1300 = arith.constant 35 : i32
        %swap3A_1301 = arith.index_cast %swap3A_1300 : i32 to index
        %swap3A_1302 = arith.constant 16 : index
        %swap3A_1303 = tpu.vector_load %arg9[%swap3A_1301, %swap3A_1302] {strides = array<i32>} : memref<64x64xf32, #tpu.memory_space<vmem>>, vector<1x16xf32>,
        %swap3A_1304 = vector.shape_cast %swap3A_1303 : vector<1x16xf32> to vector<16xf32>
        %swap3A_1305 = vector.shape_cast %mul3A_1299 : vector<16xf32> to vector<1x16xf32>
        tpu.vector_store %arg9[%swap3A_1301, %swap3A_1302], %swap3A_1305 {strides = array<i32>} : memref<64x64xf32, #tpu.memory_space<vmem>>, vector<1x16xf32>,
        %mul3A_1306 = vector.broadcast %squeeze3A_1289 : f32 to vector<16xf32>
        %mul3A_1307 = arith.mulf %mul3A_1306, %get3A_83 : vector<16xf32>
        %swap3A_1308 = arith.constant 35 : i32
        %swap3A_1309 = arith.index_cast %swap3A_1308 : i32 to index
        %swap3A_1310 = arith.constant 32 : index
        %swap3A_1311 = tpu.vector_load %arg9[%swap3A_1309, %swap3A_1310] {strides = array<i32>} : memref<64x64xf32, #tpu.memory_space<vmem>>, vector<1x16xf32>,
        %swap3A_1312 = vector.shape_cast %swap3A_1311 : vector<1x16xf32> to vector<16xf32>
        %swap3A_1313 = vector.shape_cast %mul3A_1307 : vector<16xf32> to vector<1x16xf32>
        tpu.vector_store %arg9[%swap3A_1309, %swap3A_1310], %swap3A_1313 {strides = array<i32>} : memref<64x64xf32, #tpu.memory_space<vmem>>, vector<1x16xf32>,
        %mul3A_1314 = vector.broadcast %squeeze3A_1289 : f32 to vector<16xf32>
        %mul3A_1315 = arith.mulf %mul3A_1314, %get3A_87 : vector<16xf32>
        %swap3A_1316 = arith.constant 35 : i32
        %swap3A_1317 = arith.index_cast %swap3A_1316 : i32 to index
        %swap3A_1318 = arith.constant 48 : index
        %swap3A_1319 = tpu.vector_load %arg9[%swap3A_1317, %swap3A_1318] {strides = array<i32>} : memref<64x64xf32, #tpu.memory_space<vmem>>, vector<1x16xf32>,
        %swap3A_1320 = vector.shape_cast %swap3A_1319 : vector<1x16xf32> to vector<16xf32>
        %swap3A_1321 = vector.shape_cast %mul3A_1315 : vector<16xf32> to vector<1x16xf32>
        tpu.vector_store %arg9[%swap3A_1317, %swap3A_1318], %swap3A_1321 {strides = array<i32>} : memref<64x64xf32, #tpu.memory_space<vmem>>, vector<1x16xf32>,
        %slice3A_1322 = vector.extract_strided_slice %get3A_1185 {offsets = [4], sizes = [1], strides = [1]} : vector<16xf32> to vector<1xf32>
        %squeeze3A_1323 = vector.extract %slice3A_1322[0] : f32 from vector<1xf32>
        %mul3A_1324 = vector.broadcast %squeeze3A_1323 : f32 to vector<16xf32>
        %mul3A_1325 = arith.mulf %mul3A_1324, %get3A_75 : vector<16xf32>
        %swap3A_1326 = arith.constant 36 : i32
        %swap3A_1327 = arith.index_cast %swap3A_1326 : i32 to index
        %swap3A_1328 = arith.constant 0 : index
        %swap3A_1329 = tpu.vector_load %arg9[%swap3A_1327, %swap3A_1328] {strides = array<i32>} : memref<64x64xf32, #tpu.memory_space<vmem>>, vector<1x16xf32>,
        %swap3A_1330 = vector.shape_cast %swap3A_1329 : vector<1x16xf32> to vector<16xf32>
        %swap3A_1331 = vector.shape_cast %mul3A_1325 : vector<16xf32> to vector<1x16xf32>
        tpu.vector_store %arg9[%swap3A_1327, %swap3A_1328], %swap3A_1331 {strides = array<i32>} : memref<64x64xf32, #tpu.memory_space<vmem>>, vector<1x16xf32>,
        %mul3A_1332 = vector.broadcast %squeeze3A_1323 : f32 to vector<16xf32>
        %mul3A_1333 = arith.mulf %mul3A_1332, %get3A_79 : vector<16xf32>
        %swap3A_1334 = arith.constant 36 : i32
        %swap3A_1335 = arith.index_cast %swap3A_1334 : i32 to index
        %swap3A_1336 = arith.constant 16 : index
        %swap3A_1337 = tpu.vector_load %arg9[%swap3A_1335, %swap3A_1336] {strides = array<i32>} : memref<64x64xf32, #tpu.memory_space<vmem>>, vector<1x16xf32>,
        %swap3A_1338 = vector.shape_cast %swap3A_1337 : vector<1x16xf32> to vector<16xf32>
        %swap3A_1339 = vector.shape_cast %mul3A_1333 : vector<16xf32> to vector<1x16xf32>
        tpu.vector_store %arg9[%swap3A_1335, %swap3A_1336], %swap3A_1339 {strides = array<i32>} : memref<64x64xf32, #tpu.memory_space<vmem>>, vector<1x16xf32>,
        %mul3A_1340 = vector.broadcast %squeeze3A_1323 : f32 to vector<16xf32>
        %mul3A_1341 = arith.mulf %mul3A_1340, %get3A_83 : vector<16xf32>
        %swap3A_1342 = arith.constant 36 : i32
        %swap3A_1343 = arith.index_cast %swap3A_1342 : i32 to index
        %swap3A_1344 = arith.constant 32 : index
        %swap3A_1345 = tpu.vector_load %arg9[%swap3A_1343, %swap3A_1344] {strides = array<i32>} : memref<64x64xf32, #tpu.memory_space<vmem>>, vector<1x16xf32>,
        %swap3A_1346 = vector.shape_cast %swap3A_1345 : vector<1x16xf32> to vector<16xf32>
        %swap3A_1347 = vector.shape_cast %mul3A_1341 : vector<16xf32> to vector<1x16xf32>
        tpu.vector_store %arg9[%swap3A_1343, %swap3A_1344], %swap3A_1347 {strides = array<i32>} : memref<64x64xf32, #tpu.memory_space<vmem>>, vector<1x16xf32>,
        %mul3A_1348 = vector.broadcast %squeeze3A_1323 : f32 to vector<16xf32>
        %mul3A_1349 = arith.mulf %mul3A_1348, %get3A_87 : vector<16xf32>
        %swap3A_1350 = arith.constant 36 : i32
        %swap3A_1351 = arith.index_cast %swap3A_1350 : i32 to index
        %swap3A_1352 = arith.constant 48 : index
        %swap3A_1353 = tpu.vector_load %arg9[%swap3A_1351, %swap3A_1352] {strides = array<i32>} : memref<64x64xf32, #tpu.memory_space<vmem>>, vector<1x16xf32>,
        %swap3A_1354 = vector.shape_cast %swap3A_1353 : vector<1x16xf32> to vector<16xf32>
        %swap3A_1355 = vector.shape_cast %mul3A_1349 : vector<16xf32> to vector<1x16xf32>
        tpu.vector_store %arg9[%swap3A_1351, %swap3A_1352], %swap3A_1355 {strides = array<i32>} : memref<64x64xf32, #tpu.memory_space<vmem>>, vector<1x16xf32>,
        %slice3A_1356 = vector.extract_strided_slice %get3A_1185 {offsets = [5], sizes = [1], strides = [1]} : vector<16xf32> to vector<1xf32>
        %squeeze3A_1357 = vector.extract %slice3A_1356[0] : f32 from vector<1xf32>
        %mul3A_1358 = vector.broadcast %squeeze3A_1357 : f32 to vector<16xf32>
        %mul3A_1359 = arith.mulf %mul3A_1358, %get3A_75 : vector<16xf32>
        %swap3A_1360 = arith.constant 37 : i32
        %swap3A_1361 = arith.index_cast %swap3A_1360 : i32 to index
        %swap3A_1362 = arith.constant 0 : index
        %swap3A_1363 = tpu.vector_load %arg9[%swap3A_1361, %swap3A_1362] {strides = array<i32>} : memref<64x64xf32, #tpu.memory_space<vmem>>, vector<1x16xf32>,
        %swap3A_1364 = vector.shape_cast %swap3A_1363 : vector<1x16xf32> to vector<16xf32>
        %swap3A_1365 = vector.shape_cast %mul3A_1359 : vector<16xf32> to vector<1x16xf32>
        tpu.vector_store %arg9[%swap3A_1361, %swap3A_1362], %swap3A_1365 {strides = array<i32>} : memref<64x64xf32, #tpu.memory_space<vmem>>, vector<1x16xf32>,
        %mul3A_1366 = vector.broadcast %squeeze3A_1357 : f32 to vector<16xf32>
        %mul3A_1367 = arith.mulf %mul3A_1366, %get3A_79 : vector<16xf32>
        %swap3A_1368 = arith.constant 37 : i32
        %swap3A_1369 = arith.index_cast %swap3A_1368 : i32 to index
        %swap3A_1370 = arith.constant 16 : index
        %swap3A_1371 = tpu.vector_load %arg9[%swap3A_1369, %swap3A_1370] {strides = array<i32>} : memref<64x64xf32, #tpu.memory_space<vmem>>, vector<1x16xf32>,
        %swap3A_1372 = vector.shape_cast %swap3A_1371 : vector<1x16xf32> to vector<16xf32>
        %swap3A_1373 = vector.shape_cast %mul3A_1367 : vector<16xf32> to vector<1x16xf32>
        tpu.vector_store %arg9[%swap3A_1369, %swap3A_1370], %swap3A_1373 {strides = array<i32>} : memref<64x64xf32, #tpu.memory_space<vmem>>, vector<1x16xf32>,
        %mul3A_1374 = vector.broadcast %squeeze3A_1357 : f32 to vector<16xf32>
        %mul3A_1375 = arith.mulf %mul3A_1374, %get3A_83 : vector<16xf32>
        %swap3A_1376 = arith.constant 37 : i32
        %swap3A_1377 = arith.index_cast %swap3A_1376 : i32 to index
        %swap3A_1378 = arith.constant 32 : index
        %swap3A_1379 = tpu.vector_load %arg9[%swap3A_1377, %swap3A_1378] {strides = array<i32>} : memref<64x64xf32, #tpu.memory_space<vmem>>, vector<1x16xf32>,
        %swap3A_1380 = vector.shape_cast %swap3A_1379 : vector<1x16xf32> to vector<16xf32>
        %swap3A_1381 = vector.shape_cast %mul3A_1375 : vector<16xf32> to vector<1x16xf32>
        tpu.vector_store %arg9[%swap3A_1377, %swap3A_1378], %swap3A_1381 {strides = array<i32>} : memref<64x64xf32, #tpu.memory_space<vmem>>, vector<1x16xf32>,
        %mul3A_1382 = vector.broadcast %squeeze3A_1357 : f32 to vector<16xf32>
        %mul3A_1383 = arith.mulf %mul3A_1382, %get3A_87 : vector<16xf32>
        %swap3A_1384 = arith.constant 37 : i32
        %swap3A_1385 = arith.index_cast %swap3A_1384 : i32 to index
        %swap3A_1386 = arith.constant 48 : index
        %swap3A_1387 = tpu.vector_load %arg9[%swap3A_1385, %swap3A_1386] {strides = array<i32>} : memref<64x64xf32, #tpu.memory_space<vmem>>, vector<1x16xf32>,
        %swap3A_1388 = vector.shape_cast %swap3A_1387 : vector<1x16xf32> to vector<16xf32>
        %swap3A_1389 = vector.shape_cast %mul3A_1383 : vector<16xf32> to vector<1x16xf32>
        tpu.vector_store %arg9[%swap3A_1385, %swap3A_1386], %swap3A_1389 {strides = array<i32>} : memref<64x64xf32, #tpu.memory_space<vmem>>, vector<1x16xf32>,
        %slice3A_1390 = vector.extract_strided_slice %get3A_1185 {offsets = [6], sizes = [1], strides = [1]} : vector<16xf32> to vector<1xf32>
        %squeeze3A_1391 = vector.extract %slice3A_1390[0] : f32 from vector<1xf32>
        %mul3A_1392 = vector.broadcast %squeeze3A_1391 : f32 to vector<16xf32>
        %mul3A_1393 = arith.mulf %mul3A_1392, %get3A_75 : vector<16xf32>
        %swap3A_1394 = arith.constant 38 : i32
        %swap3A_1395 = arith.index_cast %swap3A_1394 : i32 to index
        %swap3A_1396 = arith.constant 0 : index
        %swap3A_1397 = tpu.vector_load %arg9[%swap3A_1395, %swap3A_1396] {strides = array<i32>} : memref<64x64xf32, #tpu.memory_space<vmem>>, vector<1x16xf32>,
        %swap3A_1398 = vector.shape_cast %swap3A_1397 : vector<1x16xf32> to vector<16xf32>
        %swap3A_1399 = vector.shape_cast %mul3A_1393 : vector<16xf32> to vector<1x16xf32>
        tpu.vector_store %arg9[%swap3A_1395, %swap3A_1396], %swap3A_1399 {strides = array<i32>} : memref<64x64xf32, #tpu.memory_space<vmem>>, vector<1x16xf32>,
        %mul3A_1400 = vector.broadcast %squeeze3A_1391 : f32 to vector<16xf32>
        %mul3A_1401 = arith.mulf %mul3A_1400, %get3A_79 : vector<16xf32>
        %swap3A_1402 = arith.constant 38 : i32
        %swap3A_1403 = arith.index_cast %swap3A_1402 : i32 to index
        %swap3A_1404 = arith.constant 16 : index
        %swap3A_1405 = tpu.vector_load %arg9[%swap3A_1403, %swap3A_1404] {strides = array<i32>} : memref<64x64xf32, #tpu.memory_space<vmem>>, vector<1x16xf32>,
        %swap3A_1406 = vector.shape_cast %swap3A_1405 : vector<1x16xf32> to vector<16xf32>
        %swap3A_1407 = vector.shape_cast %mul3A_1401 : vector<16xf32> to vector<1x16xf32>
        tpu.vector_store %arg9[%swap3A_1403, %swap3A_1404], %swap3A_1407 {strides = array<i32>} : memref<64x64xf32, #tpu.memory_space<vmem>>, vector<1x16xf32>,
        %mul3A_1408 = vector.broadcast %squeeze3A_1391 : f32 to vector<16xf32>
        %mul3A_1409 = arith.mulf %mul3A_1408, %get3A_83 : vector<16xf32>
        %swap3A_1410 = arith.constant 38 : i32
        %swap3A_1411 = arith.index_cast %swap3A_1410 : i32 to index
        %swap3A_1412 = arith.constant 32 : index
        %swap3A_1413 = tpu.vector_load %arg9[%swap3A_1411, %swap3A_1412] {strides = array<i32>} : memref<64x64xf32, #tpu.memory_space<vmem>>, vector<1x16xf32>,
        %swap3A_1414 = vector.shape_cast %swap3A_1413 : vector<1x16xf32> to vector<16xf32>
        %swap3A_1415 = vector.shape_cast %mul3A_1409 : vector<16xf32> to vector<1x16xf32>
        tpu.vector_store %arg9[%swap3A_1411, %swap3A_1412], %swap3A_1415 {strides = array<i32>} : memref<64x64xf32, #tpu.memory_space<vmem>>, vector<1x16xf32>,
        %mul3A_1416 = vector.broadcast %squeeze3A_1391 : f32 to vector<16xf32>
        %mul3A_1417 = arith.mulf %mul3A_1416, %get3A_87 : vector<16xf32>
        %swap3A_1418 = arith.constant 38 : i32
        %swap3A_1419 = arith.index_cast %swap3A_1418 : i32 to index
        %swap3A_1420 = arith.constant 48 : index
        %swap3A_1421 = tpu.vector_load %arg9[%swap3A_1419, %swap3A_1420] {strides = array<i32>} : memref<64x64xf32, #tpu.memory_space<vmem>>, vector<1x16xf32>,
        %swap3A_1422 = vector.shape_cast %swap3A_1421 : vector<1x16xf32> to vector<16xf32>
        %swap3A_1423 = vector.shape_cast %mul3A_1417 : vector<16xf32> to vector<1x16xf32>
        tpu.vector_store %arg9[%swap3A_1419, %swap3A_1420], %swap3A_1423 {strides = array<i32>} : memref<64x64xf32, #tpu.memory_space<vmem>>, vector<1x16xf32>,
        %slice3A_1424 = vector.extract_strided_slice %get3A_1185 {offsets = [7], sizes = [1], strides = [1]} : vector<16xf32> to vector<1xf32>
        %squeeze3A_1425 = vector.extract %slice3A_1424[0] : f32 from vector<1xf32>
        %mul3A_1426 = vector.broadcast %squeeze3A_1425 : f32 to vector<16xf32>
        %mul3A_1427 = arith.mulf %mul3A_1426, %get3A_75 : vector<16xf32>
        %swap3A_1428 = arith.constant 39 : i32
        %swap3A_1429 = arith.index_cast %swap3A_1428 : i32 to index
        %swap3A_1430 = arith.constant 0 : index
        %swap3A_1431 = tpu.vector_load %arg9[%swap3A_1429, %swap3A_1430] {strides = array<i32>} : memref<64x64xf32, #tpu.memory_space<vmem>>, vector<1x16xf32>,
        %swap3A_1432 = vector.shape_cast %swap3A_1431 : vector<1x16xf32> to vector<16xf32>
        %swap3A_1433 = vector.shape_cast %mul3A_1427 : vector<16xf32> to vector<1x16xf32>
        tpu.vector_store %arg9[%swap3A_1429, %swap3A_1430], %swap3A_1433 {strides = array<i32>} : memref<64x64xf32, #tpu.memory_space<vmem>>, vector<1x16xf32>,
        %mul3A_1434 = vector.broadcast %squeeze3A_1425 : f32 to vector<16xf32>
        %mul3A_1435 = arith.mulf %mul3A_1434, %get3A_79 : vector<16xf32>
        %swap3A_1436 = arith.constant 39 : i32
        %swap3A_1437 = arith.index_cast %swap3A_1436 : i32 to index
        %swap3A_1438 = arith.constant 16 : index
        %swap3A_1439 = tpu.vector_load %arg9[%swap3A_1437, %swap3A_1438] {strides = array<i32>} : memref<64x64xf32, #tpu.memory_space<vmem>>, vector<1x16xf32>,
        %swap3A_1440 = vector.shape_cast %swap3A_1439 : vector<1x16xf32> to vector<16xf32>
        %swap3A_1441 = vector.shape_cast %mul3A_1435 : vector<16xf32> to vector<1x16xf32>
        tpu.vector_store %arg9[%swap3A_1437, %swap3A_1438], %swap3A_1441 {strides = array<i32>} : memref<64x64xf32, #tpu.memory_space<vmem>>, vector<1x16xf32>,
        %mul3A_1442 = vector.broadcast %squeeze3A_1425 : f32 to vector<16xf32>
        %mul3A_1443 = arith.mulf %mul3A_1442, %get3A_83 : vector<16xf32>
        %swap3A_1444 = arith.constant 39 : i32
        %swap3A_1445 = arith.index_cast %swap3A_1444 : i32 to index
        %swap3A_1446 = arith.constant 32 : index
        %swap3A_1447 = tpu.vector_load %arg9[%swap3A_1445, %swap3A_1446] {strides = array<i32>} : memref<64x64xf32, #tpu.memory_space<vmem>>, vector<1x16xf32>,
        %swap3A_1448 = vector.shape_cast %swap3A_1447 : vector<1x16xf32> to vector<16xf32>
        %swap3A_1449 = vector.shape_cast %mul3A_1443 : vector<16xf32> to vector<1x16xf32>
        tpu.vector_store %arg9[%swap3A_1445, %swap3A_1446], %swap3A_1449 {strides = array<i32>} : memref<64x64xf32, #tpu.memory_space<vmem>>, vector<1x16xf32>,
        %mul3A_1450 = vector.broadcast %squeeze3A_1425 : f32 to vector<16xf32>
        %mul3A_1451 = arith.mulf %mul3A_1450, %get3A_87 : vector<16xf32>
        %swap3A_1452 = arith.constant 39 : i32
        %swap3A_1453 = arith.index_cast %swap3A_1452 : i32 to index
        %swap3A_1454 = arith.constant 48 : index
        %swap3A_1455 = tpu.vector_load %arg9[%swap3A_1453, %swap3A_1454] {strides = array<i32>} : memref<64x64xf32, #tpu.memory_space<vmem>>, vector<1x16xf32>,
        %swap3A_1456 = vector.shape_cast %swap3A_1455 : vector<1x16xf32> to vector<16xf32>
        %swap3A_1457 = vector.shape_cast %mul3A_1451 : vector<16xf32> to vector<1x16xf32>
        tpu.vector_store %arg9[%swap3A_1453, %swap3A_1454], %swap3A_1457 {strides = array<i32>} : memref<64x64xf32, #tpu.memory_space<vmem>>, vector<1x16xf32>,
        %slice3A_1458 = vector.extract_strided_slice %get3A_1185 {offsets = [8], sizes = [1], strides = [1]} : vector<16xf32> to vector<1xf32>
        %squeeze3A_1459 = vector.extract %slice3A_1458[0] : f32 from vector<1xf32>
        %mul3A_1460 = vector.broadcast %squeeze3A_1459 : f32 to vector<16xf32>
        %mul3A_1461 = arith.mulf %mul3A_1460, %get3A_75 : vector<16xf32>
        %swap3A_1462 = arith.constant 40 : i32
        %swap3A_1463 = arith.index_cast %swap3A_1462 : i32 to index
        %swap3A_1464 = arith.constant 0 : index
        %swap3A_1465 = tpu.vector_load %arg9[%swap3A_1463, %swap3A_1464] {strides = array<i32>} : memref<64x64xf32, #tpu.memory_space<vmem>>, vector<1x16xf32>,
        %swap3A_1466 = vector.shape_cast %swap3A_1465 : vector<1x16xf32> to vector<16xf32>
        %swap3A_1467 = vector.shape_cast %mul3A_1461 : vector<16xf32> to vector<1x16xf32>
        tpu.vector_store %arg9[%swap3A_1463, %swap3A_1464], %swap3A_1467 {strides = array<i32>} : memref<64x64xf32, #tpu.memory_space<vmem>>, vector<1x16xf32>,
        %mul3A_1468 = vector.broadcast %squeeze3A_1459 : f32 to vector<16xf32>
        %mul3A_1469 = arith.mulf %mul3A_1468, %get3A_79 : vector<16xf32>
        %swap3A_1470 = arith.constant 40 : i32
        %swap3A_1471 = arith.index_cast %swap3A_1470 : i32 to index
        %swap3A_1472 = arith.constant 16 : index
        %swap3A_1473 = tpu.vector_load %arg9[%swap3A_1471, %swap3A_1472] {strides = array<i32>} : memref<64x64xf32, #tpu.memory_space<vmem>>, vector<1x16xf32>,
        %swap3A_1474 = vector.shape_cast %swap3A_1473 : vector<1x16xf32> to vector<16xf32>
        %swap3A_1475 = vector.shape_cast %mul3A_1469 : vector<16xf32> to vector<1x16xf32>
        tpu.vector_store %arg9[%swap3A_1471, %swap3A_1472], %swap3A_1475 {strides = array<i32>} : memref<64x64xf32, #tpu.memory_space<vmem>>, vector<1x16xf32>,
        %mul3A_1476 = vector.broadcast %squeeze3A_1459 : f32 to vector<16xf32>
        %mul3A_1477 = arith.mulf %mul3A_1476, %get3A_83 : vector<16xf32>
        %swap3A_1478 = arith.constant 40 : i32
        %swap3A_1479 = arith.index_cast %swap3A_1478 : i32 to index
        %swap3A_1480 = arith.constant 32 : index
        %swap3A_1481 = tpu.vector_load %arg9[%swap3A_1479, %swap3A_1480] {strides = array<i32>} : memref<64x64xf32, #tpu.memory_space<vmem>>, vector<1x16xf32>,
        %swap3A_1482 = vector.shape_cast %swap3A_1481 : vector<1x16xf32> to vector<16xf32>
        %swap3A_1483 = vector.shape_cast %mul3A_1477 : vector<16xf32> to vector<1x16xf32>
        tpu.vector_store %arg9[%swap3A_1479, %swap3A_1480], %swap3A_1483 {strides = array<i32>} : memref<64x64xf32, #tpu.memory_space<vmem>>, vector<1x16xf32>,
        %mul3A_1484 = vector.broadcast %squeeze3A_1459 : f32 to vector<16xf32>
        %mul3A_1485 = arith.mulf %mul3A_1484, %get3A_87 : vector<16xf32>
        %swap3A_1486 = arith.constant 40 : i32
        %swap3A_1487 = arith.index_cast %swap3A_1486 : i32 to index
        %swap3A_1488 = arith.constant 48 : index
        %swap3A_1489 = tpu.vector_load %arg9[%swap3A_1487, %swap3A_1488] {strides = array<i32>} : memref<64x64xf32, #tpu.memory_space<vmem>>, vector<1x16xf32>,
        %swap3A_1490 = vector.shape_cast %swap3A_1489 : vector<1x16xf32> to vector<16xf32>
        %swap3A_1491 = vector.shape_cast %mul3A_1485 : vector<16xf32> to vector<1x16xf32>
        tpu.vector_store %arg9[%swap3A_1487, %swap3A_1488], %swap3A_1491 {strides = array<i32>} : memref<64x64xf32, #tpu.memory_space<vmem>>, vector<1x16xf32>,
        %slice3A_1492 = vector.extract_strided_slice %get3A_1185 {offsets = [9], sizes = [1], strides = [1]} : vector<16xf32> to vector<1xf32>
        %squeeze3A_1493 = vector.extract %slice3A_1492[0] : f32 from vector<1xf32>
        %mul3A_1494 = vector.broadcast %squeeze3A_1493 : f32 to vector<16xf32>
        %mul3A_1495 = arith.mulf %mul3A_1494, %get3A_75 : vector<16xf32>
        %swap3A_1496 = arith.constant 41 : i32
        %swap3A_1497 = arith.index_cast %swap3A_1496 : i32 to index
        %swap3A_1498 = arith.constant 0 : index
        %swap3A_1499 = tpu.vector_load %arg9[%swap3A_1497, %swap3A_1498] {strides = array<i32>} : memref<64x64xf32, #tpu.memory_space<vmem>>, vector<1x16xf32>,
        %swap3A_1500 = vector.shape_cast %swap3A_1499 : vector<1x16xf32> to vector<16xf32>
        %swap3A_1501 = vector.shape_cast %mul3A_1495 : vector<16xf32> to vector<1x16xf32>
        tpu.vector_store %arg9[%swap3A_1497, %swap3A_1498], %swap3A_1501 {strides = array<i32>} : memref<64x64xf32, #tpu.memory_space<vmem>>, vector<1x16xf32>,
        %mul3A_1502 = vector.broadcast %squeeze3A_1493 : f32 to vector<16xf32>
        %mul3A_1503 = arith.mulf %mul3A_1502, %get3A_79 : vector<16xf32>
        %swap3A_1504 = arith.constant 41 : i32
        %swap3A_1505 = arith.index_cast %swap3A_1504 : i32 to index
        %swap3A_1506 = arith.constant 16 : index
        %swap3A_1507 = tpu.vector_load %arg9[%swap3A_1505, %swap3A_1506] {strides = array<i32>} : memref<64x64xf32, #tpu.memory_space<vmem>>, vector<1x16xf32>,
        %swap3A_1508 = vector.shape_cast %swap3A_1507 : vector<1x16xf32> to vector<16xf32>
        %swap3A_1509 = vector.shape_cast %mul3A_1503 : vector<16xf32> to vector<1x16xf32>
        tpu.vector_store %arg9[%swap3A_1505, %swap3A_1506], %swap3A_1509 {strides = array<i32>} : memref<64x64xf32, #tpu.memory_space<vmem>>, vector<1x16xf32>,
        %mul3A_1510 = vector.broadcast %squeeze3A_1493 : f32 to vector<16xf32>
        %mul3A_1511 = arith.mulf %mul3A_1510, %get3A_83 : vector<16xf32>
        %swap3A_1512 = arith.constant 41 : i32
        %swap3A_1513 = arith.index_cast %swap3A_1512 : i32 to index
        %swap3A_1514 = arith.constant 32 : index
        %swap3A_1515 = tpu.vector_load %arg9[%swap3A_1513, %swap3A_1514] {strides = array<i32>} : memref<64x64xf32, #tpu.memory_space<vmem>>, vector<1x16xf32>,
        %swap3A_1516 = vector.shape_cast %swap3A_1515 : vector<1x16xf32> to vector<16xf32>
        %swap3A_1517 = vector.shape_cast %mul3A_1511 : vector<16xf32> to vector<1x16xf32>
        tpu.vector_store %arg9[%swap3A_1513, %swap3A_1514], %swap3A_1517 {strides = array<i32>} : memref<64x64xf32, #tpu.memory_space<vmem>>, vector<1x16xf32>,
        %mul3A_1518 = vector.broadcast %squeeze3A_1493 : f32 to vector<16xf32>
        %mul3A_1519 = arith.mulf %mul3A_1518, %get3A_87 : vector<16xf32>
        %swap3A_1520 = arith.constant 41 : i32
        %swap3A_1521 = arith.index_cast %swap3A_1520 : i32 to index
        %swap3A_1522 = arith.constant 48 : index
        %swap3A_1523 = tpu.vector_load %arg9[%swap3A_1521, %swap3A_1522] {strides = array<i32>} : memref<64x64xf32, #tpu.memory_space<vmem>>, vector<1x16xf32>,
        %swap3A_1524 = vector.shape_cast %swap3A_1523 : vector<1x16xf32> to vector<16xf32>
        %swap3A_1525 = vector.shape_cast %mul3A_1519 : vector<16xf32> to vector<1x16xf32>
        tpu.vector_store %arg9[%swap3A_1521, %swap3A_1522], %swap3A_1525 {strides = array<i32>} : memref<64x64xf32, #tpu.memory_space<vmem>>, vector<1x16xf32>,
        %slice3A_1526 = vector.extract_strided_slice %get3A_1185 {offsets = [10], sizes = [1], strides = [1]} : vector<16xf32> to vector<1xf32>
        %squeeze3A_1527 = vector.extract %slice3A_1526[0] : f32 from vector<1xf32>
        %mul3A_1528 = vector.broadcast %squeeze3A_1527 : f32 to vector<16xf32>
        %mul3A_1529 = arith.mulf %mul3A_1528, %get3A_75 : vector<16xf32>
        %swap3A_1530 = arith.constant 42 : i32
        %swap3A_1531 = arith.index_cast %swap3A_1530 : i32 to index
        %swap3A_1532 = arith.constant 0 : index
        %swap3A_1533 = tpu.vector_load %arg9[%swap3A_1531, %swap3A_1532] {strides = array<i32>} : memref<64x64xf32, #tpu.memory_space<vmem>>, vector<1x16xf32>,
        %swap3A_1534 = vector.shape_cast %swap3A_1533 : vector<1x16xf32> to vector<16xf32>
        %swap3A_1535 = vector.shape_cast %mul3A_1529 : vector<16xf32> to vector<1x16xf32>
        tpu.vector_store %arg9[%swap3A_1531, %swap3A_1532], %swap3A_1535 {strides = array<i32>} : memref<64x64xf32, #tpu.memory_space<vmem>>, vector<1x16xf32>,
        %mul3A_1536 = vector.broadcast %squeeze3A_1527 : f32 to vector<16xf32>
        %mul3A_1537 = arith.mulf %mul3A_1536, %get3A_79 : vector<16xf32>
        %swap3A_1538 = arith.constant 42 : i32
        %swap3A_1539 = arith.index_cast %swap3A_1538 : i32 to index
        %swap3A_1540 = arith.constant 16 : index
        %swap3A_1541 = tpu.vector_load %arg9[%swap3A_1539, %swap3A_1540] {strides = array<i32>} : memref<64x64xf32, #tpu.memory_space<vmem>>, vector<1x16xf32>,
        %swap3A_1542 = vector.shape_cast %swap3A_1541 : vector<1x16xf32> to vector<16xf32>
        %swap3A_1543 = vector.shape_cast %mul3A_1537 : vector<16xf32> to vector<1x16xf32>
        tpu.vector_store %arg9[%swap3A_1539, %swap3A_1540], %swap3A_1543 {strides = array<i32>} : memref<64x64xf32, #tpu.memory_space<vmem>>, vector<1x16xf32>,
        %mul3A_1544 = vector.broadcast %squeeze3A_1527 : f32 to vector<16xf32>
        %mul3A_1545 = arith.mulf %mul3A_1544, %get3A_83 : vector<16xf32>
        %swap3A_1546 = arith.constant 42 : i32
        %swap3A_1547 = arith.index_cast %swap3A_1546 : i32 to index
        %swap3A_1548 = arith.constant 32 : index
        %swap3A_1549 = tpu.vector_load %arg9[%swap3A_1547, %swap3A_1548] {strides = array<i32>} : memref<64x64xf32, #tpu.memory_space<vmem>>, vector<1x16xf32>,
        %swap3A_1550 = vector.shape_cast %swap3A_1549 : vector<1x16xf32> to vector<16xf32>
        %swap3A_1551 = vector.shape_cast %mul3A_1545 : vector<16xf32> to vector<1x16xf32>
        tpu.vector_store %arg9[%swap3A_1547, %swap3A_1548], %swap3A_1551 {strides = array<i32>} : memref<64x64xf32, #tpu.memory_space<vmem>>, vector<1x16xf32>,
        %mul3A_1552 = vector.broadcast %squeeze3A_1527 : f32 to vector<16xf32>
        %mul3A_1553 = arith.mulf %mul3A_1552, %get3A_87 : vector<16xf32>
        %swap3A_1554 = arith.constant 42 : i32
        %swap3A_1555 = arith.index_cast %swap3A_1554 : i32 to index
        %swap3A_1556 = arith.constant 48 : index
        %swap3A_1557 = tpu.vector_load %arg9[%swap3A_1555, %swap3A_1556] {strides = array<i32>} : memref<64x64xf32, #tpu.memory_space<vmem>>, vector<1x16xf32>,
        %swap3A_1558 = vector.shape_cast %swap3A_1557 : vector<1x16xf32> to vector<16xf32>
        %swap3A_1559 = vector.shape_cast %mul3A_1553 : vector<16xf32> to vector<1x16xf32>
        tpu.vector_store %arg9[%swap3A_1555, %swap3A_1556], %swap3A_1559 {strides = array<i32>} : memref<64x64xf32, #tpu.memory_space<vmem>>, vector<1x16xf32>,
        %slice3A_1560 = vector.extract_strided_slice %get3A_1185 {offsets = [11], sizes = [1], strides = [1]} : vector<16xf32> to vector<1xf32>
        %squeeze3A_1561 = vector.extract %slice3A_1560[0] : f32 from vector<1xf32>
        %mul3A_1562 = vector.broadcast %squeeze3A_1561 : f32 to vector<16xf32>
        %mul3A_1563 = arith.mulf %mul3A_1562, %get3A_75 : vector<16xf32>
        %swap3A_1564 = arith.constant 43 : i32
        %swap3A_1565 = arith.index_cast %swap3A_1564 : i32 to index
        %swap3A_1566 = arith.constant 0 : index
        %swap3A_1567 = tpu.vector_load %arg9[%swap3A_1565, %swap3A_1566] {strides = array<i32>} : memref<64x64xf32, #tpu.memory_space<vmem>>, vector<1x16xf32>,
        %swap3A_1568 = vector.shape_cast %swap3A_1567 : vector<1x16xf32> to vector<16xf32>
        %swap3A_1569 = vector.shape_cast %mul3A_1563 : vector<16xf32> to vector<1x16xf32>
        tpu.vector_store %arg9[%swap3A_1565, %swap3A_1566], %swap3A_1569 {strides = array<i32>} : memref<64x64xf32, #tpu.memory_space<vmem>>, vector<1x16xf32>,
        %mul3A_1570 = vector.broadcast %squeeze3A_1561 : f32 to vector<16xf32>
        %mul3A_1571 = arith.mulf %mul3A_1570, %get3A_79 : vector<16xf32>
        %swap3A_1572 = arith.constant 43 : i32
        %swap3A_1573 = arith.index_cast %swap3A_1572 : i32 to index
        %swap3A_1574 = arith.constant 16 : index
        %swap3A_1575 = tpu.vector_load %arg9[%swap3A_1573, %swap3A_1574] {strides = array<i32>} : memref<64x64xf32, #tpu.memory_space<vmem>>, vector<1x16xf32>,
        %swap3A_1576 = vector.shape_cast %swap3A_1575 : vector<1x16xf32> to vector<16xf32>
        %swap3A_1577 = vector.shape_cast %mul3A_1571 : vector<16xf32> to vector<1x16xf32>
        tpu.vector_store %arg9[%swap3A_1573, %swap3A_1574], %swap3A_1577 {strides = array<i32>} : memref<64x64xf32, #tpu.memory_space<vmem>>, vector<1x16xf32>,
        %mul3A_1578 = vector.broadcast %squeeze3A_1561 : f32 to vector<16xf32>
        %mul3A_1579 = arith.mulf %mul3A_1578, %get3A_83 : vector<16xf32>
        %swap3A_1580 = arith.constant 43 : i32
        %swap3A_1581 = arith.index_cast %swap3A_1580 : i32 to index
        %swap3A_1582 = arith.constant 32 : index
        %swap3A_1583 = tpu.vector_load %arg9[%swap3A_1581, %swap3A_1582] {strides = array<i32>} : memref<64x64xf32, #tpu.memory_space<vmem>>, vector<1x16xf32>,
        %swap3A_1584 = vector.shape_cast %swap3A_1583 : vector<1x16xf32> to vector<16xf32>
        %swap3A_1585 = vector.shape_cast %mul3A_1579 : vector<16xf32> to vector<1x16xf32>
        tpu.vector_store %arg9[%swap3A_1581, %swap3A_1582], %swap3A_1585 {strides = array<i32>} : memref<64x64xf32, #tpu.memory_space<vmem>>, vector<1x16xf32>,
        %mul3A_1586 = vector.broadcast %squeeze3A_1561 : f32 to vector<16xf32>
        %mul3A_1587 = arith.mulf %mul3A_1586, %get3A_87 : vector<16xf32>
        %swap3A_1588 = arith.constant 43 : i32
        %swap3A_1589 = arith.index_cast %swap3A_1588 : i32 to index
        %swap3A_1590 = arith.constant 48 : index
        %swap3A_1591 = tpu.vector_load %arg9[%swap3A_1589, %swap3A_1590] {strides = array<i32>} : memref<64x64xf32, #tpu.memory_space<vmem>>, vector<1x16xf32>,
        %swap3A_1592 = vector.shape_cast %swap3A_1591 : vector<1x16xf32> to vector<16xf32>
        %swap3A_1593 = vector.shape_cast %mul3A_1587 : vector<16xf32> to vector<1x16xf32>
        tpu.vector_store %arg9[%swap3A_1589, %swap3A_1590], %swap3A_1593 {strides = array<i32>} : memref<64x64xf32, #tpu.memory_space<vmem>>, vector<1x16xf32>,
        %slice3A_1594 = vector.extract_strided_slice %get3A_1185 {offsets = [12], sizes = [1], strides = [1]} : vector<16xf32> to vector<1xf32>
        %squeeze3A_1595 = vector.extract %slice3A_1594[0] : f32 from vector<1xf32>
        %mul3A_1596 = vector.broadcast %squeeze3A_1595 : f32 to vector<16xf32>
        %mul3A_1597 = arith.mulf %mul3A_1596, %get3A_75 : vector<16xf32>
        %swap3A_1598 = arith.constant 44 : i32
        %swap3A_1599 = arith.index_cast %swap3A_1598 : i32 to index
        %swap3A_1600 = arith.constant 0 : index
        %swap3A_1601 = tpu.vector_load %arg9[%swap3A_1599, %swap3A_1600] {strides = array<i32>} : memref<64x64xf32, #tpu.memory_space<vmem>>, vector<1x16xf32>,
        %swap3A_1602 = vector.shape_cast %swap3A_1601 : vector<1x16xf32> to vector<16xf32>
        %swap3A_1603 = vector.shape_cast %mul3A_1597 : vector<16xf32> to vector<1x16xf32>
        tpu.vector_store %arg9[%swap3A_1599, %swap3A_1600], %swap3A_1603 {strides = array<i32>} : memref<64x64xf32, #tpu.memory_space<vmem>>, vector<1x16xf32>,
        %mul3A_1604 = vector.broadcast %squeeze3A_1595 : f32 to vector<16xf32>
        %mul3A_1605 = arith.mulf %mul3A_1604, %get3A_79 : vector<16xf32>
        %swap3A_1606 = arith.constant 44 : i32
        %swap3A_1607 = arith.index_cast %swap3A_1606 : i32 to index
        %swap3A_1608 = arith.constant 16 : index
        %swap3A_1609 = tpu.vector_load %arg9[%swap3A_1607, %swap3A_1608] {strides = array<i32>} : memref<64x64xf32, #tpu.memory_space<vmem>>, vector<1x16xf32>,
        %swap3A_1610 = vector.shape_cast %swap3A_1609 : vector<1x16xf32> to vector<16xf32>
        %swap3A_1611 = vector.shape_cast %mul3A_1605 : vector<16xf32> to vector<1x16xf32>
        tpu.vector_store %arg9[%swap3A_1607, %swap3A_1608], %swap3A_1611 {strides = array<i32>} : memref<64x64xf32, #tpu.memory_space<vmem>>, vector<1x16xf32>,
        %mul3A_1612 = vector.broadcast %squeeze3A_1595 : f32 to vector<16xf32>
        %mul3A_1613 = arith.mulf %mul3A_1612, %get3A_83 : vector<16xf32>
        %swap3A_1614 = arith.constant 44 : i32
        %swap3A_1615 = arith.index_cast %swap3A_1614 : i32 to index
        %swap3A_1616 = arith.constant 32 : index
        %swap3A_1617 = tpu.vector_load %arg9[%swap3A_1615, %swap3A_1616] {strides = array<i32>} : memref<64x64xf32, #tpu.memory_space<vmem>>, vector<1x16xf32>,
        %swap3A_1618 = vector.shape_cast %swap3A_1617 : vector<1x16xf32> to vector<16xf32>
        %swap3A_1619 = vector.shape_cast %mul3A_1613 : vector<16xf32> to vector<1x16xf32>
        tpu.vector_store %arg9[%swap3A_1615, %swap3A_1616], %swap3A_1619 {strides = array<i32>} : memref<64x64xf32, #tpu.memory_space<vmem>>, vector<1x16xf32>,
        %mul3A_1620 = vector.broadcast %squeeze3A_1595 : f32 to vector<16xf32>
        %mul3A_1621 = arith.mulf %mul3A_1620, %get3A_87 : vector<16xf32>
        %swap3A_1622 = arith.constant 44 : i32
        %swap3A_1623 = arith.index_cast %swap3A_1622 : i32 to index
        %swap3A_1624 = arith.constant 48 : index
        %swap3A_1625 = tpu.vector_load %arg9[%swap3A_1623, %swap3A_1624] {strides = array<i32>} : memref<64x64xf32, #tpu.memory_space<vmem>>, vector<1x16xf32>,
        %swap3A_1626 = vector.shape_cast %swap3A_1625 : vector<1x16xf32> to vector<16xf32>
        %swap3A_1627 = vector.shape_cast %mul3A_1621 : vector<16xf32> to vector<1x16xf32>
        tpu.vector_store %arg9[%swap3A_1623, %swap3A_1624], %swap3A_1627 {strides = array<i32>} : memref<64x64xf32, #tpu.memory_space<vmem>>, vector<1x16xf32>,
        %slice3A_1628 = vector.extract_strided_slice %get3A_1185 {offsets = [13], sizes = [1], strides = [1]} : vector<16xf32> to vector<1xf32>
        %squeeze3A_1629 = vector.extract %slice3A_1628[0] : f32 from vector<1xf32>
        %mul3A_1630 = vector.broadcast %squeeze3A_1629 : f32 to vector<16xf32>
        %mul3A_1631 = arith.mulf %mul3A_1630, %get3A_75 : vector<16xf32>
        %swap3A_1632 = arith.constant 45 : i32
        %swap3A_1633 = arith.index_cast %swap3A_1632 : i32 to index
        %swap3A_1634 = arith.constant 0 : index
        %swap3A_1635 = tpu.vector_load %arg9[%swap3A_1633, %swap3A_1634] {strides = array<i32>} : memref<64x64xf32, #tpu.memory_space<vmem>>, vector<1x16xf32>,
        %swap3A_1636 = vector.shape_cast %swap3A_1635 : vector<1x16xf32> to vector<16xf32>
        %swap3A_1637 = vector.shape_cast %mul3A_1631 : vector<16xf32> to vector<1x16xf32>
        tpu.vector_store %arg9[%swap3A_1633, %swap3A_1634], %swap3A_1637 {strides = array<i32>} : memref<64x64xf32, #tpu.memory_space<vmem>>, vector<1x16xf32>,
        %mul3A_1638 = vector.broadcast %squeeze3A_1629 : f32 to vector<16xf32>
        %mul3A_1639 = arith.mulf %mul3A_1638, %get3A_79 : vector<16xf32>
        %swap3A_1640 = arith.constant 45 : i32
        %swap3A_1641 = arith.index_cast %swap3A_1640 : i32 to index
        %swap3A_1642 = arith.constant 16 : index
        %swap3A_1643 = tpu.vector_load %arg9[%swap3A_1641, %swap3A_1642] {strides = array<i32>} : memref<64x64xf32, #tpu.memory_space<vmem>>, vector<1x16xf32>,
        %swap3A_1644 = vector.shape_cast %swap3A_1643 : vector<1x16xf32> to vector<16xf32>
        %swap3A_1645 = vector.shape_cast %mul3A_1639 : vector<16xf32> to vector<1x16xf32>
        tpu.vector_store %arg9[%swap3A_1641, %swap3A_1642], %swap3A_1645 {strides = array<i32>} : memref<64x64xf32, #tpu.memory_space<vmem>>, vector<1x16xf32>,
        %mul3A_1646 = vector.broadcast %squeeze3A_1629 : f32 to vector<16xf32>
        %mul3A_1647 = arith.mulf %mul3A_1646, %get3A_83 : vector<16xf32>
        %swap3A_1648 = arith.constant 45 : i32
        %swap3A_1649 = arith.index_cast %swap3A_1648 : i32 to index
        %swap3A_1650 = arith.constant 32 : index
        %swap3A_1651 = tpu.vector_load %arg9[%swap3A_1649, %swap3A_1650] {strides = array<i32>} : memref<64x64xf32, #tpu.memory_space<vmem>>, vector<1x16xf32>,
        %swap3A_1652 = vector.shape_cast %swap3A_1651 : vector<1x16xf32> to vector<16xf32>
        %swap3A_1653 = vector.shape_cast %mul3A_1647 : vector<16xf32> to vector<1x16xf32>
        tpu.vector_store %arg9[%swap3A_1649, %swap3A_1650], %swap3A_1653 {strides = array<i32>} : memref<64x64xf32, #tpu.memory_space<vmem>>, vector<1x16xf32>,
        %mul3A_1654 = vector.broadcast %squeeze3A_1629 : f32 to vector<16xf32>
        %mul3A_1655 = arith.mulf %mul3A_1654, %get3A_87 : vector<16xf32>
        %swap3A_1656 = arith.constant 45 : i32
        %swap3A_1657 = arith.index_cast %swap3A_1656 : i32 to index
        %swap3A_1658 = arith.constant 48 : index
        %swap3A_1659 = tpu.vector_load %arg9[%swap3A_1657, %swap3A_1658] {strides = array<i32>} : memref<64x64xf32, #tpu.memory_space<vmem>>, vector<1x16xf32>,
        %swap3A_1660 = vector.shape_cast %swap3A_1659 : vector<1x16xf32> to vector<16xf32>
        %swap3A_1661 = vector.shape_cast %mul3A_1655 : vector<16xf32> to vector<1x16xf32>
        tpu.vector_store %arg9[%swap3A_1657, %swap3A_1658], %swap3A_1661 {strides = array<i32>} : memref<64x64xf32, #tpu.memory_space<vmem>>, vector<1x16xf32>,
        %slice3A_1662 = vector.extract_strided_slice %get3A_1185 {offsets = [14], sizes = [1], strides = [1]} : vector<16xf32> to vector<1xf32>
        %squeeze3A_1663 = vector.extract %slice3A_1662[0] : f32 from vector<1xf32>
        %mul3A_1664 = vector.broadcast %squeeze3A_1663 : f32 to vector<16xf32>
        %mul3A_1665 = arith.mulf %mul3A_1664, %get3A_75 : vector<16xf32>
        %swap3A_1666 = arith.constant 46 : i32
        %swap3A_1667 = arith.index_cast %swap3A_1666 : i32 to index
        %swap3A_1668 = arith.constant 0 : index
        %swap3A_1669 = tpu.vector_load %arg9[%swap3A_1667, %swap3A_1668] {strides = array<i32>} : memref<64x64xf32, #tpu.memory_space<vmem>>, vector<1x16xf32>,
        %swap3A_1670 = vector.shape_cast %swap3A_1669 : vector<1x16xf32> to vector<16xf32>
        %swap3A_1671 = vector.shape_cast %mul3A_1665 : vector<16xf32> to vector<1x16xf32>
        tpu.vector_store %arg9[%swap3A_1667, %swap3A_1668], %swap3A_1671 {strides = array<i32>} : memref<64x64xf32, #tpu.memory_space<vmem>>, vector<1x16xf32>,
        %mul3A_1672 = vector.broadcast %squeeze3A_1663 : f32 to vector<16xf32>
        %mul3A_1673 = arith.mulf %mul3A_1672, %get3A_79 : vector<16xf32>
        %swap3A_1674 = arith.constant 46 : i32
        %swap3A_1675 = arith.index_cast %swap3A_1674 : i32 to index
        %swap3A_1676 = arith.constant 16 : index
        %swap3A_1677 = tpu.vector_load %arg9[%swap3A_1675, %swap3A_1676] {strides = array<i32>} : memref<64x64xf32, #tpu.memory_space<vmem>>, vector<1x16xf32>,
        %swap3A_1678 = vector.shape_cast %swap3A_1677 : vector<1x16xf32> to vector<16xf32>
        %swap3A_1679 = vector.shape_cast %mul3A_1673 : vector<16xf32> to vector<1x16xf32>
        tpu.vector_store %arg9[%swap3A_1675, %swap3A_1676], %swap3A_1679 {strides = array<i32>} : memref<64x64xf32, #tpu.memory_space<vmem>>, vector<1x16xf32>,
        %mul3A_1680 = vector.broadcast %squeeze3A_1663 : f32 to vector<16xf32>
        %mul3A_1681 = arith.mulf %mul3A_1680, %get3A_83 : vector<16xf32>
        %swap3A_1682 = arith.constant 46 : i32
        %swap3A_1683 = arith.index_cast %swap3A_1682 : i32 to index
        %swap3A_1684 = arith.constant 32 : index
        %swap3A_1685 = tpu.vector_load %arg9[%swap3A_1683, %swap3A_1684] {strides = array<i32>} : memref<64x64xf32, #tpu.memory_space<vmem>>, vector<1x16xf32>,
        %swap3A_1686 = vector.shape_cast %swap3A_1685 : vector<1x16xf32> to vector<16xf32>
        %swap3A_1687 = vector.shape_cast %mul3A_1681 : vector<16xf32> to vector<1x16xf32>
        tpu.vector_store %arg9[%swap3A_1683, %swap3A_1684], %swap3A_1687 {strides = array<i32>} : memref<64x64xf32, #tpu.memory_space<vmem>>, vector<1x16xf32>,
        %mul3A_1688 = vector.broadcast %squeeze3A_1663 : f32 to vector<16xf32>
        %mul3A_1689 = arith.mulf %mul3A_1688, %get3A_87 : vector<16xf32>
        %swap3A_1690 = arith.constant 46 : i32
        %swap3A_1691 = arith.index_cast %swap3A_1690 : i32 to index
        %swap3A_1692 = arith.constant 48 : index
        %swap3A_1693 = tpu.vector_load %arg9[%swap3A_1691, %swap3A_1692] {strides = array<i32>} : memref<64x64xf32, #tpu.memory_space<vmem>>, vector<1x16xf32>,
        %swap3A_1694 = vector.shape_cast %swap3A_1693 : vector<1x16xf32> to vector<16xf32>
        %swap3A_1695 = vector.shape_cast %mul3A_1689 : vector<16xf32> to vector<1x16xf32>
        tpu.vector_store %arg9[%swap3A_1691, %swap3A_1692], %swap3A_1695 {strides = array<i32>} : memref<64x64xf32, #tpu.memory_space<vmem>>, vector<1x16xf32>,
        %slice3A_1696 = vector.extract_strided_slice %get3A_1185 {offsets = [15], sizes = [1], strides = [1]} : vector<16xf32> to vector<1xf32>
        %squeeze3A_1697 = vector.extract %slice3A_1696[0] : f32 from vector<1xf32>
        %mul3A_1698 = vector.broadcast %squeeze3A_1697 : f32 to vector<16xf32>
        %mul3A_1699 = arith.mulf %mul3A_1698, %get3A_75 : vector<16xf32>
        %swap3A_1700 = arith.constant 47 : i32
        %swap3A_1701 = arith.index_cast %swap3A_1700 : i32 to index
        %swap3A_1702 = arith.constant 0 : index
        %swap3A_1703 = tpu.vector_load %arg9[%swap3A_1701, %swap3A_1702] {strides = array<i32>} : memref<64x64xf32, #tpu.memory_space<vmem>>, vector<1x16xf32>,
        %swap3A_1704 = vector.shape_cast %swap3A_1703 : vector<1x16xf32> to vector<16xf32>
        %swap3A_1705 = vector.shape_cast %mul3A_1699 : vector<16xf32> to vector<1x16xf32>
        tpu.vector_store %arg9[%swap3A_1701, %swap3A_1702], %swap3A_1705 {strides = array<i32>} : memref<64x64xf32, #tpu.memory_space<vmem>>, vector<1x16xf32>,
        %mul3A_1706 = vector.broadcast %squeeze3A_1697 : f32 to vector<16xf32>
        %mul3A_1707 = arith.mulf %mul3A_1706, %get3A_79 : vector<16xf32>
        %swap3A_1708 = arith.constant 47 : i32
        %swap3A_1709 = arith.index_cast %swap3A_1708 : i32 to index
        %swap3A_1710 = arith.constant 16 : index
        %swap3A_1711 = tpu.vector_load %arg9[%swap3A_1709, %swap3A_1710] {strides = array<i32>} : memref<64x64xf32, #tpu.memory_space<vmem>>, vector<1x16xf32>,
        %swap3A_1712 = vector.shape_cast %swap3A_1711 : vector<1x16xf32> to vector<16xf32>
        %swap3A_1713 = vector.shape_cast %mul3A_1707 : vector<16xf32> to vector<1x16xf32>
        tpu.vector_store %arg9[%swap3A_1709, %swap3A_1710], %swap3A_1713 {strides = array<i32>} : memref<64x64xf32, #tpu.memory_space<vmem>>, vector<1x16xf32>,
        %mul3A_1714 = vector.broadcast %squeeze3A_1697 : f32 to vector<16xf32>
        %mul3A_1715 = arith.mulf %mul3A_1714, %get3A_83 : vector<16xf32>
        %swap3A_1716 = arith.constant 47 : i32
        %swap3A_1717 = arith.index_cast %swap3A_1716 : i32 to index
        %swap3A_1718 = arith.constant 32 : index
        %swap3A_1719 = tpu.vector_load %arg9[%swap3A_1717, %swap3A_1718] {strides = array<i32>} : memref<64x64xf32, #tpu.memory_space<vmem>>, vector<1x16xf32>,
        %swap3A_1720 = vector.shape_cast %swap3A_1719 : vector<1x16xf32> to vector<16xf32>
        %swap3A_1721 = vector.shape_cast %mul3A_1715 : vector<16xf32> to vector<1x16xf32>
        tpu.vector_store %arg9[%swap3A_1717, %swap3A_1718], %swap3A_1721 {strides = array<i32>} : memref<64x64xf32, #tpu.memory_space<vmem>>, vector<1x16xf32>,
        %mul3A_1722 = vector.broadcast %squeeze3A_1697 : f32 to vector<16xf32>
        %mul3A_1723 = arith.mulf %mul3A_1722, %get3A_87 : vector<16xf32>
        %swap3A_1724 = arith.constant 47 : i32
        %swap3A_1725 = arith.index_cast %swap3A_1724 : i32 to index
        %swap3A_1726 = arith.constant 48 : index
        %swap3A_1727 = tpu.vector_load %arg9[%swap3A_1725, %swap3A_1726] {strides = array<i32>} : memref<64x64xf32, #tpu.memory_space<vmem>>, vector<1x16xf32>,
        %swap3A_1728 = vector.shape_cast %swap3A_1727 : vector<1x16xf32> to vector<16xf32>
        %swap3A_1729 = vector.shape_cast %mul3A_1723 : vector<16xf32> to vector<1x16xf32>
        tpu.vector_store %arg9[%swap3A_1725, %swap3A_1726], %swap3A_1729 {strides = array<i32>} : memref<64x64xf32, #tpu.memory_space<vmem>>, vector<1x16xf32>,
        %get3A_1730 = arith.index_cast %scan3A_40 : i32 to index
        %get3A_1731 = arith.constant 48 : index
        %get3A_1732 = tpu.vector_load %arg7[%get3A_1730, %get3A_1731] {strides = array<i32>} : memref<32x64xf32, #tpu.memory_space<vmem>>, vector<1x16xf32>,
        %get3A_1733 = vector.shape_cast %get3A_1732 : vector<1x16xf32> to vector<16xf32>
        %slice3A_1734 = vector.extract_strided_slice %get3A_1733 {offsets = [0], sizes = [1], strides = [1]} : vector<16xf32> to vector<1xf32>
        %squeeze3A_1735 = vector.extract %slice3A_1734[0] : f32 from vector<1xf32>
        %mul3A_1736 = vector.broadcast %squeeze3A_1735 : f32 to vector<16xf32>
        %mul3A_1737 = arith.mulf %mul3A_1736, %get3A_75 : vector<16xf32>
        %swap3A_1738 = arith.constant 48 : i32
        %swap3A_1739 = arith.index_cast %swap3A_1738 : i32 to index
        %swap3A_1740 = arith.constant 0 : index
        %swap3A_1741 = tpu.vector_load %arg9[%swap3A_1739, %swap3A_1740] {strides = array<i32>} : memref<64x64xf32, #tpu.memory_space<vmem>>, vector<1x16xf32>,
        %swap3A_1742 = vector.shape_cast %swap3A_1741 : vector<1x16xf32> to vector<16xf32>
        %swap3A_1743 = vector.shape_cast %mul3A_1737 : vector<16xf32> to vector<1x16xf32>
        tpu.vector_store %arg9[%swap3A_1739, %swap3A_1740], %swap3A_1743 {strides = array<i32>} : memref<64x64xf32, #tpu.memory_space<vmem>>, vector<1x16xf32>,
        %mul3A_1744 = vector.broadcast %squeeze3A_1735 : f32 to vector<16xf32>
        %mul3A_1745 = arith.mulf %mul3A_1744, %get3A_79 : vector<16xf32>
        %swap3A_1746 = arith.constant 48 : i32
        %swap3A_1747 = arith.index_cast %swap3A_1746 : i32 to index
        %swap3A_1748 = arith.constant 16 : index
        %swap3A_1749 = tpu.vector_load %arg9[%swap3A_1747, %swap3A_1748] {strides = array<i32>} : memref<64x64xf32, #tpu.memory_space<vmem>>, vector<1x16xf32>,
        %swap3A_1750 = vector.shape_cast %swap3A_1749 : vector<1x16xf32> to vector<16xf32>
        %swap3A_1751 = vector.shape_cast %mul3A_1745 : vector<16xf32> to vector<1x16xf32>
        tpu.vector_store %arg9[%swap3A_1747, %swap3A_1748], %swap3A_1751 {strides = array<i32>} : memref<64x64xf32, #tpu.memory_space<vmem>>, vector<1x16xf32>,
        %mul3A_1752 = vector.broadcast %squeeze3A_1735 : f32 to vector<16xf32>
        %mul3A_1753 = arith.mulf %mul3A_1752, %get3A_83 : vector<16xf32>
        %swap3A_1754 = arith.constant 48 : i32
        %swap3A_1755 = arith.index_cast %swap3A_1754 : i32 to index
        %swap3A_1756 = arith.constant 32 : index
        %swap3A_1757 = tpu.vector_load %arg9[%swap3A_1755, %swap3A_1756] {strides = array<i32>} : memref<64x64xf32, #tpu.memory_space<vmem>>, vector<1x16xf32>,
        %swap3A_1758 = vector.shape_cast %swap3A_1757 : vector<1x16xf32> to vector<16xf32>
        %swap3A_1759 = vector.shape_cast %mul3A_1753 : vector<16xf32> to vector<1x16xf32>
        tpu.vector_store %arg9[%swap3A_1755, %swap3A_1756], %swap3A_1759 {strides = array<i32>} : memref<64x64xf32, #tpu.memory_space<vmem>>, vector<1x16xf32>,
        %mul3A_1760 = vector.broadcast %squeeze3A_1735 : f32 to vector<16xf32>
        %mul3A_1761 = arith.mulf %mul3A_1760, %get3A_87 : vector<16xf32>
        %swap3A_1762 = arith.constant 48 : i32
        %swap3A_1763 = arith.index_cast %swap3A_1762 : i32 to index
        %swap3A_1764 = arith.constant 48 : index
        %swap3A_1765 = tpu.vector_load %arg9[%swap3A_1763, %swap3A_1764] {strides = array<i32>} : memref<64x64xf32, #tpu.memory_space<vmem>>, vector<1x16xf32>,
        %swap3A_1766 = vector.shape_cast %swap3A_1765 : vector<1x16xf32> to vector<16xf32>
        %swap3A_1767 = vector.shape_cast %mul3A_1761 : vector<16xf32> to vector<1x16xf32>
        tpu.vector_store %arg9[%swap3A_1763, %swap3A_1764], %swap3A_1767 {strides = array<i32>} : memref<64x64xf32, #tpu.memory_space<vmem>>, vector<1x16xf32>,
        %slice3A_1768 = vector.extract_strided_slice %get3A_1733 {offsets = [1], sizes = [1], strides = [1]} : vector<16xf32> to vector<1xf32>
        %squeeze3A_1769 = vector.extract %slice3A_1768[0] : f32 from vector<1xf32>
        %mul3A_1770 = vector.broadcast %squeeze3A_1769 : f32 to vector<16xf32>
        %mul3A_1771 = arith.mulf %mul3A_1770, %get3A_75 : vector<16xf32>
        %swap3A_1772 = arith.constant 49 : i32
        %swap3A_1773 = arith.index_cast %swap3A_1772 : i32 to index
        %swap3A_1774 = arith.constant 0 : index
        %swap3A_1775 = tpu.vector_load %arg9[%swap3A_1773, %swap3A_1774] {strides = array<i32>} : memref<64x64xf32, #tpu.memory_space<vmem>>, vector<1x16xf32>,
        %swap3A_1776 = vector.shape_cast %swap3A_1775 : vector<1x16xf32> to vector<16xf32>
        %swap3A_1777 = vector.shape_cast %mul3A_1771 : vector<16xf32> to vector<1x16xf32>
        tpu.vector_store %arg9[%swap3A_1773, %swap3A_1774], %swap3A_1777 {strides = array<i32>} : memref<64x64xf32, #tpu.memory_space<vmem>>, vector<1x16xf32>,
        %mul3A_1778 = vector.broadcast %squeeze3A_1769 : f32 to vector<16xf32>
        %mul3A_1779 = arith.mulf %mul3A_1778, %get3A_79 : vector<16xf32>
        %swap3A_1780 = arith.constant 49 : i32
        %swap3A_1781 = arith.index_cast %swap3A_1780 : i32 to index
        %swap3A_1782 = arith.constant 16 : index
        %swap3A_1783 = tpu.vector_load %arg9[%swap3A_1781, %swap3A_1782] {strides = array<i32>} : memref<64x64xf32, #tpu.memory_space<vmem>>, vector<1x16xf32>,
        %swap3A_1784 = vector.shape_cast %swap3A_1783 : vector<1x16xf32> to vector<16xf32>
        %swap3A_1785 = vector.shape_cast %mul3A_1779 : vector<16xf32> to vector<1x16xf32>
        tpu.vector_store %arg9[%swap3A_1781, %swap3A_1782], %swap3A_1785 {strides = array<i32>} : memref<64x64xf32, #tpu.memory_space<vmem>>, vector<1x16xf32>,
        %mul3A_1786 = vector.broadcast %squeeze3A_1769 : f32 to vector<16xf32>
        %mul3A_1787 = arith.mulf %mul3A_1786, %get3A_83 : vector<16xf32>
        %swap3A_1788 = arith.constant 49 : i32
        %swap3A_1789 = arith.index_cast %swap3A_1788 : i32 to index
        %swap3A_1790 = arith.constant 32 : index
        %swap3A_1791 = tpu.vector_load %arg9[%swap3A_1789, %swap3A_1790] {strides = array<i32>} : memref<64x64xf32, #tpu.memory_space<vmem>>, vector<1x16xf32>,
        %swap3A_1792 = vector.shape_cast %swap3A_1791 : vector<1x16xf32> to vector<16xf32>
        %swap3A_1793 = vector.shape_cast %mul3A_1787 : vector<16xf32> to vector<1x16xf32>
        tpu.vector_store %arg9[%swap3A_1789, %swap3A_1790], %swap3A_1793 {strides = array<i32>} : memref<64x64xf32, #tpu.memory_space<vmem>>, vector<1x16xf32>,
        %mul3A_1794 = vector.broadcast %squeeze3A_1769 : f32 to vector<16xf32>
        %mul3A_1795 = arith.mulf %mul3A_1794, %get3A_87 : vector<16xf32>
        %swap3A_1796 = arith.constant 49 : i32
        %swap3A_1797 = arith.index_cast %swap3A_1796 : i32 to index
        %swap3A_1798 = arith.constant 48 : index
        %swap3A_1799 = tpu.vector_load %arg9[%swap3A_1797, %swap3A_1798] {strides = array<i32>} : memref<64x64xf32, #tpu.memory_space<vmem>>, vector<1x16xf32>,
        %swap3A_1800 = vector.shape_cast %swap3A_1799 : vector<1x16xf32> to vector<16xf32>
        %swap3A_1801 = vector.shape_cast %mul3A_1795 : vector<16xf32> to vector<1x16xf32>
        tpu.vector_store %arg9[%swap3A_1797, %swap3A_1798], %swap3A_1801 {strides = array<i32>} : memref<64x64xf32, #tpu.memory_space<vmem>>, vector<1x16xf32>,
        %slice3A_1802 = vector.extract_strided_slice %get3A_1733 {offsets = [2], sizes = [1], strides = [1]} : vector<16xf32> to vector<1xf32>
        %squeeze3A_1803 = vector.extract %slice3A_1802[0] : f32 from vector<1xf32>
        %mul3A_1804 = vector.broadcast %squeeze3A_1803 : f32 to vector<16xf32>
        %mul3A_1805 = arith.mulf %mul3A_1804, %get3A_75 : vector<16xf32>
        %swap3A_1806 = arith.constant 50 : i32
        %swap3A_1807 = arith.index_cast %swap3A_1806 : i32 to index
        %swap3A_1808 = arith.constant 0 : index
        %swap3A_1809 = tpu.vector_load %arg9[%swap3A_1807, %swap3A_1808] {strides = array<i32>} : memref<64x64xf32, #tpu.memory_space<vmem>>, vector<1x16xf32>,
        %swap3A_1810 = vector.shape_cast %swap3A_1809 : vector<1x16xf32> to vector<16xf32>
        %swap3A_1811 = vector.shape_cast %mul3A_1805 : vector<16xf32> to vector<1x16xf32>
        tpu.vector_store %arg9[%swap3A_1807, %swap3A_1808], %swap3A_1811 {strides = array<i32>} : memref<64x64xf32, #tpu.memory_space<vmem>>, vector<1x16xf32>,
        %mul3A_1812 = vector.broadcast %squeeze3A_1803 : f32 to vector<16xf32>
        %mul3A_1813 = arith.mulf %mul3A_1812, %get3A_79 : vector<16xf32>
        %swap3A_1814 = arith.constant 50 : i32
        %swap3A_1815 = arith.index_cast %swap3A_1814 : i32 to index
        %swap3A_1816 = arith.constant 16 : index
        %swap3A_1817 = tpu.vector_load %arg9[%swap3A_1815, %swap3A_1816] {strides = array<i32>} : memref<64x64xf32, #tpu.memory_space<vmem>>, vector<1x16xf32>,
        %swap3A_1818 = vector.shape_cast %swap3A_1817 : vector<1x16xf32> to vector<16xf32>
        %swap3A_1819 = vector.shape_cast %mul3A_1813 : vector<16xf32> to vector<1x16xf32>
        tpu.vector_store %arg9[%swap3A_1815, %swap3A_1816], %swap3A_1819 {strides = array<i32>} : memref<64x64xf32, #tpu.memory_space<vmem>>, vector<1x16xf32>,
        %mul3A_1820 = vector.broadcast %squeeze3A_1803 : f32 to vector<16xf32>
        %mul3A_1821 = arith.mulf %mul3A_1820, %get3A_83 : vector<16xf32>
        %swap3A_1822 = arith.constant 50 : i32
        %swap3A_1823 = arith.index_cast %swap3A_1822 : i32 to index
        %swap3A_1824 = arith.constant 32 : index
        %swap3A_1825 = tpu.vector_load %arg9[%swap3A_1823, %swap3A_1824] {strides = array<i32>} : memref<64x64xf32, #tpu.memory_space<vmem>>, vector<1x16xf32>,
        %swap3A_1826 = vector.shape_cast %swap3A_1825 : vector<1x16xf32> to vector<16xf32>
        %swap3A_1827 = vector.shape_cast %mul3A_1821 : vector<16xf32> to vector<1x16xf32>
        tpu.vector_store %arg9[%swap3A_1823, %swap3A_1824], %swap3A_1827 {strides = array<i32>} : memref<64x64xf32, #tpu.memory_space<vmem>>, vector<1x16xf32>,
        %mul3A_1828 = vector.broadcast %squeeze3A_1803 : f32 to vector<16xf32>
        %mul3A_1829 = arith.mulf %mul3A_1828, %get3A_87 : vector<16xf32>
        %swap3A_1830 = arith.constant 50 : i32
        %swap3A_1831 = arith.index_cast %swap3A_1830 : i32 to index
        %swap3A_1832 = arith.constant 48 : index
        %swap3A_1833 = tpu.vector_load %arg9[%swap3A_1831, %swap3A_1832] {strides = array<i32>} : memref<64x64xf32, #tpu.memory_space<vmem>>, vector<1x16xf32>,
        %swap3A_1834 = vector.shape_cast %swap3A_1833 : vector<1x16xf32> to vector<16xf32>
        %swap3A_1835 = vector.shape_cast %mul3A_1829 : vector<16xf32> to vector<1x16xf32>
        tpu.vector_store %arg9[%swap3A_1831, %swap3A_1832], %swap3A_1835 {strides = array<i32>} : memref<64x64xf32, #tpu.memory_space<vmem>>, vector<1x16xf32>,
        %slice3A_1836 = vector.extract_strided_slice %get3A_1733 {offsets = [3], sizes = [1], strides = [1]} : vector<16xf32> to vector<1xf32>
        %squeeze3A_1837 = vector.extract %slice3A_1836[0] : f32 from vector<1xf32>
        %mul3A_1838 = vector.broadcast %squeeze3A_1837 : f32 to vector<16xf32>
        %mul3A_1839 = arith.mulf %mul3A_1838, %get3A_75 : vector<16xf32>
        %swap3A_1840 = arith.constant 51 : i32
        %swap3A_1841 = arith.index_cast %swap3A_1840 : i32 to index
        %swap3A_1842 = arith.constant 0 : index
        %swap3A_1843 = tpu.vector_load %arg9[%swap3A_1841, %swap3A_1842] {strides = array<i32>} : memref<64x64xf32, #tpu.memory_space<vmem>>, vector<1x16xf32>,
        %swap3A_1844 = vector.shape_cast %swap3A_1843 : vector<1x16xf32> to vector<16xf32>
        %swap3A_1845 = vector.shape_cast %mul3A_1839 : vector<16xf32> to vector<1x16xf32>
        tpu.vector_store %arg9[%swap3A_1841, %swap3A_1842], %swap3A_1845 {strides = array<i32>} : memref<64x64xf32, #tpu.memory_space<vmem>>, vector<1x16xf32>,
        %mul3A_1846 = vector.broadcast %squeeze3A_1837 : f32 to vector<16xf32>
        %mul3A_1847 = arith.mulf %mul3A_1846, %get3A_79 : vector<16xf32>
        %swap3A_1848 = arith.constant 51 : i32
        %swap3A_1849 = arith.index_cast %swap3A_1848 : i32 to index
        %swap3A_1850 = arith.constant 16 : index
        %swap3A_1851 = tpu.vector_load %arg9[%swap3A_1849, %swap3A_1850] {strides = array<i32>} : memref<64x64xf32, #tpu.memory_space<vmem>>, vector<1x16xf32>,
        %swap3A_1852 = vector.shape_cast %swap3A_1851 : vector<1x16xf32> to vector<16xf32>
        %swap3A_1853 = vector.shape_cast %mul3A_1847 : vector<16xf32> to vector<1x16xf32>
        tpu.vector_store %arg9[%swap3A_1849, %swap3A_1850], %swap3A_1853 {strides = array<i32>} : memref<64x64xf32, #tpu.memory_space<vmem>>, vector<1x16xf32>,
        %mul3A_1854 = vector.broadcast %squeeze3A_1837 : f32 to vector<16xf32>
        %mul3A_1855 = arith.mulf %mul3A_1854, %get3A_83 : vector<16xf32>
        %swap3A_1856 = arith.constant 51 : i32
        %swap3A_1857 = arith.index_cast %swap3A_1856 : i32 to index
        %swap3A_1858 = arith.constant 32 : index
        %swap3A_1859 = tpu.vector_load %arg9[%swap3A_1857, %swap3A_1858] {strides = array<i32>} : memref<64x64xf32, #tpu.memory_space<vmem>>, vector<1x16xf32>,
        %swap3A_1860 = vector.shape_cast %swap3A_1859 : vector<1x16xf32> to vector<16xf32>
        %swap3A_1861 = vector.shape_cast %mul3A_1855 : vector<16xf32> to vector<1x16xf32>
        tpu.vector_store %arg9[%swap3A_1857, %swap3A_1858], %swap3A_1861 {strides = array<i32>} : memref<64x64xf32, #tpu.memory_space<vmem>>, vector<1x16xf32>,
        %mul3A_1862 = vector.broadcast %squeeze3A_1837 : f32 to vector<16xf32>
        %mul3A_1863 = arith.mulf %mul3A_1862, %get3A_87 : vector<16xf32>
        %swap3A_1864 = arith.constant 51 : i32
        %swap3A_1865 = arith.index_cast %swap3A_1864 : i32 to index
        %swap3A_1866 = arith.constant 48 : index
        %swap3A_1867 = tpu.vector_load %arg9[%swap3A_1865, %swap3A_1866] {strides = array<i32>} : memref<64x64xf32, #tpu.memory_space<vmem>>, vector<1x16xf32>,
        %swap3A_1868 = vector.shape_cast %swap3A_1867 : vector<1x16xf32> to vector<16xf32>
        %swap3A_1869 = vector.shape_cast %mul3A_1863 : vector<16xf32> to vector<1x16xf32>
        tpu.vector_store %arg9[%swap3A_1865, %swap3A_1866], %swap3A_1869 {strides = array<i32>} : memref<64x64xf32, #tpu.memory_space<vmem>>, vector<1x16xf32>,
        %slice3A_1870 = vector.extract_strided_slice %get3A_1733 {offsets = [4], sizes = [1], strides = [1]} : vector<16xf32> to vector<1xf32>
        %squeeze3A_1871 = vector.extract %slice3A_1870[0] : f32 from vector<1xf32>
        %mul3A_1872 = vector.broadcast %squeeze3A_1871 : f32 to vector<16xf32>
        %mul3A_1873 = arith.mulf %mul3A_1872, %get3A_75 : vector<16xf32>
        %swap3A_1874 = arith.constant 52 : i32
        %swap3A_1875 = arith.index_cast %swap3A_1874 : i32 to index
        %swap3A_1876 = arith.constant 0 : index
        %swap3A_1877 = tpu.vector_load %arg9[%swap3A_1875, %swap3A_1876] {strides = array<i32>} : memref<64x64xf32, #tpu.memory_space<vmem>>, vector<1x16xf32>,
        %swap3A_1878 = vector.shape_cast %swap3A_1877 : vector<1x16xf32> to vector<16xf32>
        %swap3A_1879 = vector.shape_cast %mul3A_1873 : vector<16xf32> to vector<1x16xf32>
        tpu.vector_store %arg9[%swap3A_1875, %swap3A_1876], %swap3A_1879 {strides = array<i32>} : memref<64x64xf32, #tpu.memory_space<vmem>>, vector<1x16xf32>,
        %mul3A_1880 = vector.broadcast %squeeze3A_1871 : f32 to vector<16xf32>
        %mul3A_1881 = arith.mulf %mul3A_1880, %get3A_79 : vector<16xf32>
        %swap3A_1882 = arith.constant 52 : i32
        %swap3A_1883 = arith.index_cast %swap3A_1882 : i32 to index
        %swap3A_1884 = arith.constant 16 : index
        %swap3A_1885 = tpu.vector_load %arg9[%swap3A_1883, %swap3A_1884] {strides = array<i32>} : memref<64x64xf32, #tpu.memory_space<vmem>>, vector<1x16xf32>,
        %swap3A_1886 = vector.shape_cast %swap3A_1885 : vector<1x16xf32> to vector<16xf32>
        %swap3A_1887 = vector.shape_cast %mul3A_1881 : vector<16xf32> to vector<1x16xf32>
        tpu.vector_store %arg9[%swap3A_1883, %swap3A_1884], %swap3A_1887 {strides = array<i32>} : memref<64x64xf32, #tpu.memory_space<vmem>>, vector<1x16xf32>,
        %mul3A_1888 = vector.broadcast %squeeze3A_1871 : f32 to vector<16xf32>
        %mul3A_1889 = arith.mulf %mul3A_1888, %get3A_83 : vector<16xf32>
        %swap3A_1890 = arith.constant 52 : i32
        %swap3A_1891 = arith.index_cast %swap3A_1890 : i32 to index
        %swap3A_1892 = arith.constant 32 : index
        %swap3A_1893 = tpu.vector_load %arg9[%swap3A_1891, %swap3A_1892] {strides = array<i32>} : memref<64x64xf32, #tpu.memory_space<vmem>>, vector<1x16xf32>,
        %swap3A_1894 = vector.shape_cast %swap3A_1893 : vector<1x16xf32> to vector<16xf32>
        %swap3A_1895 = vector.shape_cast %mul3A_1889 : vector<16xf32> to vector<1x16xf32>
        tpu.vector_store %arg9[%swap3A_1891, %swap3A_1892], %swap3A_1895 {strides = array<i32>} : memref<64x64xf32, #tpu.memory_space<vmem>>, vector<1x16xf32>,
        %mul3A_1896 = vector.broadcast %squeeze3A_1871 : f32 to vector<16xf32>
        %mul3A_1897 = arith.mulf %mul3A_1896, %get3A_87 : vector<16xf32>
        %swap3A_1898 = arith.constant 52 : i32
        %swap3A_1899 = arith.index_cast %swap3A_1898 : i32 to index
        %swap3A_1900 = arith.constant 48 : index
        %swap3A_1901 = tpu.vector_load %arg9[%swap3A_1899, %swap3A_1900] {strides = array<i32>} : memref<64x64xf32, #tpu.memory_space<vmem>>, vector<1x16xf32>,
        %swap3A_1902 = vector.shape_cast %swap3A_1901 : vector<1x16xf32> to vector<16xf32>
        %swap3A_1903 = vector.shape_cast %mul3A_1897 : vector<16xf32> to vector<1x16xf32>
        tpu.vector_store %arg9[%swap3A_1899, %swap3A_1900], %swap3A_1903 {strides = array<i32>} : memref<64x64xf32, #tpu.memory_space<vmem>>, vector<1x16xf32>,
        %slice3A_1904 = vector.extract_strided_slice %get3A_1733 {offsets = [5], sizes = [1], strides = [1]} : vector<16xf32> to vector<1xf32>
        %squeeze3A_1905 = vector.extract %slice3A_1904[0] : f32 from vector<1xf32>
        %mul3A_1906 = vector.broadcast %squeeze3A_1905 : f32 to vector<16xf32>
        %mul3A_1907 = arith.mulf %mul3A_1906, %get3A_75 : vector<16xf32>
        %swap3A_1908 = arith.constant 53 : i32
        %swap3A_1909 = arith.index_cast %swap3A_1908 : i32 to index
        %swap3A_1910 = arith.constant 0 : index
        %swap3A_1911 = tpu.vector_load %arg9[%swap3A_1909, %swap3A_1910] {strides = array<i32>} : memref<64x64xf32, #tpu.memory_space<vmem>>, vector<1x16xf32>,
        %swap3A_1912 = vector.shape_cast %swap3A_1911 : vector<1x16xf32> to vector<16xf32>
        %swap3A_1913 = vector.shape_cast %mul3A_1907 : vector<16xf32> to vector<1x16xf32>
        tpu.vector_store %arg9[%swap3A_1909, %swap3A_1910], %swap3A_1913 {strides = array<i32>} : memref<64x64xf32, #tpu.memory_space<vmem>>, vector<1x16xf32>,
        %mul3A_1914 = vector.broadcast %squeeze3A_1905 : f32 to vector<16xf32>
        %mul3A_1915 = arith.mulf %mul3A_1914, %get3A_79 : vector<16xf32>
        %swap3A_1916 = arith.constant 53 : i32
        %swap3A_1917 = arith.index_cast %swap3A_1916 : i32 to index
        %swap3A_1918 = arith.constant 16 : index
        %swap3A_1919 = tpu.vector_load %arg9[%swap3A_1917, %swap3A_1918] {strides = array<i32>} : memref<64x64xf32, #tpu.memory_space<vmem>>, vector<1x16xf32>,
        %swap3A_1920 = vector.shape_cast %swap3A_1919 : vector<1x16xf32> to vector<16xf32>
        %swap3A_1921 = vector.shape_cast %mul3A_1915 : vector<16xf32> to vector<1x16xf32>
        tpu.vector_store %arg9[%swap3A_1917, %swap3A_1918], %swap3A_1921 {strides = array<i32>} : memref<64x64xf32, #tpu.memory_space<vmem>>, vector<1x16xf32>,
        %mul3A_1922 = vector.broadcast %squeeze3A_1905 : f32 to vector<16xf32>
        %mul3A_1923 = arith.mulf %mul3A_1922, %get3A_83 : vector<16xf32>
        %swap3A_1924 = arith.constant 53 : i32
        %swap3A_1925 = arith.index_cast %swap3A_1924 : i32 to index
        %swap3A_1926 = arith.constant 32 : index
        %swap3A_1927 = tpu.vector_load %arg9[%swap3A_1925, %swap3A_1926] {strides = array<i32>} : memref<64x64xf32, #tpu.memory_space<vmem>>, vector<1x16xf32>,
        %swap3A_1928 = vector.shape_cast %swap3A_1927 : vector<1x16xf32> to vector<16xf32>
        %swap3A_1929 = vector.shape_cast %mul3A_1923 : vector<16xf32> to vector<1x16xf32>
        tpu.vector_store %arg9[%swap3A_1925, %swap3A_1926], %swap3A_1929 {strides = array<i32>} : memref<64x64xf32, #tpu.memory_space<vmem>>, vector<1x16xf32>,
        %mul3A_1930 = vector.broadcast %squeeze3A_1905 : f32 to vector<16xf32>
        %mul3A_1931 = arith.mulf %mul3A_1930, %get3A_87 : vector<16xf32>
        %swap3A_1932 = arith.constant 53 : i32
        %swap3A_1933 = arith.index_cast %swap3A_1932 : i32 to index
        %swap3A_1934 = arith.constant 48 : index
        %swap3A_1935 = tpu.vector_load %arg9[%swap3A_1933, %swap3A_1934] {strides = array<i32>} : memref<64x64xf32, #tpu.memory_space<vmem>>, vector<1x16xf32>,
        %swap3A_1936 = vector.shape_cast %swap3A_1935 : vector<1x16xf32> to vector<16xf32>
        %swap3A_1937 = vector.shape_cast %mul3A_1931 : vector<16xf32> to vector<1x16xf32>
        tpu.vector_store %arg9[%swap3A_1933, %swap3A_1934], %swap3A_1937 {strides = array<i32>} : memref<64x64xf32, #tpu.memory_space<vmem>>, vector<1x16xf32>,
        %slice3A_1938 = vector.extract_strided_slice %get3A_1733 {offsets = [6], sizes = [1], strides = [1]} : vector<16xf32> to vector<1xf32>
        %squeeze3A_1939 = vector.extract %slice3A_1938[0] : f32 from vector<1xf32>
        %mul3A_1940 = vector.broadcast %squeeze3A_1939 : f32 to vector<16xf32>
        %mul3A_1941 = arith.mulf %mul3A_1940, %get3A_75 : vector<16xf32>
        %swap3A_1942 = arith.constant 54 : i32
        %swap3A_1943 = arith.index_cast %swap3A_1942 : i32 to index
        %swap3A_1944 = arith.constant 0 : index
        %swap3A_1945 = tpu.vector_load %arg9[%swap3A_1943, %swap3A_1944] {strides = array<i32>} : memref<64x64xf32, #tpu.memory_space<vmem>>, vector<1x16xf32>,
        %swap3A_1946 = vector.shape_cast %swap3A_1945 : vector<1x16xf32> to vector<16xf32>
        %swap3A_1947 = vector.shape_cast %mul3A_1941 : vector<16xf32> to vector<1x16xf32>
        tpu.vector_store %arg9[%swap3A_1943, %swap3A_1944], %swap3A_1947 {strides = array<i32>} : memref<64x64xf32, #tpu.memory_space<vmem>>, vector<1x16xf32>,
        %mul3A_1948 = vector.broadcast %squeeze3A_1939 : f32 to vector<16xf32>
        %mul3A_1949 = arith.mulf %mul3A_1948, %get3A_79 : vector<16xf32>
        %swap3A_1950 = arith.constant 54 : i32
        %swap3A_1951 = arith.index_cast %swap3A_1950 : i32 to index
        %swap3A_1952 = arith.constant 16 : index
        %swap3A_1953 = tpu.vector_load %arg9[%swap3A_1951, %swap3A_1952] {strides = array<i32>} : memref<64x64xf32, #tpu.memory_space<vmem>>, vector<1x16xf32>,
        %swap3A_1954 = vector.shape_cast %swap3A_1953 : vector<1x16xf32> to vector<16xf32>
        %swap3A_1955 = vector.shape_cast %mul3A_1949 : vector<16xf32> to vector<1x16xf32>
        tpu.vector_store %arg9[%swap3A_1951, %swap3A_1952], %swap3A_1955 {strides = array<i32>} : memref<64x64xf32, #tpu.memory_space<vmem>>, vector<1x16xf32>,
        %mul3A_1956 = vector.broadcast %squeeze3A_1939 : f32 to vector<16xf32>
        %mul3A_1957 = arith.mulf %mul3A_1956, %get3A_83 : vector<16xf32>
        %swap3A_1958 = arith.constant 54 : i32
        %swap3A_1959 = arith.index_cast %swap3A_1958 : i32 to index
        %swap3A_1960 = arith.constant 32 : index
        %swap3A_1961 = tpu.vector_load %arg9[%swap3A_1959, %swap3A_1960] {strides = array<i32>} : memref<64x64xf32, #tpu.memory_space<vmem>>, vector<1x16xf32>,
        %swap3A_1962 = vector.shape_cast %swap3A_1961 : vector<1x16xf32> to vector<16xf32>
        %swap3A_1963 = vector.shape_cast %mul3A_1957 : vector<16xf32> to vector<1x16xf32>
        tpu.vector_store %arg9[%swap3A_1959, %swap3A_1960], %swap3A_1963 {strides = array<i32>} : memref<64x64xf32, #tpu.memory_space<vmem>>, vector<1x16xf32>,
        %mul3A_1964 = vector.broadcast %squeeze3A_1939 : f32 to vector<16xf32>
        %mul3A_1965 = arith.mulf %mul3A_1964, %get3A_87 : vector<16xf32>
        %swap3A_1966 = arith.constant 54 : i32
        %swap3A_1967 = arith.index_cast %swap3A_1966 : i32 to index
        %swap3A_1968 = arith.constant 48 : index
        %swap3A_1969 = tpu.vector_load %arg9[%swap3A_1967, %swap3A_1968] {strides = array<i32>} : memref<64x64xf32, #tpu.memory_space<vmem>>, vector<1x16xf32>,
        %swap3A_1970 = vector.shape_cast %swap3A_1969 : vector<1x16xf32> to vector<16xf32>
        %swap3A_1971 = vector.shape_cast %mul3A_1965 : vector<16xf32> to vector<1x16xf32>
        tpu.vector_store %arg9[%swap3A_1967, %swap3A_1968], %swap3A_1971 {strides = array<i32>} : memref<64x64xf32, #tpu.memory_space<vmem>>, vector<1x16xf32>,
        %slice3A_1972 = vector.extract_strided_slice %get3A_1733 {offsets = [7], sizes = [1], strides = [1]} : vector<16xf32> to vector<1xf32>
        %squeeze3A_1973 = vector.extract %slice3A_1972[0] : f32 from vector<1xf32>
        %mul3A_1974 = vector.broadcast %squeeze3A_1973 : f32 to vector<16xf32>
        %mul3A_1975 = arith.mulf %mul3A_1974, %get3A_75 : vector<16xf32>
        %swap3A_1976 = arith.constant 55 : i32
        %swap3A_1977 = arith.index_cast %swap3A_1976 : i32 to index
        %swap3A_1978 = arith.constant 0 : index
        %swap3A_1979 = tpu.vector_load %arg9[%swap3A_1977, %swap3A_1978] {strides = array<i32>} : memref<64x64xf32, #tpu.memory_space<vmem>>, vector<1x16xf32>,
        %swap3A_1980 = vector.shape_cast %swap3A_1979 : vector<1x16xf32> to vector<16xf32>
        %swap3A_1981 = vector.shape_cast %mul3A_1975 : vector<16xf32> to vector<1x16xf32>
        tpu.vector_store %arg9[%swap3A_1977, %swap3A_1978], %swap3A_1981 {strides = array<i32>} : memref<64x64xf32, #tpu.memory_space<vmem>>, vector<1x16xf32>,
        %mul3A_1982 = vector.broadcast %squeeze3A_1973 : f32 to vector<16xf32>
        %mul3A_1983 = arith.mulf %mul3A_1982, %get3A_79 : vector<16xf32>
        %swap3A_1984 = arith.constant 55 : i32
        %swap3A_1985 = arith.index_cast %swap3A_1984 : i32 to index
        %swap3A_1986 = arith.constant 16 : index
        %swap3A_1987 = tpu.vector_load %arg9[%swap3A_1985, %swap3A_1986] {strides = array<i32>} : memref<64x64xf32, #tpu.memory_space<vmem>>, vector<1x16xf32>,
        %swap3A_1988 = vector.shape_cast %swap3A_1987 : vector<1x16xf32> to vector<16xf32>
        %swap3A_1989 = vector.shape_cast %mul3A_1983 : vector<16xf32> to vector<1x16xf32>
        tpu.vector_store %arg9[%swap3A_1985, %swap3A_1986], %swap3A_1989 {strides = array<i32>} : memref<64x64xf32, #tpu.memory_space<vmem>>, vector<1x16xf32>,
        %mul3A_1990 = vector.broadcast %squeeze3A_1973 : f32 to vector<16xf32>
        %mul3A_1991 = arith.mulf %mul3A_1990, %get3A_83 : vector<16xf32>
        %swap3A_1992 = arith.constant 55 : i32
        %swap3A_1993 = arith.index_cast %swap3A_1992 : i32 to index
        %swap3A_1994 = arith.constant 32 : index
        %swap3A_1995 = tpu.vector_load %arg9[%swap3A_1993, %swap3A_1994] {strides = array<i32>} : memref<64x64xf32, #tpu.memory_space<vmem>>, vector<1x16xf32>,
        %swap3A_1996 = vector.shape_cast %swap3A_1995 : vector<1x16xf32> to vector<16xf32>
        %swap3A_1997 = vector.shape_cast %mul3A_1991 : vector<16xf32> to vector<1x16xf32>
        tpu.vector_store %arg9[%swap3A_1993, %swap3A_1994], %swap3A_1997 {strides = array<i32>} : memref<64x64xf32, #tpu.memory_space<vmem>>, vector<1x16xf32>,
        %mul3A_1998 = vector.broadcast %squeeze3A_1973 : f32 to vector<16xf32>
        %mul3A_1999 = arith.mulf %mul3A_1998, %get3A_87 : vector<16xf32>
        %swap3A_2000 = arith.constant 55 : i32
        %swap3A_2001 = arith.index_cast %swap3A_2000 : i32 to index
        %swap3A_2002 = arith.constant 48 : index
        %swap3A_2003 = tpu.vector_load %arg9[%swap3A_2001, %swap3A_2002] {strides = array<i32>} : memref<64x64xf32, #tpu.memory_space<vmem>>, vector<1x16xf32>,
        %swap3A_2004 = vector.shape_cast %swap3A_2003 : vector<1x16xf32> to vector<16xf32>
        %swap3A_2005 = vector.shape_cast %mul3A_1999 : vector<16xf32> to vector<1x16xf32>
        tpu.vector_store %arg9[%swap3A_2001, %swap3A_2002], %swap3A_2005 {strides = array<i32>} : memref<64x64xf32, #tpu.memory_space<vmem>>, vector<1x16xf32>,
        %slice3A_2006 = vector.extract_strided_slice %get3A_1733 {offsets = [8], sizes = [1], strides = [1]} : vector<16xf32> to vector<1xf32>
        %squeeze3A_2007 = vector.extract %slice3A_2006[0] : f32 from vector<1xf32>
        %mul3A_2008 = vector.broadcast %squeeze3A_2007 : f32 to vector<16xf32>
        %mul3A_2009 = arith.mulf %mul3A_2008, %get3A_75 : vector<16xf32>
        %swap3A_2010 = arith.constant 56 : i32
        %swap3A_2011 = arith.index_cast %swap3A_2010 : i32 to index
        %swap3A_2012 = arith.constant 0 : index
        %swap3A_2013 = tpu.vector_load %arg9[%swap3A_2011, %swap3A_2012] {strides = array<i32>} : memref<64x64xf32, #tpu.memory_space<vmem>>, vector<1x16xf32>,
        %swap3A_2014 = vector.shape_cast %swap3A_2013 : vector<1x16xf32> to vector<16xf32>
        %swap3A_2015 = vector.shape_cast %mul3A_2009 : vector<16xf32> to vector<1x16xf32>
        tpu.vector_store %arg9[%swap3A_2011, %swap3A_2012], %swap3A_2015 {strides = array<i32>} : memref<64x64xf32, #tpu.memory_space<vmem>>, vector<1x16xf32>,
        %mul3A_2016 = vector.broadcast %squeeze3A_2007 : f32 to vector<16xf32>
        %mul3A_2017 = arith.mulf %mul3A_2016, %get3A_79 : vector<16xf32>
        %swap3A_2018 = arith.constant 56 : i32
        %swap3A_2019 = arith.index_cast %swap3A_2018 : i32 to index
        %swap3A_2020 = arith.constant 16 : index
        %swap3A_2021 = tpu.vector_load %arg9[%swap3A_2019, %swap3A_2020] {strides = array<i32>} : memref<64x64xf32, #tpu.memory_space<vmem>>, vector<1x16xf32>,
        %swap3A_2022 = vector.shape_cast %swap3A_2021 : vector<1x16xf32> to vector<16xf32>
        %swap3A_2023 = vector.shape_cast %mul3A_2017 : vector<16xf32> to vector<1x16xf32>
        tpu.vector_store %arg9[%swap3A_2019, %swap3A_2020], %swap3A_2023 {strides = array<i32>} : memref<64x64xf32, #tpu.memory_space<vmem>>, vector<1x16xf32>,
        %mul3A_2024 = vector.broadcast %squeeze3A_2007 : f32 to vector<16xf32>
        %mul3A_2025 = arith.mulf %mul3A_2024, %get3A_83 : vector<16xf32>
        %swap3A_2026 = arith.constant 56 : i32
        %swap3A_2027 = arith.index_cast %swap3A_2026 : i32 to index
        %swap3A_2028 = arith.constant 32 : index
        %swap3A_2029 = tpu.vector_load %arg9[%swap3A_2027, %swap3A_2028] {strides = array<i32>} : memref<64x64xf32, #tpu.memory_space<vmem>>, vector<1x16xf32>,
        %swap3A_2030 = vector.shape_cast %swap3A_2029 : vector<1x16xf32> to vector<16xf32>
        %swap3A_2031 = vector.shape_cast %mul3A_2025 : vector<16xf32> to vector<1x16xf32>
        tpu.vector_store %arg9[%swap3A_2027, %swap3A_2028], %swap3A_2031 {strides = array<i32>} : memref<64x64xf32, #tpu.memory_space<vmem>>, vector<1x16xf32>,
        %mul3A_2032 = vector.broadcast %squeeze3A_2007 : f32 to vector<16xf32>
        %mul3A_2033 = arith.mulf %mul3A_2032, %get3A_87 : vector<16xf32>
        %swap3A_2034 = arith.constant 56 : i32
        %swap3A_2035 = arith.index_cast %swap3A_2034 : i32 to index
        %swap3A_2036 = arith.constant 48 : index
        %swap3A_2037 = tpu.vector_load %arg9[%swap3A_2035, %swap3A_2036] {strides = array<i32>} : memref<64x64xf32, #tpu.memory_space<vmem>>, vector<1x16xf32>,
        %swap3A_2038 = vector.shape_cast %swap3A_2037 : vector<1x16xf32> to vector<16xf32>
        %swap3A_2039 = vector.shape_cast %mul3A_2033 : vector<16xf32> to vector<1x16xf32>
        tpu.vector_store %arg9[%swap3A_2035, %swap3A_2036], %swap3A_2039 {strides = array<i32>} : memref<64x64xf32, #tpu.memory_space<vmem>>, vector<1x16xf32>,
        %slice3A_2040 = vector.extract_strided_slice %get3A_1733 {offsets = [9], sizes = [1], strides = [1]} : vector<16xf32> to vector<1xf32>
        %squeeze3A_2041 = vector.extract %slice3A_2040[0] : f32 from vector<1xf32>
        %mul3A_2042 = vector.broadcast %squeeze3A_2041 : f32 to vector<16xf32>
        %mul3A_2043 = arith.mulf %mul3A_2042, %get3A_75 : vector<16xf32>
        %swap3A_2044 = arith.constant 57 : i32
        %swap3A_2045 = arith.index_cast %swap3A_2044 : i32 to index
        %swap3A_2046 = arith.constant 0 : index
        %swap3A_2047 = tpu.vector_load %arg9[%swap3A_2045, %swap3A_2046] {strides = array<i32>} : memref<64x64xf32, #tpu.memory_space<vmem>>, vector<1x16xf32>,
        %swap3A_2048 = vector.shape_cast %swap3A_2047 : vector<1x16xf32> to vector<16xf32>
        %swap3A_2049 = vector.shape_cast %mul3A_2043 : vector<16xf32> to vector<1x16xf32>
        tpu.vector_store %arg9[%swap3A_2045, %swap3A_2046], %swap3A_2049 {strides = array<i32>} : memref<64x64xf32, #tpu.memory_space<vmem>>, vector<1x16xf32>,
        %mul3A_2050 = vector.broadcast %squeeze3A_2041 : f32 to vector<16xf32>
        %mul3A_2051 = arith.mulf %mul3A_2050, %get3A_79 : vector<16xf32>
        %swap3A_2052 = arith.constant 57 : i32
        %swap3A_2053 = arith.index_cast %swap3A_2052 : i32 to index
        %swap3A_2054 = arith.constant 16 : index
        %swap3A_2055 = tpu.vector_load %arg9[%swap3A_2053, %swap3A_2054] {strides = array<i32>} : memref<64x64xf32, #tpu.memory_space<vmem>>, vector<1x16xf32>,
        %swap3A_2056 = vector.shape_cast %swap3A_2055 : vector<1x16xf32> to vector<16xf32>
        %swap3A_2057 = vector.shape_cast %mul3A_2051 : vector<16xf32> to vector<1x16xf32>
        tpu.vector_store %arg9[%swap3A_2053, %swap3A_2054], %swap3A_2057 {strides = array<i32>} : memref<64x64xf32, #tpu.memory_space<vmem>>, vector<1x16xf32>,
        %mul3A_2058 = vector.broadcast %squeeze3A_2041 : f32 to vector<16xf32>
        %mul3A_2059 = arith.mulf %mul3A_2058, %get3A_83 : vector<16xf32>
        %swap3A_2060 = arith.constant 57 : i32
        %swap3A_2061 = arith.index_cast %swap3A_2060 : i32 to index
        %swap3A_2062 = arith.constant 32 : index
        %swap3A_2063 = tpu.vector_load %arg9[%swap3A_2061, %swap3A_2062] {strides = array<i32>} : memref<64x64xf32, #tpu.memory_space<vmem>>, vector<1x16xf32>,
        %swap3A_2064 = vector.shape_cast %swap3A_2063 : vector<1x16xf32> to vector<16xf32>
        %swap3A_2065 = vector.shape_cast %mul3A_2059 : vector<16xf32> to vector<1x16xf32>
        tpu.vector_store %arg9[%swap3A_2061, %swap3A_2062], %swap3A_2065 {strides = array<i32>} : memref<64x64xf32, #tpu.memory_space<vmem>>, vector<1x16xf32>,
        %mul3A_2066 = vector.broadcast %squeeze3A_2041 : f32 to vector<16xf32>
        %mul3A_2067 = arith.mulf %mul3A_2066, %get3A_87 : vector<16xf32>
        %swap3A_2068 = arith.constant 57 : i32
        %swap3A_2069 = arith.index_cast %swap3A_2068 : i32 to index
        %swap3A_2070 = arith.constant 48 : index
        %swap3A_2071 = tpu.vector_load %arg9[%swap3A_2069, %swap3A_2070] {strides = array<i32>} : memref<64x64xf32, #tpu.memory_space<vmem>>, vector<1x16xf32>,
        %swap3A_2072 = vector.shape_cast %swap3A_2071 : vector<1x16xf32> to vector<16xf32>
        %swap3A_2073 = vector.shape_cast %mul3A_2067 : vector<16xf32> to vector<1x16xf32>
        tpu.vector_store %arg9[%swap3A_2069, %swap3A_2070], %swap3A_2073 {strides = array<i32>} : memref<64x64xf32, #tpu.memory_space<vmem>>, vector<1x16xf32>,
        %slice3A_2074 = vector.extract_strided_slice %get3A_1733 {offsets = [10], sizes = [1], strides = [1]} : vector<16xf32> to vector<1xf32>
        %squeeze3A_2075 = vector.extract %slice3A_2074[0] : f32 from vector<1xf32>
        %mul3A_2076 = vector.broadcast %squeeze3A_2075 : f32 to vector<16xf32>
        %mul3A_2077 = arith.mulf %mul3A_2076, %get3A_75 : vector<16xf32>
        %swap3A_2078 = arith.constant 58 : i32
        %swap3A_2079 = arith.index_cast %swap3A_2078 : i32 to index
        %swap3A_2080 = arith.constant 0 : index
        %swap3A_2081 = tpu.vector_load %arg9[%swap3A_2079, %swap3A_2080] {strides = array<i32>} : memref<64x64xf32, #tpu.memory_space<vmem>>, vector<1x16xf32>,
        %swap3A_2082 = vector.shape_cast %swap3A_2081 : vector<1x16xf32> to vector<16xf32>
        %swap3A_2083 = vector.shape_cast %mul3A_2077 : vector<16xf32> to vector<1x16xf32>
        tpu.vector_store %arg9[%swap3A_2079, %swap3A_2080], %swap3A_2083 {strides = array<i32>} : memref<64x64xf32, #tpu.memory_space<vmem>>, vector<1x16xf32>,
        %mul3A_2084 = vector.broadcast %squeeze3A_2075 : f32 to vector<16xf32>
        %mul3A_2085 = arith.mulf %mul3A_2084, %get3A_79 : vector<16xf32>
        %swap3A_2086 = arith.constant 58 : i32
        %swap3A_2087 = arith.index_cast %swap3A_2086 : i32 to index
        %swap3A_2088 = arith.constant 16 : index
        %swap3A_2089 = tpu.vector_load %arg9[%swap3A_2087, %swap3A_2088] {strides = array<i32>} : memref<64x64xf32, #tpu.memory_space<vmem>>, vector<1x16xf32>,
        %swap3A_2090 = vector.shape_cast %swap3A_2089 : vector<1x16xf32> to vector<16xf32>
        %swap3A_2091 = vector.shape_cast %mul3A_2085 : vector<16xf32> to vector<1x16xf32>
        tpu.vector_store %arg9[%swap3A_2087, %swap3A_2088], %swap3A_2091 {strides = array<i32>} : memref<64x64xf32, #tpu.memory_space<vmem>>, vector<1x16xf32>,
        %mul3A_2092 = vector.broadcast %squeeze3A_2075 : f32 to vector<16xf32>
        %mul3A_2093 = arith.mulf %mul3A_2092, %get3A_83 : vector<16xf32>
        %swap3A_2094 = arith.constant 58 : i32
        %swap3A_2095 = arith.index_cast %swap3A_2094 : i32 to index
        %swap3A_2096 = arith.constant 32 : index
        %swap3A_2097 = tpu.vector_load %arg9[%swap3A_2095, %swap3A_2096] {strides = array<i32>} : memref<64x64xf32, #tpu.memory_space<vmem>>, vector<1x16xf32>,
        %swap3A_2098 = vector.shape_cast %swap3A_2097 : vector<1x16xf32> to vector<16xf32>
        %swap3A_2099 = vector.shape_cast %mul3A_2093 : vector<16xf32> to vector<1x16xf32>
        tpu.vector_store %arg9[%swap3A_2095, %swap3A_2096], %swap3A_2099 {strides = array<i32>} : memref<64x64xf32, #tpu.memory_space<vmem>>, vector<1x16xf32>,
        %mul3A_2100 = vector.broadcast %squeeze3A_2075 : f32 to vector<16xf32>
        %mul3A_2101 = arith.mulf %mul3A_2100, %get3A_87 : vector<16xf32>
        %swap3A_2102 = arith.constant 58 : i32
        %swap3A_2103 = arith.index_cast %swap3A_2102 : i32 to index
        %swap3A_2104 = arith.constant 48 : index
        %swap3A_2105 = tpu.vector_load %arg9[%swap3A_2103, %swap3A_2104] {strides = array<i32>} : memref<64x64xf32, #tpu.memory_space<vmem>>, vector<1x16xf32>,
        %swap3A_2106 = vector.shape_cast %swap3A_2105 : vector<1x16xf32> to vector<16xf32>
        %swap3A_2107 = vector.shape_cast %mul3A_2101 : vector<16xf32> to vector<1x16xf32>
        tpu.vector_store %arg9[%swap3A_2103, %swap3A_2104], %swap3A_2107 {strides = array<i32>} : memref<64x64xf32, #tpu.memory_space<vmem>>, vector<1x16xf32>,
        %slice3A_2108 = vector.extract_strided_slice %get3A_1733 {offsets = [11], sizes = [1], strides = [1]} : vector<16xf32> to vector<1xf32>
        %squeeze3A_2109 = vector.extract %slice3A_2108[0] : f32 from vector<1xf32>
        %mul3A_2110 = vector.broadcast %squeeze3A_2109 : f32 to vector<16xf32>
        %mul3A_2111 = arith.mulf %mul3A_2110, %get3A_75 : vector<16xf32>
        %swap3A_2112 = arith.constant 59 : i32
        %swap3A_2113 = arith.index_cast %swap3A_2112 : i32 to index
        %swap3A_2114 = arith.constant 0 : index
        %swap3A_2115 = tpu.vector_load %arg9[%swap3A_2113, %swap3A_2114] {strides = array<i32>} : memref<64x64xf32, #tpu.memory_space<vmem>>, vector<1x16xf32>,
        %swap3A_2116 = vector.shape_cast %swap3A_2115 : vector<1x16xf32> to vector<16xf32>
        %swap3A_2117 = vector.shape_cast %mul3A_2111 : vector<16xf32> to vector<1x16xf32>
        tpu.vector_store %arg9[%swap3A_2113, %swap3A_2114], %swap3A_2117 {strides = array<i32>} : memref<64x64xf32, #tpu.memory_space<vmem>>, vector<1x16xf32>,
        %mul3A_2118 = vector.broadcast %squeeze3A_2109 : f32 to vector<16xf32>
        %mul3A_2119 = arith.mulf %mul3A_2118, %get3A_79 : vector<16xf32>
        %swap3A_2120 = arith.constant 59 : i32
        %swap3A_2121 = arith.index_cast %swap3A_2120 : i32 to index
        %swap3A_2122 = arith.constant 16 : index
        %swap3A_2123 = tpu.vector_load %arg9[%swap3A_2121, %swap3A_2122] {strides = array<i32>} : memref<64x64xf32, #tpu.memory_space<vmem>>, vector<1x16xf32>,
        %swap3A_2124 = vector.shape_cast %swap3A_2123 : vector<1x16xf32> to vector<16xf32>
        %swap3A_2125 = vector.shape_cast %mul3A_2119 : vector<16xf32> to vector<1x16xf32>
        tpu.vector_store %arg9[%swap3A_2121, %swap3A_2122], %swap3A_2125 {strides = array<i32>} : memref<64x64xf32, #tpu.memory_space<vmem>>, vector<1x16xf32>,
        %mul3A_2126 = vector.broadcast %squeeze3A_2109 : f32 to vector<16xf32>
        %mul3A_2127 = arith.mulf %mul3A_2126, %get3A_83 : vector<16xf32>
        %swap3A_2128 = arith.constant 59 : i32
        %swap3A_2129 = arith.index_cast %swap3A_2128 : i32 to index
        %swap3A_2130 = arith.constant 32 : index
        %swap3A_2131 = tpu.vector_load %arg9[%swap3A_2129, %swap3A_2130] {strides = array<i32>} : memref<64x64xf32, #tpu.memory_space<vmem>>, vector<1x16xf32>,
        %swap3A_2132 = vector.shape_cast %swap3A_2131 : vector<1x16xf32> to vector<16xf32>
        %swap3A_2133 = vector.shape_cast %mul3A_2127 : vector<16xf32> to vector<1x16xf32>
        tpu.vector_store %arg9[%swap3A_2129, %swap3A_2130], %swap3A_2133 {strides = array<i32>} : memref<64x64xf32, #tpu.memory_space<vmem>>, vector<1x16xf32>,
        %mul3A_2134 = vector.broadcast %squeeze3A_2109 : f32 to vector<16xf32>
        %mul3A_2135 = arith.mulf %mul3A_2134, %get3A_87 : vector<16xf32>
        %swap3A_2136 = arith.constant 59 : i32
        %swap3A_2137 = arith.index_cast %swap3A_2136 : i32 to index
        %swap3A_2138 = arith.constant 48 : index
        %swap3A_2139 = tpu.vector_load %arg9[%swap3A_2137, %swap3A_2138] {strides = array<i32>} : memref<64x64xf32, #tpu.memory_space<vmem>>, vector<1x16xf32>,
        %swap3A_2140 = vector.shape_cast %swap3A_2139 : vector<1x16xf32> to vector<16xf32>
        %swap3A_2141 = vector.shape_cast %mul3A_2135 : vector<16xf32> to vector<1x16xf32>
        tpu.vector_store %arg9[%swap3A_2137, %swap3A_2138], %swap3A_2141 {strides = array<i32>} : memref<64x64xf32, #tpu.memory_space<vmem>>, vector<1x16xf32>,
        %slice3A_2142 = vector.extract_strided_slice %get3A_1733 {offsets = [12], sizes = [1], strides = [1]} : vector<16xf32> to vector<1xf32>
        %squeeze3A_2143 = vector.extract %slice3A_2142[0] : f32 from vector<1xf32>
        %mul3A_2144 = vector.broadcast %squeeze3A_2143 : f32 to vector<16xf32>
        %mul3A_2145 = arith.mulf %mul3A_2144, %get3A_75 : vector<16xf32>
        %swap3A_2146 = arith.constant 60 : i32
        %swap3A_2147 = arith.index_cast %swap3A_2146 : i32 to index
        %swap3A_2148 = arith.constant 0 : index
        %swap3A_2149 = tpu.vector_load %arg9[%swap3A_2147, %swap3A_2148] {strides = array<i32>} : memref<64x64xf32, #tpu.memory_space<vmem>>, vector<1x16xf32>,
        %swap3A_2150 = vector.shape_cast %swap3A_2149 : vector<1x16xf32> to vector<16xf32>
        %swap3A_2151 = vector.shape_cast %mul3A_2145 : vector<16xf32> to vector<1x16xf32>
        tpu.vector_store %arg9[%swap3A_2147, %swap3A_2148], %swap3A_2151 {strides = array<i32>} : memref<64x64xf32, #tpu.memory_space<vmem>>, vector<1x16xf32>,
        %mul3A_2152 = vector.broadcast %squeeze3A_2143 : f32 to vector<16xf32>
        %mul3A_2153 = arith.mulf %mul3A_2152, %get3A_79 : vector<16xf32>
        %swap3A_2154 = arith.constant 60 : i32
        %swap3A_2155 = arith.index_cast %swap3A_2154 : i32 to index
        %swap3A_2156 = arith.constant 16 : index
        %swap3A_2157 = tpu.vector_load %arg9[%swap3A_2155, %swap3A_2156] {strides = array<i32>} : memref<64x64xf32, #tpu.memory_space<vmem>>, vector<1x16xf32>,
        %swap3A_2158 = vector.shape_cast %swap3A_2157 : vector<1x16xf32> to vector<16xf32>
        %swap3A_2159 = vector.shape_cast %mul3A_2153 : vector<16xf32> to vector<1x16xf32>
        tpu.vector_store %arg9[%swap3A_2155, %swap3A_2156], %swap3A_2159 {strides = array<i32>} : memref<64x64xf32, #tpu.memory_space<vmem>>, vector<1x16xf32>,
        %mul3A_2160 = vector.broadcast %squeeze3A_2143 : f32 to vector<16xf32>
        %mul3A_2161 = arith.mulf %mul3A_2160, %get3A_83 : vector<16xf32>
        %swap3A_2162 = arith.constant 60 : i32
        %swap3A_2163 = arith.index_cast %swap3A_2162 : i32 to index
        %swap3A_2164 = arith.constant 32 : index
        %swap3A_2165 = tpu.vector_load %arg9[%swap3A_2163, %swap3A_2164] {strides = array<i32>} : memref<64x64xf32, #tpu.memory_space<vmem>>, vector<1x16xf32>,
        %swap3A_2166 = vector.shape_cast %swap3A_2165 : vector<1x16xf32> to vector<16xf32>
        %swap3A_2167 = vector.shape_cast %mul3A_2161 : vector<16xf32> to vector<1x16xf32>
        tpu.vector_store %arg9[%swap3A_2163, %swap3A_2164], %swap3A_2167 {strides = array<i32>} : memref<64x64xf32, #tpu.memory_space<vmem>>, vector<1x16xf32>,
        %mul3A_2168 = vector.broadcast %squeeze3A_2143 : f32 to vector<16xf32>
        %mul3A_2169 = arith.mulf %mul3A_2168, %get3A_87 : vector<16xf32>
        %swap3A_2170 = arith.constant 60 : i32
        %swap3A_2171 = arith.index_cast %swap3A_2170 : i32 to index
        %swap3A_2172 = arith.constant 48 : index
        %swap3A_2173 = tpu.vector_load %arg9[%swap3A_2171, %swap3A_2172] {strides = array<i32>} : memref<64x64xf32, #tpu.memory_space<vmem>>, vector<1x16xf32>,
        %swap3A_2174 = vector.shape_cast %swap3A_2173 : vector<1x16xf32> to vector<16xf32>
        %swap3A_2175 = vector.shape_cast %mul3A_2169 : vector<16xf32> to vector<1x16xf32>
        tpu.vector_store %arg9[%swap3A_2171, %swap3A_2172], %swap3A_2175 {strides = array<i32>} : memref<64x64xf32, #tpu.memory_space<vmem>>, vector<1x16xf32>,
        %slice3A_2176 = vector.extract_strided_slice %get3A_1733 {offsets = [13], sizes = [1], strides = [1]} : vector<16xf32> to vector<1xf32>
        %squeeze3A_2177 = vector.extract %slice3A_2176[0] : f32 from vector<1xf32>
        %mul3A_2178 = vector.broadcast %squeeze3A_2177 : f32 to vector<16xf32>
        %mul3A_2179 = arith.mulf %mul3A_2178, %get3A_75 : vector<16xf32>
        %swap3A_2180 = arith.constant 61 : i32
        %swap3A_2181 = arith.index_cast %swap3A_2180 : i32 to index
        %swap3A_2182 = arith.constant 0 : index
        %swap3A_2183 = tpu.vector_load %arg9[%swap3A_2181, %swap3A_2182] {strides = array<i32>} : memref<64x64xf32, #tpu.memory_space<vmem>>, vector<1x16xf32>,
        %swap3A_2184 = vector.shape_cast %swap3A_2183 : vector<1x16xf32> to vector<16xf32>
        %swap3A_2185 = vector.shape_cast %mul3A_2179 : vector<16xf32> to vector<1x16xf32>
        tpu.vector_store %arg9[%swap3A_2181, %swap3A_2182], %swap3A_2185 {strides = array<i32>} : memref<64x64xf32, #tpu.memory_space<vmem>>, vector<1x16xf32>,
        %mul3A_2186 = vector.broadcast %squeeze3A_2177 : f32 to vector<16xf32>
        %mul3A_2187 = arith.mulf %mul3A_2186, %get3A_79 : vector<16xf32>
        %swap3A_2188 = arith.constant 61 : i32
        %swap3A_2189 = arith.index_cast %swap3A_2188 : i32 to index
        %swap3A_2190 = arith.constant 16 : index
        %swap3A_2191 = tpu.vector_load %arg9[%swap3A_2189, %swap3A_2190] {strides = array<i32>} : memref<64x64xf32, #tpu.memory_space<vmem>>, vector<1x16xf32>,
        %swap3A_2192 = vector.shape_cast %swap3A_2191 : vector<1x16xf32> to vector<16xf32>
        %swap3A_2193 = vector.shape_cast %mul3A_2187 : vector<16xf32> to vector<1x16xf32>
        tpu.vector_store %arg9[%swap3A_2189, %swap3A_2190], %swap3A_2193 {strides = array<i32>} : memref<64x64xf32, #tpu.memory_space<vmem>>, vector<1x16xf32>,
        %mul3A_2194 = vector.broadcast %squeeze3A_2177 : f32 to vector<16xf32>
        %mul3A_2195 = arith.mulf %mul3A_2194, %get3A_83 : vector<16xf32>
        %swap3A_2196 = arith.constant 61 : i32
        %swap3A_2197 = arith.index_cast %swap3A_2196 : i32 to index
        %swap3A_2198 = arith.constant 32 : index
        %swap3A_2199 = tpu.vector_load %arg9[%swap3A_2197, %swap3A_2198] {strides = array<i32>} : memref<64x64xf32, #tpu.memory_space<vmem>>, vector<1x16xf32>,
        %swap3A_2200 = vector.shape_cast %swap3A_2199 : vector<1x16xf32> to vector<16xf32>
        %swap3A_2201 = vector.shape_cast %mul3A_2195 : vector<16xf32> to vector<1x16xf32>
        tpu.vector_store %arg9[%swap3A_2197, %swap3A_2198], %swap3A_2201 {strides = array<i32>} : memref<64x64xf32, #tpu.memory_space<vmem>>, vector<1x16xf32>,
        %mul3A_2202 = vector.broadcast %squeeze3A_2177 : f32 to vector<16xf32>
        %mul3A_2203 = arith.mulf %mul3A_2202, %get3A_87 : vector<16xf32>
        %swap3A_2204 = arith.constant 61 : i32
        %swap3A_2205 = arith.index_cast %swap3A_2204 : i32 to index
        %swap3A_2206 = arith.constant 48 : index
        %swap3A_2207 = tpu.vector_load %arg9[%swap3A_2205, %swap3A_2206] {strides = array<i32>} : memref<64x64xf32, #tpu.memory_space<vmem>>, vector<1x16xf32>,
        %swap3A_2208 = vector.shape_cast %swap3A_2207 : vector<1x16xf32> to vector<16xf32>
        %swap3A_2209 = vector.shape_cast %mul3A_2203 : vector<16xf32> to vector<1x16xf32>
        tpu.vector_store %arg9[%swap3A_2205, %swap3A_2206], %swap3A_2209 {strides = array<i32>} : memref<64x64xf32, #tpu.memory_space<vmem>>, vector<1x16xf32>,
        %slice3A_2210 = vector.extract_strided_slice %get3A_1733 {offsets = [14], sizes = [1], strides = [1]} : vector<16xf32> to vector<1xf32>
        %squeeze3A_2211 = vector.extract %slice3A_2210[0] : f32 from vector<1xf32>
        %mul3A_2212 = vector.broadcast %squeeze3A_2211 : f32 to vector<16xf32>
        %mul3A_2213 = arith.mulf %mul3A_2212, %get3A_75 : vector<16xf32>
        %swap3A_2214 = arith.constant 62 : i32
        %swap3A_2215 = arith.index_cast %swap3A_2214 : i32 to index
        %swap3A_2216 = arith.constant 0 : index
        %swap3A_2217 = tpu.vector_load %arg9[%swap3A_2215, %swap3A_2216] {strides = array<i32>} : memref<64x64xf32, #tpu.memory_space<vmem>>, vector<1x16xf32>,
        %swap3A_2218 = vector.shape_cast %swap3A_2217 : vector<1x16xf32> to vector<16xf32>
        %swap3A_2219 = vector.shape_cast %mul3A_2213 : vector<16xf32> to vector<1x16xf32>
        tpu.vector_store %arg9[%swap3A_2215, %swap3A_2216], %swap3A_2219 {strides = array<i32>} : memref<64x64xf32, #tpu.memory_space<vmem>>, vector<1x16xf32>,
        %mul3A_2220 = vector.broadcast %squeeze3A_2211 : f32 to vector<16xf32>
        %mul3A_2221 = arith.mulf %mul3A_2220, %get3A_79 : vector<16xf32>
        %swap3A_2222 = arith.constant 62 : i32
        %swap3A_2223 = arith.index_cast %swap3A_2222 : i32 to index
        %swap3A_2224 = arith.constant 16 : index
        %swap3A_2225 = tpu.vector_load %arg9[%swap3A_2223, %swap3A_2224] {strides = array<i32>} : memref<64x64xf32, #tpu.memory_space<vmem>>, vector<1x16xf32>,
        %swap3A_2226 = vector.shape_cast %swap3A_2225 : vector<1x16xf32> to vector<16xf32>
        %swap3A_2227 = vector.shape_cast %mul3A_2221 : vector<16xf32> to vector<1x16xf32>
        tpu.vector_store %arg9[%swap3A_2223, %swap3A_2224], %swap3A_2227 {strides = array<i32>} : memref<64x64xf32, #tpu.memory_space<vmem>>, vector<1x16xf32>,
        %mul3A_2228 = vector.broadcast %squeeze3A_2211 : f32 to vector<16xf32>
        %mul3A_2229 = arith.mulf %mul3A_2228, %get3A_83 : vector<16xf32>
        %swap3A_2230 = arith.constant 62 : i32
        %swap3A_2231 = arith.index_cast %swap3A_2230 : i32 to index
        %swap3A_2232 = arith.constant 32 : index
        %swap3A_2233 = tpu.vector_load %arg9[%swap3A_2231, %swap3A_2232] {strides = array<i32>} : memref<64x64xf32, #tpu.memory_space<vmem>>, vector<1x16xf32>,
        %swap3A_2234 = vector.shape_cast %swap3A_2233 : vector<1x16xf32> to vector<16xf32>
        %swap3A_2235 = vector.shape_cast %mul3A_2229 : vector<16xf32> to vector<1x16xf32>
        tpu.vector_store %arg9[%swap3A_2231, %swap3A_2232], %swap3A_2235 {strides = array<i32>} : memref<64x64xf32, #tpu.memory_space<vmem>>, vector<1x16xf32>,
        %mul3A_2236 = vector.broadcast %squeeze3A_2211 : f32 to vector<16xf32>
        %mul3A_2237 = arith.mulf %mul3A_2236, %get3A_87 : vector<16xf32>
        %swap3A_2238 = arith.constant 62 : i32
        %swap3A_2239 = arith.index_cast %swap3A_2238 : i32 to index
        %swap3A_2240 = arith.constant 48 : index
        %swap3A_2241 = tpu.vector_load %arg9[%swap3A_2239, %swap3A_2240] {strides = array<i32>} : memref<64x64xf32, #tpu.memory_space<vmem>>, vector<1x16xf32>,
        %swap3A_2242 = vector.shape_cast %swap3A_2241 : vector<1x16xf32> to vector<16xf32>
        %swap3A_2243 = vector.shape_cast %mul3A_2237 : vector<16xf32> to vector<1x16xf32>
        tpu.vector_store %arg9[%swap3A_2239, %swap3A_2240], %swap3A_2243 {strides = array<i32>} : memref<64x64xf32, #tpu.memory_space<vmem>>, vector<1x16xf32>,
        %slice3A_2244 = vector.extract_strided_slice %get3A_1733 {offsets = [15], sizes = [1], strides = [1]} : vector<16xf32> to vector<1xf32>
        %squeeze3A_2245 = vector.extract %slice3A_2244[0] : f32 from vector<1xf32>
        %mul3A_2246 = vector.broadcast %squeeze3A_2245 : f32 to vector<16xf32>
        %mul3A_2247 = arith.mulf %mul3A_2246, %get3A_75 : vector<16xf32>
        %swap3A_2248 = arith.constant 63 : i32
        %swap3A_2249 = arith.index_cast %swap3A_2248 : i32 to index
        %swap3A_2250 = arith.constant 0 : index
        %swap3A_2251 = tpu.vector_load %arg9[%swap3A_2249, %swap3A_2250] {strides = array<i32>} : memref<64x64xf32, #tpu.memory_space<vmem>>, vector<1x16xf32>,
        %swap3A_2252 = vector.shape_cast %swap3A_2251 : vector<1x16xf32> to vector<16xf32>
        %swap3A_2253 = vector.shape_cast %mul3A_2247 : vector<16xf32> to vector<1x16xf32>
        tpu.vector_store %arg9[%swap3A_2249, %swap3A_2250], %swap3A_2253 {strides = array<i32>} : memref<64x64xf32, #tpu.memory_space<vmem>>, vector<1x16xf32>,
        %mul3A_2254 = vector.broadcast %squeeze3A_2245 : f32 to vector<16xf32>
        %mul3A_2255 = arith.mulf %mul3A_2254, %get3A_79 : vector<16xf32>
        %swap3A_2256 = arith.constant 63 : i32
        %swap3A_2257 = arith.index_cast %swap3A_2256 : i32 to index
        %swap3A_2258 = arith.constant 16 : index
        %swap3A_2259 = tpu.vector_load %arg9[%swap3A_2257, %swap3A_2258] {strides = array<i32>} : memref<64x64xf32, #tpu.memory_space<vmem>>, vector<1x16xf32>,
        %swap3A_2260 = vector.shape_cast %swap3A_2259 : vector<1x16xf32> to vector<16xf32>
        %swap3A_2261 = vector.shape_cast %mul3A_2255 : vector<16xf32> to vector<1x16xf32>
        tpu.vector_store %arg9[%swap3A_2257, %swap3A_2258], %swap3A_2261 {strides = array<i32>} : memref<64x64xf32, #tpu.memory_space<vmem>>, vector<1x16xf32>,
        %mul3A_2262 = vector.broadcast %squeeze3A_2245 : f32 to vector<16xf32>
        %mul3A_2263 = arith.mulf %mul3A_2262, %get3A_83 : vector<16xf32>
        %swap3A_2264 = arith.constant 63 : i32
        %swap3A_2265 = arith.index_cast %swap3A_2264 : i32 to index
        %swap3A_2266 = arith.constant 32 : index
        %swap3A_2267 = tpu.vector_load %arg9[%swap3A_2265, %swap3A_2266] {strides = array<i32>} : memref<64x64xf32, #tpu.memory_space<vmem>>, vector<1x16xf32>,
        %swap3A_2268 = vector.shape_cast %swap3A_2267 : vector<1x16xf32> to vector<16xf32>
        %swap3A_2269 = vector.shape_cast %mul3A_2263 : vector<16xf32> to vector<1x16xf32>
        tpu.vector_store %arg9[%swap3A_2265, %swap3A_2266], %swap3A_2269 {strides = array<i32>} : memref<64x64xf32, #tpu.memory_space<vmem>>, vector<1x16xf32>,
        %mul3A_2270 = vector.broadcast %squeeze3A_2245 : f32 to vector<16xf32>
        %mul3A_2271 = arith.mulf %mul3A_2270, %get3A_87 : vector<16xf32>
        %swap3A_2272 = arith.constant 63 : i32
        %swap3A_2273 = arith.index_cast %swap3A_2272 : i32 to index
        %swap3A_2274 = arith.constant 48 : index
        %swap3A_2275 = tpu.vector_load %arg9[%swap3A_2273, %swap3A_2274] {strides = array<i32>} : memref<64x64xf32, #tpu.memory_space<vmem>>, vector<1x16xf32>,
        %swap3A_2276 = vector.shape_cast %swap3A_2275 : vector<1x16xf32> to vector<16xf32>
        %swap3A_2277 = vector.shape_cast %mul3A_2271 : vector<16xf32> to vector<1x16xf32>
        tpu.vector_store %arg9[%swap3A_2273, %swap3A_2274], %swap3A_2277 {strides = array<i32>} : memref<64x64xf32, #tpu.memory_space<vmem>>, vector<1x16xf32>,
        "tpu.region"() ({
          %run_scoped3A = tpu.sem_alloc : memref<!tpu.dma_semaphore, #tpu.memory_space<semaphore_mem>>
          %dma_start3A = arith.constant 0 : i32
          %dma_start3A_2279 = arith.constant 0 : i32
          %dma_start3A_2280 = tpu.memref_slice %arg11[%dma_start3A, %dma_start3A_2279] : memref<20480x64xf32, #tpu.memory_space<vmem_shared>> -> memref<20480x64xf32, #tpu.memory_space<vmem_shared>>
          tpu.enqueue_indirect_dma source(%arg9 : memref<64x64xf32, #tpu.memory_space<vmem>>) target(%dma_start3A_2280 : memref<20480x64xf32, #tpu.memory_space<vmem_shared>>) offsets(%arg10 : memref<64xi32, #tpu.memory_space<vmem>>) semaphore(%run_scoped3A : memref<!tpu.dma_semaphore, #tpu.memory_space<semaphore_mem>>) {add = true}
          %dma_wait3A = arith.constant 0 : i32
          %dma_wait3A_2281 = arith.constant 0 : i32
          %dma_wait3A_2282 = tpu.memref_slice %arg11[%dma_wait3A, %dma_wait3A_2281] : memref<20480x64xf32, #tpu.memory_space<vmem_shared>> -> memref<20480x64xf32, #tpu.memory_space<vmem_shared>>
          tpu.wait_indirect_dma semaphore(%run_scoped3A : memref<!tpu.dma_semaphore, #tpu.memory_space<semaphore_mem>>) src(%arg9 : memref<64x64xf32, #tpu.memory_space<vmem>>) dst(%dma_wait3A_2282 : memref<20480x64xf32, #tpu.memory_space<vmem_shared>>)
          tpu.yield
        }) : () -> ()
        %scan3A_2278 = arith.constant 0 : i32
        scf.yield %scan3A_2278 : i32
      }
      %scan3A_38 = arith.constant 32 : i32
      %scan3A_39 = arith.constant 0 : i32
      scf.yield %scan3A_39 : i32
    }
    %scan3A_25 = arith.constant 16 : i32
    %barrier3A_26 = arith.constant 0 : index
    tpu.barrier barrier_id(%barrier3A_26)
    "tpu.region"() ({
      %run_scoped3A = tpu.sem_alloc : memref<!tpu.dma_semaphore, #tpu.memory_space<semaphore_mem>>
      %dma_start3A = arith.constant 0 : i32
      %dma_start3A_27 = tpu.memref_slice %arg5[%arg0, %mul3A_0, %dma_start3A] : memref<2x20480x64xf32, #tpu.memory_space<hbm>> -> memref<1x1280x64xf32, #tpu.memory_space<hbm>>
      %dma_start3A_28 = tpu.memref_squeeze %dma_start3A_27 : memref<1x1280x64xf32, #tpu.memory_space<hbm>> -> memref<1280x64xf32, #tpu.memory_space<hbm>>
      %dma_start3A_29 = arith.constant 0 : i32
      %dma_start3A_30 = tpu.memref_slice %arg11[%mul3A_0, %dma_start3A_29] : memref<20480x64xf32, #tpu.memory_space<vmem_shared>> -> memref<1280x64xf32, #tpu.memory_space<vmem_shared>>
      tpu.enqueue_dma source(%dma_start3A_30 : memref<1280x64xf32, #tpu.memory_space<vmem_shared>>) target(%dma_start3A_28 : memref<1280x64xf32, #tpu.memory_space<hbm>>) target_semaphore(%run_scoped3A : memref<!tpu.dma_semaphore, #tpu.memory_space<semaphore_mem>>)
      %dma_wait3A = arith.constant 0 : i32
      %dma_wait3A_31 = tpu.memref_slice %arg5[%arg0, %mul3A_0, %dma_wait3A] : memref<2x20480x64xf32, #tpu.memory_space<hbm>> -> memref<1x1280x64xf32, #tpu.memory_space<hbm>>
      %dma_wait3A_32 = tpu.memref_squeeze %dma_wait3A_31 : memref<1x1280x64xf32, #tpu.memory_space<hbm>> -> memref<1280x64xf32, #tpu.memory_space<hbm>>
      %dma_wait3A_33 = arith.constant 0 : i32
      %dma_wait3A_34 = tpu.memref_slice %arg11[%mul3A_0, %dma_wait3A_33] : memref<20480x64xf32, #tpu.memory_space<vmem_shared>> -> memref<1280x64xf32, #tpu.memory_space<vmem_shared>>
      tpu.wait_dma2 semaphore(%run_scoped3A : memref<!tpu.dma_semaphore, #tpu.memory_space<semaphore_mem>>) src(%dma_wait3A_34 : memref<1280x64xf32, #tpu.memory_space<vmem_shared>>) dst(%dma_wait3A_32 : memref<1280x64xf32, #tpu.memory_space<hbm>>)
      tpu.yield
    }) : () -> ()
    return
  }
}

module attributes {stable_mosaic.version = 14 : i64} {
  func.func @_tc_body(%arg0: i32, %arg1: memref<1x1x16xf32, #tpu.memory_space<smem>>, %arg2: memref<1x256x4096xbf16, #tpu.memory_space<vmem>>, %arg3: memref<128x256xbf16, #tpu.memory_space<vmem>>, %arg4: memref<128x1xf32, #tpu.memory_space<vmem>>, %arg5: memref<8x4096xf32, #tpu.memory_space<vmem>>, %arg6: memref<1x64x4096xf32, #tpu.memory_space<vmem>>, %arg7: memref<1x64x4096xf32, #tpu.memory_space<vmem>>, %arg8: memref<1x64x4096xi32, #tpu.memory_space<vmem>>) attributes {dimension_semantics = [#tpu.dimension_semantics<arbitrary>], iteration_bounds = array<i64: 4>, scalar_prefetch = 0 : i64, scratch_operands = 0 : i64, tpu.core_type = #tpu.core_type<tc>, window_params = [{transform_indices = @transform_0, window_bounds = array<i64: 1, 1, 16>}, {transform_indices = @transform_1, window_bounds = array<i64: 1, 256, 4096>}, {pipeline_mode = #tpu.pipeline_mode<synchronous>, transform_indices = @transform_2, window_bounds = array<i64: 128, 256>}, {pipeline_mode = #tpu.pipeline_mode<synchronous>, transform_indices = @transform_3, window_bounds = array<i64: 128, 1>}, {pipeline_mode = #tpu.pipeline_mode<synchronous>, transform_indices = @transform_4, window_bounds = array<i64: 8, 4096>}, {transform_indices = @transform_5, window_bounds = array<i64: 1, 64, 4096>}, {transform_indices = @transform_6, window_bounds = array<i64: 1, 64, 4096>}, {transform_indices = @transform_7, window_bounds = array<i64: 1, 64, 4096>}]} {
    %get3A = arith.constant 0 : index
    %get3A_0 = arith.constant 0 : index
    %get3A_1 = vector.load %arg3[%get3A, %get3A_0] : memref<128x256xbf16, #tpu.memory_space<vmem>>, vector<128x256xbf16>
    %get3A_2 = arith.constant 0 : index
    %get3A_3 = arith.constant 0 : index
    %get3A_4 = arith.constant 0 : index
    %get3A_5 = vector.load %arg2[%get3A_2, %get3A_3, %get3A_4] : memref<1x256x4096xbf16, #tpu.memory_space<vmem>>, vector<1x256x4096xbf16>
    %get3A_6 = vector.shape_cast %get3A_5 : vector<1x256x4096xbf16> to vector<256x4096xbf16>
    %dot_general3A = arith.constant dense<0.000000e+00> : vector<128x4096xf32>
    %dot_general3A_7 = tpu.matmul %get3A_1, %get3A_6, %dot_general3A {dimension_numbers = #tpu.dot_dimension_numbers<[1], [0], [0], [1], [0, 0, 1, 1], [], []>, transpose_lhs_hint = false} : vector<128x256xbf16>, vector<256x4096xbf16>, vector<128x4096xf32> -> vector<128x4096xf32>
    %get3A_8 = arith.constant 0 : index
    %get3A_9 = arith.constant 0 : index
    %get3A_10 = vector.load %arg4[%get3A_8, %get3A_9] : memref<128x1xf32, #tpu.memory_space<vmem>>, vector<128x1xf32>
    %add3A = vector.broadcast %get3A_10 : vector<128x1xf32> to vector<128x4096xf32>
    %add3A_11 = arith.addf %dot_general3A_7, %add3A : vector<128x4096xf32>
    %slice3A = vector.extract_strided_slice %add3A_11 {offsets = [64, 0], sizes = [64, 4096], strides = [1, 1]} : vector<128x4096xf32> to vector<64x4096xf32>
    %swap3A = arith.constant 0 : index
    %swap3A_12 = arith.constant 0 : index
    %swap3A_13 = arith.constant 0 : index
    %swap3A_14 = vector.load %arg6[%swap3A, %swap3A_12, %swap3A_13] : memref<1x64x4096xf32, #tpu.memory_space<vmem>>, vector<1x64x4096xf32>
    %swap3A_15 = vector.shape_cast %swap3A_14 : vector<1x64x4096xf32> to vector<64x4096xf32>
    %swap3A_16 = vector.shape_cast %slice3A : vector<64x4096xf32> to vector<1x64x4096xf32>
    tpu.vector_store %arg6[%swap3A, %swap3A_12, %swap3A_13], %swap3A_16 {strides = array<i32>} : memref<1x64x4096xf32, #tpu.memory_space<vmem>>, vector<1x64x4096xf32>,
    %slice3A_17 = vector.extract_strided_slice %add3A_11 {offsets = [0, 0], sizes = [56, 4096], strides = [1, 1]} : vector<128x4096xf32> to vector<56x4096xf32>
    %iota3A = tpu.iota {dimensions = array<i32: 0>} : vector<56x1xi32>
    %lt3A = arith.constant 49 : i32
    %lt3A_18 = vector.broadcast %lt3A : i32 to vector<56x1xi32>
    %lt3A_19 = arith.cmpi slt, %iota3A, %lt3A_18 : vector<56x1xi32>
    %jit3A = arith.constant -1.000000e+30 : f32
    %broadcast_in_dim3A = vector.shape_cast %lt3A_19 : vector<56x1xi1> to vector<56x1xi1>
    %broadcast_in_dim3A_20 = vector.broadcast %broadcast_in_dim3A : vector<56x1xi1> to vector<56x4096xi1>
    %broadcast_in_dim3A_21 = vector.broadcast %jit3A : f32 to vector<56x4096xf32>
    %select_n3A = arith.select %broadcast_in_dim3A_20, %slice3A_17, %broadcast_in_dim3A_21 : vector<56x4096xi1>, vector<56x4096xf32>
    %reduce_max3A = arith.constant dense<0xFF800000> : vector<4096xf32>
    %reduce_max3A_22 = vector.multi_reduction <maximumf>, %select_n3A, %reduce_max3A [0] : vector<56x4096xf32> to vector<4096xf32>
    %broadcast_in_dim3A_23 = vector.shape_cast %reduce_max3A_22 : vector<4096xf32> to vector<1x4096xf32>
    %sub3A = vector.broadcast %broadcast_in_dim3A_23 : vector<1x4096xf32> to vector<56x4096xf32>
    %sub3A_24 = arith.subf %select_n3A, %sub3A : vector<56x4096xf32>
    %exp3A = math.exp %sub3A_24 : vector<56x4096xf32>
    %reduce_sum3A = arith.constant dense<0.000000e+00> : vector<4096xf32>
    %reduce_sum3A_25 = vector.multi_reduction <add>, %exp3A, %reduce_sum3A [0] : vector<56x4096xf32> to vector<4096xf32>
    %broadcast_in_dim3A_26 = vector.shape_cast %reduce_sum3A_25 : vector<4096xf32> to vector<1x4096xf32>
    %div3A = vector.broadcast %broadcast_in_dim3A_26 : vector<1x4096xf32> to vector<56x4096xf32>
    %div3A_27 = arith.divf %exp3A, %div3A : vector<56x4096xf32>
    %get3A_28 = arith.constant 0 : index
    %get3A_29 = arith.constant 0 : index
    %get3A_30 = vector.load %arg5[%get3A_28, %get3A_29] : memref<8x4096xf32, #tpu.memory_space<vmem>>, vector<1x4096xf32>
    %get3A_31 = arith.constant 1 : index
    %get3A_32 = arith.constant 0 : index
    %get3A_33 = vector.load %arg5[%get3A_31, %get3A_32] : memref<8x4096xf32, #tpu.memory_space<vmem>>, vector<1x4096xf32>
    %jit3A_34 = arith.constant 2 : i32
    %eq3A = arith.constant 0 : i32
    %eq3A_35 = arith.cmpi eq, %jit3A_34, %eq3A : i32
    %jit3A_36 = arith.constant 1 : i32
    %select_n3A_37 = arith.select %eq3A_35, %jit3A_36, %jit3A_34 : i32
    %rem3A = arith.remsi %arg0, %select_n3A_37 : i32
    %ne3A = arith.constant 0 : i32
    %ne3A_38 = arith.cmpi ne, %rem3A, %ne3A : i32
    %lt3A_39 = arith.constant 0 : i32
    %lt3A_40 = arith.cmpi slt, %rem3A, %lt3A_39 : i32
    %lt3A_41 = arith.constant 0 : i32
    %lt3A_42 = arith.cmpi slt, %select_n3A_37, %lt3A_41 : i32
    %ne3A_43 = arith.xori %lt3A_40, %lt3A_42 : i1
    %and3A = arith.andi %ne3A_43, %ne3A_38 : i1
    %add3A_44 = arith.addi %rem3A, %select_n3A_37 : i32
    %select_n3A_45 = arith.select %and3A, %add3A_44, %rem3A : i32
    %get3A_46 = arith.constant 0 : index
    %get3A_47 = arith.constant 0 : index
    %get3A_48 = arith.constant 0 : index
    %get3A_49 = memref.load %arg1[%get3A_46, %get3A_47, %get3A_48] : memref<1x1x16xf32, #tpu.memory_space<smem>>
    %get3A_50 = arith.constant 0 : index
    %get3A_51 = arith.constant 0 : index
    %get3A_52 = arith.constant 1 : index
    %get3A_53 = memref.load %arg1[%get3A_50, %get3A_51, %get3A_52] : memref<1x1x16xf32, #tpu.memory_space<smem>>
    %get3A_54 = arith.constant 0 : index
    %get3A_55 = arith.constant 0 : index
    %get3A_56 = arith.constant 2 : index
    %get3A_57 = memref.load %arg1[%get3A_54, %get3A_55, %get3A_56] : memref<1x1x16xf32, #tpu.memory_space<smem>>
    %get3A_58 = arith.constant 0 : index
    %get3A_59 = arith.constant 0 : index
    %get3A_60 = arith.constant 3 : index
    %get3A_61 = memref.load %arg1[%get3A_58, %get3A_59, %get3A_60] : memref<1x1x16xf32, #tpu.memory_space<smem>>
    %get3A_62 = arith.constant 0 : index
    %get3A_63 = arith.constant 0 : index
    %get3A_64 = arith.constant 4 : index
    %get3A_65 = memref.load %arg1[%get3A_62, %get3A_63, %get3A_64] : memref<1x1x16xf32, #tpu.memory_space<smem>>
    %get3A_66 = arith.constant 0 : index
    %get3A_67 = arith.constant 0 : index
    %get3A_68 = arith.constant 5 : index
    %get3A_69 = memref.load %arg1[%get3A_66, %get3A_67, %get3A_68] : memref<1x1x16xf32, #tpu.memory_space<smem>>
    %get3A_70 = arith.constant 0 : index
    %get3A_71 = arith.constant 0 : index
    %get3A_72 = arith.constant 6 : index
    %get3A_73 = memref.load %arg1[%get3A_70, %get3A_71, %get3A_72] : memref<1x1x16xf32, #tpu.memory_space<smem>>
    %get3A_74 = arith.constant 0 : index
    %get3A_75 = arith.constant 0 : index
    %get3A_76 = arith.constant 7 : index
    %get3A_77 = memref.load %arg1[%get3A_74, %get3A_75, %get3A_76] : memref<1x1x16xf32, #tpu.memory_space<smem>>
    %get3A_78 = arith.constant 0 : index
    %get3A_79 = arith.constant 0 : index
    %get3A_80 = arith.constant 8 : index
    %get3A_81 = memref.load %arg1[%get3A_78, %get3A_79, %get3A_80] : memref<1x1x16xf32, #tpu.memory_space<smem>>
    %iota3A_82 = tpu.iota {dimensions = array<i32: 0>} : vector<8x1xi32>
    %convert_element_type3A = arith.sitofp %iota3A_82 : vector<8x1xi32> to vector<8x1xf32>
    %add3A_83 = arith.constant 1.000000e+00 : f32
    %add3A_84 = vector.broadcast %add3A_83 : f32 to vector<8x1xf32>
    %add3A_85 = arith.addf %convert_element_type3A, %add3A_84 : vector<8x1xf32>
    %mul3A = vector.broadcast %get3A_30 : vector<1x4096xf32> to vector<8x4096xf32>
    %mul3A_86 = vector.broadcast %add3A_85 : vector<8x1xf32> to vector<8x4096xf32>
    %mul3A_87 = arith.mulf %mul3A, %mul3A_86 : vector<8x4096xf32>
    %convert_element_type3A_88 = arith.truncf %mul3A_87 : vector<8x4096xf32> to vector<8x4096xbf16>
    %convert_element_type3A_89 = arith.extf %convert_element_type3A_88 : vector<8x4096xbf16> to vector<8x4096xf32>
    %mul3A_90 = vector.broadcast %get3A_33 : vector<1x4096xf32> to vector<8x4096xf32>
    %mul3A_91 = vector.broadcast %add3A_85 : vector<8x1xf32> to vector<8x4096xf32>
    %mul3A_92 = arith.mulf %mul3A_90, %mul3A_91 : vector<8x4096xf32>
    %convert_element_type3A_93 = arith.truncf %mul3A_92 : vector<8x4096xf32> to vector<8x4096xbf16>
    %convert_element_type3A_94 = arith.extf %convert_element_type3A_93 : vector<8x4096xbf16> to vector<8x4096xf32>
    %broadcast_in_dim3A_95 = vector.shape_cast %add3A_85 : vector<8x1xf32> to vector<8x1xf32>
    %broadcast_in_dim3A_96 = vector.broadcast %broadcast_in_dim3A_95 : vector<8x1xf32> to vector<8x4096xf32>
    %mul3A_97 = vector.broadcast %get3A_49 : f32 to vector<8x4096xf32>
    %mul3A_98 = arith.mulf %mul3A_97, %convert_element_type3A_89 : vector<8x4096xf32>
    %mul3A_99 = vector.broadcast %get3A_53 : f32 to vector<8x4096xf32>
    %mul3A_100 = arith.mulf %mul3A_99, %convert_element_type3A_94 : vector<8x4096xf32>
    %add3A_101 = arith.addf %mul3A_98, %mul3A_100 : vector<8x4096xf32>
    %mul3A_102 = vector.broadcast %get3A_57 : f32 to vector<8x4096xf32>
    %mul3A_103 = arith.mulf %mul3A_102, %broadcast_in_dim3A_96 : vector<8x4096xf32>
    %add3A_104 = arith.addf %add3A_101, %mul3A_103 : vector<8x4096xf32>
    %add3A_105 = arith.constant 2.500000e+01 : f32
    %add3A_106 = vector.broadcast %add3A_105 : f32 to vector<8x4096xf32>
    %add3A_107 = arith.addf %add3A_104, %add3A_106 : vector<8x4096xf32>
    %div3A_108 = arith.constant 5.000000e-01 : f32
    %div3A_109 = vector.broadcast %div3A_108 : f32 to vector<8x4096xf32>
    %div3A_110 = arith.divf %add3A_107, %div3A_109 : vector<8x4096xf32>
    %mul3A_111 = vector.broadcast %get3A_61 : f32 to vector<8x4096xf32>
    %mul3A_112 = arith.mulf %mul3A_111, %convert_element_type3A_89 : vector<8x4096xf32>
    %mul3A_113 = vector.broadcast %get3A_65 : f32 to vector<8x4096xf32>
    %mul3A_114 = arith.mulf %mul3A_113, %convert_element_type3A_94 : vector<8x4096xf32>
    %add3A_115 = arith.addf %mul3A_112, %mul3A_114 : vector<8x4096xf32>
    %mul3A_116 = vector.broadcast %get3A_69 : f32 to vector<8x4096xf32>
    %mul3A_117 = arith.mulf %mul3A_116, %broadcast_in_dim3A_96 : vector<8x4096xf32>
    %add3A_118 = arith.addf %add3A_115, %mul3A_117 : vector<8x4096xf32>
    %add3A_119 = arith.constant 1.000000e+01 : f32
    %add3A_120 = vector.broadcast %add3A_119 : f32 to vector<8x4096xf32>
    %add3A_121 = arith.addf %add3A_118, %add3A_120 : vector<8x4096xf32>
    %div3A_122 = arith.constant 2.000000e+01 : f32
    %div3A_123 = vector.broadcast %div3A_122 : f32 to vector<8x4096xf32>
    %div3A_124 = arith.divf %add3A_121, %div3A_123 : vector<8x4096xf32>
    %mul3A_125 = vector.broadcast %get3A_73 : f32 to vector<8x4096xf32>
    %mul3A_126 = arith.mulf %mul3A_125, %convert_element_type3A_89 : vector<8x4096xf32>
    %mul3A_127 = vector.broadcast %get3A_77 : f32 to vector<8x4096xf32>
    %mul3A_128 = arith.mulf %mul3A_127, %convert_element_type3A_94 : vector<8x4096xf32>
    %add3A_129 = arith.addf %mul3A_126, %mul3A_128 : vector<8x4096xf32>
    %mul3A_130 = vector.broadcast %get3A_81 : f32 to vector<8x4096xf32>
    %mul3A_131 = arith.mulf %mul3A_130, %broadcast_in_dim3A_96 : vector<8x4096xf32>
    %add3A_132 = arith.addf %add3A_129, %mul3A_131 : vector<8x4096xf32>
    %sub3A_133 = arith.constant 1.000000e+00 : f32
    %sub3A_134 = vector.broadcast %sub3A_133 : f32 to vector<8x4096xf32>
    %sub3A_135 = arith.subf %add3A_132, %sub3A_134 : vector<8x4096xf32>
    %div3A_136 = arith.constant 5.000000e-01 : f32
    %div3A_137 = vector.broadcast %div3A_136 : f32 to vector<8x4096xf32>
    %div3A_138 = arith.divf %sub3A_135, %div3A_137 : vector<8x4096xf32>
    %convert_element_type3A_139 = arith.fptosi %div3A_110 : vector<8x4096xf32> to vector<8x4096xi32>
    %convert_element_type3A_140 = arith.fptosi %div3A_124 : vector<8x4096xf32> to vector<8x4096xi32>
    %convert_element_type3A_141 = arith.fptosi %div3A_138 : vector<8x4096xf32> to vector<8x4096xi32>
    %ge3A = arith.constant 0 : i32
    %ge3A_142 = vector.broadcast %ge3A : i32 to vector<8x4096xi32>
    %ge3A_143 = arith.cmpi sge, %convert_element_type3A_139, %ge3A_142 : vector<8x4096xi32>
    %lt3A_144 = arith.constant 100 : i32
    %lt3A_145 = vector.broadcast %lt3A_144 : i32 to vector<8x4096xi32>
    %lt3A_146 = arith.cmpi slt, %convert_element_type3A_139, %lt3A_145 : vector<8x4096xi32>
    %and3A_147 = arith.andi %ge3A_143, %lt3A_146 : vector<8x4096xi1>
    %ge3A_148 = arith.constant 0 : i32
    %ge3A_149 = vector.broadcast %ge3A_148 : i32 to vector<8x4096xi32>
    %ge3A_150 = arith.cmpi sge, %convert_element_type3A_140, %ge3A_149 : vector<8x4096xi32>
    %and3A_151 = arith.andi %and3A_147, %ge3A_150 : vector<8x4096xi1>
    %lt3A_152 = arith.constant 1 : i32
    %lt3A_153 = vector.broadcast %lt3A_152 : i32 to vector<8x4096xi32>
    %lt3A_154 = arith.cmpi slt, %convert_element_type3A_140, %lt3A_153 : vector<8x4096xi32>
    %and3A_155 = arith.andi %and3A_151, %lt3A_154 : vector<8x4096xi1>
    %ge3A_156 = arith.constant 0 : i32
    %ge3A_157 = vector.broadcast %ge3A_156 : i32 to vector<8x4096xi32>
    %ge3A_158 = arith.cmpi sge, %convert_element_type3A_141, %ge3A_157 : vector<8x4096xi32>
    %and3A_159 = arith.andi %and3A_155, %ge3A_158 : vector<8x4096xi1>
    %lt3A_160 = arith.constant 98 : i32
    %lt3A_161 = vector.broadcast %lt3A_160 : i32 to vector<8x4096xi32>
    %lt3A_162 = arith.cmpi slt, %convert_element_type3A_141, %lt3A_161 : vector<8x4096xi32>
    %and3A_163 = arith.andi %and3A_159, %lt3A_162 : vector<8x4096xi1>
    %le3A = arith.constant 4.900000e+01 : f32
    %le3A_164 = vector.broadcast %le3A : f32 to vector<8x1xf32>
    %le3A_165 = arith.cmpf ole, %add3A_85, %le3A_164 : vector<8x1xf32>
    %and3A_166 = vector.broadcast %le3A_165 : vector<8x1xi1> to vector<8x4096xi1>
    %and3A_167 = arith.andi %and3A_163, %and3A_166 : vector<8x4096xi1>
    %slice3A_168 = vector.extract_strided_slice %div3A_27 {offsets = [0, 0], sizes = [8, 4096], strides = [1, 1]} : vector<56x4096xf32> to vector<8x4096xf32>
    %jit3A_169 = arith.constant 0.000000e+00 : f32
    %broadcast_in_dim3A_170 = vector.broadcast %jit3A_169 : f32 to vector<8x4096xf32>
    %select_n3A_171 = arith.select %and3A_167, %slice3A_168, %broadcast_in_dim3A_170 : vector<8x4096xi1>, vector<8x4096xf32>
    %swap3A_172 = arith.constant 0 : index
    %swap3A_173 = arith.constant 0 : index
    %swap3A_174 = arith.constant 0 : index
    %swap3A_175 = vector.load %arg7[%swap3A_172, %swap3A_173, %swap3A_174] : memref<1x64x4096xf32, #tpu.memory_space<vmem>>, vector<1x8x4096xf32>
    %swap3A_176 = vector.shape_cast %swap3A_175 : vector<1x8x4096xf32> to vector<8x4096xf32>
    %swap3A_177 = vector.shape_cast %select_n3A_171 : vector<8x4096xf32> to vector<1x8x4096xf32>
    tpu.vector_store %arg7[%swap3A_172, %swap3A_173, %swap3A_174], %swap3A_177 {strides = array<i32>} : memref<1x64x4096xf32, #tpu.memory_space<vmem>>, vector<1x8x4096xf32>,
    %mul3A_178 = arith.constant 100 : i32
    %mul3A_179 = vector.broadcast %mul3A_178 : i32 to vector<8x4096xi32>
    %mul3A_180 = arith.muli %convert_element_type3A_141, %mul3A_179 : vector<8x4096xi32>
    %add3A_181 = arith.addi %mul3A_180, %convert_element_type3A_139 : vector<8x4096xi32>
    %mul3A_182 = arith.constant 9800 : i32
    %mul3A_183 = arith.muli %select_n3A_45, %mul3A_182 : i32
    %add3A_184 = vector.broadcast %mul3A_183 : i32 to vector<8x4096xi32>
    %add3A_185 = arith.addi %add3A_181, %add3A_184 : vector<8x4096xi32>
    %jit3A_186 = arith.constant 19600 : i32
    %broadcast_in_dim3A_187 = vector.broadcast %jit3A_186 : i32 to vector<8x4096xi32>
    %select_n3A_188 = arith.select %and3A_167, %add3A_185, %broadcast_in_dim3A_187 : vector<8x4096xi1>, vector<8x4096xi32>
    %swap3A_189 = arith.constant 0 : index
    %swap3A_190 = arith.constant 0 : index
    %swap3A_191 = arith.constant 0 : index
    %swap3A_192 = vector.load %arg8[%swap3A_189, %swap3A_190, %swap3A_191] : memref<1x64x4096xi32, #tpu.memory_space<vmem>>, vector<1x8x4096xi32>
    %swap3A_193 = vector.shape_cast %swap3A_192 : vector<1x8x4096xi32> to vector<8x4096xi32>
    %swap3A_194 = vector.shape_cast %select_n3A_188 : vector<8x4096xi32> to vector<1x8x4096xi32>
    tpu.vector_store %arg8[%swap3A_189, %swap3A_190, %swap3A_191], %swap3A_194 {strides = array<i32>} : memref<1x64x4096xi32, #tpu.memory_space<vmem>>, vector<1x8x4096xi32>,
    %iota3A_195 = tpu.iota {dimensions = array<i32: 0>} : vector<8x1xi32>
    %convert_element_type3A_196 = arith.sitofp %iota3A_195 : vector<8x1xi32> to vector<8x1xf32>
    %add3A_197 = arith.constant 9.000000e+00 : f32
    %add3A_198 = vector.broadcast %add3A_197 : f32 to vector<8x1xf32>
    %add3A_199 = arith.addf %convert_element_type3A_196, %add3A_198 : vector<8x1xf32>
    %mul3A_200 = vector.broadcast %get3A_30 : vector<1x4096xf32> to vector<8x4096xf32>
    %mul3A_201 = vector.broadcast %add3A_199 : vector<8x1xf32> to vector<8x4096xf32>
    %mul3A_202 = arith.mulf %mul3A_200, %mul3A_201 : vector<8x4096xf32>
    %convert_element_type3A_203 = arith.truncf %mul3A_202 : vector<8x4096xf32> to vector<8x4096xbf16>
    %convert_element_type3A_204 = arith.extf %convert_element_type3A_203 : vector<8x4096xbf16> to vector<8x4096xf32>
    %mul3A_205 = vector.broadcast %get3A_33 : vector<1x4096xf32> to vector<8x4096xf32>
    %mul3A_206 = vector.broadcast %add3A_199 : vector<8x1xf32> to vector<8x4096xf32>
    %mul3A_207 = arith.mulf %mul3A_205, %mul3A_206 : vector<8x4096xf32>
    %convert_element_type3A_208 = arith.truncf %mul3A_207 : vector<8x4096xf32> to vector<8x4096xbf16>
    %convert_element_type3A_209 = arith.extf %convert_element_type3A_208 : vector<8x4096xbf16> to vector<8x4096xf32>
    %broadcast_in_dim3A_210 = vector.shape_cast %add3A_199 : vector<8x1xf32> to vector<8x1xf32>
    %broadcast_in_dim3A_211 = vector.broadcast %broadcast_in_dim3A_210 : vector<8x1xf32> to vector<8x4096xf32>
    %mul3A_212 = vector.broadcast %get3A_49 : f32 to vector<8x4096xf32>
    %mul3A_213 = arith.mulf %mul3A_212, %convert_element_type3A_204 : vector<8x4096xf32>
    %mul3A_214 = vector.broadcast %get3A_53 : f32 to vector<8x4096xf32>
    %mul3A_215 = arith.mulf %mul3A_214, %convert_element_type3A_209 : vector<8x4096xf32>
    %add3A_216 = arith.addf %mul3A_213, %mul3A_215 : vector<8x4096xf32>
    %mul3A_217 = vector.broadcast %get3A_57 : f32 to vector<8x4096xf32>
    %mul3A_218 = arith.mulf %mul3A_217, %broadcast_in_dim3A_211 : vector<8x4096xf32>
    %add3A_219 = arith.addf %add3A_216, %mul3A_218 : vector<8x4096xf32>
    %add3A_220 = arith.constant 2.500000e+01 : f32
    %add3A_221 = vector.broadcast %add3A_220 : f32 to vector<8x4096xf32>
    %add3A_222 = arith.addf %add3A_219, %add3A_221 : vector<8x4096xf32>
    %div3A_223 = arith.constant 5.000000e-01 : f32
    %div3A_224 = vector.broadcast %div3A_223 : f32 to vector<8x4096xf32>
    %div3A_225 = arith.divf %add3A_222, %div3A_224 : vector<8x4096xf32>
    %mul3A_226 = vector.broadcast %get3A_61 : f32 to vector<8x4096xf32>
    %mul3A_227 = arith.mulf %mul3A_226, %convert_element_type3A_204 : vector<8x4096xf32>
    %mul3A_228 = vector.broadcast %get3A_65 : f32 to vector<8x4096xf32>
    %mul3A_229 = arith.mulf %mul3A_228, %convert_element_type3A_209 : vector<8x4096xf32>
    %add3A_230 = arith.addf %mul3A_227, %mul3A_229 : vector<8x4096xf32>
    %mul3A_231 = vector.broadcast %get3A_69 : f32 to vector<8x4096xf32>
    %mul3A_232 = arith.mulf %mul3A_231, %broadcast_in_dim3A_211 : vector<8x4096xf32>
    %add3A_233 = arith.addf %add3A_230, %mul3A_232 : vector<8x4096xf32>
    %add3A_234 = arith.constant 1.000000e+01 : f32
    %add3A_235 = vector.broadcast %add3A_234 : f32 to vector<8x4096xf32>
    %add3A_236 = arith.addf %add3A_233, %add3A_235 : vector<8x4096xf32>
    %div3A_237 = arith.constant 2.000000e+01 : f32
    %div3A_238 = vector.broadcast %div3A_237 : f32 to vector<8x4096xf32>
    %div3A_239 = arith.divf %add3A_236, %div3A_238 : vector<8x4096xf32>
    %mul3A_240 = vector.broadcast %get3A_73 : f32 to vector<8x4096xf32>
    %mul3A_241 = arith.mulf %mul3A_240, %convert_element_type3A_204 : vector<8x4096xf32>
    %mul3A_242 = vector.broadcast %get3A_77 : f32 to vector<8x4096xf32>
    %mul3A_243 = arith.mulf %mul3A_242, %convert_element_type3A_209 : vector<8x4096xf32>
    %add3A_244 = arith.addf %mul3A_241, %mul3A_243 : vector<8x4096xf32>
    %mul3A_245 = vector.broadcast %get3A_81 : f32 to vector<8x4096xf32>
    %mul3A_246 = arith.mulf %mul3A_245, %broadcast_in_dim3A_211 : vector<8x4096xf32>
    %add3A_247 = arith.addf %add3A_244, %mul3A_246 : vector<8x4096xf32>
    %sub3A_248 = arith.constant 1.000000e+00 : f32
    %sub3A_249 = vector.broadcast %sub3A_248 : f32 to vector<8x4096xf32>
    %sub3A_250 = arith.subf %add3A_247, %sub3A_249 : vector<8x4096xf32>
    %div3A_251 = arith.constant 5.000000e-01 : f32
    %div3A_252 = vector.broadcast %div3A_251 : f32 to vector<8x4096xf32>
    %div3A_253 = arith.divf %sub3A_250, %div3A_252 : vector<8x4096xf32>
    %convert_element_type3A_254 = arith.fptosi %div3A_225 : vector<8x4096xf32> to vector<8x4096xi32>
    %convert_element_type3A_255 = arith.fptosi %div3A_239 : vector<8x4096xf32> to vector<8x4096xi32>
    %convert_element_type3A_256 = arith.fptosi %div3A_253 : vector<8x4096xf32> to vector<8x4096xi32>
    %ge3A_257 = arith.constant 0 : i32
    %ge3A_258 = vector.broadcast %ge3A_257 : i32 to vector<8x4096xi32>
    %ge3A_259 = arith.cmpi sge, %convert_element_type3A_254, %ge3A_258 : vector<8x4096xi32>
    %lt3A_260 = arith.constant 100 : i32
    %lt3A_261 = vector.broadcast %lt3A_260 : i32 to vector<8x4096xi32>
    %lt3A_262 = arith.cmpi slt, %convert_element_type3A_254, %lt3A_261 : vector<8x4096xi32>
    %and3A_263 = arith.andi %ge3A_259, %lt3A_262 : vector<8x4096xi1>
    %ge3A_264 = arith.constant 0 : i32
    %ge3A_265 = vector.broadcast %ge3A_264 : i32 to vector<8x4096xi32>
    %ge3A_266 = arith.cmpi sge, %convert_element_type3A_255, %ge3A_265 : vector<8x4096xi32>
    %and3A_267 = arith.andi %and3A_263, %ge3A_266 : vector<8x4096xi1>
    %lt3A_268 = arith.constant 1 : i32
    %lt3A_269 = vector.broadcast %lt3A_268 : i32 to vector<8x4096xi32>
    %lt3A_270 = arith.cmpi slt, %convert_element_type3A_255, %lt3A_269 : vector<8x4096xi32>
    %and3A_271 = arith.andi %and3A_267, %lt3A_270 : vector<8x4096xi1>
    %ge3A_272 = arith.constant 0 : i32
    %ge3A_273 = vector.broadcast %ge3A_272 : i32 to vector<8x4096xi32>
    %ge3A_274 = arith.cmpi sge, %convert_element_type3A_256, %ge3A_273 : vector<8x4096xi32>
    %and3A_275 = arith.andi %and3A_271, %ge3A_274 : vector<8x4096xi1>
    %lt3A_276 = arith.constant 98 : i32
    %lt3A_277 = vector.broadcast %lt3A_276 : i32 to vector<8x4096xi32>
    %lt3A_278 = arith.cmpi slt, %convert_element_type3A_256, %lt3A_277 : vector<8x4096xi32>
    %and3A_279 = arith.andi %and3A_275, %lt3A_278 : vector<8x4096xi1>
    %le3A_280 = arith.constant 4.900000e+01 : f32
    %le3A_281 = vector.broadcast %le3A_280 : f32 to vector<8x1xf32>
    %le3A_282 = arith.cmpf ole, %add3A_199, %le3A_281 : vector<8x1xf32>
    %and3A_283 = vector.broadcast %le3A_282 : vector<8x1xi1> to vector<8x4096xi1>
    %and3A_284 = arith.andi %and3A_279, %and3A_283 : vector<8x4096xi1>
    %slice3A_285 = vector.extract_strided_slice %div3A_27 {offsets = [8, 0], sizes = [8, 4096], strides = [1, 1]} : vector<56x4096xf32> to vector<8x4096xf32>
    %jit3A_286 = arith.constant 0.000000e+00 : f32
    %broadcast_in_dim3A_287 = vector.broadcast %jit3A_286 : f32 to vector<8x4096xf32>
    %select_n3A_288 = arith.select %and3A_284, %slice3A_285, %broadcast_in_dim3A_287 : vector<8x4096xi1>, vector<8x4096xf32>
    %swap3A_289 = arith.constant 0 : index
    %swap3A_290 = arith.constant 8 : index
    %swap3A_291 = arith.constant 0 : index
    %swap3A_292 = vector.load %arg7[%swap3A_289, %swap3A_290, %swap3A_291] : memref<1x64x4096xf32, #tpu.memory_space<vmem>>, vector<1x8x4096xf32>
    %swap3A_293 = vector.shape_cast %swap3A_292 : vector<1x8x4096xf32> to vector<8x4096xf32>
    %swap3A_294 = vector.shape_cast %select_n3A_288 : vector<8x4096xf32> to vector<1x8x4096xf32>
    tpu.vector_store %arg7[%swap3A_289, %swap3A_290, %swap3A_291], %swap3A_294 {strides = array<i32>} : memref<1x64x4096xf32, #tpu.memory_space<vmem>>, vector<1x8x4096xf32>,
    %mul3A_295 = arith.constant 100 : i32
    %mul3A_296 = vector.broadcast %mul3A_295 : i32 to vector<8x4096xi32>
    %mul3A_297 = arith.muli %convert_element_type3A_256, %mul3A_296 : vector<8x4096xi32>
    %add3A_298 = arith.addi %mul3A_297, %convert_element_type3A_254 : vector<8x4096xi32>
    %mul3A_299 = arith.constant 9800 : i32
    %mul3A_300 = arith.muli %select_n3A_45, %mul3A_299 : i32
    %add3A_301 = vector.broadcast %mul3A_300 : i32 to vector<8x4096xi32>
    %add3A_302 = arith.addi %add3A_298, %add3A_301 : vector<8x4096xi32>
    %jit3A_303 = arith.constant 19600 : i32
    %broadcast_in_dim3A_304 = vector.broadcast %jit3A_303 : i32 to vector<8x4096xi32>
    %select_n3A_305 = arith.select %and3A_284, %add3A_302, %broadcast_in_dim3A_304 : vector<8x4096xi1>, vector<8x4096xi32>
    %swap3A_306 = arith.constant 0 : index
    %swap3A_307 = arith.constant 8 : index
    %swap3A_308 = arith.constant 0 : index
    %swap3A_309 = vector.load %arg8[%swap3A_306, %swap3A_307, %swap3A_308] : memref<1x64x4096xi32, #tpu.memory_space<vmem>>, vector<1x8x4096xi32>
    %swap3A_310 = vector.shape_cast %swap3A_309 : vector<1x8x4096xi32> to vector<8x4096xi32>
    %swap3A_311 = vector.shape_cast %select_n3A_305 : vector<8x4096xi32> to vector<1x8x4096xi32>
    tpu.vector_store %arg8[%swap3A_306, %swap3A_307, %swap3A_308], %swap3A_311 {strides = array<i32>} : memref<1x64x4096xi32, #tpu.memory_space<vmem>>, vector<1x8x4096xi32>,
    %iota3A_312 = tpu.iota {dimensions = array<i32: 0>} : vector<8x1xi32>
    %convert_element_type3A_313 = arith.sitofp %iota3A_312 : vector<8x1xi32> to vector<8x1xf32>
    %add3A_314 = arith.constant 1.700000e+01 : f32
    %add3A_315 = vector.broadcast %add3A_314 : f32 to vector<8x1xf32>
    %add3A_316 = arith.addf %convert_element_type3A_313, %add3A_315 : vector<8x1xf32>
    %mul3A_317 = vector.broadcast %get3A_30 : vector<1x4096xf32> to vector<8x4096xf32>
    %mul3A_318 = vector.broadcast %add3A_316 : vector<8x1xf32> to vector<8x4096xf32>
    %mul3A_319 = arith.mulf %mul3A_317, %mul3A_318 : vector<8x4096xf32>
    %convert_element_type3A_320 = arith.truncf %mul3A_319 : vector<8x4096xf32> to vector<8x4096xbf16>
    %convert_element_type3A_321 = arith.extf %convert_element_type3A_320 : vector<8x4096xbf16> to vector<8x4096xf32>
    %mul3A_322 = vector.broadcast %get3A_33 : vector<1x4096xf32> to vector<8x4096xf32>
    %mul3A_323 = vector.broadcast %add3A_316 : vector<8x1xf32> to vector<8x4096xf32>
    %mul3A_324 = arith.mulf %mul3A_322, %mul3A_323 : vector<8x4096xf32>
    %convert_element_type3A_325 = arith.truncf %mul3A_324 : vector<8x4096xf32> to vector<8x4096xbf16>
    %convert_element_type3A_326 = arith.extf %convert_element_type3A_325 : vector<8x4096xbf16> to vector<8x4096xf32>
    %broadcast_in_dim3A_327 = vector.shape_cast %add3A_316 : vector<8x1xf32> to vector<8x1xf32>
    %broadcast_in_dim3A_328 = vector.broadcast %broadcast_in_dim3A_327 : vector<8x1xf32> to vector<8x4096xf32>
    %mul3A_329 = vector.broadcast %get3A_49 : f32 to vector<8x4096xf32>
    %mul3A_330 = arith.mulf %mul3A_329, %convert_element_type3A_321 : vector<8x4096xf32>
    %mul3A_331 = vector.broadcast %get3A_53 : f32 to vector<8x4096xf32>
    %mul3A_332 = arith.mulf %mul3A_331, %convert_element_type3A_326 : vector<8x4096xf32>
    %add3A_333 = arith.addf %mul3A_330, %mul3A_332 : vector<8x4096xf32>
    %mul3A_334 = vector.broadcast %get3A_57 : f32 to vector<8x4096xf32>
    %mul3A_335 = arith.mulf %mul3A_334, %broadcast_in_dim3A_328 : vector<8x4096xf32>
    %add3A_336 = arith.addf %add3A_333, %mul3A_335 : vector<8x4096xf32>
    %add3A_337 = arith.constant 2.500000e+01 : f32
    %add3A_338 = vector.broadcast %add3A_337 : f32 to vector<8x4096xf32>
    %add3A_339 = arith.addf %add3A_336, %add3A_338 : vector<8x4096xf32>
    %div3A_340 = arith.constant 5.000000e-01 : f32
    %div3A_341 = vector.broadcast %div3A_340 : f32 to vector<8x4096xf32>
    %div3A_342 = arith.divf %add3A_339, %div3A_341 : vector<8x4096xf32>
    %mul3A_343 = vector.broadcast %get3A_61 : f32 to vector<8x4096xf32>
    %mul3A_344 = arith.mulf %mul3A_343, %convert_element_type3A_321 : vector<8x4096xf32>
    %mul3A_345 = vector.broadcast %get3A_65 : f32 to vector<8x4096xf32>
    %mul3A_346 = arith.mulf %mul3A_345, %convert_element_type3A_326 : vector<8x4096xf32>
    %add3A_347 = arith.addf %mul3A_344, %mul3A_346 : vector<8x4096xf32>
    %mul3A_348 = vector.broadcast %get3A_69 : f32 to vector<8x4096xf32>
    %mul3A_349 = arith.mulf %mul3A_348, %broadcast_in_dim3A_328 : vector<8x4096xf32>
    %add3A_350 = arith.addf %add3A_347, %mul3A_349 : vector<8x4096xf32>
    %add3A_351 = arith.constant 1.000000e+01 : f32
    %add3A_352 = vector.broadcast %add3A_351 : f32 to vector<8x4096xf32>
    %add3A_353 = arith.addf %add3A_350, %add3A_352 : vector<8x4096xf32>
    %div3A_354 = arith.constant 2.000000e+01 : f32
    %div3A_355 = vector.broadcast %div3A_354 : f32 to vector<8x4096xf32>
    %div3A_356 = arith.divf %add3A_353, %div3A_355 : vector<8x4096xf32>
    %mul3A_357 = vector.broadcast %get3A_73 : f32 to vector<8x4096xf32>
    %mul3A_358 = arith.mulf %mul3A_357, %convert_element_type3A_321 : vector<8x4096xf32>
    %mul3A_359 = vector.broadcast %get3A_77 : f32 to vector<8x4096xf32>
    %mul3A_360 = arith.mulf %mul3A_359, %convert_element_type3A_326 : vector<8x4096xf32>
    %add3A_361 = arith.addf %mul3A_358, %mul3A_360 : vector<8x4096xf32>
    %mul3A_362 = vector.broadcast %get3A_81 : f32 to vector<8x4096xf32>
    %mul3A_363 = arith.mulf %mul3A_362, %broadcast_in_dim3A_328 : vector<8x4096xf32>
    %add3A_364 = arith.addf %add3A_361, %mul3A_363 : vector<8x4096xf32>
    %sub3A_365 = arith.constant 1.000000e+00 : f32
    %sub3A_366 = vector.broadcast %sub3A_365 : f32 to vector<8x4096xf32>
    %sub3A_367 = arith.subf %add3A_364, %sub3A_366 : vector<8x4096xf32>
    %div3A_368 = arith.constant 5.000000e-01 : f32
    %div3A_369 = vector.broadcast %div3A_368 : f32 to vector<8x4096xf32>
    %div3A_370 = arith.divf %sub3A_367, %div3A_369 : vector<8x4096xf32>
    %convert_element_type3A_371 = arith.fptosi %div3A_342 : vector<8x4096xf32> to vector<8x4096xi32>
    %convert_element_type3A_372 = arith.fptosi %div3A_356 : vector<8x4096xf32> to vector<8x4096xi32>
    %convert_element_type3A_373 = arith.fptosi %div3A_370 : vector<8x4096xf32> to vector<8x4096xi32>
    %ge3A_374 = arith.constant 0 : i32
    %ge3A_375 = vector.broadcast %ge3A_374 : i32 to vector<8x4096xi32>
    %ge3A_376 = arith.cmpi sge, %convert_element_type3A_371, %ge3A_375 : vector<8x4096xi32>
    %lt3A_377 = arith.constant 100 : i32
    %lt3A_378 = vector.broadcast %lt3A_377 : i32 to vector<8x4096xi32>
    %lt3A_379 = arith.cmpi slt, %convert_element_type3A_371, %lt3A_378 : vector<8x4096xi32>
    %and3A_380 = arith.andi %ge3A_376, %lt3A_379 : vector<8x4096xi1>
    %ge3A_381 = arith.constant 0 : i32
    %ge3A_382 = vector.broadcast %ge3A_381 : i32 to vector<8x4096xi32>
    %ge3A_383 = arith.cmpi sge, %convert_element_type3A_372, %ge3A_382 : vector<8x4096xi32>
    %and3A_384 = arith.andi %and3A_380, %ge3A_383 : vector<8x4096xi1>
    %lt3A_385 = arith.constant 1 : i32
    %lt3A_386 = vector.broadcast %lt3A_385 : i32 to vector<8x4096xi32>
    %lt3A_387 = arith.cmpi slt, %convert_element_type3A_372, %lt3A_386 : vector<8x4096xi32>
    %and3A_388 = arith.andi %and3A_384, %lt3A_387 : vector<8x4096xi1>
    %ge3A_389 = arith.constant 0 : i32
    %ge3A_390 = vector.broadcast %ge3A_389 : i32 to vector<8x4096xi32>
    %ge3A_391 = arith.cmpi sge, %convert_element_type3A_373, %ge3A_390 : vector<8x4096xi32>
    %and3A_392 = arith.andi %and3A_388, %ge3A_391 : vector<8x4096xi1>
    %lt3A_393 = arith.constant 98 : i32
    %lt3A_394 = vector.broadcast %lt3A_393 : i32 to vector<8x4096xi32>
    %lt3A_395 = arith.cmpi slt, %convert_element_type3A_373, %lt3A_394 : vector<8x4096xi32>
    %and3A_396 = arith.andi %and3A_392, %lt3A_395 : vector<8x4096xi1>
    %le3A_397 = arith.constant 4.900000e+01 : f32
    %le3A_398 = vector.broadcast %le3A_397 : f32 to vector<8x1xf32>
    %le3A_399 = arith.cmpf ole, %add3A_316, %le3A_398 : vector<8x1xf32>
    %and3A_400 = vector.broadcast %le3A_399 : vector<8x1xi1> to vector<8x4096xi1>
    %and3A_401 = arith.andi %and3A_396, %and3A_400 : vector<8x4096xi1>
    %slice3A_402 = vector.extract_strided_slice %div3A_27 {offsets = [16, 0], sizes = [8, 4096], strides = [1, 1]} : vector<56x4096xf32> to vector<8x4096xf32>
    %jit3A_403 = arith.constant 0.000000e+00 : f32
    %broadcast_in_dim3A_404 = vector.broadcast %jit3A_403 : f32 to vector<8x4096xf32>
    %select_n3A_405 = arith.select %and3A_401, %slice3A_402, %broadcast_in_dim3A_404 : vector<8x4096xi1>, vector<8x4096xf32>
    %swap3A_406 = arith.constant 0 : index
    %swap3A_407 = arith.constant 16 : index
    %swap3A_408 = arith.constant 0 : index
    %swap3A_409 = vector.load %arg7[%swap3A_406, %swap3A_407, %swap3A_408] : memref<1x64x4096xf32, #tpu.memory_space<vmem>>, vector<1x8x4096xf32>
    %swap3A_410 = vector.shape_cast %swap3A_409 : vector<1x8x4096xf32> to vector<8x4096xf32>
    %swap3A_411 = vector.shape_cast %select_n3A_405 : vector<8x4096xf32> to vector<1x8x4096xf32>
    tpu.vector_store %arg7[%swap3A_406, %swap3A_407, %swap3A_408], %swap3A_411 {strides = array<i32>} : memref<1x64x4096xf32, #tpu.memory_space<vmem>>, vector<1x8x4096xf32>,
    %mul3A_412 = arith.constant 100 : i32
    %mul3A_413 = vector.broadcast %mul3A_412 : i32 to vector<8x4096xi32>
    %mul3A_414 = arith.muli %convert_element_type3A_373, %mul3A_413 : vector<8x4096xi32>
    %add3A_415 = arith.addi %mul3A_414, %convert_element_type3A_371 : vector<8x4096xi32>
    %mul3A_416 = arith.constant 9800 : i32
    %mul3A_417 = arith.muli %select_n3A_45, %mul3A_416 : i32
    %add3A_418 = vector.broadcast %mul3A_417 : i32 to vector<8x4096xi32>
    %add3A_419 = arith.addi %add3A_415, %add3A_418 : vector<8x4096xi32>
    %jit3A_420 = arith.constant 19600 : i32
    %broadcast_in_dim3A_421 = vector.broadcast %jit3A_420 : i32 to vector<8x4096xi32>
    %select_n3A_422 = arith.select %and3A_401, %add3A_419, %broadcast_in_dim3A_421 : vector<8x4096xi1>, vector<8x4096xi32>
    %swap3A_423 = arith.constant 0 : index
    %swap3A_424 = arith.constant 16 : index
    %swap3A_425 = arith.constant 0 : index
    %swap3A_426 = vector.load %arg8[%swap3A_423, %swap3A_424, %swap3A_425] : memref<1x64x4096xi32, #tpu.memory_space<vmem>>, vector<1x8x4096xi32>
    %swap3A_427 = vector.shape_cast %swap3A_426 : vector<1x8x4096xi32> to vector<8x4096xi32>
    %swap3A_428 = vector.shape_cast %select_n3A_422 : vector<8x4096xi32> to vector<1x8x4096xi32>
    tpu.vector_store %arg8[%swap3A_423, %swap3A_424, %swap3A_425], %swap3A_428 {strides = array<i32>} : memref<1x64x4096xi32, #tpu.memory_space<vmem>>, vector<1x8x4096xi32>,
    %iota3A_429 = tpu.iota {dimensions = array<i32: 0>} : vector<8x1xi32>
    %convert_element_type3A_430 = arith.sitofp %iota3A_429 : vector<8x1xi32> to vector<8x1xf32>
    %add3A_431 = arith.constant 2.500000e+01 : f32
    %add3A_432 = vector.broadcast %add3A_431 : f32 to vector<8x1xf32>
    %add3A_433 = arith.addf %convert_element_type3A_430, %add3A_432 : vector<8x1xf32>
    %mul3A_434 = vector.broadcast %get3A_30 : vector<1x4096xf32> to vector<8x4096xf32>
    %mul3A_435 = vector.broadcast %add3A_433 : vector<8x1xf32> to vector<8x4096xf32>
    %mul3A_436 = arith.mulf %mul3A_434, %mul3A_435 : vector<8x4096xf32>
    %convert_element_type3A_437 = arith.truncf %mul3A_436 : vector<8x4096xf32> to vector<8x4096xbf16>
    %convert_element_type3A_438 = arith.extf %convert_element_type3A_437 : vector<8x4096xbf16> to vector<8x4096xf32>
    %mul3A_439 = vector.broadcast %get3A_33 : vector<1x4096xf32> to vector<8x4096xf32>
    %mul3A_440 = vector.broadcast %add3A_433 : vector<8x1xf32> to vector<8x4096xf32>
    %mul3A_441 = arith.mulf %mul3A_439, %mul3A_440 : vector<8x4096xf32>
    %convert_element_type3A_442 = arith.truncf %mul3A_441 : vector<8x4096xf32> to vector<8x4096xbf16>
    %convert_element_type3A_443 = arith.extf %convert_element_type3A_442 : vector<8x4096xbf16> to vector<8x4096xf32>
    %broadcast_in_dim3A_444 = vector.shape_cast %add3A_433 : vector<8x1xf32> to vector<8x1xf32>
    %broadcast_in_dim3A_445 = vector.broadcast %broadcast_in_dim3A_444 : vector<8x1xf32> to vector<8x4096xf32>
    %mul3A_446 = vector.broadcast %get3A_49 : f32 to vector<8x4096xf32>
    %mul3A_447 = arith.mulf %mul3A_446, %convert_element_type3A_438 : vector<8x4096xf32>
    %mul3A_448 = vector.broadcast %get3A_53 : f32 to vector<8x4096xf32>
    %mul3A_449 = arith.mulf %mul3A_448, %convert_element_type3A_443 : vector<8x4096xf32>
    %add3A_450 = arith.addf %mul3A_447, %mul3A_449 : vector<8x4096xf32>
    %mul3A_451 = vector.broadcast %get3A_57 : f32 to vector<8x4096xf32>
    %mul3A_452 = arith.mulf %mul3A_451, %broadcast_in_dim3A_445 : vector<8x4096xf32>
    %add3A_453 = arith.addf %add3A_450, %mul3A_452 : vector<8x4096xf32>
    %add3A_454 = arith.constant 2.500000e+01 : f32
    %add3A_455 = vector.broadcast %add3A_454 : f32 to vector<8x4096xf32>
    %add3A_456 = arith.addf %add3A_453, %add3A_455 : vector<8x4096xf32>
    %div3A_457 = arith.constant 5.000000e-01 : f32
    %div3A_458 = vector.broadcast %div3A_457 : f32 to vector<8x4096xf32>
    %div3A_459 = arith.divf %add3A_456, %div3A_458 : vector<8x4096xf32>
    %mul3A_460 = vector.broadcast %get3A_61 : f32 to vector<8x4096xf32>
    %mul3A_461 = arith.mulf %mul3A_460, %convert_element_type3A_438 : vector<8x4096xf32>
    %mul3A_462 = vector.broadcast %get3A_65 : f32 to vector<8x4096xf32>
    %mul3A_463 = arith.mulf %mul3A_462, %convert_element_type3A_443 : vector<8x4096xf32>
    %add3A_464 = arith.addf %mul3A_461, %mul3A_463 : vector<8x4096xf32>
    %mul3A_465 = vector.broadcast %get3A_69 : f32 to vector<8x4096xf32>
    %mul3A_466 = arith.mulf %mul3A_465, %broadcast_in_dim3A_445 : vector<8x4096xf32>
    %add3A_467 = arith.addf %add3A_464, %mul3A_466 : vector<8x4096xf32>
    %add3A_468 = arith.constant 1.000000e+01 : f32
    %add3A_469 = vector.broadcast %add3A_468 : f32 to vector<8x4096xf32>
    %add3A_470 = arith.addf %add3A_467, %add3A_469 : vector<8x4096xf32>
    %div3A_471 = arith.constant 2.000000e+01 : f32
    %div3A_472 = vector.broadcast %div3A_471 : f32 to vector<8x4096xf32>
    %div3A_473 = arith.divf %add3A_470, %div3A_472 : vector<8x4096xf32>
    %mul3A_474 = vector.broadcast %get3A_73 : f32 to vector<8x4096xf32>
    %mul3A_475 = arith.mulf %mul3A_474, %convert_element_type3A_438 : vector<8x4096xf32>
    %mul3A_476 = vector.broadcast %get3A_77 : f32 to vector<8x4096xf32>
    %mul3A_477 = arith.mulf %mul3A_476, %convert_element_type3A_443 : vector<8x4096xf32>
    %add3A_478 = arith.addf %mul3A_475, %mul3A_477 : vector<8x4096xf32>
    %mul3A_479 = vector.broadcast %get3A_81 : f32 to vector<8x4096xf32>
    %mul3A_480 = arith.mulf %mul3A_479, %broadcast_in_dim3A_445 : vector<8x4096xf32>
    %add3A_481 = arith.addf %add3A_478, %mul3A_480 : vector<8x4096xf32>
    %sub3A_482 = arith.constant 1.000000e+00 : f32
    %sub3A_483 = vector.broadcast %sub3A_482 : f32 to vector<8x4096xf32>
    %sub3A_484 = arith.subf %add3A_481, %sub3A_483 : vector<8x4096xf32>
    %div3A_485 = arith.constant 5.000000e-01 : f32
    %div3A_486 = vector.broadcast %div3A_485 : f32 to vector<8x4096xf32>
    %div3A_487 = arith.divf %sub3A_484, %div3A_486 : vector<8x4096xf32>
    %convert_element_type3A_488 = arith.fptosi %div3A_459 : vector<8x4096xf32> to vector<8x4096xi32>
    %convert_element_type3A_489 = arith.fptosi %div3A_473 : vector<8x4096xf32> to vector<8x4096xi32>
    %convert_element_type3A_490 = arith.fptosi %div3A_487 : vector<8x4096xf32> to vector<8x4096xi32>
    %ge3A_491 = arith.constant 0 : i32
    %ge3A_492 = vector.broadcast %ge3A_491 : i32 to vector<8x4096xi32>
    %ge3A_493 = arith.cmpi sge, %convert_element_type3A_488, %ge3A_492 : vector<8x4096xi32>
    %lt3A_494 = arith.constant 100 : i32
    %lt3A_495 = vector.broadcast %lt3A_494 : i32 to vector<8x4096xi32>
    %lt3A_496 = arith.cmpi slt, %convert_element_type3A_488, %lt3A_495 : vector<8x4096xi32>
    %and3A_497 = arith.andi %ge3A_493, %lt3A_496 : vector<8x4096xi1>
    %ge3A_498 = arith.constant 0 : i32
    %ge3A_499 = vector.broadcast %ge3A_498 : i32 to vector<8x4096xi32>
    %ge3A_500 = arith.cmpi sge, %convert_element_type3A_489, %ge3A_499 : vector<8x4096xi32>
    %and3A_501 = arith.andi %and3A_497, %ge3A_500 : vector<8x4096xi1>
    %lt3A_502 = arith.constant 1 : i32
    %lt3A_503 = vector.broadcast %lt3A_502 : i32 to vector<8x4096xi32>
    %lt3A_504 = arith.cmpi slt, %convert_element_type3A_489, %lt3A_503 : vector<8x4096xi32>
    %and3A_505 = arith.andi %and3A_501, %lt3A_504 : vector<8x4096xi1>
    %ge3A_506 = arith.constant 0 : i32
    %ge3A_507 = vector.broadcast %ge3A_506 : i32 to vector<8x4096xi32>
    %ge3A_508 = arith.cmpi sge, %convert_element_type3A_490, %ge3A_507 : vector<8x4096xi32>
    %and3A_509 = arith.andi %and3A_505, %ge3A_508 : vector<8x4096xi1>
    %lt3A_510 = arith.constant 98 : i32
    %lt3A_511 = vector.broadcast %lt3A_510 : i32 to vector<8x4096xi32>
    %lt3A_512 = arith.cmpi slt, %convert_element_type3A_490, %lt3A_511 : vector<8x4096xi32>
    %and3A_513 = arith.andi %and3A_509, %lt3A_512 : vector<8x4096xi1>
    %le3A_514 = arith.constant 4.900000e+01 : f32
    %le3A_515 = vector.broadcast %le3A_514 : f32 to vector<8x1xf32>
    %le3A_516 = arith.cmpf ole, %add3A_433, %le3A_515 : vector<8x1xf32>
    %and3A_517 = vector.broadcast %le3A_516 : vector<8x1xi1> to vector<8x4096xi1>
    %and3A_518 = arith.andi %and3A_513, %and3A_517 : vector<8x4096xi1>
    %slice3A_519 = vector.extract_strided_slice %div3A_27 {offsets = [24, 0], sizes = [8, 4096], strides = [1, 1]} : vector<56x4096xf32> to vector<8x4096xf32>
    %jit3A_520 = arith.constant 0.000000e+00 : f32
    %broadcast_in_dim3A_521 = vector.broadcast %jit3A_520 : f32 to vector<8x4096xf32>
    %select_n3A_522 = arith.select %and3A_518, %slice3A_519, %broadcast_in_dim3A_521 : vector<8x4096xi1>, vector<8x4096xf32>
    %swap3A_523 = arith.constant 0 : index
    %swap3A_524 = arith.constant 24 : index
    %swap3A_525 = arith.constant 0 : index
    %swap3A_526 = vector.load %arg7[%swap3A_523, %swap3A_524, %swap3A_525] : memref<1x64x4096xf32, #tpu.memory_space<vmem>>, vector<1x8x4096xf32>
    %swap3A_527 = vector.shape_cast %swap3A_526 : vector<1x8x4096xf32> to vector<8x4096xf32>
    %swap3A_528 = vector.shape_cast %select_n3A_522 : vector<8x4096xf32> to vector<1x8x4096xf32>
    tpu.vector_store %arg7[%swap3A_523, %swap3A_524, %swap3A_525], %swap3A_528 {strides = array<i32>} : memref<1x64x4096xf32, #tpu.memory_space<vmem>>, vector<1x8x4096xf32>,
    %mul3A_529 = arith.constant 100 : i32
    %mul3A_530 = vector.broadcast %mul3A_529 : i32 to vector<8x4096xi32>
    %mul3A_531 = arith.muli %convert_element_type3A_490, %mul3A_530 : vector<8x4096xi32>
    %add3A_532 = arith.addi %mul3A_531, %convert_element_type3A_488 : vector<8x4096xi32>
    %mul3A_533 = arith.constant 9800 : i32
    %mul3A_534 = arith.muli %select_n3A_45, %mul3A_533 : i32
    %add3A_535 = vector.broadcast %mul3A_534 : i32 to vector<8x4096xi32>
    %add3A_536 = arith.addi %add3A_532, %add3A_535 : vector<8x4096xi32>
    %jit3A_537 = arith.constant 19600 : i32
    %broadcast_in_dim3A_538 = vector.broadcast %jit3A_537 : i32 to vector<8x4096xi32>
    %select_n3A_539 = arith.select %and3A_518, %add3A_536, %broadcast_in_dim3A_538 : vector<8x4096xi1>, vector<8x4096xi32>
    %swap3A_540 = arith.constant 0 : index
    %swap3A_541 = arith.constant 24 : index
    %swap3A_542 = arith.constant 0 : index
    %swap3A_543 = vector.load %arg8[%swap3A_540, %swap3A_541, %swap3A_542] : memref<1x64x4096xi32, #tpu.memory_space<vmem>>, vector<1x8x4096xi32>
    %swap3A_544 = vector.shape_cast %swap3A_543 : vector<1x8x4096xi32> to vector<8x4096xi32>
    %swap3A_545 = vector.shape_cast %select_n3A_539 : vector<8x4096xi32> to vector<1x8x4096xi32>
    tpu.vector_store %arg8[%swap3A_540, %swap3A_541, %swap3A_542], %swap3A_545 {strides = array<i32>} : memref<1x64x4096xi32, #tpu.memory_space<vmem>>, vector<1x8x4096xi32>,
    %iota3A_546 = tpu.iota {dimensions = array<i32: 0>} : vector<8x1xi32>
    %convert_element_type3A_547 = arith.sitofp %iota3A_546 : vector<8x1xi32> to vector<8x1xf32>
    %add3A_548 = arith.constant 3.300000e+01 : f32
    %add3A_549 = vector.broadcast %add3A_548 : f32 to vector<8x1xf32>
    %add3A_550 = arith.addf %convert_element_type3A_547, %add3A_549 : vector<8x1xf32>
    %mul3A_551 = vector.broadcast %get3A_30 : vector<1x4096xf32> to vector<8x4096xf32>
    %mul3A_552 = vector.broadcast %add3A_550 : vector<8x1xf32> to vector<8x4096xf32>
    %mul3A_553 = arith.mulf %mul3A_551, %mul3A_552 : vector<8x4096xf32>
    %convert_element_type3A_554 = arith.truncf %mul3A_553 : vector<8x4096xf32> to vector<8x4096xbf16>
    %convert_element_type3A_555 = arith.extf %convert_element_type3A_554 : vector<8x4096xbf16> to vector<8x4096xf32>
    %mul3A_556 = vector.broadcast %get3A_33 : vector<1x4096xf32> to vector<8x4096xf32>
    %mul3A_557 = vector.broadcast %add3A_550 : vector<8x1xf32> to vector<8x4096xf32>
    %mul3A_558 = arith.mulf %mul3A_556, %mul3A_557 : vector<8x4096xf32>
    %convert_element_type3A_559 = arith.truncf %mul3A_558 : vector<8x4096xf32> to vector<8x4096xbf16>
    %convert_element_type3A_560 = arith.extf %convert_element_type3A_559 : vector<8x4096xbf16> to vector<8x4096xf32>
    %broadcast_in_dim3A_561 = vector.shape_cast %add3A_550 : vector<8x1xf32> to vector<8x1xf32>
    %broadcast_in_dim3A_562 = vector.broadcast %broadcast_in_dim3A_561 : vector<8x1xf32> to vector<8x4096xf32>
    %mul3A_563 = vector.broadcast %get3A_49 : f32 to vector<8x4096xf32>
    %mul3A_564 = arith.mulf %mul3A_563, %convert_element_type3A_555 : vector<8x4096xf32>
    %mul3A_565 = vector.broadcast %get3A_53 : f32 to vector<8x4096xf32>
    %mul3A_566 = arith.mulf %mul3A_565, %convert_element_type3A_560 : vector<8x4096xf32>
    %add3A_567 = arith.addf %mul3A_564, %mul3A_566 : vector<8x4096xf32>
    %mul3A_568 = vector.broadcast %get3A_57 : f32 to vector<8x4096xf32>
    %mul3A_569 = arith.mulf %mul3A_568, %broadcast_in_dim3A_562 : vector<8x4096xf32>
    %add3A_570 = arith.addf %add3A_567, %mul3A_569 : vector<8x4096xf32>
    %add3A_571 = arith.constant 2.500000e+01 : f32
    %add3A_572 = vector.broadcast %add3A_571 : f32 to vector<8x4096xf32>
    %add3A_573 = arith.addf %add3A_570, %add3A_572 : vector<8x4096xf32>
    %div3A_574 = arith.constant 5.000000e-01 : f32
    %div3A_575 = vector.broadcast %div3A_574 : f32 to vector<8x4096xf32>
    %div3A_576 = arith.divf %add3A_573, %div3A_575 : vector<8x4096xf32>
    %mul3A_577 = vector.broadcast %get3A_61 : f32 to vector<8x4096xf32>
    %mul3A_578 = arith.mulf %mul3A_577, %convert_element_type3A_555 : vector<8x4096xf32>
    %mul3A_579 = vector.broadcast %get3A_65 : f32 to vector<8x4096xf32>
    %mul3A_580 = arith.mulf %mul3A_579, %convert_element_type3A_560 : vector<8x4096xf32>
    %add3A_581 = arith.addf %mul3A_578, %mul3A_580 : vector<8x4096xf32>
    %mul3A_582 = vector.broadcast %get3A_69 : f32 to vector<8x4096xf32>
    %mul3A_583 = arith.mulf %mul3A_582, %broadcast_in_dim3A_562 : vector<8x4096xf32>
    %add3A_584 = arith.addf %add3A_581, %mul3A_583 : vector<8x4096xf32>
    %add3A_585 = arith.constant 1.000000e+01 : f32
    %add3A_586 = vector.broadcast %add3A_585 : f32 to vector<8x4096xf32>
    %add3A_587 = arith.addf %add3A_584, %add3A_586 : vector<8x4096xf32>
    %div3A_588 = arith.constant 2.000000e+01 : f32
    %div3A_589 = vector.broadcast %div3A_588 : f32 to vector<8x4096xf32>
    %div3A_590 = arith.divf %add3A_587, %div3A_589 : vector<8x4096xf32>
    %mul3A_591 = vector.broadcast %get3A_73 : f32 to vector<8x4096xf32>
    %mul3A_592 = arith.mulf %mul3A_591, %convert_element_type3A_555 : vector<8x4096xf32>
    %mul3A_593 = vector.broadcast %get3A_77 : f32 to vector<8x4096xf32>
    %mul3A_594 = arith.mulf %mul3A_593, %convert_element_type3A_560 : vector<8x4096xf32>
    %add3A_595 = arith.addf %mul3A_592, %mul3A_594 : vector<8x4096xf32>
    %mul3A_596 = vector.broadcast %get3A_81 : f32 to vector<8x4096xf32>
    %mul3A_597 = arith.mulf %mul3A_596, %broadcast_in_dim3A_562 : vector<8x4096xf32>
    %add3A_598 = arith.addf %add3A_595, %mul3A_597 : vector<8x4096xf32>
    %sub3A_599 = arith.constant 1.000000e+00 : f32
    %sub3A_600 = vector.broadcast %sub3A_599 : f32 to vector<8x4096xf32>
    %sub3A_601 = arith.subf %add3A_598, %sub3A_600 : vector<8x4096xf32>
    %div3A_602 = arith.constant 5.000000e-01 : f32
    %div3A_603 = vector.broadcast %div3A_602 : f32 to vector<8x4096xf32>
    %div3A_604 = arith.divf %sub3A_601, %div3A_603 : vector<8x4096xf32>
    %convert_element_type3A_605 = arith.fptosi %div3A_576 : vector<8x4096xf32> to vector<8x4096xi32>
    %convert_element_type3A_606 = arith.fptosi %div3A_590 : vector<8x4096xf32> to vector<8x4096xi32>
    %convert_element_type3A_607 = arith.fptosi %div3A_604 : vector<8x4096xf32> to vector<8x4096xi32>
    %ge3A_608 = arith.constant 0 : i32
    %ge3A_609 = vector.broadcast %ge3A_608 : i32 to vector<8x4096xi32>
    %ge3A_610 = arith.cmpi sge, %convert_element_type3A_605, %ge3A_609 : vector<8x4096xi32>
    %lt3A_611 = arith.constant 100 : i32
    %lt3A_612 = vector.broadcast %lt3A_611 : i32 to vector<8x4096xi32>
    %lt3A_613 = arith.cmpi slt, %convert_element_type3A_605, %lt3A_612 : vector<8x4096xi32>
    %and3A_614 = arith.andi %ge3A_610, %lt3A_613 : vector<8x4096xi1>
    %ge3A_615 = arith.constant 0 : i32
    %ge3A_616 = vector.broadcast %ge3A_615 : i32 to vector<8x4096xi32>
    %ge3A_617 = arith.cmpi sge, %convert_element_type3A_606, %ge3A_616 : vector<8x4096xi32>
    %and3A_618 = arith.andi %and3A_614, %ge3A_617 : vector<8x4096xi1>
    %lt3A_619 = arith.constant 1 : i32
    %lt3A_620 = vector.broadcast %lt3A_619 : i32 to vector<8x4096xi32>
    %lt3A_621 = arith.cmpi slt, %convert_element_type3A_606, %lt3A_620 : vector<8x4096xi32>
    %and3A_622 = arith.andi %and3A_618, %lt3A_621 : vector<8x4096xi1>
    %ge3A_623 = arith.constant 0 : i32
    %ge3A_624 = vector.broadcast %ge3A_623 : i32 to vector<8x4096xi32>
    %ge3A_625 = arith.cmpi sge, %convert_element_type3A_607, %ge3A_624 : vector<8x4096xi32>
    %and3A_626 = arith.andi %and3A_622, %ge3A_625 : vector<8x4096xi1>
    %lt3A_627 = arith.constant 98 : i32
    %lt3A_628 = vector.broadcast %lt3A_627 : i32 to vector<8x4096xi32>
    %lt3A_629 = arith.cmpi slt, %convert_element_type3A_607, %lt3A_628 : vector<8x4096xi32>
    %and3A_630 = arith.andi %and3A_626, %lt3A_629 : vector<8x4096xi1>
    %le3A_631 = arith.constant 4.900000e+01 : f32
    %le3A_632 = vector.broadcast %le3A_631 : f32 to vector<8x1xf32>
    %le3A_633 = arith.cmpf ole, %add3A_550, %le3A_632 : vector<8x1xf32>
    %and3A_634 = vector.broadcast %le3A_633 : vector<8x1xi1> to vector<8x4096xi1>
    %and3A_635 = arith.andi %and3A_630, %and3A_634 : vector<8x4096xi1>
    %slice3A_636 = vector.extract_strided_slice %div3A_27 {offsets = [32, 0], sizes = [8, 4096], strides = [1, 1]} : vector<56x4096xf32> to vector<8x4096xf32>
    %jit3A_637 = arith.constant 0.000000e+00 : f32
    %broadcast_in_dim3A_638 = vector.broadcast %jit3A_637 : f32 to vector<8x4096xf32>
    %select_n3A_639 = arith.select %and3A_635, %slice3A_636, %broadcast_in_dim3A_638 : vector<8x4096xi1>, vector<8x4096xf32>
    %swap3A_640 = arith.constant 0 : index
    %swap3A_641 = arith.constant 32 : index
    %swap3A_642 = arith.constant 0 : index
    %swap3A_643 = vector.load %arg7[%swap3A_640, %swap3A_641, %swap3A_642] : memref<1x64x4096xf32, #tpu.memory_space<vmem>>, vector<1x8x4096xf32>
    %swap3A_644 = vector.shape_cast %swap3A_643 : vector<1x8x4096xf32> to vector<8x4096xf32>
    %swap3A_645 = vector.shape_cast %select_n3A_639 : vector<8x4096xf32> to vector<1x8x4096xf32>
    tpu.vector_store %arg7[%swap3A_640, %swap3A_641, %swap3A_642], %swap3A_645 {strides = array<i32>} : memref<1x64x4096xf32, #tpu.memory_space<vmem>>, vector<1x8x4096xf32>,
    %mul3A_646 = arith.constant 100 : i32
    %mul3A_647 = vector.broadcast %mul3A_646 : i32 to vector<8x4096xi32>
    %mul3A_648 = arith.muli %convert_element_type3A_607, %mul3A_647 : vector<8x4096xi32>
    %add3A_649 = arith.addi %mul3A_648, %convert_element_type3A_605 : vector<8x4096xi32>
    %mul3A_650 = arith.constant 9800 : i32
    %mul3A_651 = arith.muli %select_n3A_45, %mul3A_650 : i32
    %add3A_652 = vector.broadcast %mul3A_651 : i32 to vector<8x4096xi32>
    %add3A_653 = arith.addi %add3A_649, %add3A_652 : vector<8x4096xi32>
    %jit3A_654 = arith.constant 19600 : i32
    %broadcast_in_dim3A_655 = vector.broadcast %jit3A_654 : i32 to vector<8x4096xi32>
    %select_n3A_656 = arith.select %and3A_635, %add3A_653, %broadcast_in_dim3A_655 : vector<8x4096xi1>, vector<8x4096xi32>
    %swap3A_657 = arith.constant 0 : index
    %swap3A_658 = arith.constant 32 : index
    %swap3A_659 = arith.constant 0 : index
    %swap3A_660 = vector.load %arg8[%swap3A_657, %swap3A_658, %swap3A_659] : memref<1x64x4096xi32, #tpu.memory_space<vmem>>, vector<1x8x4096xi32>
    %swap3A_661 = vector.shape_cast %swap3A_660 : vector<1x8x4096xi32> to vector<8x4096xi32>
    %swap3A_662 = vector.shape_cast %select_n3A_656 : vector<8x4096xi32> to vector<1x8x4096xi32>
    tpu.vector_store %arg8[%swap3A_657, %swap3A_658, %swap3A_659], %swap3A_662 {strides = array<i32>} : memref<1x64x4096xi32, #tpu.memory_space<vmem>>, vector<1x8x4096xi32>,
    %iota3A_663 = tpu.iota {dimensions = array<i32: 0>} : vector<8x1xi32>
    %convert_element_type3A_664 = arith.sitofp %iota3A_663 : vector<8x1xi32> to vector<8x1xf32>
    %add3A_665 = arith.constant 4.100000e+01 : f32
    %add3A_666 = vector.broadcast %add3A_665 : f32 to vector<8x1xf32>
    %add3A_667 = arith.addf %convert_element_type3A_664, %add3A_666 : vector<8x1xf32>
    %mul3A_668 = vector.broadcast %get3A_30 : vector<1x4096xf32> to vector<8x4096xf32>
    %mul3A_669 = vector.broadcast %add3A_667 : vector<8x1xf32> to vector<8x4096xf32>
    %mul3A_670 = arith.mulf %mul3A_668, %mul3A_669 : vector<8x4096xf32>
    %convert_element_type3A_671 = arith.truncf %mul3A_670 : vector<8x4096xf32> to vector<8x4096xbf16>
    %convert_element_type3A_672 = arith.extf %convert_element_type3A_671 : vector<8x4096xbf16> to vector<8x4096xf32>
    %mul3A_673 = vector.broadcast %get3A_33 : vector<1x4096xf32> to vector<8x4096xf32>
    %mul3A_674 = vector.broadcast %add3A_667 : vector<8x1xf32> to vector<8x4096xf32>
    %mul3A_675 = arith.mulf %mul3A_673, %mul3A_674 : vector<8x4096xf32>
    %convert_element_type3A_676 = arith.truncf %mul3A_675 : vector<8x4096xf32> to vector<8x4096xbf16>
    %convert_element_type3A_677 = arith.extf %convert_element_type3A_676 : vector<8x4096xbf16> to vector<8x4096xf32>
    %broadcast_in_dim3A_678 = vector.shape_cast %add3A_667 : vector<8x1xf32> to vector<8x1xf32>
    %broadcast_in_dim3A_679 = vector.broadcast %broadcast_in_dim3A_678 : vector<8x1xf32> to vector<8x4096xf32>
    %mul3A_680 = vector.broadcast %get3A_49 : f32 to vector<8x4096xf32>
    %mul3A_681 = arith.mulf %mul3A_680, %convert_element_type3A_672 : vector<8x4096xf32>
    %mul3A_682 = vector.broadcast %get3A_53 : f32 to vector<8x4096xf32>
    %mul3A_683 = arith.mulf %mul3A_682, %convert_element_type3A_677 : vector<8x4096xf32>
    %add3A_684 = arith.addf %mul3A_681, %mul3A_683 : vector<8x4096xf32>
    %mul3A_685 = vector.broadcast %get3A_57 : f32 to vector<8x4096xf32>
    %mul3A_686 = arith.mulf %mul3A_685, %broadcast_in_dim3A_679 : vector<8x4096xf32>
    %add3A_687 = arith.addf %add3A_684, %mul3A_686 : vector<8x4096xf32>
    %add3A_688 = arith.constant 2.500000e+01 : f32
    %add3A_689 = vector.broadcast %add3A_688 : f32 to vector<8x4096xf32>
    %add3A_690 = arith.addf %add3A_687, %add3A_689 : vector<8x4096xf32>
    %div3A_691 = arith.constant 5.000000e-01 : f32
    %div3A_692 = vector.broadcast %div3A_691 : f32 to vector<8x4096xf32>
    %div3A_693 = arith.divf %add3A_690, %div3A_692 : vector<8x4096xf32>
    %mul3A_694 = vector.broadcast %get3A_61 : f32 to vector<8x4096xf32>
    %mul3A_695 = arith.mulf %mul3A_694, %convert_element_type3A_672 : vector<8x4096xf32>
    %mul3A_696 = vector.broadcast %get3A_65 : f32 to vector<8x4096xf32>
    %mul3A_697 = arith.mulf %mul3A_696, %convert_element_type3A_677 : vector<8x4096xf32>
    %add3A_698 = arith.addf %mul3A_695, %mul3A_697 : vector<8x4096xf32>
    %mul3A_699 = vector.broadcast %get3A_69 : f32 to vector<8x4096xf32>
    %mul3A_700 = arith.mulf %mul3A_699, %broadcast_in_dim3A_679 : vector<8x4096xf32>
    %add3A_701 = arith.addf %add3A_698, %mul3A_700 : vector<8x4096xf32>
    %add3A_702 = arith.constant 1.000000e+01 : f32
    %add3A_703 = vector.broadcast %add3A_702 : f32 to vector<8x4096xf32>
    %add3A_704 = arith.addf %add3A_701, %add3A_703 : vector<8x4096xf32>
    %div3A_705 = arith.constant 2.000000e+01 : f32
    %div3A_706 = vector.broadcast %div3A_705 : f32 to vector<8x4096xf32>
    %div3A_707 = arith.divf %add3A_704, %div3A_706 : vector<8x4096xf32>
    %mul3A_708 = vector.broadcast %get3A_73 : f32 to vector<8x4096xf32>
    %mul3A_709 = arith.mulf %mul3A_708, %convert_element_type3A_672 : vector<8x4096xf32>
    %mul3A_710 = vector.broadcast %get3A_77 : f32 to vector<8x4096xf32>
    %mul3A_711 = arith.mulf %mul3A_710, %convert_element_type3A_677 : vector<8x4096xf32>
    %add3A_712 = arith.addf %mul3A_709, %mul3A_711 : vector<8x4096xf32>
    %mul3A_713 = vector.broadcast %get3A_81 : f32 to vector<8x4096xf32>
    %mul3A_714 = arith.mulf %mul3A_713, %broadcast_in_dim3A_679 : vector<8x4096xf32>
    %add3A_715 = arith.addf %add3A_712, %mul3A_714 : vector<8x4096xf32>
    %sub3A_716 = arith.constant 1.000000e+00 : f32
    %sub3A_717 = vector.broadcast %sub3A_716 : f32 to vector<8x4096xf32>
    %sub3A_718 = arith.subf %add3A_715, %sub3A_717 : vector<8x4096xf32>
    %div3A_719 = arith.constant 5.000000e-01 : f32
    %div3A_720 = vector.broadcast %div3A_719 : f32 to vector<8x4096xf32>
    %div3A_721 = arith.divf %sub3A_718, %div3A_720 : vector<8x4096xf32>
    %convert_element_type3A_722 = arith.fptosi %div3A_693 : vector<8x4096xf32> to vector<8x4096xi32>
    %convert_element_type3A_723 = arith.fptosi %div3A_707 : vector<8x4096xf32> to vector<8x4096xi32>
    %convert_element_type3A_724 = arith.fptosi %div3A_721 : vector<8x4096xf32> to vector<8x4096xi32>
    %ge3A_725 = arith.constant 0 : i32
    %ge3A_726 = vector.broadcast %ge3A_725 : i32 to vector<8x4096xi32>
    %ge3A_727 = arith.cmpi sge, %convert_element_type3A_722, %ge3A_726 : vector<8x4096xi32>
    %lt3A_728 = arith.constant 100 : i32
    %lt3A_729 = vector.broadcast %lt3A_728 : i32 to vector<8x4096xi32>
    %lt3A_730 = arith.cmpi slt, %convert_element_type3A_722, %lt3A_729 : vector<8x4096xi32>
    %and3A_731 = arith.andi %ge3A_727, %lt3A_730 : vector<8x4096xi1>
    %ge3A_732 = arith.constant 0 : i32
    %ge3A_733 = vector.broadcast %ge3A_732 : i32 to vector<8x4096xi32>
    %ge3A_734 = arith.cmpi sge, %convert_element_type3A_723, %ge3A_733 : vector<8x4096xi32>
    %and3A_735 = arith.andi %and3A_731, %ge3A_734 : vector<8x4096xi1>
    %lt3A_736 = arith.constant 1 : i32
    %lt3A_737 = vector.broadcast %lt3A_736 : i32 to vector<8x4096xi32>
    %lt3A_738 = arith.cmpi slt, %convert_element_type3A_723, %lt3A_737 : vector<8x4096xi32>
    %and3A_739 = arith.andi %and3A_735, %lt3A_738 : vector<8x4096xi1>
    %ge3A_740 = arith.constant 0 : i32
    %ge3A_741 = vector.broadcast %ge3A_740 : i32 to vector<8x4096xi32>
    %ge3A_742 = arith.cmpi sge, %convert_element_type3A_724, %ge3A_741 : vector<8x4096xi32>
    %and3A_743 = arith.andi %and3A_739, %ge3A_742 : vector<8x4096xi1>
    %lt3A_744 = arith.constant 98 : i32
    %lt3A_745 = vector.broadcast %lt3A_744 : i32 to vector<8x4096xi32>
    %lt3A_746 = arith.cmpi slt, %convert_element_type3A_724, %lt3A_745 : vector<8x4096xi32>
    %and3A_747 = arith.andi %and3A_743, %lt3A_746 : vector<8x4096xi1>
    %le3A_748 = arith.constant 4.900000e+01 : f32
    %le3A_749 = vector.broadcast %le3A_748 : f32 to vector<8x1xf32>
    %le3A_750 = arith.cmpf ole, %add3A_667, %le3A_749 : vector<8x1xf32>
    %and3A_751 = vector.broadcast %le3A_750 : vector<8x1xi1> to vector<8x4096xi1>
    %and3A_752 = arith.andi %and3A_747, %and3A_751 : vector<8x4096xi1>
    %slice3A_753 = vector.extract_strided_slice %div3A_27 {offsets = [40, 0], sizes = [8, 4096], strides = [1, 1]} : vector<56x4096xf32> to vector<8x4096xf32>
    %jit3A_754 = arith.constant 0.000000e+00 : f32
    %broadcast_in_dim3A_755 = vector.broadcast %jit3A_754 : f32 to vector<8x4096xf32>
    %select_n3A_756 = arith.select %and3A_752, %slice3A_753, %broadcast_in_dim3A_755 : vector<8x4096xi1>, vector<8x4096xf32>
    %swap3A_757 = arith.constant 0 : index
    %swap3A_758 = arith.constant 40 : index
    %swap3A_759 = arith.constant 0 : index
    %swap3A_760 = vector.load %arg7[%swap3A_757, %swap3A_758, %swap3A_759] : memref<1x64x4096xf32, #tpu.memory_space<vmem>>, vector<1x8x4096xf32>
    %swap3A_761 = vector.shape_cast %swap3A_760 : vector<1x8x4096xf32> to vector<8x4096xf32>
    %swap3A_762 = vector.shape_cast %select_n3A_756 : vector<8x4096xf32> to vector<1x8x4096xf32>
    tpu.vector_store %arg7[%swap3A_757, %swap3A_758, %swap3A_759], %swap3A_762 {strides = array<i32>} : memref<1x64x4096xf32, #tpu.memory_space<vmem>>, vector<1x8x4096xf32>,
    %mul3A_763 = arith.constant 100 : i32
    %mul3A_764 = vector.broadcast %mul3A_763 : i32 to vector<8x4096xi32>
    %mul3A_765 = arith.muli %convert_element_type3A_724, %mul3A_764 : vector<8x4096xi32>
    %add3A_766 = arith.addi %mul3A_765, %convert_element_type3A_722 : vector<8x4096xi32>
    %mul3A_767 = arith.constant 9800 : i32
    %mul3A_768 = arith.muli %select_n3A_45, %mul3A_767 : i32
    %add3A_769 = vector.broadcast %mul3A_768 : i32 to vector<8x4096xi32>
    %add3A_770 = arith.addi %add3A_766, %add3A_769 : vector<8x4096xi32>
    %jit3A_771 = arith.constant 19600 : i32
    %broadcast_in_dim3A_772 = vector.broadcast %jit3A_771 : i32 to vector<8x4096xi32>
    %select_n3A_773 = arith.select %and3A_752, %add3A_770, %broadcast_in_dim3A_772 : vector<8x4096xi1>, vector<8x4096xi32>
    %swap3A_774 = arith.constant 0 : index
    %swap3A_775 = arith.constant 40 : index
    %swap3A_776 = arith.constant 0 : index
    %swap3A_777 = vector.load %arg8[%swap3A_774, %swap3A_775, %swap3A_776] : memref<1x64x4096xi32, #tpu.memory_space<vmem>>, vector<1x8x4096xi32>
    %swap3A_778 = vector.shape_cast %swap3A_777 : vector<1x8x4096xi32> to vector<8x4096xi32>
    %swap3A_779 = vector.shape_cast %select_n3A_773 : vector<8x4096xi32> to vector<1x8x4096xi32>
    tpu.vector_store %arg8[%swap3A_774, %swap3A_775, %swap3A_776], %swap3A_779 {strides = array<i32>} : memref<1x64x4096xi32, #tpu.memory_space<vmem>>, vector<1x8x4096xi32>,
    %iota3A_780 = tpu.iota {dimensions = array<i32: 0>} : vector<8x1xi32>
    %convert_element_type3A_781 = arith.sitofp %iota3A_780 : vector<8x1xi32> to vector<8x1xf32>
    %add3A_782 = arith.constant 4.900000e+01 : f32
    %add3A_783 = vector.broadcast %add3A_782 : f32 to vector<8x1xf32>
    %add3A_784 = arith.addf %convert_element_type3A_781, %add3A_783 : vector<8x1xf32>
    %mul3A_785 = vector.broadcast %get3A_30 : vector<1x4096xf32> to vector<8x4096xf32>
    %mul3A_786 = vector.broadcast %add3A_784 : vector<8x1xf32> to vector<8x4096xf32>
    %mul3A_787 = arith.mulf %mul3A_785, %mul3A_786 : vector<8x4096xf32>
    %convert_element_type3A_788 = arith.truncf %mul3A_787 : vector<8x4096xf32> to vector<8x4096xbf16>
    %convert_element_type3A_789 = arith.extf %convert_element_type3A_788 : vector<8x4096xbf16> to vector<8x4096xf32>
    %mul3A_790 = vector.broadcast %get3A_33 : vector<1x4096xf32> to vector<8x4096xf32>
    %mul3A_791 = vector.broadcast %add3A_784 : vector<8x1xf32> to vector<8x4096xf32>
    %mul3A_792 = arith.mulf %mul3A_790, %mul3A_791 : vector<8x4096xf32>
    %convert_element_type3A_793 = arith.truncf %mul3A_792 : vector<8x4096xf32> to vector<8x4096xbf16>
    %convert_element_type3A_794 = arith.extf %convert_element_type3A_793 : vector<8x4096xbf16> to vector<8x4096xf32>
    %broadcast_in_dim3A_795 = vector.shape_cast %add3A_784 : vector<8x1xf32> to vector<8x1xf32>
    %broadcast_in_dim3A_796 = vector.broadcast %broadcast_in_dim3A_795 : vector<8x1xf32> to vector<8x4096xf32>
    %mul3A_797 = vector.broadcast %get3A_49 : f32 to vector<8x4096xf32>
    %mul3A_798 = arith.mulf %mul3A_797, %convert_element_type3A_789 : vector<8x4096xf32>
    %mul3A_799 = vector.broadcast %get3A_53 : f32 to vector<8x4096xf32>
    %mul3A_800 = arith.mulf %mul3A_799, %convert_element_type3A_794 : vector<8x4096xf32>
    %add3A_801 = arith.addf %mul3A_798, %mul3A_800 : vector<8x4096xf32>
    %mul3A_802 = vector.broadcast %get3A_57 : f32 to vector<8x4096xf32>
    %mul3A_803 = arith.mulf %mul3A_802, %broadcast_in_dim3A_796 : vector<8x4096xf32>
    %add3A_804 = arith.addf %add3A_801, %mul3A_803 : vector<8x4096xf32>
    %add3A_805 = arith.constant 2.500000e+01 : f32
    %add3A_806 = vector.broadcast %add3A_805 : f32 to vector<8x4096xf32>
    %add3A_807 = arith.addf %add3A_804, %add3A_806 : vector<8x4096xf32>
    %div3A_808 = arith.constant 5.000000e-01 : f32
    %div3A_809 = vector.broadcast %div3A_808 : f32 to vector<8x4096xf32>
    %div3A_810 = arith.divf %add3A_807, %div3A_809 : vector<8x4096xf32>
    %mul3A_811 = vector.broadcast %get3A_61 : f32 to vector<8x4096xf32>
    %mul3A_812 = arith.mulf %mul3A_811, %convert_element_type3A_789 : vector<8x4096xf32>
    %mul3A_813 = vector.broadcast %get3A_65 : f32 to vector<8x4096xf32>
    %mul3A_814 = arith.mulf %mul3A_813, %convert_element_type3A_794 : vector<8x4096xf32>
    %add3A_815 = arith.addf %mul3A_812, %mul3A_814 : vector<8x4096xf32>
    %mul3A_816 = vector.broadcast %get3A_69 : f32 to vector<8x4096xf32>
    %mul3A_817 = arith.mulf %mul3A_816, %broadcast_in_dim3A_796 : vector<8x4096xf32>
    %add3A_818 = arith.addf %add3A_815, %mul3A_817 : vector<8x4096xf32>
    %add3A_819 = arith.constant 1.000000e+01 : f32
    %add3A_820 = vector.broadcast %add3A_819 : f32 to vector<8x4096xf32>
    %add3A_821 = arith.addf %add3A_818, %add3A_820 : vector<8x4096xf32>
    %div3A_822 = arith.constant 2.000000e+01 : f32
    %div3A_823 = vector.broadcast %div3A_822 : f32 to vector<8x4096xf32>
    %div3A_824 = arith.divf %add3A_821, %div3A_823 : vector<8x4096xf32>
    %mul3A_825 = vector.broadcast %get3A_73 : f32 to vector<8x4096xf32>
    %mul3A_826 = arith.mulf %mul3A_825, %convert_element_type3A_789 : vector<8x4096xf32>
    %mul3A_827 = vector.broadcast %get3A_77 : f32 to vector<8x4096xf32>
    %mul3A_828 = arith.mulf %mul3A_827, %convert_element_type3A_794 : vector<8x4096xf32>
    %add3A_829 = arith.addf %mul3A_826, %mul3A_828 : vector<8x4096xf32>
    %mul3A_830 = vector.broadcast %get3A_81 : f32 to vector<8x4096xf32>
    %mul3A_831 = arith.mulf %mul3A_830, %broadcast_in_dim3A_796 : vector<8x4096xf32>
    %add3A_832 = arith.addf %add3A_829, %mul3A_831 : vector<8x4096xf32>
    %sub3A_833 = arith.constant 1.000000e+00 : f32
    %sub3A_834 = vector.broadcast %sub3A_833 : f32 to vector<8x4096xf32>
    %sub3A_835 = arith.subf %add3A_832, %sub3A_834 : vector<8x4096xf32>
    %div3A_836 = arith.constant 5.000000e-01 : f32
    %div3A_837 = vector.broadcast %div3A_836 : f32 to vector<8x4096xf32>
    %div3A_838 = arith.divf %sub3A_835, %div3A_837 : vector<8x4096xf32>
    %convert_element_type3A_839 = arith.fptosi %div3A_810 : vector<8x4096xf32> to vector<8x4096xi32>
    %convert_element_type3A_840 = arith.fptosi %div3A_824 : vector<8x4096xf32> to vector<8x4096xi32>
    %convert_element_type3A_841 = arith.fptosi %div3A_838 : vector<8x4096xf32> to vector<8x4096xi32>
    %ge3A_842 = arith.constant 0 : i32
    %ge3A_843 = vector.broadcast %ge3A_842 : i32 to vector<8x4096xi32>
    %ge3A_844 = arith.cmpi sge, %convert_element_type3A_839, %ge3A_843 : vector<8x4096xi32>
    %lt3A_845 = arith.constant 100 : i32
    %lt3A_846 = vector.broadcast %lt3A_845 : i32 to vector<8x4096xi32>
    %lt3A_847 = arith.cmpi slt, %convert_element_type3A_839, %lt3A_846 : vector<8x4096xi32>
    %and3A_848 = arith.andi %ge3A_844, %lt3A_847 : vector<8x4096xi1>
    %ge3A_849 = arith.constant 0 : i32
    %ge3A_850 = vector.broadcast %ge3A_849 : i32 to vector<8x4096xi32>
    %ge3A_851 = arith.cmpi sge, %convert_element_type3A_840, %ge3A_850 : vector<8x4096xi32>
    %and3A_852 = arith.andi %and3A_848, %ge3A_851 : vector<8x4096xi1>
    %lt3A_853 = arith.constant 1 : i32
    %lt3A_854 = vector.broadcast %lt3A_853 : i32 to vector<8x4096xi32>
    %lt3A_855 = arith.cmpi slt, %convert_element_type3A_840, %lt3A_854 : vector<8x4096xi32>
    %and3A_856 = arith.andi %and3A_852, %lt3A_855 : vector<8x4096xi1>
    %ge3A_857 = arith.constant 0 : i32
    %ge3A_858 = vector.broadcast %ge3A_857 : i32 to vector<8x4096xi32>
    %ge3A_859 = arith.cmpi sge, %convert_element_type3A_841, %ge3A_858 : vector<8x4096xi32>
    %and3A_860 = arith.andi %and3A_856, %ge3A_859 : vector<8x4096xi1>
    %lt3A_861 = arith.constant 98 : i32
    %lt3A_862 = vector.broadcast %lt3A_861 : i32 to vector<8x4096xi32>
    %lt3A_863 = arith.cmpi slt, %convert_element_type3A_841, %lt3A_862 : vector<8x4096xi32>
    %and3A_864 = arith.andi %and3A_860, %lt3A_863 : vector<8x4096xi1>
    %le3A_865 = arith.constant 4.900000e+01 : f32
    %le3A_866 = vector.broadcast %le3A_865 : f32 to vector<8x1xf32>
    %le3A_867 = arith.cmpf ole, %add3A_784, %le3A_866 : vector<8x1xf32>
    %and3A_868 = vector.broadcast %le3A_867 : vector<8x1xi1> to vector<8x4096xi1>
    %and3A_869 = arith.andi %and3A_864, %and3A_868 : vector<8x4096xi1>
    %slice3A_870 = vector.extract_strided_slice %div3A_27 {offsets = [48, 0], sizes = [8, 4096], strides = [1, 1]} : vector<56x4096xf32> to vector<8x4096xf32>
    %jit3A_871 = arith.constant 0.000000e+00 : f32
    %broadcast_in_dim3A_872 = vector.broadcast %jit3A_871 : f32 to vector<8x4096xf32>
    %select_n3A_873 = arith.select %and3A_869, %slice3A_870, %broadcast_in_dim3A_872 : vector<8x4096xi1>, vector<8x4096xf32>
    %swap3A_874 = arith.constant 0 : index
    %swap3A_875 = arith.constant 48 : index
    %swap3A_876 = arith.constant 0 : index
    %swap3A_877 = vector.load %arg7[%swap3A_874, %swap3A_875, %swap3A_876] : memref<1x64x4096xf32, #tpu.memory_space<vmem>>, vector<1x8x4096xf32>
    %swap3A_878 = vector.shape_cast %swap3A_877 : vector<1x8x4096xf32> to vector<8x4096xf32>
    %swap3A_879 = vector.shape_cast %select_n3A_873 : vector<8x4096xf32> to vector<1x8x4096xf32>
    tpu.vector_store %arg7[%swap3A_874, %swap3A_875, %swap3A_876], %swap3A_879 {strides = array<i32>} : memref<1x64x4096xf32, #tpu.memory_space<vmem>>, vector<1x8x4096xf32>,
    %mul3A_880 = arith.constant 100 : i32
    %mul3A_881 = vector.broadcast %mul3A_880 : i32 to vector<8x4096xi32>
    %mul3A_882 = arith.muli %convert_element_type3A_841, %mul3A_881 : vector<8x4096xi32>
    %add3A_883 = arith.addi %mul3A_882, %convert_element_type3A_839 : vector<8x4096xi32>
    %mul3A_884 = arith.constant 9800 : i32
    %mul3A_885 = arith.muli %select_n3A_45, %mul3A_884 : i32
    %add3A_886 = vector.broadcast %mul3A_885 : i32 to vector<8x4096xi32>
    %add3A_887 = arith.addi %add3A_883, %add3A_886 : vector<8x4096xi32>
    %jit3A_888 = arith.constant 19600 : i32
    %broadcast_in_dim3A_889 = vector.broadcast %jit3A_888 : i32 to vector<8x4096xi32>
    %select_n3A_890 = arith.select %and3A_869, %add3A_887, %broadcast_in_dim3A_889 : vector<8x4096xi1>, vector<8x4096xi32>
    %swap3A_891 = arith.constant 0 : index
    %swap3A_892 = arith.constant 48 : index
    %swap3A_893 = arith.constant 0 : index
    %swap3A_894 = vector.load %arg8[%swap3A_891, %swap3A_892, %swap3A_893] : memref<1x64x4096xi32, #tpu.memory_space<vmem>>, vector<1x8x4096xi32>
    %swap3A_895 = vector.shape_cast %swap3A_894 : vector<1x8x4096xi32> to vector<8x4096xi32>
    %swap3A_896 = vector.shape_cast %select_n3A_890 : vector<8x4096xi32> to vector<1x8x4096xi32>
    tpu.vector_store %arg8[%swap3A_891, %swap3A_892, %swap3A_893], %swap3A_896 {strides = array<i32>} : memref<1x64x4096xi32, #tpu.memory_space<vmem>>, vector<1x8x4096xi32>,
    %broadcast_in_dim3A_897 = arith.constant 0.000000e+00 : f32
    %broadcast_in_dim3A_898 = vector.broadcast %broadcast_in_dim3A_897 : f32 to vector<8x4096xf32>
    %swap3A_899 = arith.constant 0 : index
    %swap3A_900 = arith.constant 56 : index
    %swap3A_901 = arith.constant 0 : index
    %swap3A_902 = vector.load %arg7[%swap3A_899, %swap3A_900, %swap3A_901] : memref<1x64x4096xf32, #tpu.memory_space<vmem>>, vector<1x8x4096xf32>
    %swap3A_903 = vector.shape_cast %swap3A_902 : vector<1x8x4096xf32> to vector<8x4096xf32>
    %swap3A_904 = vector.shape_cast %broadcast_in_dim3A_898 : vector<8x4096xf32> to vector<1x8x4096xf32>
    tpu.vector_store %arg7[%swap3A_899, %swap3A_900, %swap3A_901], %swap3A_904 {strides = array<i32>} : memref<1x64x4096xf32, #tpu.memory_space<vmem>>, vector<1x8x4096xf32>,
    %broadcast_in_dim3A_905 = arith.constant 19600 : i32
    %broadcast_in_dim3A_906 = vector.broadcast %broadcast_in_dim3A_905 : i32 to vector<8x4096xi32>
    %swap3A_907 = arith.constant 0 : index
    %swap3A_908 = arith.constant 56 : index
    %swap3A_909 = arith.constant 0 : index
    %swap3A_910 = vector.load %arg8[%swap3A_907, %swap3A_908, %swap3A_909] : memref<1x64x4096xi32, #tpu.memory_space<vmem>>, vector<1x8x4096xi32>
    %swap3A_911 = vector.shape_cast %swap3A_910 : vector<1x8x4096xi32> to vector<8x4096xi32>
    %swap3A_912 = vector.shape_cast %broadcast_in_dim3A_906 : vector<8x4096xi32> to vector<1x8x4096xi32>
    tpu.vector_store %arg8[%swap3A_907, %swap3A_908, %swap3A_909], %swap3A_912 {strides = array<i32>} : memref<1x64x4096xi32, #tpu.memory_space<vmem>>, vector<1x8x4096xi32>,
    return
  }
  func.func @transform_0(%arg0: i32) -> (i32, i32, i32) {
    %c0_i32 = arith.constant 0 : i32
    %c0_i32_0 = arith.constant 0 : i32
    %c0_i32_1 = arith.constant 0 : i32
    return %arg0, %c0_i32, %c0_i32_0 : i32, i32, i32
  }
  func.func @transform_1(%arg0: i32) -> (i32, i32, i32) {
    %c0_i32 = arith.constant 0 : i32
    %c0_i32_0 = arith.constant 0 : i32
    %c0_i32_1 = arith.constant 0 : i32
    return %arg0, %c0_i32, %c0_i32_0 : i32, i32, i32
  }
  func.func @transform_2(%arg0: i32) -> (i32, i32) {
    %c0_i32 = arith.constant 0 : i32
    %c0_i32_0 = arith.constant 0 : i32
    %c0_i32_1 = arith.constant 0 : i32
    return %c0_i32, %c0_i32_0 : i32, i32
  }
  func.func @transform_3(%arg0: i32) -> (i32, i32) {
    %c0_i32 = arith.constant 0 : i32
    %c0_i32_0 = arith.constant 0 : i32
    %c0_i32_1 = arith.constant 0 : i32
    return %c0_i32, %c0_i32_0 : i32, i32
  }
  func.func @transform_4(%arg0: i32) -> (i32, i32) {
    %c0_i32 = arith.constant 0 : i32
    %c0_i32_0 = arith.constant 0 : i32
    %c0_i32_1 = arith.constant 0 : i32
    return %c0_i32, %c0_i32_0 : i32, i32
  }
  func.func @transform_5(%arg0: i32) -> (i32, i32, i32) {
    %c0_i32 = arith.constant 0 : i32
    %c0_i32_0 = arith.constant 0 : i32
    %c0_i32_1 = arith.constant 0 : i32
    return %arg0, %c0_i32, %c0_i32_0 : i32, i32, i32
  }
  func.func @transform_6(%arg0: i32) -> (i32, i32, i32) {
    %c0_i32 = arith.constant 0 : i32
    %c0_i32_0 = arith.constant 0 : i32
    %c0_i32_1 = arith.constant 0 : i32
    return %arg0, %c0_i32, %c0_i32_0 : i32, i32, i32
  }
  func.func @transform_7(%arg0: i32) -> (i32, i32, i32) {
    %c0_i32 = arith.constant 0 : i32
    %c0_i32_0 = arith.constant 0 : i32
    %c0_i32_1 = arith.constant 0 : i32
    return %arg0, %c0_i32, %c0_i32_0 : i32, i32, i32
  }
}

</mosaic_0001>

<sc_bundles>
// kernel: kernel.4.cloned.1.call-start
scs
__scs_entry_jumppad:
0x0: {  	(pc) =	sbr.rel $0x88, $3  }
0x1: {  	(tag) =	ssettag $0x0;
	lr =	simm.s32 $0x1  }
0x2: {  	[smem:$0x3F9D] =	sst lr;
	_ =	strace $0xD0000000  }
0x3: {  	_ = 	snop  }
0x4: {  	_ = 	snop  }
0x5: {  	_ = 	snop  }
0x6: {  	_ = 	snop  }
0x7: {  	_ = 	snop  }
__scs_overlays_trampoline_lowered:
0x8: {  	[smem:$0x3FAC] =	sst s0  }
0x9: {  	[smem:$0x3FAD] =	sst s1  }
0xa: {  	[smem:$0x3FAE] =	sst s2  }
0xb: {  	[smem:$0x3FAF] =	sst s3  }
0xc: {  	[smem:$0x3FB0] =	sst s4  }
0xd: {  	[smem:$0x3FB1] =	sst s5  }
0xe: {  	[smem:$0x3FB2] =	sst s6  }
0xf: {  	[smem:$0x3FB3] =	sst s7  }
0x10: {  	[smem:$0x3FB4] =	sst s8  }
0x11: {  	[smem:$0x3FB5] =	sst s9;
	s0 =	simm.s32 @!p0 $0x0  }
0x12: {  	s1 =	sld [smem:$0x3F9B];
	s0 =	simm.s32 @p0 $0x1  }
0x13: {  	[smem:$0x3FB6] =	sst s0;
	s0 =	simm.s32 @!p1 $0x0  }
0x14: {  	s2 =	sld [smem:$0x3F9A];
	s0 =	simm.s32 @p1 $0x1  }
0x15: {  	[smem:$0x3FB7] =	sst s0;
	s0 =	simm.s32 @!p2 $0x0  }
0x16: {  	s3 =	sld [smem:$0x3FDB];
	s0 =	simm.s32 @p2 $0x1  }
0x17: {  	s4 =	simm.s32 $0x1BF5;
	[smem:$0x3FB9] =	sst s0  }
0x18: {  	s0 =	sld [smem:$0x3F9C];
	_ =	swait.ge [sflag:s4], $0x0  }
0x19: {  	s7 =	sld [smem:$0x3F9D]  }
0x1a: {  	s8 =	sadd.s32 $0xFFFFE003, lr  }
0x1b: {  	s9 =	sadd.s32 $0xFFFFFEF7, lr;
	s5 =	simm.s32 $0xFFFFFFFF;
	p2 =	slt.u32 s8, $0xFFFFF086  }
0x1c: {  	p1 =	slt.u32 s9, $0xF7A;
	s5 =	simm.s32 @!p2 $0x0  }
0x1d: {  	s5 =	simm.s32 @p1 $0x1;
	p0 =	seq.s32 s7, s2  }
0x1e: {  	s7 =	smul.u32 @!p0 $0xF7A, s2;
	p2 =	seq.s32 @!p0 s5, $0x0  }
0x1f: {  	s9 =	smul.u32 $0xF7A, s1;
	s8 =	simm.s32 @!p0 $0x1BF5;
	p2 =	por !p2, p0  }
0x20: {  	[sflag:s8] =	ssyncset.s32 @!p0 $0xFFFFF086;
	s6 =	sadd.s32 @!p0 s3, s7;
	s7 =	simm.s32 @!p0 $0x108  }
0x21: {  	s3 =	sadd.s32 s3, s9;
	s6 =	sadd.s32 @!p0 $0x88, s6;
	s7 =	simm.s32 @p2 $0x1082  }
0x22: {  	[simem:s7], [sflag:s8] =	dma.local @!p0 [hbm:s6], $0xF7A  }
0x23: {  	s9 =	sor.u32 $0xD0000000, s2;
	s6 =	simm.s32 $0x108;
	_ =	swait.ge @!p0 [sflag:s8], $0x0  }
0x24: {  	s3 =	sadd.s32 $0x88, s3;
	s6 =	simm.s32 @!p1 $0x1082;
	[sflag:s4] =	ssyncset.s32 $0xFFFFF086  }
0x25: {  	[simem:s6], [sflag:s4] =	dma.local [hbm:s3], $0xF7A  }
0x26: {  	[smem:$0x3F9D] =	sst s1;
	(tag) =	ssettag s2;
	_ =	strace s9  }
0x27: {  	s1 =	sld [smem:$0x3FAD]  }
0x28: {  	s2 =	sld [smem:$0x3FAE]  }
0x29: {  	s4 =	sld [smem:$0x3FB0]  }
0x2a: {  	p0 =	seq.s32 s5, $0x0;
	s5 =	sld [smem:$0x3FB1]  }
0x2b: {  	s6 =	sld [smem:$0x3FB2]  }
0x2c: {  	s7 =	sld [smem:$0x3FB3]  }
0x2d: {  	s3 =	simm.s32 $0x108;
	s8 =	sld [smem:$0x3FB4]  }
0x2e: {  	s3 =	simm.s32 @!p0 $0x1082;
	s9 =	sld [smem:$0x3FB5]  }
0x2f: {  	lr =	sadd.s32 s0, s3;
	s0 =	sld [smem:$0x3FAC]  }
0x30: {  	s3 =	sld [smem:$0x3FAF]  }
0x31: {  	[smem:$0x3FB8] =	sst s10  }
0x32: {  	s10 =	sld [smem:$0x3FB6];
	_ =	sdelay $0x3  }
0x33: {  	p0 =	seq.s32 s10, $0x1;
	s10 =	sld [smem:$0x3FB8];
	_ =	sdelay $0x3  }
0x34: {  	[smem:$0x3FB8] =	sst s10  }
0x35: {  	s10 =	sld [smem:$0x3FB7];
	_ =	sdelay $0x3  }
0x36: {  	p1 =	seq.s32 s10, $0x1;
	s10 =	sld [smem:$0x3FB8];
	_ =	sdelay $0x3  }
0x37: {  	[smem:$0x3FB8] =	sst s10  }
0x38: {  	s10 =	sld [smem:$0x3FB9]  }
0x39: {  	_ = 	snop;
	(pc) =	sbr.ind lr, $3  }
0x3a: {  	_ = 	snop  }
0x3b: {  	_ = 	snop  }
0x3c: {  	p2 =	seq.s32 s10, $0x1;
	s10 =	sld [smem:$0x3FB8]  }
0x3d: {  	_ =	shalt  }
0x3e: {  	_ =	shalt  }
0x3f: {  	_ =	shalt  }
0x40: {  	_ =	shalt  }
0x41: {  	_ =	shalt  }
0x42: {  	_ =	shalt  }
0x43: {  	_ =	shalt  }
0x44: {  	_ =	shalt  }
0x45: {  	_ =	shalt  }
0x46: {  	_ =	shalt  }
0x47: {  	_ =	shalt  }
0x48: {  	_ =	shalt  }
0x49: {  	_ =	shalt  }
0x4a: {  	_ =	shalt  }
0x4b: {  	_ =	shalt  }
0x4c: {  	_ =	shalt  }
0x4d: {  	_ =	shalt  }
0x4e: {  	_ =	shalt  }
0x4f: {  	_ =	shalt  }
0x50: {  	_ =	shalt  }
0x51: {  	_ =	shalt  }
0x52: {  	_ =	shalt  }
0x53: {  	_ =	shalt  }
0x54: {  	_ =	shalt  }
0x55: {  	_ =	shalt  }
0x56: {  	_ =	shalt  }
0x57: {  	_ =	shalt  }
0x58: {  	_ =	shalt  }
0x59: {  	_ =	shalt  }
0x5a: {  	_ =	shalt  }
0x5b: {  	_ =	shalt  }
0x5c: {  	_ =	shalt  }
0x5d: {  	_ =	shalt  }
0x5e: {  	_ =	shalt  }
0x5f: {  	_ =	shalt  }
0x60: {  	_ =	shalt  }
0x61: {  	_ =	shalt  }
0x62: {  	_ =	shalt  }
0x63: {  	_ =	shalt  }
0x64: {  	_ =	shalt  }
0x65: {  	_ =	shalt  }
0x66: {  	_ =	shalt  }
0x67: {  	_ =	shalt  }
0x68: {  	_ =	shalt  }
0x69: {  	_ =	shalt  }
0x6a: {  	_ =	shalt  }
0x6b: {  	_ =	shalt  }
0x6c: {  	_ =	shalt  }
0x6d: {  	_ =	shalt  }
0x6e: {  	_ =	shalt  }
0x6f: {  	_ =	shalt  }
0x70: {  	_ =	shalt  }
0x71: {  	_ =	shalt  }
0x72: {  	_ =	shalt  }
0x73: {  	_ =	shalt  }
0x74: {  	_ =	shalt  }
0x75: {  	_ =	shalt  }
0x76: {  	_ =	shalt  }
0x77: {  	_ =	shalt  }
0x78: {  	_ =	shalt  }
0x79: {  	_ =	shalt  }
0x7a: {  	_ =	shalt  }
0x7b: {  	_ =	shalt  }
0x7c: {  	_ =	shalt  }
0x7d: {  	_ =	shalt  }
0x7e: {  	_ =	shalt  }
0x7f: {  	_ =	shalt  }
0x80: {  	_ =	shalt  }
0x81: {  	_ =	shalt  }
0x82: {  	_ =	shalt  }
0x83: {  	_ =	shalt  }
0x84: {  	_ =	shalt  }
0x85: {  	_ =	shalt  }
0x86: {  	_ =	shalt  }
0x87: {  	_ =	shalt  }
.Lfunc_end0:
.L_simem_size_0:
called_computation_lowered:
.L_overlay_start_0:
0x88: {  	s2 =	sld [smem:$0x3FD9]  }
0x89: {  	s3 =	sld [smem:$0x3FFE];
	_ =	sdelay $0x1  }
0x8a: {  	s1 =	srdreg.scid  }
0x8b: {  	s0 =	sand.u32 $0x1, s1  }
0x8c: {  	s17 =	sshll.u32 s0, $0xA;
	s2 =	sadd.s32 s3, s2  }
0x8d: {  	s2 =	sadd.s32 s2, s17  }
0x8e: {  	[smem:$0x3FC4] =	sst s2  }
0x8f: {  	_ = 	snop  }
0x90: {  	s2 =	sld [smem:$0x3FD0];
	(tm) =	ssettm $0x1  }
0x91: {  	s18 =	sld [smem:$0x3FFB];
	_ =	sdelay $0x3  }
0x92: {  	_ =	strace s18  }
0x93: {  	s3 =	sld [smem:$0x3FFC];
	_ =	sdelay $0x3  }
0x94: {  	_ =	strace s3  }
0x95: {  	s3 =	sld [smem:$0x3FFD];
	_ =	sdelay $0x3  }
0x96: {  	_ =	strace s3  }
0x97: {  	_ =	strace $0x8FFFFFFF  }
0x98: {  	s19 =	sld [smem:$0x3FDB];
	_ =	sdelay $0x1  }
0x99: {  	s4 =	simm.s32 $_scs_section_size  }
0x9a: {  	s5 =	simm.s32 $_size__tile_overlayer_lowered;
	s6 =	simm.s32 $_tile_overlayer_lowered  }
0x9b: {  	s22 =	simm.s32 $0x1BFF;
	s21 =	sshll.u32 s6, $0x1;
	s3 =	sadd.s32 s4, s19  }
0x9c: {  	s7 =	simm.s32 $0x0;
	s20 =	sshll.u32 s5, $0x1;
	s5 =	sadd.s32 s21, s3  }
0x9d: {  	[timem:s7], [sflag:s22] =	dma.local [hbm:s5], s20  }
0x9e: {  	_ =	swait.ge [sflag:s22], s20  }
0x9f: {  	s4 =	ssub.s32 $0x0, s20;
	[sflag:s22] =	ssyncset.done $0x0  }
0xa0: {  	[sflag:s22] =	ssyncadd.s32 s4;
	_ =	sdelay $0x1  }
0xa1: {  	s23 =	simm.s32 $0x1B8B  }
0xa2: {  	_ =	swait.ge [sflag:s23], $0x1  }
0xa3: {  	[sflag:s23] =	ssyncset.done $0x0  }
0xa4: {  	s25 =	simm.s32 $0x1B8E;
	s24 =	sld [smem:$0x3FFE];
	[sflag:s23] =	ssyncadd.s32 $0xFFFFFFFF  }
0xa5: {  	s26 =	simm.s32 $execute0_lowered;
	[smem:$0x3FD2] =	sst s25  }
0xa6: {  	s5 =	sshll.u32 s26, $0x1;
	_ =	strace $0x80000046;
	[dreg:$0x1] =	wrdreg $0xFFFFFFFF  }
0xa7: {  	s28 =	simm.s32 $_size_execute0_lowered;
	s3 =	sadd.s32 s3, s5;
	[dreg:$0x0] =	wrdreg $0x0  }
0xa8: {  	s5 =	sshll.u32 s28, $0x1;
	[dreg:$0x2] =	wrdreg s3  }
0xa9: {  	[dreg:$0x3] =	wrdreg s5  }
0xaa: {  	[dreg:$0x4] =	wrdreg $0xC0  }
0xab: {  	_ =	task [dreg:s7], $0x5FFFF  }
0xac: {  	[dreg:$0x1] =	wrdreg $0xFFFFFFFF  }
0xad: {  	[dreg:$0x0] =	wrdreg $0x60  }
0xae: {  	[dreg:$0x2] =	wrdreg s24  }
0xaf: {  	[dreg:$0x3] =	wrdreg s2  }
0xb0: {  	[dreg:$0x4] =	wrdreg $0x28400  }
0xb1: {  	[dreg:$0x5] =	wrdreg $0x9  }
0xb2: {  	_ =	task.clear_ibuf [dreg:s7], $0x6FFFF;
	_ =	strace $0x90000046  }
0xb3: {  	s29 =	simm.s32 $0x9;
	_ =	strace $0x80000048  }
0xb4: {  	_ =	swait.ge [sflag:s29], $0x1  }
0xb5: {  	[sflag:s29] =	ssyncadd.s32 $0xFFFFFFFF  }
0xb6: {  	_ =	strace $0x90000048  }
0xb7: {  	_ =	sfence  }
0xb8: {  	s30 =	sld [smem:$0x0];
	_ =	sdelay $0x2  }
0xb9: {  	s31 =	sshll.u32 s1, $0xD;
	s1 =	sshrl.u32 s1, $0x2  }
0xba: {  	s3 =	sand.u32 $0x4000, s31;
	s1 =	sadd.s32 s1, s30  }
0xbb: {  	s0 =	sor.u32 s3, s0;
	s1 =	sshll.u32 s1, $0x11  }
0xbc: {  	s0 =	sor.u32 s1, s0  }
0xbd: {  	s0 =	sadd.s32 $0x8F2B, s0  }
0xbe: {  	[sflag:s0] =	ssyncadd.remote.s32 $0x1  }
0xbf: {  	_ =	sfence.sel $0xFFFF  }
0xc0: {  	[dreg:$0x0] =	wrdreg $0xFFFFFFFF;
	(pc) =	sbr.abs _section_cstart, $3  }
0xc1: {  	[dreg:$0x1] =	wrdreg $0xFFFFFFFF  }
0xc2: {  	_ =	task.clear_ibuf [dreg:s7], $0x2FFFF;
	_ =	strace $0x9FFFFFFF  }
0xc3: {  	(tm) =	ssettm $0x7FFFFFFF  }
tec
execute0_lowered:
.L_overlay_start_1:
0x0: {  	(tag) =	ssettag $0x1  }
0x1: {  	s0 =	rddreg [dreg:$0x0]  }
0x2: {  	s1 =	rddreg [dreg:$0x1]  }
0x3: {  	s2 =	rddreg [dreg:$0x2];
	s3 =	simm.s32 $0x0;
	s4 =	srdreg.scid  }
0x4: {  	s12 =	stileid.u32;
	[smem:$0x7FF] =	sst s3;
	s8 =	sand.u32 $0x1, s4  }
0x5: {  	s7 =	smul.u32 $0x50000, s12;
	s4 =	sadd.s32 $0x20C00, s0;
	s5 =	sadd.s32 $0xC00, s0  }
0x6: {  	s11 =	smul.u32 $0x14000, s12;
	s6 =	sadd.s32 $0x40C00, s0;
	s15 =	sshll.u32 s12, $0xC  }
0x7: {  	s12 =	simm.s32 $0x2800;
	_ =	strace $0x80000047;
	s10 =	ssub.s32 $0x2, s8  }
0x8: {  	s9 =	smul.u32 $0x140000, s8;
	s8 =	sshll.u32 s8, $0x10;
	s14 =	sshrl.u32 s10, $0x1  }
0x9: {  	s7 =	sshrl.u32 s7, $0x2;
	s8 =	sor.u32 s15, s8;
	s16 =	sadd.s32 s11, s2  }
0xa: {  	s0 =	ssub.s32 s10, s14;
	s7 =	sadd.s32 s7, s2;
	s9 =	sadd.s32 s11, s9  }
0xb: {  	s10 =	simm.s32 $0x1000;
	s11 =	simm.s32 $0x40;
	s9 =	sshrl.u32 s9, $0x3  }
0xc: {  	s0 =	smax.u32 s0, $0x1;
	s21 =	sadd.s32 $0x1000, s7;
	s22 =	sadd.s32 $0x2000, s7  }
0xd: {  	s23 =	sadd.s32 $0x3000, s7;
	s24 =	sadd.s32 $0x4000, s7;
	[dreg:$0x5] =	wrdreg s0  }
0xe: {  	s25 =	sadd.s32 $0x5000, s7;
	s26 =	sadd.s32 $0x6000, s7;
	[dreg:$0x6] =	wrdreg s21  }
0xf: {  	s17 =	sadd.s32 $0x7000, s7;
	s18 =	sadd.s32 $0x8000, s7;
	[dreg:$0x7] =	wrdreg s22  }
0x10: {  	s19 =	sadd.s32 $0x9000, s7;
	s20 =	sadd.s32 $0xA000, s7;
	[dreg:$0x8] =	wrdreg s23  }
0x11: {  	s28 =	sadd.s32 $0x10000, s7;
	s29 =	sadd.s32 $0x11000, s7;
	[dreg:$0x9] =	wrdreg s24  }
0x12: {  	s30 =	sadd.s32 $0x12000, s7;
	s31 =	sadd.s32 $0x13000, s7;
	[dreg:$0xa] =	wrdreg s25  }
0x13: {  	s1 =	sadd.s32 s1, s9;
	[dreg:$0xb] =	wrdreg s26;
	s21 =	sadd.s32 $0xB000, s7  }
0x14: {  	s22 =	sadd.s32 $0xC000, s7;
	s23 =	sadd.s32 $0xD000, s7;
	s24 =	sadd.s32 $0xE000, s7  }
0x15: {  	s25 =	sshrl.u32 s16, $0x3;
	s26 =	sadd.s32 $0xF000, s7;
	s0 =	simm.s32 $0x1800  }
0x16: {  	v0 =	vimm.f32 $0.0e+00;
	s9 =	simm.s32 $0x800;
	[dreg:$0x4] =	wrdreg s1;
	s1 =	simm.s32 $0x1  }
.LBB2_1:
0x17: {  	s14 =	simm.s32 $0x100;
	s13 =	simm.s32 $0x0  }
.LBB2_2:
0x18: {  	p0 =	sne.s32 s14, $0x3F00;
	[tilespmem:s13+$0x1830] =	vst v0;
	s15 =	smov.u32 s14;
	s14 =	sadd.s32 $0x100, s14  }
.Ltmp0:
0x19: {  	[tilespmem:s13+$0x1820] =	vst v0;
	(pc) =	sbr.rel @p0 .LBB2_2-.Ltmp0, $3  }
0x1a: {  	[tilespmem:s13+$0x1800] =	vst v0  }
0x1b: {  	[tilespmem:s13+$0x1810] =	vst v0;
	_ =	sdelay $0x1  }
0x1c: {  	s13 =	sshra.s32 s15, $0x2  }
0x1d: {  	[tilespmem:s13+$0x1830] =	vst v0  }
0x1e: {  	[tilespmem:s13+$0x1820] =	vst v0  }
0x1f: {  	[tilespmem:s13+$0x1800] =	vst v0  }
0x20: {  	[tilespmem:s13+$0x1810] =	vst v0  }
0x21: {  	[spmem:s7] =	stream.linear.scatter [tilespmem:s0], [sflag:$0x1], $0x1000, $0x38;
	[tilespmem:$0x16840] =	vst v63  }
0x22: {  	_ =	swait.ge [sflag:s1], $0x1000  }
0x23: {  	[sflag:s1] =	ssyncset.done $0x0  }
0x24: {  	s14 =	rddreg [dreg:$0x6];
	[sflag:s1] =	ssyncadd.s32 $0xFFFFF000  }
0x25: {  	[spmem:s14] =	stream.linear.scatter [tilespmem:s0], [sflag:$0x1], $0x1000, $0x38;
	[tilespmem:$0x16840] =	vst v63  }
0x26: {  	_ =	swait.ge [sflag:s1], $0x1000  }
0x27: {  	[sflag:s1] =	ssyncset.done $0x0  }
0x28: {  	s15 =	rddreg [dreg:$0x7];
	[sflag:s1] =	ssyncadd.s32 $0xFFFFF000  }
0x29: {  	[spmem:s15] =	stream.linear.scatter [tilespmem:s0], [sflag:$0x1], $0x1000, $0x38;
	[tilespmem:$0x16840] =	vst v63  }
0x2a: {  	_ =	swait.ge [sflag:s1], $0x1000  }
0x2b: {  	[sflag:s1] =	ssyncset.done $0x0  }
0x2c: {  	s16 =	rddreg [dreg:$0x8];
	[sflag:s1] =	ssyncadd.s32 $0xFFFFF000  }
0x2d: {  	[spmem:s16] =	stream.linear.scatter [tilespmem:s0], [sflag:$0x1], $0x1000, $0x38;
	[tilespmem:$0x16840] =	vst v63  }
0x2e: {  	_ =	swait.ge [sflag:s1], $0x1000  }
0x2f: {  	[sflag:s1] =	ssyncset.done $0x0  }
0x30: {  	s14 =	rddreg [dreg:$0x9];
	[sflag:s1] =	ssyncadd.s32 $0xFFFFF000  }
0x31: {  	[spmem:s14] =	stream.linear.scatter [tilespmem:s0], [sflag:$0x1], $0x1000, $0x38;
	[tilespmem:$0x16840] =	vst v63  }
0x32: {  	_ =	swait.ge [sflag:s1], $0x1000  }
0x33: {  	[sflag:s1] =	ssyncset.done $0x0  }
0x34: {  	s15 =	rddreg [dreg:$0xa];
	[sflag:s1] =	ssyncadd.s32 $0xFFFFF000  }
0x35: {  	[spmem:s15] =	stream.linear.scatter [tilespmem:s0], [sflag:$0x1], $0x1000, $0x38;
	[tilespmem:$0x16840] =	vst v63  }
0x36: {  	_ =	swait.ge [sflag:s1], $0x1000  }
0x37: {  	[sflag:s1] =	ssyncset.done $0x0  }
0x38: {  	s16 =	rddreg [dreg:$0xb];
	[sflag:s1] =	ssyncadd.s32 $0xFFFFF000  }
0x39: {  	[spmem:s16] =	stream.linear.scatter [tilespmem:s0], [sflag:$0x1], $0x1000, $0x38;
	[tilespmem:$0x16840] =	vst v63  }
0x3a: {  	_ =	swait.ge [sflag:s1], $0x1000  }
0x3b: {  	[sflag:s1] =	ssyncset.done $0x0  }
0x3c: {  	[sflag:s1] =	ssyncadd.s32 $0xFFFFF000  }
0x3d: {  	[spmem:s17] =	stream.linear.scatter [tilespmem:s0], [sflag:$0x1], $0x1000, $0x38;
	[tilespmem:$0x16840] =	vst v63  }
0x3e: {  	_ =	swait.ge [sflag:s1], $0x1000  }
0x3f: {  	[sflag:s1] =	ssyncset.done $0x0  }
0x40: {  	[sflag:s1] =	ssyncadd.s32 $0xFFFFF000  }
0x41: {  	[spmem:s18] =	stream.linear.scatter [tilespmem:s0], [sflag:$0x1], $0x1000, $0x38;
	[tilespmem:$0x16840] =	vst v63  }
0x42: {  	_ =	swait.ge [sflag:s1], $0x1000  }
0x43: {  	[sflag:s1] =	ssyncset.done $0x0  }
0x44: {  	[sflag:s1] =	ssyncadd.s32 $0xFFFFF000  }
0x45: {  	[spmem:s19] =	stream.linear.scatter [tilespmem:s0], [sflag:$0x1], $0x1000, $0x38;
	[tilespmem:$0x16840] =	vst v63  }
0x46: {  	_ =	swait.ge [sflag:s1], $0x1000  }
0x47: {  	[sflag:s1] =	ssyncset.done $0x0  }
0x48: {  	[sflag:s1] =	ssyncadd.s32 $0xFFFFF000  }
0x49: {  	[spmem:s20] =	stream.linear.scatter [tilespmem:s0], [sflag:$0x1], $0x1000, $0x38;
	[tilespmem:$0x16840] =	vst v63  }
0x4a: {  	_ =	swait.ge [sflag:s1], $0x1000  }
0x4b: {  	[sflag:s1] =	ssyncset.done $0x0  }
0x4c: {  	[sflag:s1] =	ssyncadd.s32 $0xFFFFF000  }
0x4d: {  	[spmem:s21] =	stream.linear.scatter [tilespmem:s0], [sflag:$0x1], $0x1000, $0x38;
	[tilespmem:$0x16840] =	vst v63  }
0x4e: {  	_ =	swait.ge [sflag:s1], $0x1000  }
0x4f: {  	[sflag:s1] =	ssyncset.done $0x0  }
0x50: {  	[sflag:s1] =	ssyncadd.s32 $0xFFFFF000  }
0x51: {  	[spmem:s22] =	stream.linear.scatter [tilespmem:s0], [sflag:$0x1], $0x1000, $0x38;
	[tilespmem:$0x16840] =	vst v63  }
0x52: {  	_ =	swait.ge [sflag:s1], $0x1000  }
0x53: {  	[sflag:s1] =	ssyncset.done $0x0  }
0x54: {  	[sflag:s1] =	ssyncadd.s32 $0xFFFFF000  }
0x55: {  	[spmem:s23] =	stream.linear.scatter [tilespmem:s0], [sflag:$0x1], $0x1000, $0x38;
	[tilespmem:$0x16840] =	vst v63  }
0x56: {  	_ =	swait.ge [sflag:s1], $0x1000  }
0x57: {  	[sflag:s1] =	ssyncset.done $0x0  }
0x58: {  	[sflag:s1] =	ssyncadd.s32 $0xFFFFF000  }
0x59: {  	[spmem:s24] =	stream.linear.scatter [tilespmem:s0], [sflag:$0x1], $0x1000, $0x38;
	[tilespmem:$0x16840] =	vst v63  }
0x5a: {  	_ =	swait.ge [sflag:s1], $0x1000  }
0x5b: {  	[sflag:s1] =	ssyncset.done $0x0  }
0x5c: {  	[sflag:s1] =	ssyncadd.s32 $0xFFFFF000  }
0x5d: {  	[spmem:s26] =	stream.linear.scatter [tilespmem:s0], [sflag:$0x1], $0x1000, $0x38;
	[tilespmem:$0x16840] =	vst v63  }
0x5e: {  	_ =	swait.ge [sflag:s1], $0x1000  }
0x5f: {  	[sflag:s1] =	ssyncset.done $0x0  }
0x60: {  	[sflag:s1] =	ssyncadd.s32 $0xFFFFF000  }
0x61: {  	[spmem:s28] =	stream.linear.scatter [tilespmem:s0], [sflag:$0x1], $0x1000, $0x38;
	[tilespmem:$0x16840] =	vst v63  }
0x62: {  	_ =	swait.ge [sflag:s1], $0x1000  }
0x63: {  	[sflag:s1] =	ssyncset.done $0x0  }
0x64: {  	[sflag:s1] =	ssyncadd.s32 $0xFFFFF000  }
0x65: {  	[spmem:s29] =	stream.linear.scatter [tilespmem:s0], [sflag:$0x1], $0x1000, $0x38;
	[tilespmem:$0x16840] =	vst v63  }
0x66: {  	_ =	swait.ge [sflag:s1], $0x1000  }
0x67: {  	[sflag:s1] =	ssyncset.done $0x0  }
0x68: {  	[sflag:s1] =	ssyncadd.s32 $0xFFFFF000  }
0x69: {  	[spmem:s30] =	stream.linear.scatter [tilespmem:s0], [sflag:$0x1], $0x1000, $0x38;
	[tilespmem:$0x16840] =	vst v63  }
0x6a: {  	_ =	swait.ge [sflag:s1], $0x1000  }
0x6b: {  	[sflag:s1] =	ssyncset.done $0x0  }
0x6c: {  	[sflag:s1] =	ssyncadd.s32 $0xFFFFF000  }
0x6d: {  	[spmem:s31] =	stream.linear.scatter [tilespmem:s0], [sflag:$0x1], $0x1000, $0x38;
	[tilespmem:$0x16840] =	vst v63  }
0x6e: {  	_ =	swait.ge [sflag:s1], $0x1000  }
0x6f: {  	[sflag:s1] =	ssyncset.done $0x0  }
0x70: {  	[sflag:s1] =	ssyncadd.s32 $0xFFFFF000  }
0x71: {  	s13 =	simm.s32 $0x0;
	s14 =	simm.s32 $0x0;
	[bflag:$0x0] =	sbarrier.arrive $0xFFFF  }
.LBB2_4:
0x72: {  	s15 =	sshll.u32 s14, $0x8  }
0x73: {  	s15 =	sadd.s32 s8, s15  }
0x74: {  	s16 =	sadd.s32 s4, s15  }
0x75: {  	[tilespmem:s13], [sflag:$0x1] =	stream.linear.gather [hbm4b:s16+s13], $0x800, $0x38;
	[tilespmem:$0x16840] =	vst v63  }
0x76: {  	_ =	swait.ge [sflag:s1], $0x800  }
0x77: {  	[sflag:s1] =	ssyncset.done $0x0  }
0x78: {  	s16 =	sadd.s32 s5, s15;
	[sflag:s1] =	ssyncadd.s32 $0xFFFFF800  }
0x79: {  	[tilespmem:s9], [sflag:$0x1] =	stream.linear.gather [hbm4b:s16+s13], $0x800, $0x38;
	[tilespmem:$0x16840] =	vst v63  }
0x7a: {  	_ =	swait.ge [sflag:s1], $0x800  }
0x7b: {  	[sflag:s1] =	ssyncset.done $0x0  }
0x7c: {  	s15 =	sadd.s32 s6, s15;
	[sflag:s1] =	ssyncadd.s32 $0xFFFFF800  }
0x7d: {  	[tilespmem:s10], [sflag:$0x1] =	stream.linear.gather [hbm4b:s15+s13], $0x800, $0x38;
	[tilespmem:$0x16840] =	vst v63  }
0x7e: {  	_ =	swait.ge [sflag:s1], $0x800  }
0x7f: {  	[sflag:s1] =	ssyncset.done $0x0  }
0x80: {  	s15 =	simm.s32 $0x0;
	[sflag:s1] =	ssyncadd.s32 $0xFFFFF800  }
.LBB2_5:
0x81: {  	s16 =	sshra.s32 s15, $0x2  }
0x82: {  	v1 =	vld [tilespmem:s16+$0x1000];
	_ =	sdelay $0x4  }
0x83: {  	[tilespmem:$0x2800] =	vst v1  }
0x84: {  	v1 =	vld [tilespmem:s16+$0x1010];
	_ =	sdelay $0x4  }
0x85: {  	[tilespmem:$0x2810] =	vst v1  }
0x86: {  	v1 =	vld [tilespmem:s16+$0x1020];
	_ =	sdelay $0x4  }
0x87: {  	[tilespmem:$0x2820] =	vst v1  }
0x88: {  	v1 =	vld [tilespmem:s16+$0x1030];
	_ =	sdelay $0x4  }
0x89: {  	[tilespmem:$0x2830] =	vst v1  }
0x8a: {  	v5 =	vld [tilespmem:s16+$0x800];
	_ =	sdelay $0x1  }
0x8b: {  	v4 =	vld [tilespmem:s16+$0x0]  }
0x8c: {  	v3 =	vld [tilespmem:s16+$0x10]  }
0x8d: {  	v2 =	vld [tilespmem:s16+$0x20]  }
0x8e: {  	v1 =	vld [tilespmem:s16+$0x30];
	v6 =	vbroadcast v5, $0x0;
	_ =	sdelay $0x1  }
0x8f: {  	v7 =	vmul.f32 v6, v4  }
0x90: {  	v8 =	vmul.f32 v6, v3  }
0x91: {  	v9 =	vbroadcast v5, $0x1;
	v26 =	vmul.f32 v6, v2;
	[tilespmem:$0x1800] =	vst v7  }
0x92: {  	v6 =	vmul.f32 v6, v1;
	[tilespmem:$0x1810] =	vst v8  }
0x93: {  	v27 =	vmul.f32 v9, v4;
	[tilespmem:$0x1820] =	vst v26  }
0x94: {  	v28 =	vmul.f32 v9, v3;
	[tilespmem:$0x1830] =	vst v6  }
0x95: {  	v30 =	vbroadcast v5, $0x2;
	v29 =	vmul.f32 v9, v2;
	[tilespmem:$0x1840] =	vst v27  }
0x96: {  	v31 =	vmul.f32 v9, v1;
	[tilespmem:$0x1850] =	vst v28  }
0x97: {  	v32 =	vmul.f32 v30, v4;
	[tilespmem:$0x1860] =	vst v29  }
0x98: {  	v33 =	vmul.f32 v30, v3;
	[tilespmem:$0x1870] =	vst v31  }
0x99: {  	v35 =	vbroadcast v5, $0x3;
	v34 =	vmul.f32 v30, v2;
	[tilespmem:$0x1880] =	vst v32  }
0x9a: {  	v36 =	vmul.f32 v30, v1;
	[tilespmem:$0x1890] =	vst v33  }
0x9b: {  	v37 =	vmul.f32 v35, v4;
	[tilespmem:$0x18A0] =	vst v34  }
0x9c: {  	v38 =	vmul.f32 v35, v3;
	[tilespmem:$0x18B0] =	vst v36  }
0x9d: {  	v40 =	vbroadcast v5, $0x4;
	v39 =	vmul.f32 v35, v2;
	[tilespmem:$0x18C0] =	vst v37  }
0x9e: {  	v41 =	vmul.f32 v35, v1;
	[tilespmem:$0x18D0] =	vst v38  }
0x9f: {  	v42 =	vmul.f32 v40, v4;
	[tilespmem:$0x18E0] =	vst v39  }
0xa0: {  	v43 =	vmul.f32 v40, v3;
	[tilespmem:$0x18F0] =	vst v41  }
0xa1: {  	v45 =	vbroadcast v5, $0x5;
	v44 =	vmul.f32 v40, v2;
	[tilespmem:$0x1900] =	vst v42  }
0xa2: {  	v46 =	vmul.f32 v40, v1;
	[tilespmem:$0x1910] =	vst v43  }
0xa3: {  	v47 =	vmul.f32 v45, v4;
	[tilespmem:$0x1920] =	vst v44  }
0xa4: {  	v48 =	vmul.f32 v45, v3;
	[tilespmem:$0x1930] =	vst v46  }
0xa5: {  	v50 =	vbroadcast v5, $0x6;
	v49 =	vmul.f32 v45, v2;
	[tilespmem:$0x1940] =	vst v47  }
0xa6: {  	v51 =	vmul.f32 v45, v1;
	[tilespmem:$0x1950] =	vst v48  }
0xa7: {  	v52 =	vmul.f32 v50, v4;
	[tilespmem:$0x1960] =	vst v49  }
0xa8: {  	v53 =	vmul.f32 v50, v3;
	[tilespmem:$0x1970] =	vst v51  }
0xa9: {  	v55 =	vbroadcast v5, $0x7;
	v54 =	vmul.f32 v50, v2;
	[tilespmem:$0x1980] =	vst v52  }
0xaa: {  	v56 =	vmul.f32 v50, v1;
	[tilespmem:$0x1990] =	vst v53  }
0xab: {  	v57 =	vmul.f32 v55, v4;
	[tilespmem:$0x19A0] =	vst v54  }
0xac: {  	v58 =	vmul.f32 v55, v3;
	[tilespmem:$0x19B0] =	vst v56  }
0xad: {  	v60 =	vbroadcast v5, $0x8;
	v59 =	vmul.f32 v55, v2;
	[tilespmem:$0x19C0] =	vst v57  }
0xae: {  	v61 =	vmul.f32 v55, v1;
	[tilespmem:$0x19D0] =	vst v58  }
0xaf: {  	v62 =	vmul.f32 v60, v4;
	[tilespmem:$0x19E0] =	vst v59  }
0xb0: {  	v63 =	vmul.f32 v60, v3;
	[tilespmem:$0x19F0] =	vst v61  }
0xb1: {  	v13 =	vbroadcast v5, $0x9;
	v12 =	vmul.f32 v60, v2;
	[tilespmem:$0x1A00] =	vst v62  }
0xb2: {  	v14 =	vmul.f32 v60, v1;
	[tilespmem:$0x1A10] =	vst v63  }
0xb3: {  	v15 =	vmul.f32 v13, v4;
	[tilespmem:$0x1A20] =	vst v12  }
0xb4: {  	v16 =	vmul.f32 v13, v3;
	[tilespmem:$0x1A30] =	vst v14  }
0xb5: {  	v18 =	vbroadcast v5, $0xA;
	v17 =	vmul.f32 v13, v2;
	[tilespmem:$0x1A40] =	vst v15  }
0xb6: {  	v19 =	vmul.f32 v13, v1;
	[tilespmem:$0x1A50] =	vst v16  }
0xb7: {  	v20 =	vmul.f32 v18, v4;
	[tilespmem:$0x1A60] =	vst v17  }
0xb8: {  	v21 =	vmul.f32 v18, v3;
	[tilespmem:$0x1A70] =	vst v19  }
0xb9: {  	v23 =	vbroadcast v5, $0xB;
	v22 =	vmul.f32 v18, v2;
	[tilespmem:$0x1A80] =	vst v20  }
0xba: {  	v24 =	vmul.f32 v18, v1;
	[tilespmem:$0x1A90] =	vst v21  }
0xbb: {  	v25 =	vmul.f32 v23, v4;
	[tilespmem:$0x1AA0] =	vst v22  }
0xbc: {  	[tilespmem:$0x1AB0] =	vst v24;
	v26 =	vmul.f32 v23, v3  }
0xbd: {  	[tilespmem:$0x1AC0] =	vst v25;
	v27 =	vmul.f32 v23, v2;
	v28 =	vbroadcast v5, $0xC  }
0xbe: {  	v29 =	vmul.f32 v23, v1;
	[tilespmem:$0x1AD0] =	vst v26  }
0xbf: {  	[tilespmem:$0x1AE0] =	vst v27;
	v30 =	vmul.f32 v28, v4  }
0xc0: {  	[tilespmem:$0x1AF0] =	vst v29;
	v31 =	vmul.f32 v28, v3  }
0xc1: {  	v33 =	vbroadcast v5, $0xD;
	v32 =	vmul.f32 v28, v2;
	[tilespmem:$0x1B00] =	vst v30  }
0xc2: {  	v34 =	vmul.f32 v28, v1;
	[tilespmem:$0x1B10] =	vst v31  }
0xc3: {  	v35 =	vmul.f32 v33, v4;
	[tilespmem:$0x1B20] =	vst v32  }
0xc4: {  	v36 =	vmul.f32 v33, v3;
	[tilespmem:$0x1B30] =	vst v34  }
0xc5: {  	v38 =	vbroadcast v5, $0xE;
	v37 =	vmul.f32 v33, v2;
	[tilespmem:$0x1B40] =	vst v35  }
0xc6: {  	v39 =	vmul.f32 v33, v1;
	[tilespmem:$0x1B50] =	vst v36  }
0xc7: {  	v40 =	vmul.f32 v38, v4;
	[tilespmem:$0x1B60] =	vst v37  }
0xc8: {  	v41 =	vmul.f32 v38, v3;
	[tilespmem:$0x1B70] =	vst v39  }
0xc9: {  	v5 =	vbroadcast v5, $0xF;
	v42 =	vmul.f32 v38, v2;
	[tilespmem:$0x1B80] =	vst v40  }
0xca: {  	v43 =	vmul.f32 v38, v1;
	[tilespmem:$0x1B90] =	vst v41  }
0xcb: {  	v44 =	vmul.f32 v5, v4;
	[tilespmem:$0x1BA0] =	vst v42  }
0xcc: {  	v45 =	vmul.f32 v5, v3;
	[tilespmem:$0x1BB0] =	vst v43  }
0xcd: {  	v46 =	vmul.f32 v5, v2;
	[tilespmem:$0x1BC0] =	vst v44  }
0xce: {  	v5 =	vmul.f32 v5, v1;
	[tilespmem:$0x1BD0] =	vst v45  }
0xcf: {  	[tilespmem:$0x1BE0] =	vst v46  }
0xd0: {  	[tilespmem:$0x1BF0] =	vst v5  }
0xd1: {  	v5 =	vld [tilespmem:s16+$0x810];
	_ =	sdelay $0x4  }
0xd2: {  	v47 =	vbroadcast v5, $0x0;
	_ =	sdelay $0x1  }
0xd3: {  	v48 =	vmul.f32 v47, v4  }
0xd4: {  	v49 =	vmul.f32 v47, v3  }
0xd5: {  	v51 =	vbroadcast v5, $0x1;
	v50 =	vmul.f32 v47, v2;
	[tilespmem:$0x1C00] =	vst v48  }
0xd6: {  	v6 =	vmul.f32 v47, v1;
	[tilespmem:$0x1C10] =	vst v49  }
0xd7: {  	v52 =	vmul.f32 v51, v4;
	[tilespmem:$0x1C20] =	vst v50  }
0xd8: {  	v53 =	vmul.f32 v51, v3;
	[tilespmem:$0x1C30] =	vst v6  }
0xd9: {  	v55 =	vbroadcast v5, $0x2;
	v54 =	vmul.f32 v51, v2;
	[tilespmem:$0x1C40] =	vst v52  }
0xda: {  	v56 =	vmul.f32 v51, v1;
	[tilespmem:$0x1C50] =	vst v53  }
0xdb: {  	v57 =	vmul.f32 v55, v4;
	[tilespmem:$0x1C60] =	vst v54  }
0xdc: {  	v58 =	vmul.f32 v55, v3;
	[tilespmem:$0x1C70] =	vst v56  }
0xdd: {  	v60 =	vbroadcast v5, $0x3;
	v59 =	vmul.f32 v55, v2;
	[tilespmem:$0x1C80] =	vst v57  }
0xde: {  	v61 =	vmul.f32 v55, v1;
	[tilespmem:$0x1C90] =	vst v58  }
0xdf: {  	v62 =	vmul.f32 v60, v4;
	[tilespmem:$0x1CA0] =	vst v59  }
0xe0: {  	v63 =	vmul.f32 v60, v3;
	[tilespmem:$0x1CB0] =	vst v61  }
0xe1: {  	v13 =	vbroadcast v5, $0x4;
	v12 =	vmul.f32 v60, v2;
	[tilespmem:$0x1CC0] =	vst v62  }
0xe2: {  	v14 =	vmul.f32 v60, v1;
	[tilespmem:$0x1CD0] =	vst v63  }
0xe3: {  	v15 =	vmul.f32 v13, v4;
	[tilespmem:$0x1CE0] =	vst v12  }
0xe4: {  	v16 =	vmul.f32 v13, v3;
	[tilespmem:$0x1CF0] =	vst v14  }
0xe5: {  	v18 =	vbroadcast v5, $0x5;
	v17 =	vmul.f32 v13, v2;
	[tilespmem:$0x1D00] =	vst v15  }
0xe6: {  	v19 =	vmul.f32 v13, v1;
	[tilespmem:$0x1D10] =	vst v16  }
0xe7: {  	v20 =	vmul.f32 v18, v4;
	[tilespmem:$0x1D20] =	vst v17  }
0xe8: {  	v21 =	vmul.f32 v18, v3;
	[tilespmem:$0x1D30] =	vst v19  }
0xe9: {  	v23 =	vbroadcast v5, $0x6;
	v22 =	vmul.f32 v18, v2;
	[tilespmem:$0x1D40] =	vst v20  }
0xea: {  	v24 =	vmul.f32 v18, v1;
	[tilespmem:$0x1D50] =	vst v21  }
0xeb: {  	v25 =	vmul.f32 v23, v4;
	[tilespmem:$0x1D60] =	vst v22  }
0xec: {  	v26 =	vmul.f32 v23, v3;
	[tilespmem:$0x1D70] =	vst v24  }
0xed: {  	v28 =	vbroadcast v5, $0x7;
	v27 =	vmul.f32 v23, v2;
	[tilespmem:$0x1D80] =	vst v25  }
0xee: {  	v29 =	vmul.f32 v23, v1;
	[tilespmem:$0x1D90] =	vst v26  }
0xef: {  	v30 =	vmul.f32 v28, v4;
	[tilespmem:$0x1DA0] =	vst v27  }
0xf0: {  	v31 =	vmul.f32 v28, v3;
	[tilespmem:$0x1DB0] =	vst v29  }
0xf1: {  	v33 =	vbroadcast v5, $0x8;
	v32 =	vmul.f32 v28, v2;
	[tilespmem:$0x1DC0] =	vst v30  }
0xf2: {  	v34 =	vmul.f32 v28, v1;
	[tilespmem:$0x1DD0] =	vst v31  }
0xf3: {  	v35 =	vmul.f32 v33, v4;
	[tilespmem:$0x1DE0] =	vst v32  }
0xf4: {  	v36 =	vmul.f32 v33, v3;
	[tilespmem:$0x1DF0] =	vst v34  }
0xf5: {  	v38 =	vbroadcast v5, $0x9;
	v37 =	vmul.f32 v33, v2;
	[tilespmem:$0x1E00] =	vst v35  }
0xf6: {  	v39 =	vmul.f32 v33, v1;
	[tilespmem:$0x1E10] =	vst v36  }
0xf7: {  	v40 =	vmul.f32 v38, v4;
	[tilespmem:$0x1E20] =	vst v37  }
0xf8: {  	v41 =	vmul.f32 v38, v3;
	[tilespmem:$0x1E30] =	vst v39  }
0xf9: {  	v43 =	vbroadcast v5, $0xA;
	v42 =	vmul.f32 v38, v2;
	[tilespmem:$0x1E40] =	vst v40  }
0xfa: {  	v44 =	vmul.f32 v38, v1;
	[tilespmem:$0x1E50] =	vst v41  }
0xfb: {  	v45 =	vmul.f32 v43, v4;
	[tilespmem:$0x1E60] =	vst v42  }
0xfc: {  	v46 =	vmul.f32 v43, v3;
	[tilespmem:$0x1E70] =	vst v44  }
0xfd: {  	v47 =	vmul.f32 v43, v2;
	[tilespmem:$0x1E80] =	vst v45;
	v48 =	vbroadcast v5, $0xB  }
0xfe: {  	[tilespmem:$0x1E90] =	vst v46;
	v49 =	vmul.f32 v43, v1  }
0xff: {  	[tilespmem:$0x1EA0] =	vst v47;
	v50 =	vmul.f32 v48, v4  }
0x100: {  	[tilespmem:$0x1EB0] =	vst v49;
	v51 =	vmul.f32 v48, v3  }
0x101: {  	v53 =	vbroadcast v5, $0xC;
	v52 =	vmul.f32 v48, v2;
	[tilespmem:$0x1EC0] =	vst v50  }
0x102: {  	v54 =	vmul.f32 v48, v1;
	[tilespmem:$0x1ED0] =	vst v51  }
0x103: {  	v55 =	vmul.f32 v53, v4;
	[tilespmem:$0x1EE0] =	vst v52  }
0x104: {  	v56 =	vmul.f32 v53, v3;
	[tilespmem:$0x1EF0] =	vst v54  }
0x105: {  	v58 =	vbroadcast v5, $0xD;
	v57 =	vmul.f32 v53, v2;
	[tilespmem:$0x1F00] =	vst v55  }
0x106: {  	v59 =	vmul.f32 v53, v1;
	[tilespmem:$0x1F10] =	vst v56  }
0x107: {  	v60 =	vmul.f32 v58, v4;
	[tilespmem:$0x1F20] =	vst v57  }
0x108: {  	v61 =	vmul.f32 v58, v3;
	[tilespmem:$0x1F30] =	vst v59  }
0x109: {  	v63 =	vbroadcast v5, $0xE;
	v62 =	vmul.f32 v58, v2;
	[tilespmem:$0x1F40] =	vst v60  }
0x10a: {  	v9 =	vmul.f32 v58, v1;
	[tilespmem:$0x1F50] =	vst v61  }
0x10b: {  	v10 =	vmul.f32 v63, v4;
	[tilespmem:$0x1F60] =	vst v62  }
0x10c: {  	v11 =	vmul.f32 v63, v3;
	[tilespmem:$0x1F70] =	vst v9  }
0x10d: {  	v5 =	vbroadcast v5, $0xF;
	v12 =	vmul.f32 v63, v2;
	[tilespmem:$0x1F80] =	vst v10  }
0x10e: {  	v13 =	vmul.f32 v63, v1;
	[tilespmem:$0x1F90] =	vst v11  }
0x10f: {  	v14 =	vmul.f32 v5, v4;
	[tilespmem:$0x1FA0] =	vst v12  }
0x110: {  	v15 =	vmul.f32 v5, v3;
	[tilespmem:$0x1FB0] =	vst v13  }
0x111: {  	v16 =	vmul.f32 v5, v2;
	[tilespmem:$0x1FC0] =	vst v14  }
0x112: {  	v5 =	vmul.f32 v5, v1;
	[tilespmem:$0x1FD0] =	vst v15  }
0x113: {  	[tilespmem:$0x1FE0] =	vst v16  }
0x114: {  	[tilespmem:$0x1FF0] =	vst v5  }
0x115: {  	v5 =	vld [tilespmem:s16+$0x820];
	_ =	sdelay $0x4  }
0x116: {  	v17 =	vbroadcast v5, $0x0;
	_ =	sdelay $0x1  }
0x117: {  	v18 =	vmul.f32 v17, v4  }
0x118: {  	v19 =	vmul.f32 v17, v3  }
0x119: {  	v21 =	vbroadcast v5, $0x1;
	v20 =	vmul.f32 v17, v2;
	[tilespmem:$0x2000] =	vst v18  }
0x11a: {  	v6 =	vmul.f32 v17, v1;
	[tilespmem:$0x2010] =	vst v19  }
0x11b: {  	v22 =	vmul.f32 v21, v4;
	[tilespmem:$0x2020] =	vst v20  }
0x11c: {  	v23 =	vmul.f32 v21, v3;
	[tilespmem:$0x2030] =	vst v6  }
0x11d: {  	v25 =	vbroadcast v5, $0x2;
	v24 =	vmul.f32 v21, v2;
	[tilespmem:$0x2040] =	vst v22  }
0x11e: {  	v26 =	vmul.f32 v21, v1;
	[tilespmem:$0x2050] =	vst v23  }
0x11f: {  	v27 =	vmul.f32 v25, v4;
	[tilespmem:$0x2060] =	vst v24  }
0x120: {  	v28 =	vmul.f32 v25, v3;
	[tilespmem:$0x2070] =	vst v26  }
0x121: {  	v30 =	vbroadcast v5, $0x3;
	v29 =	vmul.f32 v25, v2;
	[tilespmem:$0x2080] =	vst v27  }
0x122: {  	v31 =	vmul.f32 v25, v1;
	[tilespmem:$0x2090] =	vst v28  }
0x123: {  	v32 =	vmul.f32 v30, v4;
	[tilespmem:$0x20A0] =	vst v29  }
0x124: {  	v33 =	vmul.f32 v30, v3;
	[tilespmem:$0x20B0] =	vst v31  }
0x125: {  	v35 =	vbroadcast v5, $0x4;
	v34 =	vmul.f32 v30, v2;
	[tilespmem:$0x20C0] =	vst v32  }
0x126: {  	v36 =	vmul.f32 v30, v1;
	[tilespmem:$0x20D0] =	vst v33  }
0x127: {  	v37 =	vmul.f32 v35, v4;
	[tilespmem:$0x20E0] =	vst v34  }
0x128: {  	v38 =	vmul.f32 v35, v3;
	[tilespmem:$0x20F0] =	vst v36  }
0x129: {  	v40 =	vbroadcast v5, $0x5;
	v39 =	vmul.f32 v35, v2;
	[tilespmem:$0x2100] =	vst v37  }
0x12a: {  	v41 =	vmul.f32 v35, v1;
	[tilespmem:$0x2110] =	vst v38  }
0x12b: {  	v42 =	vmul.f32 v40, v4;
	[tilespmem:$0x2120] =	vst v39  }
0x12c: {  	v43 =	vmul.f32 v40, v3;
	[tilespmem:$0x2130] =	vst v41  }
0x12d: {  	v45 =	vbroadcast v5, $0x6;
	v44 =	vmul.f32 v40, v2;
	[tilespmem:$0x2140] =	vst v42  }
0x12e: {  	v46 =	vmul.f32 v40, v1;
	[tilespmem:$0x2150] =	vst v43  }
0x12f: {  	v47 =	vmul.f32 v45, v4;
	[tilespmem:$0x2160] =	vst v44  }
0x130: {  	v48 =	vmul.f32 v45, v3;
	[tilespmem:$0x2170] =	vst v46  }
0x131: {  	v50 =	vbroadcast v5, $0x7;
	v49 =	vmul.f32 v45, v2;
	[tilespmem:$0x2180] =	vst v47  }
0x132: {  	v51 =	vmul.f32 v45, v1;
	[tilespmem:$0x2190] =	vst v48  }
0x133: {  	v52 =	vmul.f32 v50, v4;
	[tilespmem:$0x21A0] =	vst v49  }
0x134: {  	v53 =	vmul.f32 v50, v3;
	[tilespmem:$0x21B0] =	vst v51  }
0x135: {  	v55 =	vbroadcast v5, $0x8;
	v54 =	vmul.f32 v50, v2;
	[tilespmem:$0x21C0] =	vst v52  }
0x136: {  	v56 =	vmul.f32 v50, v1;
	[tilespmem:$0x21D0] =	vst v53  }
0x137: {  	v57 =	vmul.f32 v55, v4;
	[tilespmem:$0x21E0] =	vst v54  }
0x138: {  	v58 =	vmul.f32 v55, v3;
	[tilespmem:$0x21F0] =	vst v56  }
0x139: {  	v60 =	vbroadcast v5, $0x9;
	v59 =	vmul.f32 v55, v2;
	[tilespmem:$0x2200] =	vst v57  }
0x13a: {  	v61 =	vmul.f32 v55, v1;
	[tilespmem:$0x2210] =	vst v58  }
0x13b: {  	v62 =	vmul.f32 v60, v4;
	[tilespmem:$0x2220] =	vst v59  }
0x13c: {  	v63 =	vmul.f32 v60, v3;
	[tilespmem:$0x2230] =	vst v61  }
0x13d: {  	v13 =	vbroadcast v5, $0xA;
	v12 =	vmul.f32 v60, v2;
	[tilespmem:$0x2240] =	vst v62  }
0x13e: {  	v14 =	vmul.f32 v60, v1;
	[tilespmem:$0x2250] =	vst v63  }
0x13f: {  	v15 =	vmul.f32 v13, v4;
	[tilespmem:$0x2260] =	vst v12  }
0x140: {  	v16 =	vmul.f32 v13, v3;
	[tilespmem:$0x2270] =	vst v14  }
0x141: {  	v17 =	vmul.f32 v13, v2;
	[tilespmem:$0x2280] =	vst v15;
	v18 =	vbroadcast v5, $0xB  }
0x142: {  	[tilespmem:$0x2290] =	vst v16;
	v19 =	vmul.f32 v13, v1  }
0x143: {  	[tilespmem:$0x22A0] =	vst v17;
	v20 =	vmul.f32 v18, v4  }
0x144: {  	[tilespmem:$0x22B0] =	vst v19;
	v21 =	vmul.f32 v18, v3  }
0x145: {  	v23 =	vbroadcast v5, $0xC;
	v22 =	vmul.f32 v18, v2;
	[tilespmem:$0x22C0] =	vst v20  }
0x146: {  	v24 =	vmul.f32 v18, v1;
	[tilespmem:$0x22D0] =	vst v21  }
0x147: {  	v25 =	vmul.f32 v23, v4;
	[tilespmem:$0x22E0] =	vst v22  }
0x148: {  	v26 =	vmul.f32 v23, v3;
	[tilespmem:$0x22F0] =	vst v24  }
0x149: {  	v28 =	vbroadcast v5, $0xD;
	v27 =	vmul.f32 v23, v2;
	[tilespmem:$0x2300] =	vst v25  }
0x14a: {  	v29 =	vmul.f32 v23, v1;
	[tilespmem:$0x2310] =	vst v26  }
0x14b: {  	v30 =	vmul.f32 v28, v4;
	[tilespmem:$0x2320] =	vst v27  }
0x14c: {  	v31 =	vmul.f32 v28, v3;
	[tilespmem:$0x2330] =	vst v29  }
0x14d: {  	v33 =	vbroadcast v5, $0xE;
	v32 =	vmul.f32 v28, v2;
	[tilespmem:$0x2340] =	vst v30  }
0x14e: {  	v34 =	vmul.f32 v28, v1;
	[tilespmem:$0x2350] =	vst v31  }
0x14f: {  	v35 =	vmul.f32 v33, v4;
	[tilespmem:$0x2360] =	vst v32  }
0x150: {  	v36 =	vmul.f32 v33, v3;
	[tilespmem:$0x2370] =	vst v34  }
0x151: {  	v5 =	vbroadcast v5, $0xF;
	v37 =	vmul.f32 v33, v2;
	[tilespmem:$0x2380] =	vst v35  }
0x152: {  	v38 =	vmul.f32 v33, v1;
	[tilespmem:$0x2390] =	vst v36  }
0x153: {  	v39 =	vmul.f32 v5, v4;
	[tilespmem:$0x23A0] =	vst v37  }
0x154: {  	v40 =	vmul.f32 v5, v3;
	[tilespmem:$0x23B0] =	vst v38  }
0x155: {  	v41 =	vmul.f32 v5, v2;
	[tilespmem:$0x23C0] =	vst v39  }
0x156: {  	v5 =	vmul.f32 v5, v1;
	[tilespmem:$0x23D0] =	vst v40  }
0x157: {  	[tilespmem:$0x23E0] =	vst v41  }
0x158: {  	[tilespmem:$0x23F0] =	vst v5  }
0x159: {  	v5 =	vld [tilespmem:s16+$0x830];
	_ =	sdelay $0x4  }
0x15a: {  	v42 =	vbroadcast v5, $0x0;
	_ =	sdelay $0x1  }
0x15b: {  	v43 =	vmul.f32 v42, v4  }
0x15c: {  	v44 =	vmul.f32 v42, v3  }
0x15d: {  	v46 =	vbroadcast v5, $0x1;
	v45 =	vmul.f32 v42, v2;
	[tilespmem:$0x2400] =	vst v43  }
0x15e: {  	v6 =	vmul.f32 v42, v1;
	[tilespmem:$0x2410] =	vst v44  }
0x15f: {  	v47 =	vmul.f32 v46, v4;
	[tilespmem:$0x2420] =	vst v45  }
0x160: {  	v48 =	vmul.f32 v46, v3;
	[tilespmem:$0x2430] =	vst v6  }
0x161: {  	v50 =	vbroadcast v5, $0x2;
	v49 =	vmul.f32 v46, v2;
	[tilespmem:$0x2440] =	vst v47  }
0x162: {  	v51 =	vmul.f32 v46, v1;
	[tilespmem:$0x2450] =	vst v48  }
0x163: {  	v52 =	vmul.f32 v50, v4;
	[tilespmem:$0x2460] =	vst v49  }
0x164: {  	v53 =	vmul.f32 v50, v3;
	[tilespmem:$0x2470] =	vst v51  }
0x165: {  	v55 =	vbroadcast v5, $0x3;
	v54 =	vmul.f32 v50, v2;
	[tilespmem:$0x2480] =	vst v52  }
0x166: {  	v56 =	vmul.f32 v50, v1;
	[tilespmem:$0x2490] =	vst v53  }
0x167: {  	v57 =	vmul.f32 v55, v4;
	[tilespmem:$0x24A0] =	vst v54  }
0x168: {  	v58 =	vmul.f32 v55, v3;
	[tilespmem:$0x24B0] =	vst v56  }
0x169: {  	v60 =	vbroadcast v5, $0x4;
	v59 =	vmul.f32 v55, v2;
	[tilespmem:$0x24C0] =	vst v57  }
0x16a: {  	v61 =	vmul.f32 v55, v1;
	[tilespmem:$0x24D0] =	vst v58  }
0x16b: {  	v62 =	vmul.f32 v60, v4;
	[tilespmem:$0x24E0] =	vst v59  }
0x16c: {  	v63 =	vmul.f32 v60, v3;
	[tilespmem:$0x24F0] =	vst v61  }
0x16d: {  	v13 =	vbroadcast v5, $0x5;
	v12 =	vmul.f32 v60, v2;
	[tilespmem:$0x2500] =	vst v62  }
0x16e: {  	v14 =	vmul.f32 v60, v1;
	[tilespmem:$0x2510] =	vst v63  }
0x16f: {  	v15 =	vmul.f32 v13, v4;
	[tilespmem:$0x2520] =	vst v12  }
0x170: {  	v16 =	vmul.f32 v13, v3;
	[tilespmem:$0x2530] =	vst v14  }
0x171: {  	v18 =	vbroadcast v5, $0x6;
	v17 =	vmul.f32 v13, v2;
	[tilespmem:$0x2540] =	vst v15  }
0x172: {  	v19 =	vmul.f32 v13, v1;
	[tilespmem:$0x2550] =	vst v16  }
0x173: {  	v20 =	vmul.f32 v18, v4;
	[tilespmem:$0x2560] =	vst v17  }
0x174: {  	v21 =	vmul.f32 v18, v3;
	[tilespmem:$0x2570] =	vst v19  }
0x175: {  	v23 =	vbroadcast v5, $0x7;
	v22 =	vmul.f32 v18, v2;
	[tilespmem:$0x2580] =	vst v20  }
0x176: {  	v24 =	vmul.f32 v18, v1;
	[tilespmem:$0x2590] =	vst v21  }
0x177: {  	v25 =	vmul.f32 v23, v4;
	[tilespmem:$0x25A0] =	vst v22  }
0x178: {  	v26 =	vmul.f32 v23, v3;
	[tilespmem:$0x25B0] =	vst v24  }
0x179: {  	v28 =	vbroadcast v5, $0x8;
	v27 =	vmul.f32 v23, v2;
	[tilespmem:$0x25C0] =	vst v25  }
0x17a: {  	v29 =	vmul.f32 v23, v1;
	[tilespmem:$0x25D0] =	vst v26  }
0x17b: {  	v30 =	vmul.f32 v28, v4;
	[tilespmem:$0x25E0] =	vst v27  }
0x17c: {  	v31 =	vmul.f32 v28, v3;
	[tilespmem:$0x25F0] =	vst v29  }
0x17d: {  	v33 =	vbroadcast v5, $0x9;
	v32 =	vmul.f32 v28, v2;
	[tilespmem:$0x2600] =	vst v30  }
0x17e: {  	v34 =	vmul.f32 v28, v1;
	[tilespmem:$0x2610] =	vst v31  }
0x17f: {  	v35 =	vmul.f32 v33, v4;
	[tilespmem:$0x2620] =	vst v32  }
0x180: {  	v36 =	vmul.f32 v33, v3;
	[tilespmem:$0x2630] =	vst v34  }
0x181: {  	v38 =	vbroadcast v5, $0xA;
	v37 =	vmul.f32 v33, v2;
	[tilespmem:$0x2640] =	vst v35  }
0x182: {  	v39 =	vmul.f32 v33, v1;
	[tilespmem:$0x2650] =	vst v36  }
0x183: {  	v40 =	vmul.f32 v38, v4;
	[tilespmem:$0x2660] =	vst v37  }
0x184: {  	v41 =	vmul.f32 v38, v3;
	[tilespmem:$0x2670] =	vst v39  }
0x185: {  	v42 =	vmul.f32 v38, v2;
	[tilespmem:$0x2680] =	vst v40;
	v43 =	vbroadcast v5, $0xB  }
0x186: {  	[tilespmem:$0x2690] =	vst v41;
	v44 =	vmul.f32 v38, v1  }
0x187: {  	[tilespmem:$0x26A0] =	vst v42;
	v45 =	vmul.f32 v43, v4  }
0x188: {  	[tilespmem:$0x26B0] =	vst v44;
	v46 =	vmul.f32 v43, v3  }
0x189: {  	v48 =	vbroadcast v5, $0xC;
	v47 =	vmul.f32 v43, v2;
	[tilespmem:$0x26C0] =	vst v45  }
0x18a: {  	v49 =	vmul.f32 v43, v1;
	[tilespmem:$0x26D0] =	vst v46  }
0x18b: {  	v50 =	vmul.f32 v48, v4;
	[tilespmem:$0x26E0] =	vst v47  }
0x18c: {  	v51 =	vmul.f32 v48, v3;
	[tilespmem:$0x26F0] =	vst v49  }
0x18d: {  	v53 =	vbroadcast v5, $0xD;
	v52 =	vmul.f32 v48, v2;
	[tilespmem:$0x2700] =	vst v50  }
0x18e: {  	v54 =	vmul.f32 v48, v1;
	[tilespmem:$0x2710] =	vst v51  }
0x18f: {  	v55 =	vmul.f32 v53, v4;
	[tilespmem:$0x2720] =	vst v52  }
0x190: {  	v56 =	vmul.f32 v53, v3;
	[tilespmem:$0x2730] =	vst v54  }
0x191: {  	v58 =	vbroadcast v5, $0xE;
	v57 =	vmul.f32 v53, v2;
	[tilespmem:$0x2740] =	vst v55  }
0x192: {  	v59 =	vmul.f32 v53, v1;
	[tilespmem:$0x2750] =	vst v56  }
0x193: {  	v60 =	vmul.f32 v58, v4;
	[tilespmem:$0x2760] =	vst v57  }
0x194: {  	v61 =	vmul.f32 v58, v3;
	[tilespmem:$0x2770] =	vst v59  }
0x195: {  	v5 =	vbroadcast v5, $0xF;
	v62 =	vmul.f32 v58, v2;
	[tilespmem:$0x2780] =	vst v60  }
0x196: {  	v63 =	vmul.f32 v58, v1;
	[tilespmem:$0x2790] =	vst v61  }
0x197: {  	v4 =	vmul.f32 v5, v4;
	[tilespmem:$0x27A0] =	vst v62  }
0x198: {  	v3 =	vmul.f32 v5, v3;
	[tilespmem:$0x27B0] =	vst v63  }
0x199: {  	v2 =	vmul.f32 v5, v2;
	[tilespmem:$0x27C0] =	vst v4  }
0x19a: {  	v1 =	vmul.f32 v5, v1;
	[tilespmem:$0x27D0] =	vst v3  }
0x19b: {  	p0 =	sne.s32 s15, $0x1F00;
	[tilespmem:$0x27E0] =	vst v2  }
.Ltmp1:
0x19c: {  	[tilespmem:$0x27F0] =	vst v1;
	(pc) =	sbr.rel @p0 .LBB2_5-.Ltmp1, $4  }
0x19d: {  	[spmem:s2] =	stream.indirect.scatter.add.f32 [tilespmem:s0], [sflag:$0x1], $0x40, s12, s11, $0xb8;
	[tilespmem:$0x16840] =	vst v63  }
0x19e: {  	_ =	swait.ge [sflag:s1], $0x1000  }
0x19f: {  	[sflag:s1] =	ssyncset.done $0x0  }
0x1a0: {  	s15 =	sadd.s32 $0x100, s15;
	[sflag:s1] =	ssyncadd.s32 $0xFFFFF000  }
0x1a1: {  	s14 =	sadd.s32 $0x1, s14  }
0x1a2: {  	p0 =	sne.s32 s14, $0x10  }
.Ltmp2:
0x1a3: {  	_ = 	snop;
	(pc) =	sbr.rel @p0 .LBB2_4-.Ltmp2, $1  }
0x1a4: {  	_ =	sdelay $0x3  }
0x1a5: {  	s13 =	stileid.u32  }
0x1a6: {  	[bflag:$0x0] =	sbarrier.arrive $0xFFFF;
	s13 =	sshll.u32 s13, $0x6  }
0x1a7: {  	s14 =	rddreg [dreg:$0x4];
	s13 =	sor.u32 $0x1C01, s13  }
0x1a8: {  	[hbm:s14], [sflag:s13] =	dma.local [spmem:s25], $0x2800  }
0x1a9: {  	_ =	swait.ge [sflag:s1], $0x2800  }
0x1aa: {  	s3 =	sadd.s32 $0x1, s3;
	s16 =	rddreg [dreg:$0x5]  }
0x1ab: {  	p0 =	sne.s32 s3, s16  }
.Ltmp3:
0x1ac: {  	_ = 	snop;
	(pc) =	sbr.rel @p0 .LBB2_1-.Ltmp3, $3  }
0x1ad: {  	_ =	sdelay $0x1  }
0x1ae: {  	[sflag:s1] =	ssyncset.done $0x0  }
0x1af: {  	[sflag:s1] =	ssyncadd.s32 $0xFFFFD800  }
0x1b0: {  	_ =	sfence.sel $0x180000  }
0x1b1: {  	[bflag:$0x0] =	sbarrier.arrive $0xFFFF  }
0x1b2: {  	_ =	strace $0x90000047  }
0x1b3: {  	s0 =	stileid.u32;
	[bflag:$0x2] =	sbarrier.arrive $0xFFFF  }
0x1b4: {  	p0 =	sne.s32 s0, $0x0;
	s0 =	rddreg [dreg:$0x3]  }
0x1b5: {  	s0 =	sadd.s32 @!p0 $0x100000, s0  }
0x1b6: {  	[sflag:s0] =	ssyncadd.tile.s32 @!p0 $0x1;
	_ =	shalt  }
.Lfunc_end2:
_tile_overlayer_lowered:
.L_overlay_start_2:
0x1b7: {  	(tag) =	ssettag $0x2  }
0x1b8: {  	s0 =	rddreg [dreg:$0x0];
	s2 =	stileid.u32  }
0x1b9: {  	s1 =	rddreg [dreg:$0x1];
	p0 =	sne.s32 s2, $0x0  }
0x1ba: {  	s3 =	rddreg [dreg:$0x2];
	[bflag:$0x3] =	sbarrier.arrive $0xFFFF;
	s2 =	simm.s32 @!p0 $0x1C01  }
0x1bb: {  	[timem:s3], [sflag:s2] =	dma.local @!p0 [hbm:s0], s1  }
0x1bc: {  	s0 =	simm.s32 @!p0 $0x1  }
0x1bd: {  	_ =	swait.ge @!p0 [sflag:s0], s1  }
0x1be: {  	s1 =	ssub.s32 @!p0 $0x0, s1;
	[sflag:s0] =	ssyncset.done @!p0 $0x0  }
0x1bf: {  	[sflag:s0] =	ssyncadd.s32 @!p0 s1  }
0x1c0: {  	[bflag:$0x3] =	sbarrier.arrive $0xFFFF  }
0x1c1: {  	_ =	shalt  }

</sc_bundles>
